<compile_context>
chip_gen: v7x
topology: tpu7x:2x2x1
jax: 0.10.2.dev20260603
libtpu: 0.0.44.dev20260713+nightly
codegen_flags: <defaults>
</compile_context>

<pallas_src>
import functools

import jax
import jax.numpy as jnp
from jax import lax
from jax.experimental import pallas as pl
from jax.experimental.pallas import tpu as pltpu
from jax.experimental.pallas import tpu_sc as plsc

EPS = 1e-8
BN_EPS = 1e-5



def _mm_body(h_ref, w_ref, o_ref):
    o_ref[...] = jnp.dot(h_ref[...], w_ref[...],
                         preferred_element_type=jnp.float32)


def _pretrans(h, wcat, row_block):
    n, d = h.shape
    grid = n // row_block
    return pl.pallas_call(
        _mm_body,
        grid=(grid,),
        in_specs=[
            pl.BlockSpec((row_block, d), lambda i: (i, 0)),
            pl.BlockSpec((d, 2 * d), lambda i: (0, 0)),
        ],
        out_specs=pl.BlockSpec((row_block, 2 * d), lambda i: (i, 0)),
        out_shape=jax.ShapeDtypeStruct((n, 2 * d), jnp.float32),
    )(h, wcat)



NT = 16
CHUNK = 80
NBUF = 4
DH = 32
RW = 3 * DH + 16

_SC_MESH = plsc.VectorSubcoreMesh(core_axis_name="c", subcore_axis_name="s")
_SC_PARAMS = pltpu.CompilerParams(use_tc_tiling_on_sc=False)


def _make_sc_wide(n, e):
    edges_per_tile = e // NT
    n_chunks = edges_per_tile // CHUNK
    r0 = (n // NT) // 8 * 8
    r15 = n - (NT - 1) * r0
    f32 = jnp.float32

    @functools.partial(
        pl.kernel,
        mesh=_SC_MESH,
        compiler_params=_SC_PARAMS,
        out_type=jax.ShapeDtypeStruct((4, n, RW), f32),
        scratch_types=[
            pltpu.VMEM((NBUF, CHUNK), jnp.int32),
            pltpu.VMEM((NBUF, CHUNK), jnp.int32),
            pltpu.VMEM((NBUF, CHUNK), f32),
            pltpu.VMEM((NBUF, CHUNK, DH), f32),
            pltpu.VMEM((NBUF, CHUNK, RW), f32),
            pltpu.VMEM_SHARED((n, RW), f32),
            pltpu.SemaphoreType.DMA((NBUF,)),
            pltpu.SemaphoreType.DMA((NBUF,)),
            pltpu.SemaphoreType.DMA((NBUF,)),
        ],
    )
    def sc_wide(a4_hbm, src_hbm, dst_hbm, eig_hbm, zeros_hbm,
                t_hbm, srcv, dstv, eigv, g, gall,
                acc, sem_a, sem_b, sem_c):
        c = lax.axis_index("c")
        s = lax.axis_index("s")
        row0 = pl.multiple_of(s * r0, 8)
        tile_base = s * edges_per_tile
        lane = lax.iota(jnp.int32, 16)
        is0 = lane == 0
        is1 = lane == 1
        is2 = lane == 2

        def _zero_accs():
            @pl.when(s < NT - 1)
            def _():
                sl = pl.ds(row0, r0)
                pltpu.sync_copy(zeros_hbm.at[sl], acc.at[sl])

            @pl.when(s == NT - 1)
            def _():
                sl = pl.ds((NT - 1) * r0, r15)
                pltpu.sync_copy(zeros_hbm.at[sl], acc.at[sl])

        def _copy_out(q):
            @pl.when(s < NT - 1)
            def _():
                sl = pl.ds(row0, r0)
                pltpu.sync_copy(acc.at[sl], t_hbm.at[q, sl])

            @pl.when(s == NT - 1)
            def _():
                sl = pl.ds((NT - 1) * r0, r15)
                pltpu.sync_copy(acc.at[sl], t_hbm.at[q, sl])

        def _run_phase(q):
            def _load(j):
                slot = lax.rem(j, NBUF)
                base = pl.multiple_of(tile_base + j * CHUNK, 8)
                pltpu.async_copy(src_hbm.at[pl.ds(base, CHUNK)],
                                 srcv.at[slot], sem_a.at[slot])
                pltpu.async_copy(dst_hbm.at[pl.ds(base, CHUNK)],
                                 dstv.at[slot], sem_a.at[slot])
                pltpu.async_copy(eig_hbm.at[pl.ds(base, CHUNK)],
                                 eigv.at[slot], sem_a.at[slot])

            def _issue_gather(j):
                slot = lax.rem(j, NBUF)
                pltpu.make_async_copy(
                    src_hbm.at[pl.ds(0, CHUNK)], srcv.at[slot],
                    sem_a.at[slot]).wait()
                pltpu.make_async_copy(
                    dst_hbm.at[pl.ds(0, CHUNK)], dstv.at[slot],
                    sem_a.at[slot]).wait()
                pltpu.make_async_copy(
                    eig_hbm.at[pl.ds(0, CHUNK)], eigv.at[slot],
                    sem_a.at[slot]).wait()
                off = q * n
                for i4 in range(CHUNK // 16):
                    sl4 = pl.ds(16 * i4, 16)
                    srcv[slot, sl4] = srcv[slot, sl4] + off
                pltpu.async_copy(a4_hbm.at[srcv.at[slot]], g.at[slot],
                                 sem_b.at[slot])

            def _wait_scatters(slot):
                pltpu.make_async_copy(
                    zeros_hbm.at[pl.ds(0, CHUNK)], gall.at[slot],
                    sem_c.at[slot]).wait()

            def _compute_scatter(j):
                slot = lax.rem(j, NBUF)
                pltpu.make_async_copy(
                    a4_hbm.at[pl.ds(0, CHUNK)], g.at[slot],
                    sem_b.at[slot]).wait()

                def _grp(i, _):
                    ev16 = eigv[slot, pl.ds(16 * i, 16)]
                    ea16 = jnp.abs(ev16)
                    for jj in range(16):
                        es = ev16[jj]
                        ea = ea16[jj]
                        k = 16 * i + jj
                        scal_row = jnp.where(
                            is0, jnp.float32(1.0),
                            jnp.where(is1, ea,
                                      jnp.where(is2, es, jnp.float32(0.0))))
                        gall[slot, k, pl.ds(3 * DH, 16)] = scal_row
                        for fb in range(DH // 16):
                            sl0 = pl.ds(16 * fb, 16)
                            gv = g[slot, k, sl0]
                            gall[slot, k, sl0] = gv
                            gall[slot, k, pl.ds(DH + 16 * fb, 16)] = gv * ea
                            gall[slot, k, pl.ds(2 * DH + 16 * fb, 16)] = \
                                gv * es
                    return 0

                lax.fori_loop(0, CHUNK // 16, _grp, 0)

                pltpu.async_copy(gall.at[slot], acc.at[dstv.at[slot]],
                                 sem_c.at[slot], add=True)

            _load(0)
            _load(1)
            _issue_gather(0)

            def _body(ci, _):
                @pl.when(ci + 1 < n_chunks)
                def _():
                    _issue_gather(ci + 1)

                @pl.when(ci + 2 < n_chunks)
                def _():
                    @pl.when(ci >= NBUF - 2)
                    def _():
                        _wait_scatters(lax.rem(ci + 2, NBUF))
                    _load(ci + 2)

                _compute_scatter(ci)
                return 0

            lax.fori_loop(0, n_chunks, _body, 0)

            for j in range(max(0, n_chunks - NBUF), n_chunks):
                _wait_scatters(j % NBUF)

        for phase in range(2):
            _zero_accs()
            plsc.subcore_barrier()
            _run_phase(2 * phase + c)
            plsc.subcore_barrier()
            _copy_out(2 * phase + c)
            plsc.subcore_barrier()

    return sc_wide




def _post_body(h_ref, b_ref, t0_ref, t1_ref, t2_ref, sa_ref, sn_ref,
               w2_ref, b1_ref, b2_ref, y_ref, s1_ref, s2_ref):
    i = pl.program_id(0)
    h = h_ref[...]
    bb = b_ref[...] + b1_ref[...]
    sc = sa_ref[...]
    deg = sc[:, 0:1]
    asum = sc[:, 1:2]
    esum = sc[:, 2:3]
    degc = jnp.maximum(deg, 1.0)
    r = 1.0 / (asum + EPS)
    agg_mean = (t0_ref[...] + deg * bb) / degc
    agg_av = (t1_ref[...] + asum * bb) * r
    agg_dx = jnp.abs((t2_ref[...] + esum * bb) * r - (esum * r) * h)
    x = jnp.concatenate([h, agg_mean, agg_av, agg_dx], axis=1)
    y = jnp.dot(x, w2_ref[...], preferred_element_type=jnp.float32)
    y = (y + b2_ref[...]) * sn_ref[...]
    y_ref[...] = y

    @pl.when(i == 0)
    def _():
        s1_ref[...] = jnp.zeros_like(s1_ref)
        s2_ref[...] = jnp.zeros_like(s2_ref)

    s1_ref[...] += jnp.sum(y, axis=0, keepdims=True)
    s2_ref[...] += jnp.sum(y * y, axis=0, keepdims=True)


def _posttrans(h, b, t0, t1, t2, scal_a, snorm, w2, b1r, b2r,
               row_block):
    n, d = h.shape
    grid = n // row_block
    rb = row_block
    return pl.pallas_call(
        _post_body,
        grid=(grid,),
        in_specs=[
            pl.BlockSpec((rb, d), lambda i: (i, 0)),
            pl.BlockSpec((rb, d), lambda i: (i, 0)),
            pl.BlockSpec((rb, d), lambda i: (i, 0)),
            pl.BlockSpec((rb, d), lambda i: (i, 0)),
            pl.BlockSpec((rb, d), lambda i: (i, 0)),
            pl.BlockSpec((rb, 16), lambda i: (i, 0)),
            pl.BlockSpec((rb, 1), lambda i: (i, 0)),
            pl.BlockSpec((4 * d, d), lambda i: (0, 0)),
            pl.BlockSpec((1, d), lambda i: (0, 0)),
            pl.BlockSpec((1, d), lambda i: (0, 0)),
        ],
        out_specs=[
            pl.BlockSpec((rb, d), lambda i: (i, 0)),
            pl.BlockSpec((1, d), lambda i: (0, 0)),
            pl.BlockSpec((1, d), lambda i: (0, 0)),
        ],
        out_shape=[
            jax.ShapeDtypeStruct((n, d), jnp.float32),
            jax.ShapeDtypeStruct((1, d), jnp.float32),
            jax.ShapeDtypeStruct((1, d), jnp.float32),
        ],
    )(h, b, t0, t1, t2, scal_a, snorm, w2, b1r, b2r)




def _bn_body(y_ref, h_ref, s1_ref, s2_ref, g_ref, be_ref, n_ref, o_ref):
    n = n_ref[0]
    mu = s1_ref[...] / n
    var = s2_ref[...] / n - mu * mu
    inv = lax.rsqrt(var + BN_EPS)
    yn = (y_ref[...] - mu) * (inv * g_ref[...]) + be_ref[...]
    o_ref[...] = h_ref[...] + jnp.maximum(yn, 0.0)


def _bn_apply(y, h, s1, s2, gr, br, row_block):
    n, d = h.shape
    grid = n // row_block
    rb = row_block
    nvec = jnp.full((1,), float(n), dtype=jnp.float32)
    return pl.pallas_call(
        _bn_body,
        grid=(grid,),
        in_specs=[
            pl.BlockSpec((rb, d), lambda i: (i, 0)),
            pl.BlockSpec((rb, d), lambda i: (i, 0)),
            pl.BlockSpec((1, d), lambda i: (0, 0)),
            pl.BlockSpec((1, d), lambda i: (0, 0)),
            pl.BlockSpec((1, d), lambda i: (0, 0)),
            pl.BlockSpec((1, d), lambda i: (0, 0)),
            pl.BlockSpec(memory_space=pltpu.SMEM),
        ],
        out_specs=pl.BlockSpec((rb, d), lambda i: (i, 0)),
        out_shape=jax.ShapeDtypeStruct((n, d), jnp.float32),
    )(y, h, s1, s2, gr, br, nvec)




def kernel(h, edge_index, eig, snorm_n, W1, b1, W2, b2, gamma, beta):
    n, d = h.shape
    e = edge_index.shape[1]

    wcat = jnp.concatenate([W1[:d], W1[d:]], axis=1)
    p = _pretrans(h, wcat, row_block=1000)
    a = p[:, :d]
    b = p[:, d:]
    a4 = jnp.concatenate([a[:, 0:DH], a[:, DH:2 * DH],
                          a[:, 2 * DH:3 * DH], a[:, 3 * DH:]], axis=0)

    src = edge_index[0]
    dst = edge_index[1]
    ev = eig[:, 0]

    zw = jnp.zeros((n, RW), jnp.float32)
    th = _make_sc_wide(n, e)(a4, src, dst, ev, zw)
    t0 = jnp.concatenate([th[q, :, 0:DH] for q in range(4)], axis=1)
    t1 = jnp.concatenate([th[q, :, DH:2 * DH] for q in range(4)], axis=1)
    t2 = jnp.concatenate([th[q, :, 2 * DH:3 * DH] for q in range(4)], axis=1)
    scal = th[0, :, 3 * DH:]

    b1r = b1.reshape(1, d)
    b2r = b2.reshape(1, d)
    y, s1, s2 = _posttrans(h, b, t0, t1, t2, scal, snorm_n, W2,
                           b1r, b2r, row_block=1000)
    return _bn_apply(y, h, s1, s2, gamma.reshape(1, d), beta.reshape(1, d),
                     row_block=1000)

# --- scband reference (transcript-rebuilt; emitter-appended) ---
"""Pipeline reference for scband-dgnlayer-40776419508435 (READ-ONLY COPY).

The authoritative reference and input builder live on the scoring server;
editing this copy changes nothing except your own understanding.
"""

import jax, jax.numpy as jnp
import numpy as np

N = 10000
E = 320000
D = 128
EPS = 1e-8

def setup_inputs(seed: int = 0):
    key = jax.random.key(seed)
    ks = jax.random.split(key, 9)
    h = jax.random.normal(ks[0], (N, D), dtype=jnp.float32)
    edge_index = jax.random.randint(ks[1], (2, E), 0, N, dtype=jnp.int32)
    eig = jax.random.normal(ks[2], (E, 1), dtype=jnp.float32)
    snorm_n = jax.random.uniform(ks[3], (N, 1), dtype=jnp.float32)
    W1 = jax.random.normal(ks[4], (2 * D, D), dtype=jnp.float32) * (1.0 / np.sqrt(2 * D))
    b1 = jnp.zeros((D,), dtype=jnp.float32)
    W2 = jax.random.normal(ks[5], (4 * D, D), dtype=jnp.float32) * (1.0 / np.sqrt(4 * D))
    b2 = jnp.zeros((D,), dtype=jnp.float32)
    gamma = jnp.ones((D,), dtype=jnp.float32)
    beta = jnp.zeros((D,), dtype=jnp.float32)
    return {"h": h, "edge_index": edge_index, "eig": eig, "snorm_n": snorm_n,
            "W1": W1, "b1": b1, "W2": W2, "b2": b2, "gamma": gamma, "beta": beta}

def reference(h, edge_index, eig, snorm_n, W1, b1, W2, b2, gamma, beta):
    src = edge_index[0]
    dst = edge_index[1]
    # pretrans_edges: e = MLP(cat(h_src, h_dst))
    z2 = jnp.concatenate([h[src], h[dst]], axis=1)
    e = z2 @ W1 + b1
    # reduce: three aggregators over incoming edges (dst-grouped)
    deg = jax.ops.segment_sum(jnp.ones((E,), dtype=jnp.float32), dst, num_segments=N)
    deg_safe = jnp.maximum(deg, 1.0)[:, None]
    agg_mean = jax.ops.segment_sum(e, dst, num_segments=N) / deg_safe
    abs_sum = jax.ops.segment_sum(jnp.abs(eig), dst, num_segments=N)
    w = eig / (abs_sum[dst] + EPS)
    agg_av = jax.ops.segment_sum(e * jnp.abs(w), dst, num_segments=N)
    w_sum = jax.ops.segment_sum(w, dst, num_segments=N)
    agg_dx = jnp.abs(jax.ops.segment_sum(e * w, dst, num_segments=N) - w_sum * h)
    h_agg = jnp.concatenate([agg_mean, agg_av, agg_dx], axis=1)
    # posttrans on cat(h, aggregated)
    h2 = jnp.concatenate([h, h_agg], axis=1)
    h3 = h2 @ W2 + b2
    h3 = h3 * snorm_n
    # BatchNorm1d (training-mode batch statistics, biased var, eps=1e-5)
    mu = jnp.mean(h3, axis=0)
    var = jnp.var(h3, axis=0)
    h3 = (h3 - mu) / jnp.sqrt(var + 1e-5) * gamma + beta
    h3 = jax.nn.relu(h3)
    # residual (in_dim == out_dim)
    h3 = h + h3
    # dropout p=0.0 -> identity
    return h3

if __name__ == "__main__":
    import jax
    _d = setup_inputs()
    print(jax.jit(kernel)(*tuple(_d.values())))

</pallas_src>

<mosaic_0001>
#map = affine_map<(d0, d1) -> (0, 0)>
#map1 = affine_map<(d0, d1) -> (0)>
#map2 = affine_map<(d0, d1) -> (0, 0, 0)>
module attributes {stable_mosaic.version = 14 : i64} {
  func.func @sc_wide(%arg0: i32, %arg1: i32, %arg2: memref<40000x32xf32, #tpu.memory_space<hbm>>, %arg3: memref<320000xi32, #tpu.memory_space<hbm>>, %arg4: memref<320000xi32, #tpu.memory_space<hbm>>, %arg5: memref<320000xf32, #tpu.memory_space<hbm>>, %arg6: memref<10000x112xf32, #tpu.memory_space<hbm>>, %arg7: memref<4x10000x112xf32, #tpu.memory_space<hbm>>, %arg8: memref<4x80xi32, #tpu.memory_space<vmem>>, %arg9: memref<4x80xi32, #tpu.memory_space<vmem>>, %arg10: memref<4x80xf32, #tpu.memory_space<vmem>>, %arg11: memref<4x80x32xf32, #tpu.memory_space<vmem>>, %arg12: memref<4x80x112xf32, #tpu.memory_space<vmem>>, %arg13: memref<10000x112xf32, #tpu.memory_space<vmem_shared>>, %arg14: memref<4x!tpu.dma_semaphore, #tpu.memory_space<semaphore_mem>>, %arg15: memref<4x!tpu.dma_semaphore, #tpu.memory_space<semaphore_mem>>, %arg16: memref<4x!tpu.dma_semaphore, #tpu.memory_space<semaphore_mem>>) attributes {dimension_semantics = [#tpu.dimension_semantics<core_parallel>, #tpu.dimension_semantics<subcore_parallel>], iteration_bounds = array<i64: 2, 16>, scalar_prefetch = 0 : i64, scratch_operands = 9 : i64, tpu.core_type = #tpu.core_type<sc_vector_subcore>, window_params = [{transform_indices = #map}, {transform_indices = #map1}, {transform_indices = #map1}, {transform_indices = #map1}, {transform_indices = #map}, {transform_indices = #map2}]} {
    %mul3A = arith.constant 624 : i32
    %mul3A_0 = arith.muli %arg1, %mul3A : i32
    %multiple_of3A = tpu.assume_multiple %mul3A_0, 8 : i32
    %mul3A_1 = arith.constant 20000 : i32
    %mul3A_2 = arith.muli %arg1, %mul3A_1 : i32
    %iota3A = tpu.iota {dimensions = array<i32: 0>} : vector<16xi32>
    %eq3A = arith.constant 0 : i32
    %eq3A_3 = vector.broadcast %eq3A : i32 to vector<16xi32>
    %eq3A_4 = arith.cmpi eq, %iota3A, %eq3A_3 : vector<16xi32>
    %eq3A_5 = arith.constant 1 : i32
    %eq3A_6 = vector.broadcast %eq3A_5 : i32 to vector<16xi32>
    %eq3A_7 = arith.cmpi eq, %iota3A, %eq3A_6 : vector<16xi32>
    %eq3A_8 = arith.constant 2 : i32
    %eq3A_9 = vector.broadcast %eq3A_8 : i32 to vector<16xi32>
    %eq3A_10 = arith.cmpi eq, %iota3A, %eq3A_9 : vector<16xi32>
    %lt3A = arith.constant 15 : i32
    %lt3A_11 = arith.cmpi slt, %arg1, %lt3A : i32
    %convert_element_type3A = arith.extui %lt3A_11 : i1 to i32
    %cond3A = arith.constant 0 : i32
    %cond3A_12 = arith.cmpi ne, %convert_element_type3A, %cond3A : i32
    scf.if %cond3A_12 {
      "tpu.region"() ({
        %run_scoped3A = tpu.sem_alloc : memref<!tpu.dma_semaphore, #tpu.memory_space<semaphore_mem>>
        %dma_start3A_572 = arith.constant 0 : i32
        %dma_start3A_573 = tpu.memref_slice %arg13[%multiple_of3A, %dma_start3A_572] : memref<10000x112xf32, #tpu.memory_space<vmem_shared>> -> memref<624x112xf32, #tpu.memory_space<vmem_shared>>
        %dma_start3A_574 = arith.constant 0 : i32
        %dma_start3A_575 = tpu.memref_slice %arg6[%multiple_of3A, %dma_start3A_574] : memref<10000x112xf32, #tpu.memory_space<hbm>> -> memref<624x112xf32, #tpu.memory_space<hbm>>
        tpu.enqueue_dma source(%dma_start3A_575 : memref<624x112xf32, #tpu.memory_space<hbm>>) target(%dma_start3A_573 : memref<624x112xf32, #tpu.memory_space<vmem_shared>>) target_semaphore(%run_scoped3A : memref<!tpu.dma_semaphore, #tpu.memory_space<semaphore_mem>>)
        %dma_wait3A_576 = arith.constant 0 : i32
        %dma_wait3A_577 = tpu.memref_slice %arg13[%multiple_of3A, %dma_wait3A_576] : memref<10000x112xf32, #tpu.memory_space<vmem_shared>> -> memref<624x112xf32, #tpu.memory_space<vmem_shared>>
        %dma_wait3A_578 = arith.constant 0 : i32
        %dma_wait3A_579 = tpu.memref_slice %arg6[%multiple_of3A, %dma_wait3A_578] : memref<10000x112xf32, #tpu.memory_space<hbm>> -> memref<624x112xf32, #tpu.memory_space<hbm>>
        tpu.wait_dma2 semaphore(%run_scoped3A : memref<!tpu.dma_semaphore, #tpu.memory_space<semaphore_mem>>) src(%dma_wait3A_579 : memref<624x112xf32, #tpu.memory_space<hbm>>) dst(%dma_wait3A_577 : memref<624x112xf32, #tpu.memory_space<vmem_shared>>)
        tpu.yield
      }) : () -> ()
    } else {
    }
    %eq3A_13 = arith.constant 15 : i32
    %eq3A_14 = arith.cmpi eq, %arg1, %eq3A_13 : i32
    %convert_element_type3A_15 = arith.extui %eq3A_14 : i1 to i32
    %cond3A_16 = arith.constant 0 : i32
    %cond3A_17 = arith.cmpi ne, %convert_element_type3A_15, %cond3A_16 : i32
    scf.if %cond3A_17 {
      "tpu.region"() ({
        %run_scoped3A = tpu.sem_alloc : memref<!tpu.dma_semaphore, #tpu.memory_space<semaphore_mem>>
        %dma_start3A_572 = arith.constant 9360 : i32
        %dma_start3A_573 = arith.constant 0 : i32
        %dma_start3A_574 = tpu.memref_slice %arg13[%dma_start3A_572, %dma_start3A_573] : memref<10000x112xf32, #tpu.memory_space<vmem_shared>> -> memref<640x112xf32, #tpu.memory_space<vmem_shared>>
        %dma_start3A_575 = arith.constant 9360 : i32
        %dma_start3A_576 = arith.constant 0 : i32
        %dma_start3A_577 = tpu.memref_slice %arg6[%dma_start3A_575, %dma_start3A_576] : memref<10000x112xf32, #tpu.memory_space<hbm>> -> memref<640x112xf32, #tpu.memory_space<hbm>>
        tpu.enqueue_dma source(%dma_start3A_577 : memref<640x112xf32, #tpu.memory_space<hbm>>) target(%dma_start3A_574 : memref<640x112xf32, #tpu.memory_space<vmem_shared>>) target_semaphore(%run_scoped3A : memref<!tpu.dma_semaphore, #tpu.memory_space<semaphore_mem>>)
        %dma_wait3A_578 = arith.constant 9360 : i32
        %dma_wait3A_579 = arith.constant 0 : i32
        %dma_wait3A_580 = tpu.memref_slice %arg13[%dma_wait3A_578, %dma_wait3A_579] : memref<10000x112xf32, #tpu.memory_space<vmem_shared>> -> memref<640x112xf32, #tpu.memory_space<vmem_shared>>
        %dma_wait3A_581 = arith.constant 9360 : i32
        %dma_wait3A_582 = arith.constant 0 : i32
        %dma_wait3A_583 = tpu.memref_slice %arg6[%dma_wait3A_581, %dma_wait3A_582] : memref<10000x112xf32, #tpu.memory_space<hbm>> -> memref<640x112xf32, #tpu.memory_space<hbm>>
        tpu.wait_dma2 semaphore(%run_scoped3A : memref<!tpu.dma_semaphore, #tpu.memory_space<semaphore_mem>>) src(%dma_wait3A_583 : memref<640x112xf32, #tpu.memory_space<hbm>>) dst(%dma_wait3A_580 : memref<640x112xf32, #tpu.memory_space<vmem_shared>>)
        tpu.yield
      }) : () -> ()
    } else {
    }
    %barrier3A = arith.constant 0 : index
    tpu.barrier barrier_id(%barrier3A)
    %add3A = arith.constant 0 : i32
    %add3A_18 = arith.addi %add3A, %arg0 : i32
    %rem3A = arith.constant 0 : i32
    %rem3A_19 = arith.constant 4 : i32
    %rem3A_20 = arith.remsi %rem3A, %rem3A_19 : i32
    %add3A_21 = arith.constant 0 : i32
    %add3A_22 = arith.addi %mul3A_2, %add3A_21 : i32
    %multiple_of3A_23 = tpu.assume_multiple %add3A_22, 8 : i32
    %dma_start3A = arith.constant 0 : i32
    %dma_start3A_24 = tpu.memref_slice %arg8[%rem3A_20, %dma_start3A] : memref<4x80xi32, #tpu.memory_space<vmem>> -> memref<1x80xi32, #tpu.memory_space<vmem>>
    %dma_start3A_25 = tpu.memref_squeeze %dma_start3A_24 : memref<1x80xi32, #tpu.memory_space<vmem>> -> memref<80xi32, #tpu.memory_space<vmem>>
    %dma_start3A_26 = tpu.memref_slice %arg3[%multiple_of3A_23] : memref<320000xi32, #tpu.memory_space<hbm>> -> memref<80xi32, #tpu.memory_space<hbm>>
    %dma_start3A_27 = tpu.memref_slice %arg14[%rem3A_20] : memref<4x!tpu.dma_semaphore, #tpu.memory_space<semaphore_mem>> -> memref<1x!tpu.dma_semaphore, #tpu.memory_space<semaphore_mem>>
    %dma_start3A_28 = tpu.memref_squeeze %dma_start3A_27 : memref<1x!tpu.dma_semaphore, #tpu.memory_space<semaphore_mem>> -> memref<!tpu.dma_semaphore, #tpu.memory_space<semaphore_mem>>
    %dma_start3A_29 = arith.constant 0 : i32
    %dma_start3A_30 = tpu.memref_slice %arg8[%rem3A_20, %dma_start3A_29] : memref<4x80xi32, #tpu.memory_space<vmem>> -> memref<1x80xi32, #tpu.memory_space<vmem>>
    %dma_start3A_31 = tpu.memref_squeeze %dma_start3A_30 : memref<1x80xi32, #tpu.memory_space<vmem>> -> memref<80xi32, #tpu.memory_space<vmem>>
    %dma_start3A_32 = tpu.memref_slice %arg3[%multiple_of3A_23] : memref<320000xi32, #tpu.memory_space<hbm>> -> memref<80xi32, #tpu.memory_space<hbm>>
    tpu.enqueue_dma source(%dma_start3A_32 : memref<80xi32, #tpu.memory_space<hbm>>) target(%dma_start3A_31 : memref<80xi32, #tpu.memory_space<vmem>>) target_semaphore(%dma_start3A_28 : memref<!tpu.dma_semaphore, #tpu.memory_space<semaphore_mem>>)
    %dma_start3A_33 = arith.constant 0 : i32
    %dma_start3A_34 = tpu.memref_slice %arg9[%rem3A_20, %dma_start3A_33] : memref<4x80xi32, #tpu.memory_space<vmem>> -> memref<1x80xi32, #tpu.memory_space<vmem>>
    %dma_start3A_35 = tpu.memref_squeeze %dma_start3A_34 : memref<1x80xi32, #tpu.memory_space<vmem>> -> memref<80xi32, #tpu.memory_space<vmem>>
    %dma_start3A_36 = tpu.memref_slice %arg4[%multiple_of3A_23] : memref<320000xi32, #tpu.memory_space<hbm>> -> memref<80xi32, #tpu.memory_space<hbm>>
    %dma_start3A_37 = tpu.memref_slice %arg14[%rem3A_20] : memref<4x!tpu.dma_semaphore, #tpu.memory_space<semaphore_mem>> -> memref<1x!tpu.dma_semaphore, #tpu.memory_space<semaphore_mem>>
    %dma_start3A_38 = tpu.memref_squeeze %dma_start3A_37 : memref<1x!tpu.dma_semaphore, #tpu.memory_space<semaphore_mem>> -> memref<!tpu.dma_semaphore, #tpu.memory_space<semaphore_mem>>
    %dma_start3A_39 = arith.constant 0 : i32
    %dma_start3A_40 = tpu.memref_slice %arg9[%rem3A_20, %dma_start3A_39] : memref<4x80xi32, #tpu.memory_space<vmem>> -> memref<1x80xi32, #tpu.memory_space<vmem>>
    %dma_start3A_41 = tpu.memref_squeeze %dma_start3A_40 : memref<1x80xi32, #tpu.memory_space<vmem>> -> memref<80xi32, #tpu.memory_space<vmem>>
    %dma_start3A_42 = tpu.memref_slice %arg4[%multiple_of3A_23] : memref<320000xi32, #tpu.memory_space<hbm>> -> memref<80xi32, #tpu.memory_space<hbm>>
    tpu.enqueue_dma source(%dma_start3A_42 : memref<80xi32, #tpu.memory_space<hbm>>) target(%dma_start3A_41 : memref<80xi32, #tpu.memory_space<vmem>>) target_semaphore(%dma_start3A_38 : memref<!tpu.dma_semaphore, #tpu.memory_space<semaphore_mem>>)
    %dma_start3A_43 = arith.constant 0 : i32
    %dma_start3A_44 = tpu.memref_slice %arg10[%rem3A_20, %dma_start3A_43] : memref<4x80xf32, #tpu.memory_space<vmem>> -> memref<1x80xf32, #tpu.memory_space<vmem>>
    %dma_start3A_45 = tpu.memref_squeeze %dma_start3A_44 : memref<1x80xf32, #tpu.memory_space<vmem>> -> memref<80xf32, #tpu.memory_space<vmem>>
    %dma_start3A_46 = tpu.memref_slice %arg5[%multiple_of3A_23] : memref<320000xf32, #tpu.memory_space<hbm>> -> memref<80xf32, #tpu.memory_space<hbm>>
    %dma_start3A_47 = tpu.memref_slice %arg14[%rem3A_20] : memref<4x!tpu.dma_semaphore, #tpu.memory_space<semaphore_mem>> -> memref<1x!tpu.dma_semaphore, #tpu.memory_space<semaphore_mem>>
    %dma_start3A_48 = tpu.memref_squeeze %dma_start3A_47 : memref<1x!tpu.dma_semaphore, #tpu.memory_space<semaphore_mem>> -> memref<!tpu.dma_semaphore, #tpu.memory_space<semaphore_mem>>
    %dma_start3A_49 = arith.constant 0 : i32
    %dma_start3A_50 = tpu.memref_slice %arg10[%rem3A_20, %dma_start3A_49] : memref<4x80xf32, #tpu.memory_space<vmem>> -> memref<1x80xf32, #tpu.memory_space<vmem>>
    %dma_start3A_51 = tpu.memref_squeeze %dma_start3A_50 : memref<1x80xf32, #tpu.memory_space<vmem>> -> memref<80xf32, #tpu.memory_space<vmem>>
    %dma_start3A_52 = tpu.memref_slice %arg5[%multiple_of3A_23] : memref<320000xf32, #tpu.memory_space<hbm>> -> memref<80xf32, #tpu.memory_space<hbm>>
    tpu.enqueue_dma source(%dma_start3A_52 : memref<80xf32, #tpu.memory_space<hbm>>) target(%dma_start3A_51 : memref<80xf32, #tpu.memory_space<vmem>>) target_semaphore(%dma_start3A_48 : memref<!tpu.dma_semaphore, #tpu.memory_space<semaphore_mem>>)
    %rem3A_53 = arith.constant 1 : i32
    %rem3A_54 = arith.constant 4 : i32
    %rem3A_55 = arith.remsi %rem3A_53, %rem3A_54 : i32
    %add3A_56 = arith.constant 80 : i32
    %add3A_57 = arith.addi %mul3A_2, %add3A_56 : i32
    %multiple_of3A_58 = tpu.assume_multiple %add3A_57, 8 : i32
    %dma_start3A_59 = arith.constant 0 : i32
    %dma_start3A_60 = tpu.memref_slice %arg8[%rem3A_55, %dma_start3A_59] : memref<4x80xi32, #tpu.memory_space<vmem>> -> memref<1x80xi32, #tpu.memory_space<vmem>>
    %dma_start3A_61 = tpu.memref_squeeze %dma_start3A_60 : memref<1x80xi32, #tpu.memory_space<vmem>> -> memref<80xi32, #tpu.memory_space<vmem>>
    %dma_start3A_62 = tpu.memref_slice %arg3[%multiple_of3A_58] : memref<320000xi32, #tpu.memory_space<hbm>> -> memref<80xi32, #tpu.memory_space<hbm>>
    %dma_start3A_63 = tpu.memref_slice %arg14[%rem3A_55] : memref<4x!tpu.dma_semaphore, #tpu.memory_space<semaphore_mem>> -> memref<1x!tpu.dma_semaphore, #tpu.memory_space<semaphore_mem>>
    %dma_start3A_64 = tpu.memref_squeeze %dma_start3A_63 : memref<1x!tpu.dma_semaphore, #tpu.memory_space<semaphore_mem>> -> memref<!tpu.dma_semaphore, #tpu.memory_space<semaphore_mem>>
    %dma_start3A_65 = arith.constant 0 : i32
    %dma_start3A_66 = tpu.memref_slice %arg8[%rem3A_55, %dma_start3A_65] : memref<4x80xi32, #tpu.memory_space<vmem>> -> memref<1x80xi32, #tpu.memory_space<vmem>>
    %dma_start3A_67 = tpu.memref_squeeze %dma_start3A_66 : memref<1x80xi32, #tpu.memory_space<vmem>> -> memref<80xi32, #tpu.memory_space<vmem>>
    %dma_start3A_68 = tpu.memref_slice %arg3[%multiple_of3A_58] : memref<320000xi32, #tpu.memory_space<hbm>> -> memref<80xi32, #tpu.memory_space<hbm>>
    tpu.enqueue_dma source(%dma_start3A_68 : memref<80xi32, #tpu.memory_space<hbm>>) target(%dma_start3A_67 : memref<80xi32, #tpu.memory_space<vmem>>) target_semaphore(%dma_start3A_64 : memref<!tpu.dma_semaphore, #tpu.memory_space<semaphore_mem>>)
    %dma_start3A_69 = arith.constant 0 : i32
    %dma_start3A_70 = tpu.memref_slice %arg9[%rem3A_55, %dma_start3A_69] : memref<4x80xi32, #tpu.memory_space<vmem>> -> memref<1x80xi32, #tpu.memory_space<vmem>>
    %dma_start3A_71 = tpu.memref_squeeze %dma_start3A_70 : memref<1x80xi32, #tpu.memory_space<vmem>> -> memref<80xi32, #tpu.memory_space<vmem>>
    %dma_start3A_72 = tpu.memref_slice %arg4[%multiple_of3A_58] : memref<320000xi32, #tpu.memory_space<hbm>> -> memref<80xi32, #tpu.memory_space<hbm>>
    %dma_start3A_73 = tpu.memref_slice %arg14[%rem3A_55] : memref<4x!tpu.dma_semaphore, #tpu.memory_space<semaphore_mem>> -> memref<1x!tpu.dma_semaphore, #tpu.memory_space<semaphore_mem>>
    %dma_start3A_74 = tpu.memref_squeeze %dma_start3A_73 : memref<1x!tpu.dma_semaphore, #tpu.memory_space<semaphore_mem>> -> memref<!tpu.dma_semaphore, #tpu.memory_space<semaphore_mem>>
    %dma_start3A_75 = arith.constant 0 : i32
    %dma_start3A_76 = tpu.memref_slice %arg9[%rem3A_55, %dma_start3A_75] : memref<4x80xi32, #tpu.memory_space<vmem>> -> memref<1x80xi32, #tpu.memory_space<vmem>>
    %dma_start3A_77 = tpu.memref_squeeze %dma_start3A_76 : memref<1x80xi32, #tpu.memory_space<vmem>> -> memref<80xi32, #tpu.memory_space<vmem>>
    %dma_start3A_78 = tpu.memref_slice %arg4[%multiple_of3A_58] : memref<320000xi32, #tpu.memory_space<hbm>> -> memref<80xi32, #tpu.memory_space<hbm>>
    tpu.enqueue_dma source(%dma_start3A_78 : memref<80xi32, #tpu.memory_space<hbm>>) target(%dma_start3A_77 : memref<80xi32, #tpu.memory_space<vmem>>) target_semaphore(%dma_start3A_74 : memref<!tpu.dma_semaphore, #tpu.memory_space<semaphore_mem>>)
    %dma_start3A_79 = arith.constant 0 : i32
    %dma_start3A_80 = tpu.memref_slice %arg10[%rem3A_55, %dma_start3A_79] : memref<4x80xf32, #tpu.memory_space<vmem>> -> memref<1x80xf32, #tpu.memory_space<vmem>>
    %dma_start3A_81 = tpu.memref_squeeze %dma_start3A_80 : memref<1x80xf32, #tpu.memory_space<vmem>> -> memref<80xf32, #tpu.memory_space<vmem>>
    %dma_start3A_82 = tpu.memref_slice %arg5[%multiple_of3A_58] : memref<320000xf32, #tpu.memory_space<hbm>> -> memref<80xf32, #tpu.memory_space<hbm>>
    %dma_start3A_83 = tpu.memref_slice %arg14[%rem3A_55] : memref<4x!tpu.dma_semaphore, #tpu.memory_space<semaphore_mem>> -> memref<1x!tpu.dma_semaphore, #tpu.memory_space<semaphore_mem>>
    %dma_start3A_84 = tpu.memref_squeeze %dma_start3A_83 : memref<1x!tpu.dma_semaphore, #tpu.memory_space<semaphore_mem>> -> memref<!tpu.dma_semaphore, #tpu.memory_space<semaphore_mem>>
    %dma_start3A_85 = arith.constant 0 : i32
    %dma_start3A_86 = tpu.memref_slice %arg10[%rem3A_55, %dma_start3A_85] : memref<4x80xf32, #tpu.memory_space<vmem>> -> memref<1x80xf32, #tpu.memory_space<vmem>>
    %dma_start3A_87 = tpu.memref_squeeze %dma_start3A_86 : memref<1x80xf32, #tpu.memory_space<vmem>> -> memref<80xf32, #tpu.memory_space<vmem>>
    %dma_start3A_88 = tpu.memref_slice %arg5[%multiple_of3A_58] : memref<320000xf32, #tpu.memory_space<hbm>> -> memref<80xf32, #tpu.memory_space<hbm>>
    tpu.enqueue_dma source(%dma_start3A_88 : memref<80xf32, #tpu.memory_space<hbm>>) target(%dma_start3A_87 : memref<80xf32, #tpu.memory_space<vmem>>) target_semaphore(%dma_start3A_84 : memref<!tpu.dma_semaphore, #tpu.memory_space<semaphore_mem>>)
    %rem3A_89 = arith.constant 0 : i32
    %rem3A_90 = arith.constant 4 : i32
    %rem3A_91 = arith.remsi %rem3A_89, %rem3A_90 : i32
    %dma_wait3A = arith.constant 0 : i32
    %dma_wait3A_92 = tpu.memref_slice %arg8[%rem3A_91, %dma_wait3A] : memref<4x80xi32, #tpu.memory_space<vmem>> -> memref<1x80xi32, #tpu.memory_space<vmem>>
    %dma_wait3A_93 = tpu.memref_squeeze %dma_wait3A_92 : memref<1x80xi32, #tpu.memory_space<vmem>> -> memref<80xi32, #tpu.memory_space<vmem>>
    %dma_wait3A_94 = arith.constant 0 : i32
    %dma_wait3A_95 = tpu.memref_slice %arg3[%dma_wait3A_94] : memref<320000xi32, #tpu.memory_space<hbm>> -> memref<80xi32, #tpu.memory_space<hbm>>
    %dma_wait3A_96 = tpu.memref_slice %arg14[%rem3A_91] : memref<4x!tpu.dma_semaphore, #tpu.memory_space<semaphore_mem>> -> memref<1x!tpu.dma_semaphore, #tpu.memory_space<semaphore_mem>>
    %dma_wait3A_97 = tpu.memref_squeeze %dma_wait3A_96 : memref<1x!tpu.dma_semaphore, #tpu.memory_space<semaphore_mem>> -> memref<!tpu.dma_semaphore, #tpu.memory_space<semaphore_mem>>
    %dma_wait3A_98 = arith.constant 0 : i32
    %dma_wait3A_99 = tpu.memref_slice %arg8[%rem3A_91, %dma_wait3A_98] : memref<4x80xi32, #tpu.memory_space<vmem>> -> memref<1x80xi32, #tpu.memory_space<vmem>>
    %dma_wait3A_100 = tpu.memref_squeeze %dma_wait3A_99 : memref<1x80xi32, #tpu.memory_space<vmem>> -> memref<80xi32, #tpu.memory_space<vmem>>
    %dma_wait3A_101 = arith.constant 0 : i32
    %dma_wait3A_102 = tpu.memref_slice %arg3[%dma_wait3A_101] : memref<320000xi32, #tpu.memory_space<hbm>> -> memref<80xi32, #tpu.memory_space<hbm>>
    tpu.wait_dma2 semaphore(%dma_wait3A_97 : memref<!tpu.dma_semaphore, #tpu.memory_space<semaphore_mem>>) src(%dma_wait3A_102 : memref<80xi32, #tpu.memory_space<hbm>>) dst(%dma_wait3A_100 : memref<80xi32, #tpu.memory_space<vmem>>)
    %dma_wait3A_103 = arith.constant 0 : i32
    %dma_wait3A_104 = tpu.memref_slice %arg9[%rem3A_91, %dma_wait3A_103] : memref<4x80xi32, #tpu.memory_space<vmem>> -> memref<1x80xi32, #tpu.memory_space<vmem>>
    %dma_wait3A_105 = tpu.memref_squeeze %dma_wait3A_104 : memref<1x80xi32, #tpu.memory_space<vmem>> -> memref<80xi32, #tpu.memory_space<vmem>>
    %dma_wait3A_106 = arith.constant 0 : i32
    %dma_wait3A_107 = tpu.memref_slice %arg4[%dma_wait3A_106] : memref<320000xi32, #tpu.memory_space<hbm>> -> memref<80xi32, #tpu.memory_space<hbm>>
    %dma_wait3A_108 = tpu.memref_slice %arg14[%rem3A_91] : memref<4x!tpu.dma_semaphore, #tpu.memory_space<semaphore_mem>> -> memref<1x!tpu.dma_semaphore, #tpu.memory_space<semaphore_mem>>
    %dma_wait3A_109 = tpu.memref_squeeze %dma_wait3A_108 : memref<1x!tpu.dma_semaphore, #tpu.memory_space<semaphore_mem>> -> memref<!tpu.dma_semaphore, #tpu.memory_space<semaphore_mem>>
    %dma_wait3A_110 = arith.constant 0 : i32
    %dma_wait3A_111 = tpu.memref_slice %arg9[%rem3A_91, %dma_wait3A_110] : memref<4x80xi32, #tpu.memory_space<vmem>> -> memref<1x80xi32, #tpu.memory_space<vmem>>
    %dma_wait3A_112 = tpu.memref_squeeze %dma_wait3A_111 : memref<1x80xi32, #tpu.memory_space<vmem>> -> memref<80xi32, #tpu.memory_space<vmem>>
    %dma_wait3A_113 = arith.constant 0 : i32
    %dma_wait3A_114 = tpu.memref_slice %arg4[%dma_wait3A_113] : memref<320000xi32, #tpu.memory_space<hbm>> -> memref<80xi32, #tpu.memory_space<hbm>>
    tpu.wait_dma2 semaphore(%dma_wait3A_109 : memref<!tpu.dma_semaphore, #tpu.memory_space<semaphore_mem>>) src(%dma_wait3A_114 : memref<80xi32, #tpu.memory_space<hbm>>) dst(%dma_wait3A_112 : memref<80xi32, #tpu.memory_space<vmem>>)
    %dma_wait3A_115 = arith.constant 0 : i32
    %dma_wait3A_116 = tpu.memref_slice %arg10[%rem3A_91, %dma_wait3A_115] : memref<4x80xf32, #tpu.memory_space<vmem>> -> memref<1x80xf32, #tpu.memory_space<vmem>>
    %dma_wait3A_117 = tpu.memref_squeeze %dma_wait3A_116 : memref<1x80xf32, #tpu.memory_space<vmem>> -> memref<80xf32, #tpu.memory_space<vmem>>
    %dma_wait3A_118 = arith.constant 0 : i32
    %dma_wait3A_119 = tpu.memref_slice %arg5[%dma_wait3A_118] : memref<320000xf32, #tpu.memory_space<hbm>> -> memref<80xf32, #tpu.memory_space<hbm>>
    %dma_wait3A_120 = tpu.memref_slice %arg14[%rem3A_91] : memref<4x!tpu.dma_semaphore, #tpu.memory_space<semaphore_mem>> -> memref<1x!tpu.dma_semaphore, #tpu.memory_space<semaphore_mem>>
    %dma_wait3A_121 = tpu.memref_squeeze %dma_wait3A_120 : memref<1x!tpu.dma_semaphore, #tpu.memory_space<semaphore_mem>> -> memref<!tpu.dma_semaphore, #tpu.memory_space<semaphore_mem>>
    %dma_wait3A_122 = arith.constant 0 : i32
    %dma_wait3A_123 = tpu.memref_slice %arg10[%rem3A_91, %dma_wait3A_122] : memref<4x80xf32, #tpu.memory_space<vmem>> -> memref<1x80xf32, #tpu.memory_space<vmem>>
    %dma_wait3A_124 = tpu.memref_squeeze %dma_wait3A_123 : memref<1x80xf32, #tpu.memory_space<vmem>> -> memref<80xf32, #tpu.memory_space<vmem>>
    %dma_wait3A_125 = arith.constant 0 : i32
    %dma_wait3A_126 = tpu.memref_slice %arg5[%dma_wait3A_125] : memref<320000xf32, #tpu.memory_space<hbm>> -> memref<80xf32, #tpu.memory_space<hbm>>
    tpu.wait_dma2 semaphore(%dma_wait3A_121 : memref<!tpu.dma_semaphore, #tpu.memory_space<semaphore_mem>>) src(%dma_wait3A_126 : memref<80xf32, #tpu.memory_space<hbm>>) dst(%dma_wait3A_124 : memref<80xf32, #tpu.memory_space<vmem>>)
    %mul3A_127 = arith.constant 10000 : i32
    %mul3A_128 = arith.muli %add3A_18, %mul3A_127 : i32
    %get3A = arith.index_cast %rem3A_91 : i32 to index
    %get3A_129 = arith.constant 0 : index
    %get3A_130 = tpu.vector_load %arg8[%get3A, %get3A_129] {strides = array<i32>} : memref<4x80xi32, #tpu.memory_space<vmem>>, vector<1x16xi32>,
    %get3A_131 = vector.shape_cast %get3A_130 : vector<1x16xi32> to vector<16xi32>
    %add3A_132 = vector.broadcast %mul3A_128 : i32 to vector<16xi32>
    %add3A_133 = arith.addi %get3A_131, %add3A_132 : vector<16xi32>
    %swap3A = arith.index_cast %rem3A_91 : i32 to index
    %swap3A_134 = arith.constant 0 : index
    %swap3A_135 = tpu.vector_load %arg8[%swap3A, %swap3A_134] {strides = array<i32>} : memref<4x80xi32, #tpu.memory_space<vmem>>, vector<1x16xi32>,
    %swap3A_136 = vector.shape_cast %swap3A_135 : vector<1x16xi32> to vector<16xi32>
    %swap3A_137 = vector.shape_cast %add3A_133 : vector<16xi32> to vector<1x16xi32>
    tpu.vector_store %arg8[%swap3A, %swap3A_134], %swap3A_137 {strides = array<i32>} : memref<4x80xi32, #tpu.memory_space<vmem>>, vector<1x16xi32>,
    %get3A_138 = arith.index_cast %rem3A_91 : i32 to index
    %get3A_139 = arith.constant 16 : index
    %get3A_140 = tpu.vector_load %arg8[%get3A_138, %get3A_139] {strides = array<i32>} : memref<4x80xi32, #tpu.memory_space<vmem>>, vector<1x16xi32>,
    %get3A_141 = vector.shape_cast %get3A_140 : vector<1x16xi32> to vector<16xi32>
    %add3A_142 = vector.broadcast %mul3A_128 : i32 to vector<16xi32>
    %add3A_143 = arith.addi %get3A_141, %add3A_142 : vector<16xi32>
    %swap3A_144 = arith.index_cast %rem3A_91 : i32 to index
    %swap3A_145 = arith.constant 16 : index
    %swap3A_146 = tpu.vector_load %arg8[%swap3A_144, %swap3A_145] {strides = array<i32>} : memref<4x80xi32, #tpu.memory_space<vmem>>, vector<1x16xi32>,
    %swap3A_147 = vector.shape_cast %swap3A_146 : vector<1x16xi32> to vector<16xi32>
    %swap3A_148 = vector.shape_cast %add3A_143 : vector<16xi32> to vector<1x16xi32>
    tpu.vector_store %arg8[%swap3A_144, %swap3A_145], %swap3A_148 {strides = array<i32>} : memref<4x80xi32, #tpu.memory_space<vmem>>, vector<1x16xi32>,
    %get3A_149 = arith.index_cast %rem3A_91 : i32 to index
    %get3A_150 = arith.constant 32 : index
    %get3A_151 = tpu.vector_load %arg8[%get3A_149, %get3A_150] {strides = array<i32>} : memref<4x80xi32, #tpu.memory_space<vmem>>, vector<1x16xi32>,
    %get3A_152 = vector.shape_cast %get3A_151 : vector<1x16xi32> to vector<16xi32>
    %add3A_153 = vector.broadcast %mul3A_128 : i32 to vector<16xi32>
    %add3A_154 = arith.addi %get3A_152, %add3A_153 : vector<16xi32>
    %swap3A_155 = arith.index_cast %rem3A_91 : i32 to index
    %swap3A_156 = arith.constant 32 : index
    %swap3A_157 = tpu.vector_load %arg8[%swap3A_155, %swap3A_156] {strides = array<i32>} : memref<4x80xi32, #tpu.memory_space<vmem>>, vector<1x16xi32>,
    %swap3A_158 = vector.shape_cast %swap3A_157 : vector<1x16xi32> to vector<16xi32>
    %swap3A_159 = vector.shape_cast %add3A_154 : vector<16xi32> to vector<1x16xi32>
    tpu.vector_store %arg8[%swap3A_155, %swap3A_156], %swap3A_159 {strides = array<i32>} : memref<4x80xi32, #tpu.memory_space<vmem>>, vector<1x16xi32>,
    %get3A_160 = arith.index_cast %rem3A_91 : i32 to index
    %get3A_161 = arith.constant 48 : index
    %get3A_162 = tpu.vector_load %arg8[%get3A_160, %get3A_161] {strides = array<i32>} : memref<4x80xi32, #tpu.memory_space<vmem>>, vector<1x16xi32>,
    %get3A_163 = vector.shape_cast %get3A_162 : vector<1x16xi32> to vector<16xi32>
    %add3A_164 = vector.broadcast %mul3A_128 : i32 to vector<16xi32>
    %add3A_165 = arith.addi %get3A_163, %add3A_164 : vector<16xi32>
    %swap3A_166 = arith.index_cast %rem3A_91 : i32 to index
    %swap3A_167 = arith.constant 48 : index
    %swap3A_168 = tpu.vector_load %arg8[%swap3A_166, %swap3A_167] {strides = array<i32>} : memref<4x80xi32, #tpu.memory_space<vmem>>, vector<1x16xi32>,
    %swap3A_169 = vector.shape_cast %swap3A_168 : vector<1x16xi32> to vector<16xi32>
    %swap3A_170 = vector.shape_cast %add3A_165 : vector<16xi32> to vector<1x16xi32>
    tpu.vector_store %arg8[%swap3A_166, %swap3A_167], %swap3A_170 {strides = array<i32>} : memref<4x80xi32, #tpu.memory_space<vmem>>, vector<1x16xi32>,
    %get3A_171 = arith.index_cast %rem3A_91 : i32 to index
    %get3A_172 = arith.constant 64 : index
    %get3A_173 = tpu.vector_load %arg8[%get3A_171, %get3A_172] {strides = array<i32>} : memref<4x80xi32, #tpu.memory_space<vmem>>, vector<1x16xi32>,
    %get3A_174 = vector.shape_cast %get3A_173 : vector<1x16xi32> to vector<16xi32>
    %add3A_175 = vector.broadcast %mul3A_128 : i32 to vector<16xi32>
    %add3A_176 = arith.addi %get3A_174, %add3A_175 : vector<16xi32>
    %swap3A_177 = arith.index_cast %rem3A_91 : i32 to index
    %swap3A_178 = arith.constant 64 : index
    %swap3A_179 = tpu.vector_load %arg8[%swap3A_177, %swap3A_178] {strides = array<i32>} : memref<4x80xi32, #tpu.memory_space<vmem>>, vector<1x16xi32>,
    %swap3A_180 = vector.shape_cast %swap3A_179 : vector<1x16xi32> to vector<16xi32>
    %swap3A_181 = vector.shape_cast %add3A_176 : vector<16xi32> to vector<1x16xi32>
    tpu.vector_store %arg8[%swap3A_177, %swap3A_178], %swap3A_181 {strides = array<i32>} : memref<4x80xi32, #tpu.memory_space<vmem>>, vector<1x16xi32>,
    %dma_start3A_182 = arith.constant 0 : i32
    %dma_start3A_183 = arith.constant 0 : i32
    %dma_start3A_184 = tpu.memref_slice %arg11[%rem3A_91, %dma_start3A_182, %dma_start3A_183] : memref<4x80x32xf32, #tpu.memory_space<vmem>> -> memref<1x80x32xf32, #tpu.memory_space<vmem>>
    %dma_start3A_185 = tpu.memref_squeeze %dma_start3A_184 : memref<1x80x32xf32, #tpu.memory_space<vmem>> -> memref<80x32xf32, #tpu.memory_space<vmem>>
    %dma_start3A_186 = arith.constant 0 : i32
    %dma_start3A_187 = tpu.memref_slice %arg8[%rem3A_91, %dma_start3A_186] : memref<4x80xi32, #tpu.memory_space<vmem>> -> memref<1x80xi32, #tpu.memory_space<vmem>>
    %dma_start3A_188 = tpu.memref_squeeze %dma_start3A_187 : memref<1x80xi32, #tpu.memory_space<vmem>> -> memref<80xi32, #tpu.memory_space<vmem>>
    %dma_start3A_189 = arith.constant 0 : i32
    %dma_start3A_190 = arith.constant 0 : i32
    %dma_start3A_191 = tpu.memref_slice %arg2[%dma_start3A_189, %dma_start3A_190] : memref<40000x32xf32, #tpu.memory_space<hbm>> -> memref<40000x32xf32, #tpu.memory_space<hbm>>
    %dma_start3A_192 = tpu.memref_slice %arg15[%rem3A_91] : memref<4x!tpu.dma_semaphore, #tpu.memory_space<semaphore_mem>> -> memref<1x!tpu.dma_semaphore, #tpu.memory_space<semaphore_mem>>
    %dma_start3A_193 = tpu.memref_squeeze %dma_start3A_192 : memref<1x!tpu.dma_semaphore, #tpu.memory_space<semaphore_mem>> -> memref<!tpu.dma_semaphore, #tpu.memory_space<semaphore_mem>>
    tpu.enqueue_indirect_dma source(%dma_start3A_191 : memref<40000x32xf32, #tpu.memory_space<hbm>>) target(%dma_start3A_185 : memref<80x32xf32, #tpu.memory_space<vmem>>) offsets(%dma_start3A_188 : memref<80xi32, #tpu.memory_space<vmem>>) semaphore(%dma_start3A_193 : memref<!tpu.dma_semaphore, #tpu.memory_space<semaphore_mem>>)
    %scan3A = arith.constant 0 : i32
    %scan3A_194 = arith.constant 0 : i32
    %scan3A_195 = arith.constant 250 : i32
    %scan3A_196 = arith.addi %scan3A_194, %scan3A_195 : i32
    %scan3A_197 = arith.constant 1 : i32
    %scan3A_198 = scf.for %scan3A_572 = %scan3A_194 to %scan3A_196 step %scan3A_197 iter_args(%scan3A_573 = %scan3A) -> (i32)  : i32 {
      %add3A_574 = arith.constant 1 : i32
      %add3A_575 = arith.addi %scan3A_572, %add3A_574 : i32
      %lt3A_576 = arith.constant 250 : i32
      %lt3A_577 = arith.cmpi slt, %add3A_575, %lt3A_576 : i32
      %convert_element_type3A_578 = arith.extui %lt3A_577 : i1 to i32
      %cond3A_579 = arith.constant 0 : i32
      %cond3A_580 = arith.cmpi ne, %convert_element_type3A_578, %cond3A_579 : i32
      scf.if %cond3A_580 {
        %add3A_626 = arith.constant 1 : i32
        %add3A_627 = arith.addi %scan3A_572, %add3A_626 : i32
        %rem3A_628 = arith.constant 4 : i32
        %rem3A_629 = arith.remsi %add3A_627, %rem3A_628 : i32
        %dma_wait3A_630 = arith.constant 0 : i32
        %dma_wait3A_631 = tpu.memref_slice %arg8[%rem3A_629, %dma_wait3A_630] : memref<4x80xi32, #tpu.memory_space<vmem>> -> memref<1x80xi32, #tpu.memory_space<vmem>>
        %dma_wait3A_632 = tpu.memref_squeeze %dma_wait3A_631 : memref<1x80xi32, #tpu.memory_space<vmem>> -> memref<80xi32, #tpu.memory_space<vmem>>
        %dma_wait3A_633 = arith.constant 0 : i32
        %dma_wait3A_634 = tpu.memref_slice %arg3[%dma_wait3A_633] : memref<320000xi32, #tpu.memory_space<hbm>> -> memref<80xi32, #tpu.memory_space<hbm>>
        %dma_wait3A_635 = tpu.memref_slice %arg14[%rem3A_629] : memref<4x!tpu.dma_semaphore, #tpu.memory_space<semaphore_mem>> -> memref<1x!tpu.dma_semaphore, #tpu.memory_space<semaphore_mem>>
        %dma_wait3A_636 = tpu.memref_squeeze %dma_wait3A_635 : memref<1x!tpu.dma_semaphore, #tpu.memory_space<semaphore_mem>> -> memref<!tpu.dma_semaphore, #tpu.memory_space<semaphore_mem>>
        %dma_wait3A_637 = arith.constant 0 : i32
        %dma_wait3A_638 = tpu.memref_slice %arg8[%rem3A_629, %dma_wait3A_637] : memref<4x80xi32, #tpu.memory_space<vmem>> -> memref<1x80xi32, #tpu.memory_space<vmem>>
        %dma_wait3A_639 = tpu.memref_squeeze %dma_wait3A_638 : memref<1x80xi32, #tpu.memory_space<vmem>> -> memref<80xi32, #tpu.memory_space<vmem>>
        %dma_wait3A_640 = arith.constant 0 : i32
        %dma_wait3A_641 = tpu.memref_slice %arg3[%dma_wait3A_640] : memref<320000xi32, #tpu.memory_space<hbm>> -> memref<80xi32, #tpu.memory_space<hbm>>
        tpu.wait_dma2 semaphore(%dma_wait3A_636 : memref<!tpu.dma_semaphore, #tpu.memory_space<semaphore_mem>>) src(%dma_wait3A_641 : memref<80xi32, #tpu.memory_space<hbm>>) dst(%dma_wait3A_639 : memref<80xi32, #tpu.memory_space<vmem>>)
        %dma_wait3A_642 = arith.constant 0 : i32
        %dma_wait3A_643 = tpu.memref_slice %arg9[%rem3A_629, %dma_wait3A_642] : memref<4x80xi32, #tpu.memory_space<vmem>> -> memref<1x80xi32, #tpu.memory_space<vmem>>
        %dma_wait3A_644 = tpu.memref_squeeze %dma_wait3A_643 : memref<1x80xi32, #tpu.memory_space<vmem>> -> memref<80xi32, #tpu.memory_space<vmem>>
        %dma_wait3A_645 = arith.constant 0 : i32
        %dma_wait3A_646 = tpu.memref_slice %arg4[%dma_wait3A_645] : memref<320000xi32, #tpu.memory_space<hbm>> -> memref<80xi32, #tpu.memory_space<hbm>>
        %dma_wait3A_647 = tpu.memref_slice %arg14[%rem3A_629] : memref<4x!tpu.dma_semaphore, #tpu.memory_space<semaphore_mem>> -> memref<1x!tpu.dma_semaphore, #tpu.memory_space<semaphore_mem>>
        %dma_wait3A_648 = tpu.memref_squeeze %dma_wait3A_647 : memref<1x!tpu.dma_semaphore, #tpu.memory_space<semaphore_mem>> -> memref<!tpu.dma_semaphore, #tpu.memory_space<semaphore_mem>>
        %dma_wait3A_649 = arith.constant 0 : i32
        %dma_wait3A_650 = tpu.memref_slice %arg9[%rem3A_629, %dma_wait3A_649] : memref<4x80xi32, #tpu.memory_space<vmem>> -> memref<1x80xi32, #tpu.memory_space<vmem>>
        %dma_wait3A_651 = tpu.memref_squeeze %dma_wait3A_650 : memref<1x80xi32, #tpu.memory_space<vmem>> -> memref<80xi32, #tpu.memory_space<vmem>>
        %dma_wait3A_652 = arith.constant 0 : i32
        %dma_wait3A_653 = tpu.memref_slice %arg4[%dma_wait3A_652] : memref<320000xi32, #tpu.memory_space<hbm>> -> memref<80xi32, #tpu.memory_space<hbm>>
        tpu.wait_dma2 semaphore(%dma_wait3A_648 : memref<!tpu.dma_semaphore, #tpu.memory_space<semaphore_mem>>) src(%dma_wait3A_653 : memref<80xi32, #tpu.memory_space<hbm>>) dst(%dma_wait3A_651 : memref<80xi32, #tpu.memory_space<vmem>>)
        %dma_wait3A_654 = arith.constant 0 : i32
        %dma_wait3A_655 = tpu.memref_slice %arg10[%rem3A_629, %dma_wait3A_654] : memref<4x80xf32, #tpu.memory_space<vmem>> -> memref<1x80xf32, #tpu.memory_space<vmem>>
        %dma_wait3A_656 = tpu.memref_squeeze %dma_wait3A_655 : memref<1x80xf32, #tpu.memory_space<vmem>> -> memref<80xf32, #tpu.memory_space<vmem>>
        %dma_wait3A_657 = arith.constant 0 : i32
        %dma_wait3A_658 = tpu.memref_slice %arg5[%dma_wait3A_657] : memref<320000xf32, #tpu.memory_space<hbm>> -> memref<80xf32, #tpu.memory_space<hbm>>
        %dma_wait3A_659 = tpu.memref_slice %arg14[%rem3A_629] : memref<4x!tpu.dma_semaphore, #tpu.memory_space<semaphore_mem>> -> memref<1x!tpu.dma_semaphore, #tpu.memory_space<semaphore_mem>>
        %dma_wait3A_660 = tpu.memref_squeeze %dma_wait3A_659 : memref<1x!tpu.dma_semaphore, #tpu.memory_space<semaphore_mem>> -> memref<!tpu.dma_semaphore, #tpu.memory_space<semaphore_mem>>
        %dma_wait3A_661 = arith.constant 0 : i32
        %dma_wait3A_662 = tpu.memref_slice %arg10[%rem3A_629, %dma_wait3A_661] : memref<4x80xf32, #tpu.memory_space<vmem>> -> memref<1x80xf32, #tpu.memory_space<vmem>>
        %dma_wait3A_663 = tpu.memref_squeeze %dma_wait3A_662 : memref<1x80xf32, #tpu.memory_space<vmem>> -> memref<80xf32, #tpu.memory_space<vmem>>
        %dma_wait3A_664 = arith.constant 0 : i32
        %dma_wait3A_665 = tpu.memref_slice %arg5[%dma_wait3A_664] : memref<320000xf32, #tpu.memory_space<hbm>> -> memref<80xf32, #tpu.memory_space<hbm>>
        tpu.wait_dma2 semaphore(%dma_wait3A_660 : memref<!tpu.dma_semaphore, #tpu.memory_space<semaphore_mem>>) src(%dma_wait3A_665 : memref<80xf32, #tpu.memory_space<hbm>>) dst(%dma_wait3A_663 : memref<80xf32, #tpu.memory_space<vmem>>)
        %mul3A_666 = arith.constant 10000 : i32
        %mul3A_667 = arith.muli %add3A_18, %mul3A_666 : i32
        %get3A_668 = arith.index_cast %rem3A_629 : i32 to index
        %get3A_669 = arith.constant 0 : index
        %get3A_670 = tpu.vector_load %arg8[%get3A_668, %get3A_669] {strides = array<i32>} : memref<4x80xi32, #tpu.memory_space<vmem>>, vector<1x16xi32>,
        %get3A_671 = vector.shape_cast %get3A_670 : vector<1x16xi32> to vector<16xi32>
        %add3A_672 = vector.broadcast %mul3A_667 : i32 to vector<16xi32>
        %add3A_673 = arith.addi %get3A_671, %add3A_672 : vector<16xi32>
        %swap3A_674 = arith.index_cast %rem3A_629 : i32 to index
        %swap3A_675 = arith.constant 0 : index
        %swap3A_676 = tpu.vector_load %arg8[%swap3A_674, %swap3A_675] {strides = array<i32>} : memref<4x80xi32, #tpu.memory_space<vmem>>, vector<1x16xi32>,
        %swap3A_677 = vector.shape_cast %swap3A_676 : vector<1x16xi32> to vector<16xi32>
        %swap3A_678 = vector.shape_cast %add3A_673 : vector<16xi32> to vector<1x16xi32>
        tpu.vector_store %arg8[%swap3A_674, %swap3A_675], %swap3A_678 {strides = array<i32>} : memref<4x80xi32, #tpu.memory_space<vmem>>, vector<1x16xi32>,
        %get3A_679 = arith.index_cast %rem3A_629 : i32 to index
        %get3A_680 = arith.constant 16 : index
        %get3A_681 = tpu.vector_load %arg8[%get3A_679, %get3A_680] {strides = array<i32>} : memref<4x80xi32, #tpu.memory_space<vmem>>, vector<1x16xi32>,
        %get3A_682 = vector.shape_cast %get3A_681 : vector<1x16xi32> to vector<16xi32>
        %add3A_683 = vector.broadcast %mul3A_667 : i32 to vector<16xi32>
        %add3A_684 = arith.addi %get3A_682, %add3A_683 : vector<16xi32>
        %swap3A_685 = arith.index_cast %rem3A_629 : i32 to index
        %swap3A_686 = arith.constant 16 : index
        %swap3A_687 = tpu.vector_load %arg8[%swap3A_685, %swap3A_686] {strides = array<i32>} : memref<4x80xi32, #tpu.memory_space<vmem>>, vector<1x16xi32>,
        %swap3A_688 = vector.shape_cast %swap3A_687 : vector<1x16xi32> to vector<16xi32>
        %swap3A_689 = vector.shape_cast %add3A_684 : vector<16xi32> to vector<1x16xi32>
        tpu.vector_store %arg8[%swap3A_685, %swap3A_686], %swap3A_689 {strides = array<i32>} : memref<4x80xi32, #tpu.memory_space<vmem>>, vector<1x16xi32>,
        %get3A_690 = arith.index_cast %rem3A_629 : i32 to index
        %get3A_691 = arith.constant 32 : index
        %get3A_692 = tpu.vector_load %arg8[%get3A_690, %get3A_691] {strides = array<i32>} : memref<4x80xi32, #tpu.memory_space<vmem>>, vector<1x16xi32>,
        %get3A_693 = vector.shape_cast %get3A_692 : vector<1x16xi32> to vector<16xi32>
        %add3A_694 = vector.broadcast %mul3A_667 : i32 to vector<16xi32>
        %add3A_695 = arith.addi %get3A_693, %add3A_694 : vector<16xi32>
        %swap3A_696 = arith.index_cast %rem3A_629 : i32 to index
        %swap3A_697 = arith.constant 32 : index
        %swap3A_698 = tpu.vector_load %arg8[%swap3A_696, %swap3A_697] {strides = array<i32>} : memref<4x80xi32, #tpu.memory_space<vmem>>, vector<1x16xi32>,
        %swap3A_699 = vector.shape_cast %swap3A_698 : vector<1x16xi32> to vector<16xi32>
        %swap3A_700 = vector.shape_cast %add3A_695 : vector<16xi32> to vector<1x16xi32>
        tpu.vector_store %arg8[%swap3A_696, %swap3A_697], %swap3A_700 {strides = array<i32>} : memref<4x80xi32, #tpu.memory_space<vmem>>, vector<1x16xi32>,
        %get3A_701 = arith.index_cast %rem3A_629 : i32 to index
        %get3A_702 = arith.constant 48 : index
        %get3A_703 = tpu.vector_load %arg8[%get3A_701, %get3A_702] {strides = array<i32>} : memref<4x80xi32, #tpu.memory_space<vmem>>, vector<1x16xi32>,
        %get3A_704 = vector.shape_cast %get3A_703 : vector<1x16xi32> to vector<16xi32>
        %add3A_705 = vector.broadcast %mul3A_667 : i32 to vector<16xi32>
        %add3A_706 = arith.addi %get3A_704, %add3A_705 : vector<16xi32>
        %swap3A_707 = arith.index_cast %rem3A_629 : i32 to index
        %swap3A_708 = arith.constant 48 : index
        %swap3A_709 = tpu.vector_load %arg8[%swap3A_707, %swap3A_708] {strides = array<i32>} : memref<4x80xi32, #tpu.memory_space<vmem>>, vector<1x16xi32>,
        %swap3A_710 = vector.shape_cast %swap3A_709 : vector<1x16xi32> to vector<16xi32>
        %swap3A_711 = vector.shape_cast %add3A_706 : vector<16xi32> to vector<1x16xi32>
        tpu.vector_store %arg8[%swap3A_707, %swap3A_708], %swap3A_711 {strides = array<i32>} : memref<4x80xi32, #tpu.memory_space<vmem>>, vector<1x16xi32>,
        %get3A_712 = arith.index_cast %rem3A_629 : i32 to index
        %get3A_713 = arith.constant 64 : index
        %get3A_714 = tpu.vector_load %arg8[%get3A_712, %get3A_713] {strides = array<i32>} : memref<4x80xi32, #tpu.memory_space<vmem>>, vector<1x16xi32>,
        %get3A_715 = vector.shape_cast %get3A_714 : vector<1x16xi32> to vector<16xi32>
        %add3A_716 = vector.broadcast %mul3A_667 : i32 to vector<16xi32>
        %add3A_717 = arith.addi %get3A_715, %add3A_716 : vector<16xi32>
        %swap3A_718 = arith.index_cast %rem3A_629 : i32 to index
        %swap3A_719 = arith.constant 64 : index
        %swap3A_720 = tpu.vector_load %arg8[%swap3A_718, %swap3A_719] {strides = array<i32>} : memref<4x80xi32, #tpu.memory_space<vmem>>, vector<1x16xi32>,
        %swap3A_721 = vector.shape_cast %swap3A_720 : vector<1x16xi32> to vector<16xi32>
        %swap3A_722 = vector.shape_cast %add3A_717 : vector<16xi32> to vector<1x16xi32>
        tpu.vector_store %arg8[%swap3A_718, %swap3A_719], %swap3A_722 {strides = array<i32>} : memref<4x80xi32, #tpu.memory_space<vmem>>, vector<1x16xi32>,
        %dma_start3A_723 = arith.constant 0 : i32
        %dma_start3A_724 = arith.constant 0 : i32
        %dma_start3A_725 = tpu.memref_slice %arg11[%rem3A_629, %dma_start3A_723, %dma_start3A_724] : memref<4x80x32xf32, #tpu.memory_space<vmem>> -> memref<1x80x32xf32, #tpu.memory_space<vmem>>
        %dma_start3A_726 = tpu.memref_squeeze %dma_start3A_725 : memref<1x80x32xf32, #tpu.memory_space<vmem>> -> memref<80x32xf32, #tpu.memory_space<vmem>>
        %dma_start3A_727 = arith.constant 0 : i32
        %dma_start3A_728 = tpu.memref_slice %arg8[%rem3A_629, %dma_start3A_727] : memref<4x80xi32, #tpu.memory_space<vmem>> -> memref<1x80xi32, #tpu.memory_space<vmem>>
        %dma_start3A_729 = tpu.memref_squeeze %dma_start3A_728 : memref<1x80xi32, #tpu.memory_space<vmem>> -> memref<80xi32, #tpu.memory_space<vmem>>
        %dma_start3A_730 = arith.constant 0 : i32
        %dma_start3A_731 = arith.constant 0 : i32
        %dma_start3A_732 = tpu.memref_slice %arg2[%dma_start3A_730, %dma_start3A_731] : memref<40000x32xf32, #tpu.memory_space<hbm>> -> memref<40000x32xf32, #tpu.memory_space<hbm>>
        %dma_start3A_733 = tpu.memref_slice %arg15[%rem3A_629] : memref<4x!tpu.dma_semaphore, #tpu.memory_space<semaphore_mem>> -> memref<1x!tpu.dma_semaphore, #tpu.memory_space<semaphore_mem>>
        %dma_start3A_734 = tpu.memref_squeeze %dma_start3A_733 : memref<1x!tpu.dma_semaphore, #tpu.memory_space<semaphore_mem>> -> memref<!tpu.dma_semaphore, #tpu.memory_space<semaphore_mem>>
        tpu.enqueue_indirect_dma source(%dma_start3A_732 : memref<40000x32xf32, #tpu.memory_space<hbm>>) target(%dma_start3A_726 : memref<80x32xf32, #tpu.memory_space<vmem>>) offsets(%dma_start3A_729 : memref<80xi32, #tpu.memory_space<vmem>>) semaphore(%dma_start3A_734 : memref<!tpu.dma_semaphore, #tpu.memory_space<semaphore_mem>>)
      } else {
      }
      %add3A_581 = arith.constant 2 : i32
      %add3A_582 = arith.addi %scan3A_572, %add3A_581 : i32
      %lt3A_583 = arith.constant 250 : i32
      %lt3A_584 = arith.cmpi slt, %add3A_582, %lt3A_583 : i32
      %convert_element_type3A_585 = arith.extui %lt3A_584 : i1 to i32
      %cond3A_586 = arith.constant 0 : i32
      %cond3A_587 = arith.cmpi ne, %convert_element_type3A_585, %cond3A_586 : i32
      scf.if %cond3A_587 {
        %ge3A = arith.constant 2 : i32
        %ge3A_626 = arith.cmpi sge, %scan3A_572, %ge3A : i32
        %convert_element_type3A_627 = arith.extui %ge3A_626 : i1 to i32
        %cond3A_628 = arith.constant 0 : i32
        %cond3A_629 = arith.cmpi ne, %convert_element_type3A_627, %cond3A_628 : i32
        scf.if %cond3A_629 {
          %add3A_668 = arith.constant 2 : i32
          %add3A_669 = arith.addi %scan3A_572, %add3A_668 : i32
          %rem3A_670 = arith.constant 4 : i32
          %rem3A_671 = arith.remsi %add3A_669, %rem3A_670 : i32
          %dma_wait3A_672 = arith.constant 0 : i32
          %dma_wait3A_673 = arith.constant 0 : i32
          %dma_wait3A_674 = tpu.memref_slice %arg12[%rem3A_671, %dma_wait3A_672, %dma_wait3A_673] : memref<4x80x112xf32, #tpu.memory_space<vmem>> -> memref<1x80x112xf32, #tpu.memory_space<vmem>>
          %dma_wait3A_675 = tpu.memref_squeeze %dma_wait3A_674 : memref<1x80x112xf32, #tpu.memory_space<vmem>> -> memref<80x112xf32, #tpu.memory_space<vmem>>
          %dma_wait3A_676 = arith.constant 0 : i32
          %dma_wait3A_677 = arith.constant 0 : i32
          %dma_wait3A_678 = tpu.memref_slice %arg6[%dma_wait3A_676, %dma_wait3A_677] : memref<10000x112xf32, #tpu.memory_space<hbm>> -> memref<80x112xf32, #tpu.memory_space<hbm>>
          %dma_wait3A_679 = tpu.memref_slice %arg16[%rem3A_671] : memref<4x!tpu.dma_semaphore, #tpu.memory_space<semaphore_mem>> -> memref<1x!tpu.dma_semaphore, #tpu.memory_space<semaphore_mem>>
          %dma_wait3A_680 = tpu.memref_squeeze %dma_wait3A_679 : memref<1x!tpu.dma_semaphore, #tpu.memory_space<semaphore_mem>> -> memref<!tpu.dma_semaphore, #tpu.memory_space<semaphore_mem>>
          %dma_wait3A_681 = arith.constant 0 : i32
          %dma_wait3A_682 = arith.constant 0 : i32
          %dma_wait3A_683 = tpu.memref_slice %arg12[%rem3A_671, %dma_wait3A_681, %dma_wait3A_682] : memref<4x80x112xf32, #tpu.memory_space<vmem>> -> memref<1x80x112xf32, #tpu.memory_space<vmem>>
          %dma_wait3A_684 = tpu.memref_squeeze %dma_wait3A_683 : memref<1x80x112xf32, #tpu.memory_space<vmem>> -> memref<80x112xf32, #tpu.memory_space<vmem>>
          %dma_wait3A_685 = arith.constant 0 : i32
          %dma_wait3A_686 = arith.constant 0 : i32
          %dma_wait3A_687 = tpu.memref_slice %arg6[%dma_wait3A_685, %dma_wait3A_686] : memref<10000x112xf32, #tpu.memory_space<hbm>> -> memref<80x112xf32, #tpu.memory_space<hbm>>
          tpu.wait_dma2 semaphore(%dma_wait3A_680 : memref<!tpu.dma_semaphore, #tpu.memory_space<semaphore_mem>>) src(%dma_wait3A_687 : memref<80x112xf32, #tpu.memory_space<hbm>>) dst(%dma_wait3A_684 : memref<80x112xf32, #tpu.memory_space<vmem>>)
        } else {
        }
        %add3A_630 = arith.constant 2 : i32
        %add3A_631 = arith.addi %scan3A_572, %add3A_630 : i32
        %rem3A_632 = arith.constant 4 : i32
        %rem3A_633 = arith.remsi %add3A_631, %rem3A_632 : i32
        %mul3A_634 = arith.constant 80 : i32
        %mul3A_635 = arith.muli %add3A_631, %mul3A_634 : i32
        %add3A_636 = arith.addi %mul3A_2, %mul3A_635 : i32
        %multiple_of3A_637 = tpu.assume_multiple %add3A_636, 8 : i32
        %dma_start3A_638 = arith.constant 0 : i32
        %dma_start3A_639 = tpu.memref_slice %arg8[%rem3A_633, %dma_start3A_638] : memref<4x80xi32, #tpu.memory_space<vmem>> -> memref<1x80xi32, #tpu.memory_space<vmem>>
        %dma_start3A_640 = tpu.memref_squeeze %dma_start3A_639 : memref<1x80xi32, #tpu.memory_space<vmem>> -> memref<80xi32, #tpu.memory_space<vmem>>
        %dma_start3A_641 = tpu.memref_slice %arg3[%multiple_of3A_637] : memref<320000xi32, #tpu.memory_space<hbm>> -> memref<80xi32, #tpu.memory_space<hbm>>
        %dma_start3A_642 = tpu.memref_slice %arg14[%rem3A_633] : memref<4x!tpu.dma_semaphore, #tpu.memory_space<semaphore_mem>> -> memref<1x!tpu.dma_semaphore, #tpu.memory_space<semaphore_mem>>
        %dma_start3A_643 = tpu.memref_squeeze %dma_start3A_642 : memref<1x!tpu.dma_semaphore, #tpu.memory_space<semaphore_mem>> -> memref<!tpu.dma_semaphore, #tpu.memory_space<semaphore_mem>>
        %dma_start3A_644 = arith.constant 0 : i32
        %dma_start3A_645 = tpu.memref_slice %arg8[%rem3A_633, %dma_start3A_644] : memref<4x80xi32, #tpu.memory_space<vmem>> -> memref<1x80xi32, #tpu.memory_space<vmem>>
        %dma_start3A_646 = tpu.memref_squeeze %dma_start3A_645 : memref<1x80xi32, #tpu.memory_space<vmem>> -> memref<80xi32, #tpu.memory_space<vmem>>
        %dma_start3A_647 = tpu.memref_slice %arg3[%multiple_of3A_637] : memref<320000xi32, #tpu.memory_space<hbm>> -> memref<80xi32, #tpu.memory_space<hbm>>
        tpu.enqueue_dma source(%dma_start3A_647 : memref<80xi32, #tpu.memory_space<hbm>>) target(%dma_start3A_646 : memref<80xi32, #tpu.memory_space<vmem>>) target_semaphore(%dma_start3A_643 : memref<!tpu.dma_semaphore, #tpu.memory_space<semaphore_mem>>)
        %dma_start3A_648 = arith.constant 0 : i32
        %dma_start3A_649 = tpu.memref_slice %arg9[%rem3A_633, %dma_start3A_648] : memref<4x80xi32, #tpu.memory_space<vmem>> -> memref<1x80xi32, #tpu.memory_space<vmem>>
        %dma_start3A_650 = tpu.memref_squeeze %dma_start3A_649 : memref<1x80xi32, #tpu.memory_space<vmem>> -> memref<80xi32, #tpu.memory_space<vmem>>
        %dma_start3A_651 = tpu.memref_slice %arg4[%multiple_of3A_637] : memref<320000xi32, #tpu.memory_space<hbm>> -> memref<80xi32, #tpu.memory_space<hbm>>
        %dma_start3A_652 = tpu.memref_slice %arg14[%rem3A_633] : memref<4x!tpu.dma_semaphore, #tpu.memory_space<semaphore_mem>> -> memref<1x!tpu.dma_semaphore, #tpu.memory_space<semaphore_mem>>
        %dma_start3A_653 = tpu.memref_squeeze %dma_start3A_652 : memref<1x!tpu.dma_semaphore, #tpu.memory_space<semaphore_mem>> -> memref<!tpu.dma_semaphore, #tpu.memory_space<semaphore_mem>>
        %dma_start3A_654 = arith.constant 0 : i32
        %dma_start3A_655 = tpu.memref_slice %arg9[%rem3A_633, %dma_start3A_654] : memref<4x80xi32, #tpu.memory_space<vmem>> -> memref<1x80xi32, #tpu.memory_space<vmem>>
        %dma_start3A_656 = tpu.memref_squeeze %dma_start3A_655 : memref<1x80xi32, #tpu.memory_space<vmem>> -> memref<80xi32, #tpu.memory_space<vmem>>
        %dma_start3A_657 = tpu.memref_slice %arg4[%multiple_of3A_637] : memref<320000xi32, #tpu.memory_space<hbm>> -> memref<80xi32, #tpu.memory_space<hbm>>
        tpu.enqueue_dma source(%dma_start3A_657 : memref<80xi32, #tpu.memory_space<hbm>>) target(%dma_start3A_656 : memref<80xi32, #tpu.memory_space<vmem>>) target_semaphore(%dma_start3A_653 : memref<!tpu.dma_semaphore, #tpu.memory_space<semaphore_mem>>)
        %dma_start3A_658 = arith.constant 0 : i32
        %dma_start3A_659 = tpu.memref_slice %arg10[%rem3A_633, %dma_start3A_658] : memref<4x80xf32, #tpu.memory_space<vmem>> -> memref<1x80xf32, #tpu.memory_space<vmem>>
        %dma_start3A_660 = tpu.memref_squeeze %dma_start3A_659 : memref<1x80xf32, #tpu.memory_space<vmem>> -> memref<80xf32, #tpu.memory_space<vmem>>
        %dma_start3A_661 = tpu.memref_slice %arg5[%multiple_of3A_637] : memref<320000xf32, #tpu.memory_space<hbm>> -> memref<80xf32, #tpu.memory_space<hbm>>
        %dma_start3A_662 = tpu.memref_slice %arg14[%rem3A_633] : memref<4x!tpu.dma_semaphore, #tpu.memory_space<semaphore_mem>> -> memref<1x!tpu.dma_semaphore, #tpu.memory_space<semaphore_mem>>
        %dma_start3A_663 = tpu.memref_squeeze %dma_start3A_662 : memref<1x!tpu.dma_semaphore, #tpu.memory_space<semaphore_mem>> -> memref<!tpu.dma_semaphore, #tpu.memory_space<semaphore_mem>>
        %dma_start3A_664 = arith.constant 0 : i32
        %dma_start3A_665 = tpu.memref_slice %arg10[%rem3A_633, %dma_start3A_664] : memref<4x80xf32, #tpu.memory_space<vmem>> -> memref<1x80xf32, #tpu.memory_space<vmem>>
        %dma_start3A_666 = tpu.memref_squeeze %dma_start3A_665 : memref<1x80xf32, #tpu.memory_space<vmem>> -> memref<80xf32, #tpu.memory_space<vmem>>
        %dma_start3A_667 = tpu.memref_slice %arg5[%multiple_of3A_637] : memref<320000xf32, #tpu.memory_space<hbm>> -> memref<80xf32, #tpu.memory_space<hbm>>
        tpu.enqueue_dma source(%dma_start3A_667 : memref<80xf32, #tpu.memory_space<hbm>>) target(%dma_start3A_666 : memref<80xf32, #tpu.memory_space<vmem>>) target_semaphore(%dma_start3A_663 : memref<!tpu.dma_semaphore, #tpu.memory_space<semaphore_mem>>)
      } else {
      }
      %rem3A_588 = arith.constant 4 : i32
      %rem3A_589 = arith.remsi %scan3A_572, %rem3A_588 : i32
      %dma_wait3A_590 = arith.constant 0 : i32
      %dma_wait3A_591 = arith.constant 0 : i32
      %dma_wait3A_592 = tpu.memref_slice %arg11[%rem3A_589, %dma_wait3A_590, %dma_wait3A_591] : memref<4x80x32xf32, #tpu.memory_space<vmem>> -> memref<1x80x32xf32, #tpu.memory_space<vmem>>
      %dma_wait3A_593 = tpu.memref_squeeze %dma_wait3A_592 : memref<1x80x32xf32, #tpu.memory_space<vmem>> -> memref<80x32xf32, #tpu.memory_space<vmem>>
      %dma_wait3A_594 = arith.constant 0 : i32
      %dma_wait3A_595 = arith.constant 0 : i32
      %dma_wait3A_596 = tpu.memref_slice %arg2[%dma_wait3A_594, %dma_wait3A_595] : memref<40000x32xf32, #tpu.memory_space<hbm>> -> memref<80x32xf32, #tpu.memory_space<hbm>>
      %dma_wait3A_597 = tpu.memref_slice %arg15[%rem3A_589] : memref<4x!tpu.dma_semaphore, #tpu.memory_space<semaphore_mem>> -> memref<1x!tpu.dma_semaphore, #tpu.memory_space<semaphore_mem>>
      %dma_wait3A_598 = tpu.memref_squeeze %dma_wait3A_597 : memref<1x!tpu.dma_semaphore, #tpu.memory_space<semaphore_mem>> -> memref<!tpu.dma_semaphore, #tpu.memory_space<semaphore_mem>>
      %dma_wait3A_599 = arith.constant 0 : i32
      %dma_wait3A_600 = arith.constant 0 : i32
      %dma_wait3A_601 = tpu.memref_slice %arg11[%rem3A_589, %dma_wait3A_599, %dma_wait3A_600] : memref<4x80x32xf32, #tpu.memory_space<vmem>> -> memref<1x80x32xf32, #tpu.memory_space<vmem>>
      %dma_wait3A_602 = tpu.memref_squeeze %dma_wait3A_601 : memref<1x80x32xf32, #tpu.memory_space<vmem>> -> memref<80x32xf32, #tpu.memory_space<vmem>>
      %dma_wait3A_603 = arith.constant 0 : i32
      %dma_wait3A_604 = arith.constant 0 : i32
      %dma_wait3A_605 = tpu.memref_slice %arg2[%dma_wait3A_603, %dma_wait3A_604] : memref<40000x32xf32, #tpu.memory_space<hbm>> -> memref<80x32xf32, #tpu.memory_space<hbm>>
      tpu.wait_dma2 semaphore(%dma_wait3A_598 : memref<!tpu.dma_semaphore, #tpu.memory_space<semaphore_mem>>) src(%dma_wait3A_605 : memref<80x32xf32, #tpu.memory_space<hbm>>) dst(%dma_wait3A_602 : memref<80x32xf32, #tpu.memory_space<vmem>>)
      %scan3A_606 = arith.constant 0 : i32
      %scan3A_607 = arith.constant 0 : i32
      %scan3A_608 = arith.constant 5 : i32
      %scan3A_609 = arith.addi %scan3A_607, %scan3A_608 : i32
      %scan3A_610 = arith.constant 1 : i32
      %scan3A_611 = scf.for %scan3A_626 = %scan3A_607 to %scan3A_609 step %scan3A_610 iter_args(%scan3A_627 = %scan3A_606) -> (i32)  : i32 {
        %mul3A_628 = arith.constant 16 : i32
        %mul3A_629 = arith.muli %mul3A_628, %scan3A_626 : i32
        %get3A_630 = arith.index_cast %rem3A_589 : i32 to index
        %get3A_631 = arith.index_cast %mul3A_629 : i32 to index
        %get3A_632 = tpu.vector_load %arg10[%get3A_630, %get3A_631] {strides = array<i32>} : memref<4x80xf32, #tpu.memory_space<vmem>>, vector<1x16xf32>,
        %get3A_633 = vector.shape_cast %get3A_632 : vector<1x16xf32> to vector<16xf32>
        %abs3A = math.absf %get3A_633 : vector<16xf32>
        %slice3A = vector.extract_strided_slice %get3A_633 {offsets = [0], sizes = [1], strides = [1]} : vector<16xf32> to vector<1xf32>
        %squeeze3A = vector.extract %slice3A[0] : f32 from vector<1xf32>
        %slice3A_634 = vector.extract_strided_slice %abs3A {offsets = [0], sizes = [1], strides = [1]} : vector<16xf32> to vector<1xf32>
        %squeeze3A_635 = vector.extract %slice3A_634[0] : f32 from vector<1xf32>
        %mul3A_636 = arith.constant 16 : i32
        %mul3A_637 = arith.muli %mul3A_636, %scan3A_626 : i32
        %add3A_638 = arith.constant 0 : i32
        %add3A_639 = arith.addi %mul3A_637, %add3A_638 : i32
        %jit3A = arith.constant 0.000000e+00 : f32
        %broadcast_in_dim3A = vector.broadcast %squeeze3A : f32 to vector<16xf32>
        %broadcast_in_dim3A_640 = vector.broadcast %jit3A : f32 to vector<16xf32>
        %select_n3A = arith.select %eq3A_10, %broadcast_in_dim3A, %broadcast_in_dim3A_640 : vector<16xi1>, vector<16xf32>
        %broadcast_in_dim3A_641 = vector.broadcast %squeeze3A_635 : f32 to vector<16xf32>
        %select_n3A_642 = arith.select %eq3A_7, %broadcast_in_dim3A_641, %select_n3A : vector<16xi1>, vector<16xf32>
        %jit3A_643 = arith.constant 1.000000e+00 : f32
        %broadcast_in_dim3A_644 = vector.broadcast %jit3A_643 : f32 to vector<16xf32>
        %select_n3A_645 = arith.select %eq3A_4, %broadcast_in_dim3A_644, %select_n3A_642 : vector<16xi1>, vector<16xf32>
        %swap3A_646 = arith.index_cast %rem3A_589 : i32 to index
        %swap3A_647 = arith.index_cast %add3A_639 : i32 to index
        %swap3A_648 = arith.constant 96 : index
        %swap3A_649 = tpu.vector_load %arg12[%swap3A_646, %swap3A_647, %swap3A_648] {strides = array<i32>} : memref<4x80x112xf32, #tpu.memory_space<vmem>>, vector<1x1x16xf32>,
        %swap3A_650 = vector.shape_cast %swap3A_649 : vector<1x1x16xf32> to vector<16xf32>
        %swap3A_651 = vector.shape_cast %select_n3A_645 : vector<16xf32> to vector<1x1x16xf32>
        tpu.vector_store %arg12[%swap3A_646, %swap3A_647, %swap3A_648], %swap3A_651 {strides = array<i32>} : memref<4x80x112xf32, #tpu.memory_space<vmem>>, vector<1x1x16xf32>,
        %get3A_652 = arith.index_cast %rem3A_589 : i32 to index
        %get3A_653 = arith.index_cast %add3A_639 : i32 to index
        %get3A_654 = arith.constant 0 : index
        %get3A_655 = tpu.vector_load %arg11[%get3A_652, %get3A_653, %get3A_654] {strides = array<i32>} : memref<4x80x32xf32, #tpu.memory_space<vmem>>, vector<1x1x16xf32>,
        %get3A_656 = vector.shape_cast %get3A_655 : vector<1x1x16xf32> to vector<16xf32>
        %swap3A_657 = arith.index_cast %rem3A_589 : i32 to index
        %swap3A_658 = arith.index_cast %add3A_639 : i32 to index
        %swap3A_659 = arith.constant 0 : index
        %swap3A_660 = tpu.vector_load %arg12[%swap3A_657, %swap3A_658, %swap3A_659] {strides = array<i32>} : memref<4x80x112xf32, #tpu.memory_space<vmem>>, vector<1x1x16xf32>,
        %swap3A_661 = vector.shape_cast %swap3A_660 : vector<1x1x16xf32> to vector<16xf32>
        %swap3A_662 = vector.shape_cast %get3A_656 : vector<16xf32> to vector<1x1x16xf32>
        tpu.vector_store %arg12[%swap3A_657, %swap3A_658, %swap3A_659], %swap3A_662 {strides = array<i32>} : memref<4x80x112xf32, #tpu.memory_space<vmem>>, vector<1x1x16xf32>,
        %mul3A_663 = vector.broadcast %squeeze3A_635 : f32 to vector<16xf32>
        %mul3A_664 = arith.mulf %get3A_656, %mul3A_663 : vector<16xf32>
        %swap3A_665 = arith.index_cast %rem3A_589 : i32 to index
        %swap3A_666 = arith.index_cast %add3A_639 : i32 to index
        %swap3A_667 = arith.constant 32 : index
        %swap3A_668 = tpu.vector_load %arg12[%swap3A_665, %swap3A_666, %swap3A_667] {strides = array<i32>} : memref<4x80x112xf32, #tpu.memory_space<vmem>>, vector<1x1x16xf32>,
        %swap3A_669 = vector.shape_cast %swap3A_668 : vector<1x1x16xf32> to vector<16xf32>
        %swap3A_670 = vector.shape_cast %mul3A_664 : vector<16xf32> to vector<1x1x16xf32>
        tpu.vector_store %arg12[%swap3A_665, %swap3A_666, %swap3A_667], %swap3A_670 {strides = array<i32>} : memref<4x80x112xf32, #tpu.memory_space<vmem>>, vector<1x1x16xf32>,
        %mul3A_671 = vector.broadcast %squeeze3A : f32 to vector<16xf32>
        %mul3A_672 = arith.mulf %get3A_656, %mul3A_671 : vector<16xf32>
        %swap3A_673 = arith.index_cast %rem3A_589 : i32 to index
        %swap3A_674 = arith.index_cast %add3A_639 : i32 to index
        %swap3A_675 = arith.constant 64 : index
        %swap3A_676 = tpu.vector_load %arg12[%swap3A_673, %swap3A_674, %swap3A_675] {strides = array<i32>} : memref<4x80x112xf32, #tpu.memory_space<vmem>>, vector<1x1x16xf32>,
        %swap3A_677 = vector.shape_cast %swap3A_676 : vector<1x1x16xf32> to vector<16xf32>
        %swap3A_678 = vector.shape_cast %mul3A_672 : vector<16xf32> to vector<1x1x16xf32>
        tpu.vector_store %arg12[%swap3A_673, %swap3A_674, %swap3A_675], %swap3A_678 {strides = array<i32>} : memref<4x80x112xf32, #tpu.memory_space<vmem>>, vector<1x1x16xf32>,
        %get3A_679 = arith.index_cast %rem3A_589 : i32 to index
        %get3A_680 = arith.index_cast %add3A_639 : i32 to index
        %get3A_681 = arith.constant 16 : index
        %get3A_682 = tpu.vector_load %arg11[%get3A_679, %get3A_680, %get3A_681] {strides = array<i32>} : memref<4x80x32xf32, #tpu.memory_space<vmem>>, vector<1x1x16xf32>,
        %get3A_683 = vector.shape_cast %get3A_682 : vector<1x1x16xf32> to vector<16xf32>
        %swap3A_684 = arith.index_cast %rem3A_589 : i32 to index
        %swap3A_685 = arith.index_cast %add3A_639 : i32 to index
        %swap3A_686 = arith.constant 16 : index
        %swap3A_687 = tpu.vector_load %arg12[%swap3A_684, %swap3A_685, %swap3A_686] {strides = array<i32>} : memref<4x80x112xf32, #tpu.memory_space<vmem>>, vector<1x1x16xf32>,
        %swap3A_688 = vector.shape_cast %swap3A_687 : vector<1x1x16xf32> to vector<16xf32>
        %swap3A_689 = vector.shape_cast %get3A_683 : vector<16xf32> to vector<1x1x16xf32>
        tpu.vector_store %arg12[%swap3A_684, %swap3A_685, %swap3A_686], %swap3A_689 {strides = array<i32>} : memref<4x80x112xf32, #tpu.memory_space<vmem>>, vector<1x1x16xf32>,
        %mul3A_690 = vector.broadcast %squeeze3A_635 : f32 to vector<16xf32>
        %mul3A_691 = arith.mulf %get3A_683, %mul3A_690 : vector<16xf32>
        %swap3A_692 = arith.index_cast %rem3A_589 : i32 to index
        %swap3A_693 = arith.index_cast %add3A_639 : i32 to index
        %swap3A_694 = arith.constant 48 : index
        %swap3A_695 = tpu.vector_load %arg12[%swap3A_692, %swap3A_693, %swap3A_694] {strides = array<i32>} : memref<4x80x112xf32, #tpu.memory_space<vmem>>, vector<1x1x16xf32>,
        %swap3A_696 = vector.shape_cast %swap3A_695 : vector<1x1x16xf32> to vector<16xf32>
        %swap3A_697 = vector.shape_cast %mul3A_691 : vector<16xf32> to vector<1x1x16xf32>
        tpu.vector_store %arg12[%swap3A_692, %swap3A_693, %swap3A_694], %swap3A_697 {strides = array<i32>} : memref<4x80x112xf32, #tpu.memory_space<vmem>>, vector<1x1x16xf32>,
        %mul3A_698 = vector.broadcast %squeeze3A : f32 to vector<16xf32>
        %mul3A_699 = arith.mulf %get3A_683, %mul3A_698 : vector<16xf32>
        %swap3A_700 = arith.index_cast %rem3A_589 : i32 to index
        %swap3A_701 = arith.index_cast %add3A_639 : i32 to index
        %swap3A_702 = arith.constant 80 : index
        %swap3A_703 = tpu.vector_load %arg12[%swap3A_700, %swap3A_701, %swap3A_702] {strides = array<i32>} : memref<4x80x112xf32, #tpu.memory_space<vmem>>, vector<1x1x16xf32>,
        %swap3A_704 = vector.shape_cast %swap3A_703 : vector<1x1x16xf32> to vector<16xf32>
        %swap3A_705 = vector.shape_cast %mul3A_699 : vector<16xf32> to vector<1x1x16xf32>
        tpu.vector_store %arg12[%swap3A_700, %swap3A_701, %swap3A_702], %swap3A_705 {strides = array<i32>} : memref<4x80x112xf32, #tpu.memory_space<vmem>>, vector<1x1x16xf32>,
        %slice3A_706 = vector.extract_strided_slice %get3A_633 {offsets = [1], sizes = [1], strides = [1]} : vector<16xf32> to vector<1xf32>
        %squeeze3A_707 = vector.extract %slice3A_706[0] : f32 from vector<1xf32>
        %slice3A_708 = vector.extract_strided_slice %abs3A {offsets = [1], sizes = [1], strides = [1]} : vector<16xf32> to vector<1xf32>
        %squeeze3A_709 = vector.extract %slice3A_708[0] : f32 from vector<1xf32>
        %mul3A_710 = arith.constant 16 : i32
        %mul3A_711 = arith.muli %mul3A_710, %scan3A_626 : i32
        %add3A_712 = arith.constant 1 : i32
        %add3A_713 = arith.addi %mul3A_711, %add3A_712 : i32
        %jit3A_714 = arith.constant 0.000000e+00 : f32
        %broadcast_in_dim3A_715 = vector.broadcast %squeeze3A_707 : f32 to vector<16xf32>
        %broadcast_in_dim3A_716 = vector.broadcast %jit3A_714 : f32 to vector<16xf32>
        %select_n3A_717 = arith.select %eq3A_10, %broadcast_in_dim3A_715, %broadcast_in_dim3A_716 : vector<16xi1>, vector<16xf32>
        %broadcast_in_dim3A_718 = vector.broadcast %squeeze3A_709 : f32 to vector<16xf32>
        %select_n3A_719 = arith.select %eq3A_7, %broadcast_in_dim3A_718, %select_n3A_717 : vector<16xi1>, vector<16xf32>
        %jit3A_720 = arith.constant 1.000000e+00 : f32
        %broadcast_in_dim3A_721 = vector.broadcast %jit3A_720 : f32 to vector<16xf32>
        %select_n3A_722 = arith.select %eq3A_4, %broadcast_in_dim3A_721, %select_n3A_719 : vector<16xi1>, vector<16xf32>
        %swap3A_723 = arith.index_cast %rem3A_589 : i32 to index
        %swap3A_724 = arith.index_cast %add3A_713 : i32 to index
        %swap3A_725 = arith.constant 96 : index
        %swap3A_726 = tpu.vector_load %arg12[%swap3A_723, %swap3A_724, %swap3A_725] {strides = array<i32>} : memref<4x80x112xf32, #tpu.memory_space<vmem>>, vector<1x1x16xf32>,
        %swap3A_727 = vector.shape_cast %swap3A_726 : vector<1x1x16xf32> to vector<16xf32>
        %swap3A_728 = vector.shape_cast %select_n3A_722 : vector<16xf32> to vector<1x1x16xf32>
        tpu.vector_store %arg12[%swap3A_723, %swap3A_724, %swap3A_725], %swap3A_728 {strides = array<i32>} : memref<4x80x112xf32, #tpu.memory_space<vmem>>, vector<1x1x16xf32>,
        %get3A_729 = arith.index_cast %rem3A_589 : i32 to index
        %get3A_730 = arith.index_cast %add3A_713 : i32 to index
        %get3A_731 = arith.constant 0 : index
        %get3A_732 = tpu.vector_load %arg11[%get3A_729, %get3A_730, %get3A_731] {strides = array<i32>} : memref<4x80x32xf32, #tpu.memory_space<vmem>>, vector<1x1x16xf32>,
        %get3A_733 = vector.shape_cast %get3A_732 : vector<1x1x16xf32> to vector<16xf32>
        %swap3A_734 = arith.index_cast %rem3A_589 : i32 to index
        %swap3A_735 = arith.index_cast %add3A_713 : i32 to index
        %swap3A_736 = arith.constant 0 : index
        %swap3A_737 = tpu.vector_load %arg12[%swap3A_734, %swap3A_735, %swap3A_736] {strides = array<i32>} : memref<4x80x112xf32, #tpu.memory_space<vmem>>, vector<1x1x16xf32>,
        %swap3A_738 = vector.shape_cast %swap3A_737 : vector<1x1x16xf32> to vector<16xf32>
        %swap3A_739 = vector.shape_cast %get3A_733 : vector<16xf32> to vector<1x1x16xf32>
        tpu.vector_store %arg12[%swap3A_734, %swap3A_735, %swap3A_736], %swap3A_739 {strides = array<i32>} : memref<4x80x112xf32, #tpu.memory_space<vmem>>, vector<1x1x16xf32>,
        %mul3A_740 = vector.broadcast %squeeze3A_709 : f32 to vector<16xf32>
        %mul3A_741 = arith.mulf %get3A_733, %mul3A_740 : vector<16xf32>
        %swap3A_742 = arith.index_cast %rem3A_589 : i32 to index
        %swap3A_743 = arith.index_cast %add3A_713 : i32 to index
        %swap3A_744 = arith.constant 32 : index
        %swap3A_745 = tpu.vector_load %arg12[%swap3A_742, %swap3A_743, %swap3A_744] {strides = array<i32>} : memref<4x80x112xf32, #tpu.memory_space<vmem>>, vector<1x1x16xf32>,
        %swap3A_746 = vector.shape_cast %swap3A_745 : vector<1x1x16xf32> to vector<16xf32>
        %swap3A_747 = vector.shape_cast %mul3A_741 : vector<16xf32> to vector<1x1x16xf32>
        tpu.vector_store %arg12[%swap3A_742, %swap3A_743, %swap3A_744], %swap3A_747 {strides = array<i32>} : memref<4x80x112xf32, #tpu.memory_space<vmem>>, vector<1x1x16xf32>,
        %mul3A_748 = vector.broadcast %squeeze3A_707 : f32 to vector<16xf32>
        %mul3A_749 = arith.mulf %get3A_733, %mul3A_748 : vector<16xf32>
        %swap3A_750 = arith.index_cast %rem3A_589 : i32 to index
        %swap3A_751 = arith.index_cast %add3A_713 : i32 to index
        %swap3A_752 = arith.constant 64 : index
        %swap3A_753 = tpu.vector_load %arg12[%swap3A_750, %swap3A_751, %swap3A_752] {strides = array<i32>} : memref<4x80x112xf32, #tpu.memory_space<vmem>>, vector<1x1x16xf32>,
        %swap3A_754 = vector.shape_cast %swap3A_753 : vector<1x1x16xf32> to vector<16xf32>
        %swap3A_755 = vector.shape_cast %mul3A_749 : vector<16xf32> to vector<1x1x16xf32>
        tpu.vector_store %arg12[%swap3A_750, %swap3A_751, %swap3A_752], %swap3A_755 {strides = array<i32>} : memref<4x80x112xf32, #tpu.memory_space<vmem>>, vector<1x1x16xf32>,
        %get3A_756 = arith.index_cast %rem3A_589 : i32 to index
        %get3A_757 = arith.index_cast %add3A_713 : i32 to index
        %get3A_758 = arith.constant 16 : index
        %get3A_759 = tpu.vector_load %arg11[%get3A_756, %get3A_757, %get3A_758] {strides = array<i32>} : memref<4x80x32xf32, #tpu.memory_space<vmem>>, vector<1x1x16xf32>,
        %get3A_760 = vector.shape_cast %get3A_759 : vector<1x1x16xf32> to vector<16xf32>
        %swap3A_761 = arith.index_cast %rem3A_589 : i32 to index
        %swap3A_762 = arith.index_cast %add3A_713 : i32 to index
        %swap3A_763 = arith.constant 16 : index
        %swap3A_764 = tpu.vector_load %arg12[%swap3A_761, %swap3A_762, %swap3A_763] {strides = array<i32>} : memref<4x80x112xf32, #tpu.memory_space<vmem>>, vector<1x1x16xf32>,
        %swap3A_765 = vector.shape_cast %swap3A_764 : vector<1x1x16xf32> to vector<16xf32>
        %swap3A_766 = vector.shape_cast %get3A_760 : vector<16xf32> to vector<1x1x16xf32>
        tpu.vector_store %arg12[%swap3A_761, %swap3A_762, %swap3A_763], %swap3A_766 {strides = array<i32>} : memref<4x80x112xf32, #tpu.memory_space<vmem>>, vector<1x1x16xf32>,
        %mul3A_767 = vector.broadcast %squeeze3A_709 : f32 to vector<16xf32>
        %mul3A_768 = arith.mulf %get3A_760, %mul3A_767 : vector<16xf32>
        %swap3A_769 = arith.index_cast %rem3A_589 : i32 to index
        %swap3A_770 = arith.index_cast %add3A_713 : i32 to index
        %swap3A_771 = arith.constant 48 : index
        %swap3A_772 = tpu.vector_load %arg12[%swap3A_769, %swap3A_770, %swap3A_771] {strides = array<i32>} : memref<4x80x112xf32, #tpu.memory_space<vmem>>, vector<1x1x16xf32>,
        %swap3A_773 = vector.shape_cast %swap3A_772 : vector<1x1x16xf32> to vector<16xf32>
        %swap3A_774 = vector.shape_cast %mul3A_768 : vector<16xf32> to vector<1x1x16xf32>
        tpu.vector_store %arg12[%swap3A_769, %swap3A_770, %swap3A_771], %swap3A_774 {strides = array<i32>} : memref<4x80x112xf32, #tpu.memory_space<vmem>>, vector<1x1x16xf32>,
        %mul3A_775 = vector.broadcast %squeeze3A_707 : f32 to vector<16xf32>
        %mul3A_776 = arith.mulf %get3A_760, %mul3A_775 : vector<16xf32>
        %swap3A_777 = arith.index_cast %rem3A_589 : i32 to index
        %swap3A_778 = arith.index_cast %add3A_713 : i32 to index
        %swap3A_779 = arith.constant 80 : index
        %swap3A_780 = tpu.vector_load %arg12[%swap3A_777, %swap3A_778, %swap3A_779] {strides = array<i32>} : memref<4x80x112xf32, #tpu.memory_space<vmem>>, vector<1x1x16xf32>,
        %swap3A_781 = vector.shape_cast %swap3A_780 : vector<1x1x16xf32> to vector<16xf32>
        %swap3A_782 = vector.shape_cast %mul3A_776 : vector<16xf32> to vector<1x1x16xf32>
        tpu.vector_store %arg12[%swap3A_777, %swap3A_778, %swap3A_779], %swap3A_782 {strides = array<i32>} : memref<4x80x112xf32, #tpu.memory_space<vmem>>, vector<1x1x16xf32>,
        %slice3A_783 = vector.extract_strided_slice %get3A_633 {offsets = [2], sizes = [1], strides = [1]} : vector<16xf32> to vector<1xf32>
        %squeeze3A_784 = vector.extract %slice3A_783[0] : f32 from vector<1xf32>
        %slice3A_785 = vector.extract_strided_slice %abs3A {offsets = [2], sizes = [1], strides = [1]} : vector<16xf32> to vector<1xf32>
        %squeeze3A_786 = vector.extract %slice3A_785[0] : f32 from vector<1xf32>
        %mul3A_787 = arith.constant 16 : i32
        %mul3A_788 = arith.muli %mul3A_787, %scan3A_626 : i32
        %add3A_789 = arith.constant 2 : i32
        %add3A_790 = arith.addi %mul3A_788, %add3A_789 : i32
        %jit3A_791 = arith.constant 0.000000e+00 : f32
        %broadcast_in_dim3A_792 = vector.broadcast %squeeze3A_784 : f32 to vector<16xf32>
        %broadcast_in_dim3A_793 = vector.broadcast %jit3A_791 : f32 to vector<16xf32>
        %select_n3A_794 = arith.select %eq3A_10, %broadcast_in_dim3A_792, %broadcast_in_dim3A_793 : vector<16xi1>, vector<16xf32>
        %broadcast_in_dim3A_795 = vector.broadcast %squeeze3A_786 : f32 to vector<16xf32>
        %select_n3A_796 = arith.select %eq3A_7, %broadcast_in_dim3A_795, %select_n3A_794 : vector<16xi1>, vector<16xf32>
        %jit3A_797 = arith.constant 1.000000e+00 : f32
        %broadcast_in_dim3A_798 = vector.broadcast %jit3A_797 : f32 to vector<16xf32>
        %select_n3A_799 = arith.select %eq3A_4, %broadcast_in_dim3A_798, %select_n3A_796 : vector<16xi1>, vector<16xf32>
        %swap3A_800 = arith.index_cast %rem3A_589 : i32 to index
        %swap3A_801 = arith.index_cast %add3A_790 : i32 to index
        %swap3A_802 = arith.constant 96 : index
        %swap3A_803 = tpu.vector_load %arg12[%swap3A_800, %swap3A_801, %swap3A_802] {strides = array<i32>} : memref<4x80x112xf32, #tpu.memory_space<vmem>>, vector<1x1x16xf32>,
        %swap3A_804 = vector.shape_cast %swap3A_803 : vector<1x1x16xf32> to vector<16xf32>
        %swap3A_805 = vector.shape_cast %select_n3A_799 : vector<16xf32> to vector<1x1x16xf32>
        tpu.vector_store %arg12[%swap3A_800, %swap3A_801, %swap3A_802], %swap3A_805 {strides = array<i32>} : memref<4x80x112xf32, #tpu.memory_space<vmem>>, vector<1x1x16xf32>,
        %get3A_806 = arith.index_cast %rem3A_589 : i32 to index
        %get3A_807 = arith.index_cast %add3A_790 : i32 to index
        %get3A_808 = arith.constant 0 : index
        %get3A_809 = tpu.vector_load %arg11[%get3A_806, %get3A_807, %get3A_808] {strides = array<i32>} : memref<4x80x32xf32, #tpu.memory_space<vmem>>, vector<1x1x16xf32>,
        %get3A_810 = vector.shape_cast %get3A_809 : vector<1x1x16xf32> to vector<16xf32>
        %swap3A_811 = arith.index_cast %rem3A_589 : i32 to index
        %swap3A_812 = arith.index_cast %add3A_790 : i32 to index
        %swap3A_813 = arith.constant 0 : index
        %swap3A_814 = tpu.vector_load %arg12[%swap3A_811, %swap3A_812, %swap3A_813] {strides = array<i32>} : memref<4x80x112xf32, #tpu.memory_space<vmem>>, vector<1x1x16xf32>,
        %swap3A_815 = vector.shape_cast %swap3A_814 : vector<1x1x16xf32> to vector<16xf32>
        %swap3A_816 = vector.shape_cast %get3A_810 : vector<16xf32> to vector<1x1x16xf32>
        tpu.vector_store %arg12[%swap3A_811, %swap3A_812, %swap3A_813], %swap3A_816 {strides = array<i32>} : memref<4x80x112xf32, #tpu.memory_space<vmem>>, vector<1x1x16xf32>,
        %mul3A_817 = vector.broadcast %squeeze3A_786 : f32 to vector<16xf32>
        %mul3A_818 = arith.mulf %get3A_810, %mul3A_817 : vector<16xf32>
        %swap3A_819 = arith.index_cast %rem3A_589 : i32 to index
        %swap3A_820 = arith.index_cast %add3A_790 : i32 to index
        %swap3A_821 = arith.constant 32 : index
        %swap3A_822 = tpu.vector_load %arg12[%swap3A_819, %swap3A_820, %swap3A_821] {strides = array<i32>} : memref<4x80x112xf32, #tpu.memory_space<vmem>>, vector<1x1x16xf32>,
        %swap3A_823 = vector.shape_cast %swap3A_822 : vector<1x1x16xf32> to vector<16xf32>
        %swap3A_824 = vector.shape_cast %mul3A_818 : vector<16xf32> to vector<1x1x16xf32>
        tpu.vector_store %arg12[%swap3A_819, %swap3A_820, %swap3A_821], %swap3A_824 {strides = array<i32>} : memref<4x80x112xf32, #tpu.memory_space<vmem>>, vector<1x1x16xf32>,
        %mul3A_825 = vector.broadcast %squeeze3A_784 : f32 to vector<16xf32>
        %mul3A_826 = arith.mulf %get3A_810, %mul3A_825 : vector<16xf32>
        %swap3A_827 = arith.index_cast %rem3A_589 : i32 to index
        %swap3A_828 = arith.index_cast %add3A_790 : i32 to index
        %swap3A_829 = arith.constant 64 : index
        %swap3A_830 = tpu.vector_load %arg12[%swap3A_827, %swap3A_828, %swap3A_829] {strides = array<i32>} : memref<4x80x112xf32, #tpu.memory_space<vmem>>, vector<1x1x16xf32>,
        %swap3A_831 = vector.shape_cast %swap3A_830 : vector<1x1x16xf32> to vector<16xf32>
        %swap3A_832 = vector.shape_cast %mul3A_826 : vector<16xf32> to vector<1x1x16xf32>
        tpu.vector_store %arg12[%swap3A_827, %swap3A_828, %swap3A_829], %swap3A_832 {strides = array<i32>} : memref<4x80x112xf32, #tpu.memory_space<vmem>>, vector<1x1x16xf32>,
        %get3A_833 = arith.index_cast %rem3A_589 : i32 to index
        %get3A_834 = arith.index_cast %add3A_790 : i32 to index
        %get3A_835 = arith.constant 16 : index
        %get3A_836 = tpu.vector_load %arg11[%get3A_833, %get3A_834, %get3A_835] {strides = array<i32>} : memref<4x80x32xf32, #tpu.memory_space<vmem>>, vector<1x1x16xf32>,
        %get3A_837 = vector.shape_cast %get3A_836 : vector<1x1x16xf32> to vector<16xf32>
        %swap3A_838 = arith.index_cast %rem3A_589 : i32 to index
        %swap3A_839 = arith.index_cast %add3A_790 : i32 to index
        %swap3A_840 = arith.constant 16 : index
        %swap3A_841 = tpu.vector_load %arg12[%swap3A_838, %swap3A_839, %swap3A_840] {strides = array<i32>} : memref<4x80x112xf32, #tpu.memory_space<vmem>>, vector<1x1x16xf32>,
        %swap3A_842 = vector.shape_cast %swap3A_841 : vector<1x1x16xf32> to vector<16xf32>
        %swap3A_843 = vector.shape_cast %get3A_837 : vector<16xf32> to vector<1x1x16xf32>
        tpu.vector_store %arg12[%swap3A_838, %swap3A_839, %swap3A_840], %swap3A_843 {strides = array<i32>} : memref<4x80x112xf32, #tpu.memory_space<vmem>>, vector<1x1x16xf32>,
        %mul3A_844 = vector.broadcast %squeeze3A_786 : f32 to vector<16xf32>
        %mul3A_845 = arith.mulf %get3A_837, %mul3A_844 : vector<16xf32>
        %swap3A_846 = arith.index_cast %rem3A_589 : i32 to index
        %swap3A_847 = arith.index_cast %add3A_790 : i32 to index
        %swap3A_848 = arith.constant 48 : index
        %swap3A_849 = tpu.vector_load %arg12[%swap3A_846, %swap3A_847, %swap3A_848] {strides = array<i32>} : memref<4x80x112xf32, #tpu.memory_space<vmem>>, vector<1x1x16xf32>,
        %swap3A_850 = vector.shape_cast %swap3A_849 : vector<1x1x16xf32> to vector<16xf32>
        %swap3A_851 = vector.shape_cast %mul3A_845 : vector<16xf32> to vector<1x1x16xf32>
        tpu.vector_store %arg12[%swap3A_846, %swap3A_847, %swap3A_848], %swap3A_851 {strides = array<i32>} : memref<4x80x112xf32, #tpu.memory_space<vmem>>, vector<1x1x16xf32>,
        %mul3A_852 = vector.broadcast %squeeze3A_784 : f32 to vector<16xf32>
        %mul3A_853 = arith.mulf %get3A_837, %mul3A_852 : vector<16xf32>
        %swap3A_854 = arith.index_cast %rem3A_589 : i32 to index
        %swap3A_855 = arith.index_cast %add3A_790 : i32 to index
        %swap3A_856 = arith.constant 80 : index
        %swap3A_857 = tpu.vector_load %arg12[%swap3A_854, %swap3A_855, %swap3A_856] {strides = array<i32>} : memref<4x80x112xf32, #tpu.memory_space<vmem>>, vector<1x1x16xf32>,
        %swap3A_858 = vector.shape_cast %swap3A_857 : vector<1x1x16xf32> to vector<16xf32>
        %swap3A_859 = vector.shape_cast %mul3A_853 : vector<16xf32> to vector<1x1x16xf32>
        tpu.vector_store %arg12[%swap3A_854, %swap3A_855, %swap3A_856], %swap3A_859 {strides = array<i32>} : memref<4x80x112xf32, #tpu.memory_space<vmem>>, vector<1x1x16xf32>,
        %slice3A_860 = vector.extract_strided_slice %get3A_633 {offsets = [3], sizes = [1], strides = [1]} : vector<16xf32> to vector<1xf32>
        %squeeze3A_861 = vector.extract %slice3A_860[0] : f32 from vector<1xf32>
        %slice3A_862 = vector.extract_strided_slice %abs3A {offsets = [3], sizes = [1], strides = [1]} : vector<16xf32> to vector<1xf32>
        %squeeze3A_863 = vector.extract %slice3A_862[0] : f32 from vector<1xf32>
        %mul3A_864 = arith.constant 16 : i32
        %mul3A_865 = arith.muli %mul3A_864, %scan3A_626 : i32
        %add3A_866 = arith.constant 3 : i32
        %add3A_867 = arith.addi %mul3A_865, %add3A_866 : i32
        %jit3A_868 = arith.constant 0.000000e+00 : f32
        %broadcast_in_dim3A_869 = vector.broadcast %squeeze3A_861 : f32 to vector<16xf32>
        %broadcast_in_dim3A_870 = vector.broadcast %jit3A_868 : f32 to vector<16xf32>
        %select_n3A_871 = arith.select %eq3A_10, %broadcast_in_dim3A_869, %broadcast_in_dim3A_870 : vector<16xi1>, vector<16xf32>
        %broadcast_in_dim3A_872 = vector.broadcast %squeeze3A_863 : f32 to vector<16xf32>
        %select_n3A_873 = arith.select %eq3A_7, %broadcast_in_dim3A_872, %select_n3A_871 : vector<16xi1>, vector<16xf32>
        %jit3A_874 = arith.constant 1.000000e+00 : f32
        %broadcast_in_dim3A_875 = vector.broadcast %jit3A_874 : f32 to vector<16xf32>
        %select_n3A_876 = arith.select %eq3A_4, %broadcast_in_dim3A_875, %select_n3A_873 : vector<16xi1>, vector<16xf32>
        %swap3A_877 = arith.index_cast %rem3A_589 : i32 to index
        %swap3A_878 = arith.index_cast %add3A_867 : i32 to index
        %swap3A_879 = arith.constant 96 : index
        %swap3A_880 = tpu.vector_load %arg12[%swap3A_877, %swap3A_878, %swap3A_879] {strides = array<i32>} : memref<4x80x112xf32, #tpu.memory_space<vmem>>, vector<1x1x16xf32>,
        %swap3A_881 = vector.shape_cast %swap3A_880 : vector<1x1x16xf32> to vector<16xf32>
        %swap3A_882 = vector.shape_cast %select_n3A_876 : vector<16xf32> to vector<1x1x16xf32>
        tpu.vector_store %arg12[%swap3A_877, %swap3A_878, %swap3A_879], %swap3A_882 {strides = array<i32>} : memref<4x80x112xf32, #tpu.memory_space<vmem>>, vector<1x1x16xf32>,
        %get3A_883 = arith.index_cast %rem3A_589 : i32 to index
        %get3A_884 = arith.index_cast %add3A_867 : i32 to index
        %get3A_885 = arith.constant 0 : index
        %get3A_886 = tpu.vector_load %arg11[%get3A_883, %get3A_884, %get3A_885] {strides = array<i32>} : memref<4x80x32xf32, #tpu.memory_space<vmem>>, vector<1x1x16xf32>,
        %get3A_887 = vector.shape_cast %get3A_886 : vector<1x1x16xf32> to vector<16xf32>
        %swap3A_888 = arith.index_cast %rem3A_589 : i32 to index
        %swap3A_889 = arith.index_cast %add3A_867 : i32 to index
        %swap3A_890 = arith.constant 0 : index
        %swap3A_891 = tpu.vector_load %arg12[%swap3A_888, %swap3A_889, %swap3A_890] {strides = array<i32>} : memref<4x80x112xf32, #tpu.memory_space<vmem>>, vector<1x1x16xf32>,
        %swap3A_892 = vector.shape_cast %swap3A_891 : vector<1x1x16xf32> to vector<16xf32>
        %swap3A_893 = vector.shape_cast %get3A_887 : vector<16xf32> to vector<1x1x16xf32>
        tpu.vector_store %arg12[%swap3A_888, %swap3A_889, %swap3A_890], %swap3A_893 {strides = array<i32>} : memref<4x80x112xf32, #tpu.memory_space<vmem>>, vector<1x1x16xf32>,
        %mul3A_894 = vector.broadcast %squeeze3A_863 : f32 to vector<16xf32>
        %mul3A_895 = arith.mulf %get3A_887, %mul3A_894 : vector<16xf32>
        %swap3A_896 = arith.index_cast %rem3A_589 : i32 to index
        %swap3A_897 = arith.index_cast %add3A_867 : i32 to index
        %swap3A_898 = arith.constant 32 : index
        %swap3A_899 = tpu.vector_load %arg12[%swap3A_896, %swap3A_897, %swap3A_898] {strides = array<i32>} : memref<4x80x112xf32, #tpu.memory_space<vmem>>, vector<1x1x16xf32>,
        %swap3A_900 = vector.shape_cast %swap3A_899 : vector<1x1x16xf32> to vector<16xf32>
        %swap3A_901 = vector.shape_cast %mul3A_895 : vector<16xf32> to vector<1x1x16xf32>
        tpu.vector_store %arg12[%swap3A_896, %swap3A_897, %swap3A_898], %swap3A_901 {strides = array<i32>} : memref<4x80x112xf32, #tpu.memory_space<vmem>>, vector<1x1x16xf32>,
        %mul3A_902 = vector.broadcast %squeeze3A_861 : f32 to vector<16xf32>
        %mul3A_903 = arith.mulf %get3A_887, %mul3A_902 : vector<16xf32>
        %swap3A_904 = arith.index_cast %rem3A_589 : i32 to index
        %swap3A_905 = arith.index_cast %add3A_867 : i32 to index
        %swap3A_906 = arith.constant 64 : index
        %swap3A_907 = tpu.vector_load %arg12[%swap3A_904, %swap3A_905, %swap3A_906] {strides = array<i32>} : memref<4x80x112xf32, #tpu.memory_space<vmem>>, vector<1x1x16xf32>,
        %swap3A_908 = vector.shape_cast %swap3A_907 : vector<1x1x16xf32> to vector<16xf32>
        %swap3A_909 = vector.shape_cast %mul3A_903 : vector<16xf32> to vector<1x1x16xf32>
        tpu.vector_store %arg12[%swap3A_904, %swap3A_905, %swap3A_906], %swap3A_909 {strides = array<i32>} : memref<4x80x112xf32, #tpu.memory_space<vmem>>, vector<1x1x16xf32>,
        %get3A_910 = arith.index_cast %rem3A_589 : i32 to index
        %get3A_911 = arith.index_cast %add3A_867 : i32 to index
        %get3A_912 = arith.constant 16 : index
        %get3A_913 = tpu.vector_load %arg11[%get3A_910, %get3A_911, %get3A_912] {strides = array<i32>} : memref<4x80x32xf32, #tpu.memory_space<vmem>>, vector<1x1x16xf32>,
        %get3A_914 = vector.shape_cast %get3A_913 : vector<1x1x16xf32> to vector<16xf32>
        %swap3A_915 = arith.index_cast %rem3A_589 : i32 to index
        %swap3A_916 = arith.index_cast %add3A_867 : i32 to index
        %swap3A_917 = arith.constant 16 : index
        %swap3A_918 = tpu.vector_load %arg12[%swap3A_915, %swap3A_916, %swap3A_917] {strides = array<i32>} : memref<4x80x112xf32, #tpu.memory_space<vmem>>, vector<1x1x16xf32>,
        %swap3A_919 = vector.shape_cast %swap3A_918 : vector<1x1x16xf32> to vector<16xf32>
        %swap3A_920 = vector.shape_cast %get3A_914 : vector<16xf32> to vector<1x1x16xf32>
        tpu.vector_store %arg12[%swap3A_915, %swap3A_916, %swap3A_917], %swap3A_920 {strides = array<i32>} : memref<4x80x112xf32, #tpu.memory_space<vmem>>, vector<1x1x16xf32>,
        %mul3A_921 = vector.broadcast %squeeze3A_863 : f32 to vector<16xf32>
        %mul3A_922 = arith.mulf %get3A_914, %mul3A_921 : vector<16xf32>
        %swap3A_923 = arith.index_cast %rem3A_589 : i32 to index
        %swap3A_924 = arith.index_cast %add3A_867 : i32 to index
        %swap3A_925 = arith.constant 48 : index
        %swap3A_926 = tpu.vector_load %arg12[%swap3A_923, %swap3A_924, %swap3A_925] {strides = array<i32>} : memref<4x80x112xf32, #tpu.memory_space<vmem>>, vector<1x1x16xf32>,
        %swap3A_927 = vector.shape_cast %swap3A_926 : vector<1x1x16xf32> to vector<16xf32>
        %swap3A_928 = vector.shape_cast %mul3A_922 : vector<16xf32> to vector<1x1x16xf32>
        tpu.vector_store %arg12[%swap3A_923, %swap3A_924, %swap3A_925], %swap3A_928 {strides = array<i32>} : memref<4x80x112xf32, #tpu.memory_space<vmem>>, vector<1x1x16xf32>,
        %mul3A_929 = vector.broadcast %squeeze3A_861 : f32 to vector<16xf32>
        %mul3A_930 = arith.mulf %get3A_914, %mul3A_929 : vector<16xf32>
        %swap3A_931 = arith.index_cast %rem3A_589 : i32 to index
        %swap3A_932 = arith.index_cast %add3A_867 : i32 to index
        %swap3A_933 = arith.constant 80 : index
        %swap3A_934 = tpu.vector_load %arg12[%swap3A_931, %swap3A_932, %swap3A_933] {strides = array<i32>} : memref<4x80x112xf32, #tpu.memory_space<vmem>>, vector<1x1x16xf32>,
        %swap3A_935 = vector.shape_cast %swap3A_934 : vector<1x1x16xf32> to vector<16xf32>
        %swap3A_936 = vector.shape_cast %mul3A_930 : vector<16xf32> to vector<1x1x16xf32>
        tpu.vector_store %arg12[%swap3A_931, %swap3A_932, %swap3A_933], %swap3A_936 {strides = array<i32>} : memref<4x80x112xf32, #tpu.memory_space<vmem>>, vector<1x1x16xf32>,
        %slice3A_937 = vector.extract_strided_slice %get3A_633 {offsets = [4], sizes = [1], strides = [1]} : vector<16xf32> to vector<1xf32>
        %squeeze3A_938 = vector.extract %slice3A_937[0] : f32 from vector<1xf32>
        %slice3A_939 = vector.extract_strided_slice %abs3A {offsets = [4], sizes = [1], strides = [1]} : vector<16xf32> to vector<1xf32>
        %squeeze3A_940 = vector.extract %slice3A_939[0] : f32 from vector<1xf32>
        %mul3A_941 = arith.constant 16 : i32
        %mul3A_942 = arith.muli %mul3A_941, %scan3A_626 : i32
        %add3A_943 = arith.constant 4 : i32
        %add3A_944 = arith.addi %mul3A_942, %add3A_943 : i32
        %jit3A_945 = arith.constant 0.000000e+00 : f32
        %broadcast_in_dim3A_946 = vector.broadcast %squeeze3A_938 : f32 to vector<16xf32>
        %broadcast_in_dim3A_947 = vector.broadcast %jit3A_945 : f32 to vector<16xf32>
        %select_n3A_948 = arith.select %eq3A_10, %broadcast_in_dim3A_946, %broadcast_in_dim3A_947 : vector<16xi1>, vector<16xf32>
        %broadcast_in_dim3A_949 = vector.broadcast %squeeze3A_940 : f32 to vector<16xf32>
        %select_n3A_950 = arith.select %eq3A_7, %broadcast_in_dim3A_949, %select_n3A_948 : vector<16xi1>, vector<16xf32>
        %jit3A_951 = arith.constant 1.000000e+00 : f32
        %broadcast_in_dim3A_952 = vector.broadcast %jit3A_951 : f32 to vector<16xf32>
        %select_n3A_953 = arith.select %eq3A_4, %broadcast_in_dim3A_952, %select_n3A_950 : vector<16xi1>, vector<16xf32>
        %swap3A_954 = arith.index_cast %rem3A_589 : i32 to index
        %swap3A_955 = arith.index_cast %add3A_944 : i32 to index
        %swap3A_956 = arith.constant 96 : index
        %swap3A_957 = tpu.vector_load %arg12[%swap3A_954, %swap3A_955, %swap3A_956] {strides = array<i32>} : memref<4x80x112xf32, #tpu.memory_space<vmem>>, vector<1x1x16xf32>,
        %swap3A_958 = vector.shape_cast %swap3A_957 : vector<1x1x16xf32> to vector<16xf32>
        %swap3A_959 = vector.shape_cast %select_n3A_953 : vector<16xf32> to vector<1x1x16xf32>
        tpu.vector_store %arg12[%swap3A_954, %swap3A_955, %swap3A_956], %swap3A_959 {strides = array<i32>} : memref<4x80x112xf32, #tpu.memory_space<vmem>>, vector<1x1x16xf32>,
        %get3A_960 = arith.index_cast %rem3A_589 : i32 to index
        %get3A_961 = arith.index_cast %add3A_944 : i32 to index
        %get3A_962 = arith.constant 0 : index
        %get3A_963 = tpu.vector_load %arg11[%get3A_960, %get3A_961, %get3A_962] {strides = array<i32>} : memref<4x80x32xf32, #tpu.memory_space<vmem>>, vector<1x1x16xf32>,
        %get3A_964 = vector.shape_cast %get3A_963 : vector<1x1x16xf32> to vector<16xf32>
        %swap3A_965 = arith.index_cast %rem3A_589 : i32 to index
        %swap3A_966 = arith.index_cast %add3A_944 : i32 to index
        %swap3A_967 = arith.constant 0 : index
        %swap3A_968 = tpu.vector_load %arg12[%swap3A_965, %swap3A_966, %swap3A_967] {strides = array<i32>} : memref<4x80x112xf32, #tpu.memory_space<vmem>>, vector<1x1x16xf32>,
        %swap3A_969 = vector.shape_cast %swap3A_968 : vector<1x1x16xf32> to vector<16xf32>
        %swap3A_970 = vector.shape_cast %get3A_964 : vector<16xf32> to vector<1x1x16xf32>
        tpu.vector_store %arg12[%swap3A_965, %swap3A_966, %swap3A_967], %swap3A_970 {strides = array<i32>} : memref<4x80x112xf32, #tpu.memory_space<vmem>>, vector<1x1x16xf32>,
        %mul3A_971 = vector.broadcast %squeeze3A_940 : f32 to vector<16xf32>
        %mul3A_972 = arith.mulf %get3A_964, %mul3A_971 : vector<16xf32>
        %swap3A_973 = arith.index_cast %rem3A_589 : i32 to index
        %swap3A_974 = arith.index_cast %add3A_944 : i32 to index
        %swap3A_975 = arith.constant 32 : index
        %swap3A_976 = tpu.vector_load %arg12[%swap3A_973, %swap3A_974, %swap3A_975] {strides = array<i32>} : memref<4x80x112xf32, #tpu.memory_space<vmem>>, vector<1x1x16xf32>,
        %swap3A_977 = vector.shape_cast %swap3A_976 : vector<1x1x16xf32> to vector<16xf32>
        %swap3A_978 = vector.shape_cast %mul3A_972 : vector<16xf32> to vector<1x1x16xf32>
        tpu.vector_store %arg12[%swap3A_973, %swap3A_974, %swap3A_975], %swap3A_978 {strides = array<i32>} : memref<4x80x112xf32, #tpu.memory_space<vmem>>, vector<1x1x16xf32>,
        %mul3A_979 = vector.broadcast %squeeze3A_938 : f32 to vector<16xf32>
        %mul3A_980 = arith.mulf %get3A_964, %mul3A_979 : vector<16xf32>
        %swap3A_981 = arith.index_cast %rem3A_589 : i32 to index
        %swap3A_982 = arith.index_cast %add3A_944 : i32 to index
        %swap3A_983 = arith.constant 64 : index
        %swap3A_984 = tpu.vector_load %arg12[%swap3A_981, %swap3A_982, %swap3A_983] {strides = array<i32>} : memref<4x80x112xf32, #tpu.memory_space<vmem>>, vector<1x1x16xf32>,
        %swap3A_985 = vector.shape_cast %swap3A_984 : vector<1x1x16xf32> to vector<16xf32>
        %swap3A_986 = vector.shape_cast %mul3A_980 : vector<16xf32> to vector<1x1x16xf32>
        tpu.vector_store %arg12[%swap3A_981, %swap3A_982, %swap3A_983], %swap3A_986 {strides = array<i32>} : memref<4x80x112xf32, #tpu.memory_space<vmem>>, vector<1x1x16xf32>,
        %get3A_987 = arith.index_cast %rem3A_589 : i32 to index
        %get3A_988 = arith.index_cast %add3A_944 : i32 to index
        %get3A_989 = arith.constant 16 : index
        %get3A_990 = tpu.vector_load %arg11[%get3A_987, %get3A_988, %get3A_989] {strides = array<i32>} : memref<4x80x32xf32, #tpu.memory_space<vmem>>, vector<1x1x16xf32>,
        %get3A_991 = vector.shape_cast %get3A_990 : vector<1x1x16xf32> to vector<16xf32>
        %swap3A_992 = arith.index_cast %rem3A_589 : i32 to index
        %swap3A_993 = arith.index_cast %add3A_944 : i32 to index
        %swap3A_994 = arith.constant 16 : index
        %swap3A_995 = tpu.vector_load %arg12[%swap3A_992, %swap3A_993, %swap3A_994] {strides = array<i32>} : memref<4x80x112xf32, #tpu.memory_space<vmem>>, vector<1x1x16xf32>,
        %swap3A_996 = vector.shape_cast %swap3A_995 : vector<1x1x16xf32> to vector<16xf32>
        %swap3A_997 = vector.shape_cast %get3A_991 : vector<16xf32> to vector<1x1x16xf32>
        tpu.vector_store %arg12[%swap3A_992, %swap3A_993, %swap3A_994], %swap3A_997 {strides = array<i32>} : memref<4x80x112xf32, #tpu.memory_space<vmem>>, vector<1x1x16xf32>,
        %mul3A_998 = vector.broadcast %squeeze3A_940 : f32 to vector<16xf32>
        %mul3A_999 = arith.mulf %get3A_991, %mul3A_998 : vector<16xf32>
        %swap3A_1000 = arith.index_cast %rem3A_589 : i32 to index
        %swap3A_1001 = arith.index_cast %add3A_944 : i32 to index
        %swap3A_1002 = arith.constant 48 : index
        %swap3A_1003 = tpu.vector_load %arg12[%swap3A_1000, %swap3A_1001, %swap3A_1002] {strides = array<i32>} : memref<4x80x112xf32, #tpu.memory_space<vmem>>, vector<1x1x16xf32>,
        %swap3A_1004 = vector.shape_cast %swap3A_1003 : vector<1x1x16xf32> to vector<16xf32>
        %swap3A_1005 = vector.shape_cast %mul3A_999 : vector<16xf32> to vector<1x1x16xf32>
        tpu.vector_store %arg12[%swap3A_1000, %swap3A_1001, %swap3A_1002], %swap3A_1005 {strides = array<i32>} : memref<4x80x112xf32, #tpu.memory_space<vmem>>, vector<1x1x16xf32>,
        %mul3A_1006 = vector.broadcast %squeeze3A_938 : f32 to vector<16xf32>
        %mul3A_1007 = arith.mulf %get3A_991, %mul3A_1006 : vector<16xf32>
        %swap3A_1008 = arith.index_cast %rem3A_589 : i32 to index
        %swap3A_1009 = arith.index_cast %add3A_944 : i32 to index
        %swap3A_1010 = arith.constant 80 : index
        %swap3A_1011 = tpu.vector_load %arg12[%swap3A_1008, %swap3A_1009, %swap3A_1010] {strides = array<i32>} : memref<4x80x112xf32, #tpu.memory_space<vmem>>, vector<1x1x16xf32>,
        %swap3A_1012 = vector.shape_cast %swap3A_1011 : vector<1x1x16xf32> to vector<16xf32>
        %swap3A_1013 = vector.shape_cast %mul3A_1007 : vector<16xf32> to vector<1x1x16xf32>
        tpu.vector_store %arg12[%swap3A_1008, %swap3A_1009, %swap3A_1010], %swap3A_1013 {strides = array<i32>} : memref<4x80x112xf32, #tpu.memory_space<vmem>>, vector<1x1x16xf32>,
        %slice3A_1014 = vector.extract_strided_slice %get3A_633 {offsets = [5], sizes = [1], strides = [1]} : vector<16xf32> to vector<1xf32>
        %squeeze3A_1015 = vector.extract %slice3A_1014[0] : f32 from vector<1xf32>
        %slice3A_1016 = vector.extract_strided_slice %abs3A {offsets = [5], sizes = [1], strides = [1]} : vector<16xf32> to vector<1xf32>
        %squeeze3A_1017 = vector.extract %slice3A_1016[0] : f32 from vector<1xf32>
        %mul3A_1018 = arith.constant 16 : i32
        %mul3A_1019 = arith.muli %mul3A_1018, %scan3A_626 : i32
        %add3A_1020 = arith.constant 5 : i32
        %add3A_1021 = arith.addi %mul3A_1019, %add3A_1020 : i32
        %jit3A_1022 = arith.constant 0.000000e+00 : f32
        %broadcast_in_dim3A_1023 = vector.broadcast %squeeze3A_1015 : f32 to vector<16xf32>
        %broadcast_in_dim3A_1024 = vector.broadcast %jit3A_1022 : f32 to vector<16xf32>
        %select_n3A_1025 = arith.select %eq3A_10, %broadcast_in_dim3A_1023, %broadcast_in_dim3A_1024 : vector<16xi1>, vector<16xf32>
        %broadcast_in_dim3A_1026 = vector.broadcast %squeeze3A_1017 : f32 to vector<16xf32>
        %select_n3A_1027 = arith.select %eq3A_7, %broadcast_in_dim3A_1026, %select_n3A_1025 : vector<16xi1>, vector<16xf32>
        %jit3A_1028 = arith.constant 1.000000e+00 : f32
        %broadcast_in_dim3A_1029 = vector.broadcast %jit3A_1028 : f32 to vector<16xf32>
        %select_n3A_1030 = arith.select %eq3A_4, %broadcast_in_dim3A_1029, %select_n3A_1027 : vector<16xi1>, vector<16xf32>
        %swap3A_1031 = arith.index_cast %rem3A_589 : i32 to index
        %swap3A_1032 = arith.index_cast %add3A_1021 : i32 to index
        %swap3A_1033 = arith.constant 96 : index
        %swap3A_1034 = tpu.vector_load %arg12[%swap3A_1031, %swap3A_1032, %swap3A_1033] {strides = array<i32>} : memref<4x80x112xf32, #tpu.memory_space<vmem>>, vector<1x1x16xf32>,
        %swap3A_1035 = vector.shape_cast %swap3A_1034 : vector<1x1x16xf32> to vector<16xf32>
        %swap3A_1036 = vector.shape_cast %select_n3A_1030 : vector<16xf32> to vector<1x1x16xf32>
        tpu.vector_store %arg12[%swap3A_1031, %swap3A_1032, %swap3A_1033], %swap3A_1036 {strides = array<i32>} : memref<4x80x112xf32, #tpu.memory_space<vmem>>, vector<1x1x16xf32>,
        %get3A_1037 = arith.index_cast %rem3A_589 : i32 to index
        %get3A_1038 = arith.index_cast %add3A_1021 : i32 to index
        %get3A_1039 = arith.constant 0 : index
        %get3A_1040 = tpu.vector_load %arg11[%get3A_1037, %get3A_1038, %get3A_1039] {strides = array<i32>} : memref<4x80x32xf32, #tpu.memory_space<vmem>>, vector<1x1x16xf32>,
        %get3A_1041 = vector.shape_cast %get3A_1040 : vector<1x1x16xf32> to vector<16xf32>
        %swap3A_1042 = arith.index_cast %rem3A_589 : i32 to index
        %swap3A_1043 = arith.index_cast %add3A_1021 : i32 to index
        %swap3A_1044 = arith.constant 0 : index
        %swap3A_1045 = tpu.vector_load %arg12[%swap3A_1042, %swap3A_1043, %swap3A_1044] {strides = array<i32>} : memref<4x80x112xf32, #tpu.memory_space<vmem>>, vector<1x1x16xf32>,
        %swap3A_1046 = vector.shape_cast %swap3A_1045 : vector<1x1x16xf32> to vector<16xf32>
        %swap3A_1047 = vector.shape_cast %get3A_1041 : vector<16xf32> to vector<1x1x16xf32>
        tpu.vector_store %arg12[%swap3A_1042, %swap3A_1043, %swap3A_1044], %swap3A_1047 {strides = array<i32>} : memref<4x80x112xf32, #tpu.memory_space<vmem>>, vector<1x1x16xf32>,
        %mul3A_1048 = vector.broadcast %squeeze3A_1017 : f32 to vector<16xf32>
        %mul3A_1049 = arith.mulf %get3A_1041, %mul3A_1048 : vector<16xf32>
        %swap3A_1050 = arith.index_cast %rem3A_589 : i32 to index
        %swap3A_1051 = arith.index_cast %add3A_1021 : i32 to index
        %swap3A_1052 = arith.constant 32 : index
        %swap3A_1053 = tpu.vector_load %arg12[%swap3A_1050, %swap3A_1051, %swap3A_1052] {strides = array<i32>} : memref<4x80x112xf32, #tpu.memory_space<vmem>>, vector<1x1x16xf32>,
        %swap3A_1054 = vector.shape_cast %swap3A_1053 : vector<1x1x16xf32> to vector<16xf32>
        %swap3A_1055 = vector.shape_cast %mul3A_1049 : vector<16xf32> to vector<1x1x16xf32>
        tpu.vector_store %arg12[%swap3A_1050, %swap3A_1051, %swap3A_1052], %swap3A_1055 {strides = array<i32>} : memref<4x80x112xf32, #tpu.memory_space<vmem>>, vector<1x1x16xf32>,
        %mul3A_1056 = vector.broadcast %squeeze3A_1015 : f32 to vector<16xf32>
        %mul3A_1057 = arith.mulf %get3A_1041, %mul3A_1056 : vector<16xf32>
        %swap3A_1058 = arith.index_cast %rem3A_589 : i32 to index
        %swap3A_1059 = arith.index_cast %add3A_1021 : i32 to index
        %swap3A_1060 = arith.constant 64 : index
        %swap3A_1061 = tpu.vector_load %arg12[%swap3A_1058, %swap3A_1059, %swap3A_1060] {strides = array<i32>} : memref<4x80x112xf32, #tpu.memory_space<vmem>>, vector<1x1x16xf32>,
        %swap3A_1062 = vector.shape_cast %swap3A_1061 : vector<1x1x16xf32> to vector<16xf32>
        %swap3A_1063 = vector.shape_cast %mul3A_1057 : vector<16xf32> to vector<1x1x16xf32>
        tpu.vector_store %arg12[%swap3A_1058, %swap3A_1059, %swap3A_1060], %swap3A_1063 {strides = array<i32>} : memref<4x80x112xf32, #tpu.memory_space<vmem>>, vector<1x1x16xf32>,
        %get3A_1064 = arith.index_cast %rem3A_589 : i32 to index
        %get3A_1065 = arith.index_cast %add3A_1021 : i32 to index
        %get3A_1066 = arith.constant 16 : index
        %get3A_1067 = tpu.vector_load %arg11[%get3A_1064, %get3A_1065, %get3A_1066] {strides = array<i32>} : memref<4x80x32xf32, #tpu.memory_space<vmem>>, vector<1x1x16xf32>,
        %get3A_1068 = vector.shape_cast %get3A_1067 : vector<1x1x16xf32> to vector<16xf32>
        %swap3A_1069 = arith.index_cast %rem3A_589 : i32 to index
        %swap3A_1070 = arith.index_cast %add3A_1021 : i32 to index
        %swap3A_1071 = arith.constant 16 : index
        %swap3A_1072 = tpu.vector_load %arg12[%swap3A_1069, %swap3A_1070, %swap3A_1071] {strides = array<i32>} : memref<4x80x112xf32, #tpu.memory_space<vmem>>, vector<1x1x16xf32>,
        %swap3A_1073 = vector.shape_cast %swap3A_1072 : vector<1x1x16xf32> to vector<16xf32>
        %swap3A_1074 = vector.shape_cast %get3A_1068 : vector<16xf32> to vector<1x1x16xf32>
        tpu.vector_store %arg12[%swap3A_1069, %swap3A_1070, %swap3A_1071], %swap3A_1074 {strides = array<i32>} : memref<4x80x112xf32, #tpu.memory_space<vmem>>, vector<1x1x16xf32>,
        %mul3A_1075 = vector.broadcast %squeeze3A_1017 : f32 to vector<16xf32>
        %mul3A_1076 = arith.mulf %get3A_1068, %mul3A_1075 : vector<16xf32>
        %swap3A_1077 = arith.index_cast %rem3A_589 : i32 to index
        %swap3A_1078 = arith.index_cast %add3A_1021 : i32 to index
        %swap3A_1079 = arith.constant 48 : index
        %swap3A_1080 = tpu.vector_load %arg12[%swap3A_1077, %swap3A_1078, %swap3A_1079] {strides = array<i32>} : memref<4x80x112xf32, #tpu.memory_space<vmem>>, vector<1x1x16xf32>,
        %swap3A_1081 = vector.shape_cast %swap3A_1080 : vector<1x1x16xf32> to vector<16xf32>
        %swap3A_1082 = vector.shape_cast %mul3A_1076 : vector<16xf32> to vector<1x1x16xf32>
        tpu.vector_store %arg12[%swap3A_1077, %swap3A_1078, %swap3A_1079], %swap3A_1082 {strides = array<i32>} : memref<4x80x112xf32, #tpu.memory_space<vmem>>, vector<1x1x16xf32>,
        %mul3A_1083 = vector.broadcast %squeeze3A_1015 : f32 to vector<16xf32>
        %mul3A_1084 = arith.mulf %get3A_1068, %mul3A_1083 : vector<16xf32>
        %swap3A_1085 = arith.index_cast %rem3A_589 : i32 to index
        %swap3A_1086 = arith.index_cast %add3A_1021 : i32 to index
        %swap3A_1087 = arith.constant 80 : index
        %swap3A_1088 = tpu.vector_load %arg12[%swap3A_1085, %swap3A_1086, %swap3A_1087] {strides = array<i32>} : memref<4x80x112xf32, #tpu.memory_space<vmem>>, vector<1x1x16xf32>,
        %swap3A_1089 = vector.shape_cast %swap3A_1088 : vector<1x1x16xf32> to vector<16xf32>
        %swap3A_1090 = vector.shape_cast %mul3A_1084 : vector<16xf32> to vector<1x1x16xf32>
        tpu.vector_store %arg12[%swap3A_1085, %swap3A_1086, %swap3A_1087], %swap3A_1090 {strides = array<i32>} : memref<4x80x112xf32, #tpu.memory_space<vmem>>, vector<1x1x16xf32>,
        %slice3A_1091 = vector.extract_strided_slice %get3A_633 {offsets = [6], sizes = [1], strides = [1]} : vector<16xf32> to vector<1xf32>
        %squeeze3A_1092 = vector.extract %slice3A_1091[0] : f32 from vector<1xf32>
        %slice3A_1093 = vector.extract_strided_slice %abs3A {offsets = [6], sizes = [1], strides = [1]} : vector<16xf32> to vector<1xf32>
        %squeeze3A_1094 = vector.extract %slice3A_1093[0] : f32 from vector<1xf32>
        %mul3A_1095 = arith.constant 16 : i32
        %mul3A_1096 = arith.muli %mul3A_1095, %scan3A_626 : i32
        %add3A_1097 = arith.constant 6 : i32
        %add3A_1098 = arith.addi %mul3A_1096, %add3A_1097 : i32
        %jit3A_1099 = arith.constant 0.000000e+00 : f32
        %broadcast_in_dim3A_1100 = vector.broadcast %squeeze3A_1092 : f32 to vector<16xf32>
        %broadcast_in_dim3A_1101 = vector.broadcast %jit3A_1099 : f32 to vector<16xf32>
        %select_n3A_1102 = arith.select %eq3A_10, %broadcast_in_dim3A_1100, %broadcast_in_dim3A_1101 : vector<16xi1>, vector<16xf32>
        %broadcast_in_dim3A_1103 = vector.broadcast %squeeze3A_1094 : f32 to vector<16xf32>
        %select_n3A_1104 = arith.select %eq3A_7, %broadcast_in_dim3A_1103, %select_n3A_1102 : vector<16xi1>, vector<16xf32>
        %jit3A_1105 = arith.constant 1.000000e+00 : f32
        %broadcast_in_dim3A_1106 = vector.broadcast %jit3A_1105 : f32 to vector<16xf32>
        %select_n3A_1107 = arith.select %eq3A_4, %broadcast_in_dim3A_1106, %select_n3A_1104 : vector<16xi1>, vector<16xf32>
        %swap3A_1108 = arith.index_cast %rem3A_589 : i32 to index
        %swap3A_1109 = arith.index_cast %add3A_1098 : i32 to index
        %swap3A_1110 = arith.constant 96 : index
        %swap3A_1111 = tpu.vector_load %arg12[%swap3A_1108, %swap3A_1109, %swap3A_1110] {strides = array<i32>} : memref<4x80x112xf32, #tpu.memory_space<vmem>>, vector<1x1x16xf32>,
        %swap3A_1112 = vector.shape_cast %swap3A_1111 : vector<1x1x16xf32> to vector<16xf32>
        %swap3A_1113 = vector.shape_cast %select_n3A_1107 : vector<16xf32> to vector<1x1x16xf32>
        tpu.vector_store %arg12[%swap3A_1108, %swap3A_1109, %swap3A_1110], %swap3A_1113 {strides = array<i32>} : memref<4x80x112xf32, #tpu.memory_space<vmem>>, vector<1x1x16xf32>,
        %get3A_1114 = arith.index_cast %rem3A_589 : i32 to index
        %get3A_1115 = arith.index_cast %add3A_1098 : i32 to index
        %get3A_1116 = arith.constant 0 : index
        %get3A_1117 = tpu.vector_load %arg11[%get3A_1114, %get3A_1115, %get3A_1116] {strides = array<i32>} : memref<4x80x32xf32, #tpu.memory_space<vmem>>, vector<1x1x16xf32>,
        %get3A_1118 = vector.shape_cast %get3A_1117 : vector<1x1x16xf32> to vector<16xf32>
        %swap3A_1119 = arith.index_cast %rem3A_589 : i32 to index
        %swap3A_1120 = arith.index_cast %add3A_1098 : i32 to index
        %swap3A_1121 = arith.constant 0 : index
        %swap3A_1122 = tpu.vector_load %arg12[%swap3A_1119, %swap3A_1120, %swap3A_1121] {strides = array<i32>} : memref<4x80x112xf32, #tpu.memory_space<vmem>>, vector<1x1x16xf32>,
        %swap3A_1123 = vector.shape_cast %swap3A_1122 : vector<1x1x16xf32> to vector<16xf32>
        %swap3A_1124 = vector.shape_cast %get3A_1118 : vector<16xf32> to vector<1x1x16xf32>
        tpu.vector_store %arg12[%swap3A_1119, %swap3A_1120, %swap3A_1121], %swap3A_1124 {strides = array<i32>} : memref<4x80x112xf32, #tpu.memory_space<vmem>>, vector<1x1x16xf32>,
        %mul3A_1125 = vector.broadcast %squeeze3A_1094 : f32 to vector<16xf32>
        %mul3A_1126 = arith.mulf %get3A_1118, %mul3A_1125 : vector<16xf32>
        %swap3A_1127 = arith.index_cast %rem3A_589 : i32 to index
        %swap3A_1128 = arith.index_cast %add3A_1098 : i32 to index
        %swap3A_1129 = arith.constant 32 : index
        %swap3A_1130 = tpu.vector_load %arg12[%swap3A_1127, %swap3A_1128, %swap3A_1129] {strides = array<i32>} : memref<4x80x112xf32, #tpu.memory_space<vmem>>, vector<1x1x16xf32>,
        %swap3A_1131 = vector.shape_cast %swap3A_1130 : vector<1x1x16xf32> to vector<16xf32>
        %swap3A_1132 = vector.shape_cast %mul3A_1126 : vector<16xf32> to vector<1x1x16xf32>
        tpu.vector_store %arg12[%swap3A_1127, %swap3A_1128, %swap3A_1129], %swap3A_1132 {strides = array<i32>} : memref<4x80x112xf32, #tpu.memory_space<vmem>>, vector<1x1x16xf32>,
        %mul3A_1133 = vector.broadcast %squeeze3A_1092 : f32 to vector<16xf32>
        %mul3A_1134 = arith.mulf %get3A_1118, %mul3A_1133 : vector<16xf32>
        %swap3A_1135 = arith.index_cast %rem3A_589 : i32 to index
        %swap3A_1136 = arith.index_cast %add3A_1098 : i32 to index
        %swap3A_1137 = arith.constant 64 : index
        %swap3A_1138 = tpu.vector_load %arg12[%swap3A_1135, %swap3A_1136, %swap3A_1137] {strides = array<i32>} : memref<4x80x112xf32, #tpu.memory_space<vmem>>, vector<1x1x16xf32>,
        %swap3A_1139 = vector.shape_cast %swap3A_1138 : vector<1x1x16xf32> to vector<16xf32>
        %swap3A_1140 = vector.shape_cast %mul3A_1134 : vector<16xf32> to vector<1x1x16xf32>
        tpu.vector_store %arg12[%swap3A_1135, %swap3A_1136, %swap3A_1137], %swap3A_1140 {strides = array<i32>} : memref<4x80x112xf32, #tpu.memory_space<vmem>>, vector<1x1x16xf32>,
        %get3A_1141 = arith.index_cast %rem3A_589 : i32 to index
        %get3A_1142 = arith.index_cast %add3A_1098 : i32 to index
        %get3A_1143 = arith.constant 16 : index
        %get3A_1144 = tpu.vector_load %arg11[%get3A_1141, %get3A_1142, %get3A_1143] {strides = array<i32>} : memref<4x80x32xf32, #tpu.memory_space<vmem>>, vector<1x1x16xf32>,
        %get3A_1145 = vector.shape_cast %get3A_1144 : vector<1x1x16xf32> to vector<16xf32>
        %swap3A_1146 = arith.index_cast %rem3A_589 : i32 to index
        %swap3A_1147 = arith.index_cast %add3A_1098 : i32 to index
        %swap3A_1148 = arith.constant 16 : index
        %swap3A_1149 = tpu.vector_load %arg12[%swap3A_1146, %swap3A_1147, %swap3A_1148] {strides = array<i32>} : memref<4x80x112xf32, #tpu.memory_space<vmem>>, vector<1x1x16xf32>,
        %swap3A_1150 = vector.shape_cast %swap3A_1149 : vector<1x1x16xf32> to vector<16xf32>
        %swap3A_1151 = vector.shape_cast %get3A_1145 : vector<16xf32> to vector<1x1x16xf32>
        tpu.vector_store %arg12[%swap3A_1146, %swap3A_1147, %swap3A_1148], %swap3A_1151 {strides = array<i32>} : memref<4x80x112xf32, #tpu.memory_space<vmem>>, vector<1x1x16xf32>,
        %mul3A_1152 = vector.broadcast %squeeze3A_1094 : f32 to vector<16xf32>
        %mul3A_1153 = arith.mulf %get3A_1145, %mul3A_1152 : vector<16xf32>
        %swap3A_1154 = arith.index_cast %rem3A_589 : i32 to index
        %swap3A_1155 = arith.index_cast %add3A_1098 : i32 to index
        %swap3A_1156 = arith.constant 48 : index
        %swap3A_1157 = tpu.vector_load %arg12[%swap3A_1154, %swap3A_1155, %swap3A_1156] {strides = array<i32>} : memref<4x80x112xf32, #tpu.memory_space<vmem>>, vector<1x1x16xf32>,
        %swap3A_1158 = vector.shape_cast %swap3A_1157 : vector<1x1x16xf32> to vector<16xf32>
        %swap3A_1159 = vector.shape_cast %mul3A_1153 : vector<16xf32> to vector<1x1x16xf32>
        tpu.vector_store %arg12[%swap3A_1154, %swap3A_1155, %swap3A_1156], %swap3A_1159 {strides = array<i32>} : memref<4x80x112xf32, #tpu.memory_space<vmem>>, vector<1x1x16xf32>,
        %mul3A_1160 = vector.broadcast %squeeze3A_1092 : f32 to vector<16xf32>
        %mul3A_1161 = arith.mulf %get3A_1145, %mul3A_1160 : vector<16xf32>
        %swap3A_1162 = arith.index_cast %rem3A_589 : i32 to index
        %swap3A_1163 = arith.index_cast %add3A_1098 : i32 to index
        %swap3A_1164 = arith.constant 80 : index
        %swap3A_1165 = tpu.vector_load %arg12[%swap3A_1162, %swap3A_1163, %swap3A_1164] {strides = array<i32>} : memref<4x80x112xf32, #tpu.memory_space<vmem>>, vector<1x1x16xf32>,
        %swap3A_1166 = vector.shape_cast %swap3A_1165 : vector<1x1x16xf32> to vector<16xf32>
        %swap3A_1167 = vector.shape_cast %mul3A_1161 : vector<16xf32> to vector<1x1x16xf32>
        tpu.vector_store %arg12[%swap3A_1162, %swap3A_1163, %swap3A_1164], %swap3A_1167 {strides = array<i32>} : memref<4x80x112xf32, #tpu.memory_space<vmem>>, vector<1x1x16xf32>,
        %slice3A_1168 = vector.extract_strided_slice %get3A_633 {offsets = [7], sizes = [1], strides = [1]} : vector<16xf32> to vector<1xf32>
        %squeeze3A_1169 = vector.extract %slice3A_1168[0] : f32 from vector<1xf32>
        %slice3A_1170 = vector.extract_strided_slice %abs3A {offsets = [7], sizes = [1], strides = [1]} : vector<16xf32> to vector<1xf32>
        %squeeze3A_1171 = vector.extract %slice3A_1170[0] : f32 from vector<1xf32>
        %mul3A_1172 = arith.constant 16 : i32
        %mul3A_1173 = arith.muli %mul3A_1172, %scan3A_626 : i32
        %add3A_1174 = arith.constant 7 : i32
        %add3A_1175 = arith.addi %mul3A_1173, %add3A_1174 : i32
        %jit3A_1176 = arith.constant 0.000000e+00 : f32
        %broadcast_in_dim3A_1177 = vector.broadcast %squeeze3A_1169 : f32 to vector<16xf32>
        %broadcast_in_dim3A_1178 = vector.broadcast %jit3A_1176 : f32 to vector<16xf32>
        %select_n3A_1179 = arith.select %eq3A_10, %broadcast_in_dim3A_1177, %broadcast_in_dim3A_1178 : vector<16xi1>, vector<16xf32>
        %broadcast_in_dim3A_1180 = vector.broadcast %squeeze3A_1171 : f32 to vector<16xf32>
        %select_n3A_1181 = arith.select %eq3A_7, %broadcast_in_dim3A_1180, %select_n3A_1179 : vector<16xi1>, vector<16xf32>
        %jit3A_1182 = arith.constant 1.000000e+00 : f32
        %broadcast_in_dim3A_1183 = vector.broadcast %jit3A_1182 : f32 to vector<16xf32>
        %select_n3A_1184 = arith.select %eq3A_4, %broadcast_in_dim3A_1183, %select_n3A_1181 : vector<16xi1>, vector<16xf32>
        %swap3A_1185 = arith.index_cast %rem3A_589 : i32 to index
        %swap3A_1186 = arith.index_cast %add3A_1175 : i32 to index
        %swap3A_1187 = arith.constant 96 : index
        %swap3A_1188 = tpu.vector_load %arg12[%swap3A_1185, %swap3A_1186, %swap3A_1187] {strides = array<i32>} : memref<4x80x112xf32, #tpu.memory_space<vmem>>, vector<1x1x16xf32>,
        %swap3A_1189 = vector.shape_cast %swap3A_1188 : vector<1x1x16xf32> to vector<16xf32>
        %swap3A_1190 = vector.shape_cast %select_n3A_1184 : vector<16xf32> to vector<1x1x16xf32>
        tpu.vector_store %arg12[%swap3A_1185, %swap3A_1186, %swap3A_1187], %swap3A_1190 {strides = array<i32>} : memref<4x80x112xf32, #tpu.memory_space<vmem>>, vector<1x1x16xf32>,
        %get3A_1191 = arith.index_cast %rem3A_589 : i32 to index
        %get3A_1192 = arith.index_cast %add3A_1175 : i32 to index
        %get3A_1193 = arith.constant 0 : index
        %get3A_1194 = tpu.vector_load %arg11[%get3A_1191, %get3A_1192, %get3A_1193] {strides = array<i32>} : memref<4x80x32xf32, #tpu.memory_space<vmem>>, vector<1x1x16xf32>,
        %get3A_1195 = vector.shape_cast %get3A_1194 : vector<1x1x16xf32> to vector<16xf32>
        %swap3A_1196 = arith.index_cast %rem3A_589 : i32 to index
        %swap3A_1197 = arith.index_cast %add3A_1175 : i32 to index
        %swap3A_1198 = arith.constant 0 : index
        %swap3A_1199 = tpu.vector_load %arg12[%swap3A_1196, %swap3A_1197, %swap3A_1198] {strides = array<i32>} : memref<4x80x112xf32, #tpu.memory_space<vmem>>, vector<1x1x16xf32>,
        %swap3A_1200 = vector.shape_cast %swap3A_1199 : vector<1x1x16xf32> to vector<16xf32>
        %swap3A_1201 = vector.shape_cast %get3A_1195 : vector<16xf32> to vector<1x1x16xf32>
        tpu.vector_store %arg12[%swap3A_1196, %swap3A_1197, %swap3A_1198], %swap3A_1201 {strides = array<i32>} : memref<4x80x112xf32, #tpu.memory_space<vmem>>, vector<1x1x16xf32>,
        %mul3A_1202 = vector.broadcast %squeeze3A_1171 : f32 to vector<16xf32>
        %mul3A_1203 = arith.mulf %get3A_1195, %mul3A_1202 : vector<16xf32>
        %swap3A_1204 = arith.index_cast %rem3A_589 : i32 to index
        %swap3A_1205 = arith.index_cast %add3A_1175 : i32 to index
        %swap3A_1206 = arith.constant 32 : index
        %swap3A_1207 = tpu.vector_load %arg12[%swap3A_1204, %swap3A_1205, %swap3A_1206] {strides = array<i32>} : memref<4x80x112xf32, #tpu.memory_space<vmem>>, vector<1x1x16xf32>,
        %swap3A_1208 = vector.shape_cast %swap3A_1207 : vector<1x1x16xf32> to vector<16xf32>
        %swap3A_1209 = vector.shape_cast %mul3A_1203 : vector<16xf32> to vector<1x1x16xf32>
        tpu.vector_store %arg12[%swap3A_1204, %swap3A_1205, %swap3A_1206], %swap3A_1209 {strides = array<i32>} : memref<4x80x112xf32, #tpu.memory_space<vmem>>, vector<1x1x16xf32>,
        %mul3A_1210 = vector.broadcast %squeeze3A_1169 : f32 to vector<16xf32>
        %mul3A_1211 = arith.mulf %get3A_1195, %mul3A_1210 : vector<16xf32>
        %swap3A_1212 = arith.index_cast %rem3A_589 : i32 to index
        %swap3A_1213 = arith.index_cast %add3A_1175 : i32 to index
        %swap3A_1214 = arith.constant 64 : index
        %swap3A_1215 = tpu.vector_load %arg12[%swap3A_1212, %swap3A_1213, %swap3A_1214] {strides = array<i32>} : memref<4x80x112xf32, #tpu.memory_space<vmem>>, vector<1x1x16xf32>,
        %swap3A_1216 = vector.shape_cast %swap3A_1215 : vector<1x1x16xf32> to vector<16xf32>
        %swap3A_1217 = vector.shape_cast %mul3A_1211 : vector<16xf32> to vector<1x1x16xf32>
        tpu.vector_store %arg12[%swap3A_1212, %swap3A_1213, %swap3A_1214], %swap3A_1217 {strides = array<i32>} : memref<4x80x112xf32, #tpu.memory_space<vmem>>, vector<1x1x16xf32>,
        %get3A_1218 = arith.index_cast %rem3A_589 : i32 to index
        %get3A_1219 = arith.index_cast %add3A_1175 : i32 to index
        %get3A_1220 = arith.constant 16 : index
        %get3A_1221 = tpu.vector_load %arg11[%get3A_1218, %get3A_1219, %get3A_1220] {strides = array<i32>} : memref<4x80x32xf32, #tpu.memory_space<vmem>>, vector<1x1x16xf32>,
        %get3A_1222 = vector.shape_cast %get3A_1221 : vector<1x1x16xf32> to vector<16xf32>
        %swap3A_1223 = arith.index_cast %rem3A_589 : i32 to index
        %swap3A_1224 = arith.index_cast %add3A_1175 : i32 to index
        %swap3A_1225 = arith.constant 16 : index
        %swap3A_1226 = tpu.vector_load %arg12[%swap3A_1223, %swap3A_1224, %swap3A_1225] {strides = array<i32>} : memref<4x80x112xf32, #tpu.memory_space<vmem>>, vector<1x1x16xf32>,
        %swap3A_1227 = vector.shape_cast %swap3A_1226 : vector<1x1x16xf32> to vector<16xf32>
        %swap3A_1228 = vector.shape_cast %get3A_1222 : vector<16xf32> to vector<1x1x16xf32>
        tpu.vector_store %arg12[%swap3A_1223, %swap3A_1224, %swap3A_1225], %swap3A_1228 {strides = array<i32>} : memref<4x80x112xf32, #tpu.memory_space<vmem>>, vector<1x1x16xf32>,
        %mul3A_1229 = vector.broadcast %squeeze3A_1171 : f32 to vector<16xf32>
        %mul3A_1230 = arith.mulf %get3A_1222, %mul3A_1229 : vector<16xf32>
        %swap3A_1231 = arith.index_cast %rem3A_589 : i32 to index
        %swap3A_1232 = arith.index_cast %add3A_1175 : i32 to index
        %swap3A_1233 = arith.constant 48 : index
        %swap3A_1234 = tpu.vector_load %arg12[%swap3A_1231, %swap3A_1232, %swap3A_1233] {strides = array<i32>} : memref<4x80x112xf32, #tpu.memory_space<vmem>>, vector<1x1x16xf32>,
        %swap3A_1235 = vector.shape_cast %swap3A_1234 : vector<1x1x16xf32> to vector<16xf32>
        %swap3A_1236 = vector.shape_cast %mul3A_1230 : vector<16xf32> to vector<1x1x16xf32>
        tpu.vector_store %arg12[%swap3A_1231, %swap3A_1232, %swap3A_1233], %swap3A_1236 {strides = array<i32>} : memref<4x80x112xf32, #tpu.memory_space<vmem>>, vector<1x1x16xf32>,
        %mul3A_1237 = vector.broadcast %squeeze3A_1169 : f32 to vector<16xf32>
        %mul3A_1238 = arith.mulf %get3A_1222, %mul3A_1237 : vector<16xf32>
        %swap3A_1239 = arith.index_cast %rem3A_589 : i32 to index
        %swap3A_1240 = arith.index_cast %add3A_1175 : i32 to index
        %swap3A_1241 = arith.constant 80 : index
        %swap3A_1242 = tpu.vector_load %arg12[%swap3A_1239, %swap3A_1240, %swap3A_1241] {strides = array<i32>} : memref<4x80x112xf32, #tpu.memory_space<vmem>>, vector<1x1x16xf32>,
        %swap3A_1243 = vector.shape_cast %swap3A_1242 : vector<1x1x16xf32> to vector<16xf32>
        %swap3A_1244 = vector.shape_cast %mul3A_1238 : vector<16xf32> to vector<1x1x16xf32>
        tpu.vector_store %arg12[%swap3A_1239, %swap3A_1240, %swap3A_1241], %swap3A_1244 {strides = array<i32>} : memref<4x80x112xf32, #tpu.memory_space<vmem>>, vector<1x1x16xf32>,
        %slice3A_1245 = vector.extract_strided_slice %get3A_633 {offsets = [8], sizes = [1], strides = [1]} : vector<16xf32> to vector<1xf32>
        %squeeze3A_1246 = vector.extract %slice3A_1245[0] : f32 from vector<1xf32>
        %slice3A_1247 = vector.extract_strided_slice %abs3A {offsets = [8], sizes = [1], strides = [1]} : vector<16xf32> to vector<1xf32>
        %squeeze3A_1248 = vector.extract %slice3A_1247[0] : f32 from vector<1xf32>
        %mul3A_1249 = arith.constant 16 : i32
        %mul3A_1250 = arith.muli %mul3A_1249, %scan3A_626 : i32
        %add3A_1251 = arith.constant 8 : i32
        %add3A_1252 = arith.addi %mul3A_1250, %add3A_1251 : i32
        %jit3A_1253 = arith.constant 0.000000e+00 : f32
        %broadcast_in_dim3A_1254 = vector.broadcast %squeeze3A_1246 : f32 to vector<16xf32>
        %broadcast_in_dim3A_1255 = vector.broadcast %jit3A_1253 : f32 to vector<16xf32>
        %select_n3A_1256 = arith.select %eq3A_10, %broadcast_in_dim3A_1254, %broadcast_in_dim3A_1255 : vector<16xi1>, vector<16xf32>
        %broadcast_in_dim3A_1257 = vector.broadcast %squeeze3A_1248 : f32 to vector<16xf32>
        %select_n3A_1258 = arith.select %eq3A_7, %broadcast_in_dim3A_1257, %select_n3A_1256 : vector<16xi1>, vector<16xf32>
        %jit3A_1259 = arith.constant 1.000000e+00 : f32
        %broadcast_in_dim3A_1260 = vector.broadcast %jit3A_1259 : f32 to vector<16xf32>
        %select_n3A_1261 = arith.select %eq3A_4, %broadcast_in_dim3A_1260, %select_n3A_1258 : vector<16xi1>, vector<16xf32>
        %swap3A_1262 = arith.index_cast %rem3A_589 : i32 to index
        %swap3A_1263 = arith.index_cast %add3A_1252 : i32 to index
        %swap3A_1264 = arith.constant 96 : index
        %swap3A_1265 = tpu.vector_load %arg12[%swap3A_1262, %swap3A_1263, %swap3A_1264] {strides = array<i32>} : memref<4x80x112xf32, #tpu.memory_space<vmem>>, vector<1x1x16xf32>,
        %swap3A_1266 = vector.shape_cast %swap3A_1265 : vector<1x1x16xf32> to vector<16xf32>
        %swap3A_1267 = vector.shape_cast %select_n3A_1261 : vector<16xf32> to vector<1x1x16xf32>
        tpu.vector_store %arg12[%swap3A_1262, %swap3A_1263, %swap3A_1264], %swap3A_1267 {strides = array<i32>} : memref<4x80x112xf32, #tpu.memory_space<vmem>>, vector<1x1x16xf32>,
        %get3A_1268 = arith.index_cast %rem3A_589 : i32 to index
        %get3A_1269 = arith.index_cast %add3A_1252 : i32 to index
        %get3A_1270 = arith.constant 0 : index
        %get3A_1271 = tpu.vector_load %arg11[%get3A_1268, %get3A_1269, %get3A_1270] {strides = array<i32>} : memref<4x80x32xf32, #tpu.memory_space<vmem>>, vector<1x1x16xf32>,
        %get3A_1272 = vector.shape_cast %get3A_1271 : vector<1x1x16xf32> to vector<16xf32>
        %swap3A_1273 = arith.index_cast %rem3A_589 : i32 to index
        %swap3A_1274 = arith.index_cast %add3A_1252 : i32 to index
        %swap3A_1275 = arith.constant 0 : index
        %swap3A_1276 = tpu.vector_load %arg12[%swap3A_1273, %swap3A_1274, %swap3A_1275] {strides = array<i32>} : memref<4x80x112xf32, #tpu.memory_space<vmem>>, vector<1x1x16xf32>,
        %swap3A_1277 = vector.shape_cast %swap3A_1276 : vector<1x1x16xf32> to vector<16xf32>
        %swap3A_1278 = vector.shape_cast %get3A_1272 : vector<16xf32> to vector<1x1x16xf32>
        tpu.vector_store %arg12[%swap3A_1273, %swap3A_1274, %swap3A_1275], %swap3A_1278 {strides = array<i32>} : memref<4x80x112xf32, #tpu.memory_space<vmem>>, vector<1x1x16xf32>,
        %mul3A_1279 = vector.broadcast %squeeze3A_1248 : f32 to vector<16xf32>
        %mul3A_1280 = arith.mulf %get3A_1272, %mul3A_1279 : vector<16xf32>
        %swap3A_1281 = arith.index_cast %rem3A_589 : i32 to index
        %swap3A_1282 = arith.index_cast %add3A_1252 : i32 to index
        %swap3A_1283 = arith.constant 32 : index
        %swap3A_1284 = tpu.vector_load %arg12[%swap3A_1281, %swap3A_1282, %swap3A_1283] {strides = array<i32>} : memref<4x80x112xf32, #tpu.memory_space<vmem>>, vector<1x1x16xf32>,
        %swap3A_1285 = vector.shape_cast %swap3A_1284 : vector<1x1x16xf32> to vector<16xf32>
        %swap3A_1286 = vector.shape_cast %mul3A_1280 : vector<16xf32> to vector<1x1x16xf32>
        tpu.vector_store %arg12[%swap3A_1281, %swap3A_1282, %swap3A_1283], %swap3A_1286 {strides = array<i32>} : memref<4x80x112xf32, #tpu.memory_space<vmem>>, vector<1x1x16xf32>,
        %mul3A_1287 = vector.broadcast %squeeze3A_1246 : f32 to vector<16xf32>
        %mul3A_1288 = arith.mulf %get3A_1272, %mul3A_1287 : vector<16xf32>
        %swap3A_1289 = arith.index_cast %rem3A_589 : i32 to index
        %swap3A_1290 = arith.index_cast %add3A_1252 : i32 to index
        %swap3A_1291 = arith.constant 64 : index
        %swap3A_1292 = tpu.vector_load %arg12[%swap3A_1289, %swap3A_1290, %swap3A_1291] {strides = array<i32>} : memref<4x80x112xf32, #tpu.memory_space<vmem>>, vector<1x1x16xf32>,
        %swap3A_1293 = vector.shape_cast %swap3A_1292 : vector<1x1x16xf32> to vector<16xf32>
        %swap3A_1294 = vector.shape_cast %mul3A_1288 : vector<16xf32> to vector<1x1x16xf32>
        tpu.vector_store %arg12[%swap3A_1289, %swap3A_1290, %swap3A_1291], %swap3A_1294 {strides = array<i32>} : memref<4x80x112xf32, #tpu.memory_space<vmem>>, vector<1x1x16xf32>,
        %get3A_1295 = arith.index_cast %rem3A_589 : i32 to index
        %get3A_1296 = arith.index_cast %add3A_1252 : i32 to index
        %get3A_1297 = arith.constant 16 : index
        %get3A_1298 = tpu.vector_load %arg11[%get3A_1295, %get3A_1296, %get3A_1297] {strides = array<i32>} : memref<4x80x32xf32, #tpu.memory_space<vmem>>, vector<1x1x16xf32>,
        %get3A_1299 = vector.shape_cast %get3A_1298 : vector<1x1x16xf32> to vector<16xf32>
        %swap3A_1300 = arith.index_cast %rem3A_589 : i32 to index
        %swap3A_1301 = arith.index_cast %add3A_1252 : i32 to index
        %swap3A_1302 = arith.constant 16 : index
        %swap3A_1303 = tpu.vector_load %arg12[%swap3A_1300, %swap3A_1301, %swap3A_1302] {strides = array<i32>} : memref<4x80x112xf32, #tpu.memory_space<vmem>>, vector<1x1x16xf32>,
        %swap3A_1304 = vector.shape_cast %swap3A_1303 : vector<1x1x16xf32> to vector<16xf32>
        %swap3A_1305 = vector.shape_cast %get3A_1299 : vector<16xf32> to vector<1x1x16xf32>
        tpu.vector_store %arg12[%swap3A_1300, %swap3A_1301, %swap3A_1302], %swap3A_1305 {strides = array<i32>} : memref<4x80x112xf32, #tpu.memory_space<vmem>>, vector<1x1x16xf32>,
        %mul3A_1306 = vector.broadcast %squeeze3A_1248 : f32 to vector<16xf32>
        %mul3A_1307 = arith.mulf %get3A_1299, %mul3A_1306 : vector<16xf32>
        %swap3A_1308 = arith.index_cast %rem3A_589 : i32 to index
        %swap3A_1309 = arith.index_cast %add3A_1252 : i32 to index
        %swap3A_1310 = arith.constant 48 : index
        %swap3A_1311 = tpu.vector_load %arg12[%swap3A_1308, %swap3A_1309, %swap3A_1310] {strides = array<i32>} : memref<4x80x112xf32, #tpu.memory_space<vmem>>, vector<1x1x16xf32>,
        %swap3A_1312 = vector.shape_cast %swap3A_1311 : vector<1x1x16xf32> to vector<16xf32>
        %swap3A_1313 = vector.shape_cast %mul3A_1307 : vector<16xf32> to vector<1x1x16xf32>
        tpu.vector_store %arg12[%swap3A_1308, %swap3A_1309, %swap3A_1310], %swap3A_1313 {strides = array<i32>} : memref<4x80x112xf32, #tpu.memory_space<vmem>>, vector<1x1x16xf32>,
        %mul3A_1314 = vector.broadcast %squeeze3A_1246 : f32 to vector<16xf32>
        %mul3A_1315 = arith.mulf %get3A_1299, %mul3A_1314 : vector<16xf32>
        %swap3A_1316 = arith.index_cast %rem3A_589 : i32 to index
        %swap3A_1317 = arith.index_cast %add3A_1252 : i32 to index
        %swap3A_1318 = arith.constant 80 : index
        %swap3A_1319 = tpu.vector_load %arg12[%swap3A_1316, %swap3A_1317, %swap3A_1318] {strides = array<i32>} : memref<4x80x112xf32, #tpu.memory_space<vmem>>, vector<1x1x16xf32>,
        %swap3A_1320 = vector.shape_cast %swap3A_1319 : vector<1x1x16xf32> to vector<16xf32>
        %swap3A_1321 = vector.shape_cast %mul3A_1315 : vector<16xf32> to vector<1x1x16xf32>
        tpu.vector_store %arg12[%swap3A_1316, %swap3A_1317, %swap3A_1318], %swap3A_1321 {strides = array<i32>} : memref<4x80x112xf32, #tpu.memory_space<vmem>>, vector<1x1x16xf32>,
        %slice3A_1322 = vector.extract_strided_slice %get3A_633 {offsets = [9], sizes = [1], strides = [1]} : vector<16xf32> to vector<1xf32>
        %squeeze3A_1323 = vector.extract %slice3A_1322[0] : f32 from vector<1xf32>
        %slice3A_1324 = vector.extract_strided_slice %abs3A {offsets = [9], sizes = [1], strides = [1]} : vector<16xf32> to vector<1xf32>
        %squeeze3A_1325 = vector.extract %slice3A_1324[0] : f32 from vector<1xf32>
        %mul3A_1326 = arith.constant 16 : i32
        %mul3A_1327 = arith.muli %mul3A_1326, %scan3A_626 : i32
        %add3A_1328 = arith.constant 9 : i32
        %add3A_1329 = arith.addi %mul3A_1327, %add3A_1328 : i32
        %jit3A_1330 = arith.constant 0.000000e+00 : f32
        %broadcast_in_dim3A_1331 = vector.broadcast %squeeze3A_1323 : f32 to vector<16xf32>
        %broadcast_in_dim3A_1332 = vector.broadcast %jit3A_1330 : f32 to vector<16xf32>
        %select_n3A_1333 = arith.select %eq3A_10, %broadcast_in_dim3A_1331, %broadcast_in_dim3A_1332 : vector<16xi1>, vector<16xf32>
        %broadcast_in_dim3A_1334 = vector.broadcast %squeeze3A_1325 : f32 to vector<16xf32>
        %select_n3A_1335 = arith.select %eq3A_7, %broadcast_in_dim3A_1334, %select_n3A_1333 : vector<16xi1>, vector<16xf32>
        %jit3A_1336 = arith.constant 1.000000e+00 : f32
        %broadcast_in_dim3A_1337 = vector.broadcast %jit3A_1336 : f32 to vector<16xf32>
        %select_n3A_1338 = arith.select %eq3A_4, %broadcast_in_dim3A_1337, %select_n3A_1335 : vector<16xi1>, vector<16xf32>
        %swap3A_1339 = arith.index_cast %rem3A_589 : i32 to index
        %swap3A_1340 = arith.index_cast %add3A_1329 : i32 to index
        %swap3A_1341 = arith.constant 96 : index
        %swap3A_1342 = tpu.vector_load %arg12[%swap3A_1339, %swap3A_1340, %swap3A_1341] {strides = array<i32>} : memref<4x80x112xf32, #tpu.memory_space<vmem>>, vector<1x1x16xf32>,
        %swap3A_1343 = vector.shape_cast %swap3A_1342 : vector<1x1x16xf32> to vector<16xf32>
        %swap3A_1344 = vector.shape_cast %select_n3A_1338 : vector<16xf32> to vector<1x1x16xf32>
        tpu.vector_store %arg12[%swap3A_1339, %swap3A_1340, %swap3A_1341], %swap3A_1344 {strides = array<i32>} : memref<4x80x112xf32, #tpu.memory_space<vmem>>, vector<1x1x16xf32>,
        %get3A_1345 = arith.index_cast %rem3A_589 : i32 to index
        %get3A_1346 = arith.index_cast %add3A_1329 : i32 to index
        %get3A_1347 = arith.constant 0 : index
        %get3A_1348 = tpu.vector_load %arg11[%get3A_1345, %get3A_1346, %get3A_1347] {strides = array<i32>} : memref<4x80x32xf32, #tpu.memory_space<vmem>>, vector<1x1x16xf32>,
        %get3A_1349 = vector.shape_cast %get3A_1348 : vector<1x1x16xf32> to vector<16xf32>
        %swap3A_1350 = arith.index_cast %rem3A_589 : i32 to index
        %swap3A_1351 = arith.index_cast %add3A_1329 : i32 to index
        %swap3A_1352 = arith.constant 0 : index
        %swap3A_1353 = tpu.vector_load %arg12[%swap3A_1350, %swap3A_1351, %swap3A_1352] {strides = array<i32>} : memref<4x80x112xf32, #tpu.memory_space<vmem>>, vector<1x1x16xf32>,
        %swap3A_1354 = vector.shape_cast %swap3A_1353 : vector<1x1x16xf32> to vector<16xf32>
        %swap3A_1355 = vector.shape_cast %get3A_1349 : vector<16xf32> to vector<1x1x16xf32>
        tpu.vector_store %arg12[%swap3A_1350, %swap3A_1351, %swap3A_1352], %swap3A_1355 {strides = array<i32>} : memref<4x80x112xf32, #tpu.memory_space<vmem>>, vector<1x1x16xf32>,
        %mul3A_1356 = vector.broadcast %squeeze3A_1325 : f32 to vector<16xf32>
        %mul3A_1357 = arith.mulf %get3A_1349, %mul3A_1356 : vector<16xf32>
        %swap3A_1358 = arith.index_cast %rem3A_589 : i32 to index
        %swap3A_1359 = arith.index_cast %add3A_1329 : i32 to index
        %swap3A_1360 = arith.constant 32 : index
        %swap3A_1361 = tpu.vector_load %arg12[%swap3A_1358, %swap3A_1359, %swap3A_1360] {strides = array<i32>} : memref<4x80x112xf32, #tpu.memory_space<vmem>>, vector<1x1x16xf32>,
        %swap3A_1362 = vector.shape_cast %swap3A_1361 : vector<1x1x16xf32> to vector<16xf32>
        %swap3A_1363 = vector.shape_cast %mul3A_1357 : vector<16xf32> to vector<1x1x16xf32>
        tpu.vector_store %arg12[%swap3A_1358, %swap3A_1359, %swap3A_1360], %swap3A_1363 {strides = array<i32>} : memref<4x80x112xf32, #tpu.memory_space<vmem>>, vector<1x1x16xf32>,
        %mul3A_1364 = vector.broadcast %squeeze3A_1323 : f32 to vector<16xf32>
        %mul3A_1365 = arith.mulf %get3A_1349, %mul3A_1364 : vector<16xf32>
        %swap3A_1366 = arith.index_cast %rem3A_589 : i32 to index
        %swap3A_1367 = arith.index_cast %add3A_1329 : i32 to index
        %swap3A_1368 = arith.constant 64 : index
        %swap3A_1369 = tpu.vector_load %arg12[%swap3A_1366, %swap3A_1367, %swap3A_1368] {strides = array<i32>} : memref<4x80x112xf32, #tpu.memory_space<vmem>>, vector<1x1x16xf32>,
        %swap3A_1370 = vector.shape_cast %swap3A_1369 : vector<1x1x16xf32> to vector<16xf32>
        %swap3A_1371 = vector.shape_cast %mul3A_1365 : vector<16xf32> to vector<1x1x16xf32>
        tpu.vector_store %arg12[%swap3A_1366, %swap3A_1367, %swap3A_1368], %swap3A_1371 {strides = array<i32>} : memref<4x80x112xf32, #tpu.memory_space<vmem>>, vector<1x1x16xf32>,
        %get3A_1372 = arith.index_cast %rem3A_589 : i32 to index
        %get3A_1373 = arith.index_cast %add3A_1329 : i32 to index
        %get3A_1374 = arith.constant 16 : index
        %get3A_1375 = tpu.vector_load %arg11[%get3A_1372, %get3A_1373, %get3A_1374] {strides = array<i32>} : memref<4x80x32xf32, #tpu.memory_space<vmem>>, vector<1x1x16xf32>,
        %get3A_1376 = vector.shape_cast %get3A_1375 : vector<1x1x16xf32> to vector<16xf32>
        %swap3A_1377 = arith.index_cast %rem3A_589 : i32 to index
        %swap3A_1378 = arith.index_cast %add3A_1329 : i32 to index
        %swap3A_1379 = arith.constant 16 : index
        %swap3A_1380 = tpu.vector_load %arg12[%swap3A_1377, %swap3A_1378, %swap3A_1379] {strides = array<i32>} : memref<4x80x112xf32, #tpu.memory_space<vmem>>, vector<1x1x16xf32>,
        %swap3A_1381 = vector.shape_cast %swap3A_1380 : vector<1x1x16xf32> to vector<16xf32>
        %swap3A_1382 = vector.shape_cast %get3A_1376 : vector<16xf32> to vector<1x1x16xf32>
        tpu.vector_store %arg12[%swap3A_1377, %swap3A_1378, %swap3A_1379], %swap3A_1382 {strides = array<i32>} : memref<4x80x112xf32, #tpu.memory_space<vmem>>, vector<1x1x16xf32>,
        %mul3A_1383 = vector.broadcast %squeeze3A_1325 : f32 to vector<16xf32>
        %mul3A_1384 = arith.mulf %get3A_1376, %mul3A_1383 : vector<16xf32>
        %swap3A_1385 = arith.index_cast %rem3A_589 : i32 to index
        %swap3A_1386 = arith.index_cast %add3A_1329 : i32 to index
        %swap3A_1387 = arith.constant 48 : index
        %swap3A_1388 = tpu.vector_load %arg12[%swap3A_1385, %swap3A_1386, %swap3A_1387] {strides = array<i32>} : memref<4x80x112xf32, #tpu.memory_space<vmem>>, vector<1x1x16xf32>,
        %swap3A_1389 = vector.shape_cast %swap3A_1388 : vector<1x1x16xf32> to vector<16xf32>
        %swap3A_1390 = vector.shape_cast %mul3A_1384 : vector<16xf32> to vector<1x1x16xf32>
        tpu.vector_store %arg12[%swap3A_1385, %swap3A_1386, %swap3A_1387], %swap3A_1390 {strides = array<i32>} : memref<4x80x112xf32, #tpu.memory_space<vmem>>, vector<1x1x16xf32>,
        %mul3A_1391 = vector.broadcast %squeeze3A_1323 : f32 to vector<16xf32>
        %mul3A_1392 = arith.mulf %get3A_1376, %mul3A_1391 : vector<16xf32>
        %swap3A_1393 = arith.index_cast %rem3A_589 : i32 to index
        %swap3A_1394 = arith.index_cast %add3A_1329 : i32 to index
        %swap3A_1395 = arith.constant 80 : index
        %swap3A_1396 = tpu.vector_load %arg12[%swap3A_1393, %swap3A_1394, %swap3A_1395] {strides = array<i32>} : memref<4x80x112xf32, #tpu.memory_space<vmem>>, vector<1x1x16xf32>,
        %swap3A_1397 = vector.shape_cast %swap3A_1396 : vector<1x1x16xf32> to vector<16xf32>
        %swap3A_1398 = vector.shape_cast %mul3A_1392 : vector<16xf32> to vector<1x1x16xf32>
        tpu.vector_store %arg12[%swap3A_1393, %swap3A_1394, %swap3A_1395], %swap3A_1398 {strides = array<i32>} : memref<4x80x112xf32, #tpu.memory_space<vmem>>, vector<1x1x16xf32>,
        %slice3A_1399 = vector.extract_strided_slice %get3A_633 {offsets = [10], sizes = [1], strides = [1]} : vector<16xf32> to vector<1xf32>
        %squeeze3A_1400 = vector.extract %slice3A_1399[0] : f32 from vector<1xf32>
        %slice3A_1401 = vector.extract_strided_slice %abs3A {offsets = [10], sizes = [1], strides = [1]} : vector<16xf32> to vector<1xf32>
        %squeeze3A_1402 = vector.extract %slice3A_1401[0] : f32 from vector<1xf32>
        %mul3A_1403 = arith.constant 16 : i32
        %mul3A_1404 = arith.muli %mul3A_1403, %scan3A_626 : i32
        %add3A_1405 = arith.constant 10 : i32
        %add3A_1406 = arith.addi %mul3A_1404, %add3A_1405 : i32
        %jit3A_1407 = arith.constant 0.000000e+00 : f32
        %broadcast_in_dim3A_1408 = vector.broadcast %squeeze3A_1400 : f32 to vector<16xf32>
        %broadcast_in_dim3A_1409 = vector.broadcast %jit3A_1407 : f32 to vector<16xf32>
        %select_n3A_1410 = arith.select %eq3A_10, %broadcast_in_dim3A_1408, %broadcast_in_dim3A_1409 : vector<16xi1>, vector<16xf32>
        %broadcast_in_dim3A_1411 = vector.broadcast %squeeze3A_1402 : f32 to vector<16xf32>
        %select_n3A_1412 = arith.select %eq3A_7, %broadcast_in_dim3A_1411, %select_n3A_1410 : vector<16xi1>, vector<16xf32>
        %jit3A_1413 = arith.constant 1.000000e+00 : f32
        %broadcast_in_dim3A_1414 = vector.broadcast %jit3A_1413 : f32 to vector<16xf32>
        %select_n3A_1415 = arith.select %eq3A_4, %broadcast_in_dim3A_1414, %select_n3A_1412 : vector<16xi1>, vector<16xf32>
        %swap3A_1416 = arith.index_cast %rem3A_589 : i32 to index
        %swap3A_1417 = arith.index_cast %add3A_1406 : i32 to index
        %swap3A_1418 = arith.constant 96 : index
        %swap3A_1419 = tpu.vector_load %arg12[%swap3A_1416, %swap3A_1417, %swap3A_1418] {strides = array<i32>} : memref<4x80x112xf32, #tpu.memory_space<vmem>>, vector<1x1x16xf32>,
        %swap3A_1420 = vector.shape_cast %swap3A_1419 : vector<1x1x16xf32> to vector<16xf32>
        %swap3A_1421 = vector.shape_cast %select_n3A_1415 : vector<16xf32> to vector<1x1x16xf32>
        tpu.vector_store %arg12[%swap3A_1416, %swap3A_1417, %swap3A_1418], %swap3A_1421 {strides = array<i32>} : memref<4x80x112xf32, #tpu.memory_space<vmem>>, vector<1x1x16xf32>,
        %get3A_1422 = arith.index_cast %rem3A_589 : i32 to index
        %get3A_1423 = arith.index_cast %add3A_1406 : i32 to index
        %get3A_1424 = arith.constant 0 : index
        %get3A_1425 = tpu.vector_load %arg11[%get3A_1422, %get3A_1423, %get3A_1424] {strides = array<i32>} : memref<4x80x32xf32, #tpu.memory_space<vmem>>, vector<1x1x16xf32>,
        %get3A_1426 = vector.shape_cast %get3A_1425 : vector<1x1x16xf32> to vector<16xf32>
        %swap3A_1427 = arith.index_cast %rem3A_589 : i32 to index
        %swap3A_1428 = arith.index_cast %add3A_1406 : i32 to index
        %swap3A_1429 = arith.constant 0 : index
        %swap3A_1430 = tpu.vector_load %arg12[%swap3A_1427, %swap3A_1428, %swap3A_1429] {strides = array<i32>} : memref<4x80x112xf32, #tpu.memory_space<vmem>>, vector<1x1x16xf32>,
        %swap3A_1431 = vector.shape_cast %swap3A_1430 : vector<1x1x16xf32> to vector<16xf32>
        %swap3A_1432 = vector.shape_cast %get3A_1426 : vector<16xf32> to vector<1x1x16xf32>
        tpu.vector_store %arg12[%swap3A_1427, %swap3A_1428, %swap3A_1429], %swap3A_1432 {strides = array<i32>} : memref<4x80x112xf32, #tpu.memory_space<vmem>>, vector<1x1x16xf32>,
        %mul3A_1433 = vector.broadcast %squeeze3A_1402 : f32 to vector<16xf32>
        %mul3A_1434 = arith.mulf %get3A_1426, %mul3A_1433 : vector<16xf32>
        %swap3A_1435 = arith.index_cast %rem3A_589 : i32 to index
        %swap3A_1436 = arith.index_cast %add3A_1406 : i32 to index
        %swap3A_1437 = arith.constant 32 : index
        %swap3A_1438 = tpu.vector_load %arg12[%swap3A_1435, %swap3A_1436, %swap3A_1437] {strides = array<i32>} : memref<4x80x112xf32, #tpu.memory_space<vmem>>, vector<1x1x16xf32>,
        %swap3A_1439 = vector.shape_cast %swap3A_1438 : vector<1x1x16xf32> to vector<16xf32>
        %swap3A_1440 = vector.shape_cast %mul3A_1434 : vector<16xf32> to vector<1x1x16xf32>
        tpu.vector_store %arg12[%swap3A_1435, %swap3A_1436, %swap3A_1437], %swap3A_1440 {strides = array<i32>} : memref<4x80x112xf32, #tpu.memory_space<vmem>>, vector<1x1x16xf32>,
        %mul3A_1441 = vector.broadcast %squeeze3A_1400 : f32 to vector<16xf32>
        %mul3A_1442 = arith.mulf %get3A_1426, %mul3A_1441 : vector<16xf32>
        %swap3A_1443 = arith.index_cast %rem3A_589 : i32 to index
        %swap3A_1444 = arith.index_cast %add3A_1406 : i32 to index
        %swap3A_1445 = arith.constant 64 : index
        %swap3A_1446 = tpu.vector_load %arg12[%swap3A_1443, %swap3A_1444, %swap3A_1445] {strides = array<i32>} : memref<4x80x112xf32, #tpu.memory_space<vmem>>, vector<1x1x16xf32>,
        %swap3A_1447 = vector.shape_cast %swap3A_1446 : vector<1x1x16xf32> to vector<16xf32>
        %swap3A_1448 = vector.shape_cast %mul3A_1442 : vector<16xf32> to vector<1x1x16xf32>
        tpu.vector_store %arg12[%swap3A_1443, %swap3A_1444, %swap3A_1445], %swap3A_1448 {strides = array<i32>} : memref<4x80x112xf32, #tpu.memory_space<vmem>>, vector<1x1x16xf32>,
        %get3A_1449 = arith.index_cast %rem3A_589 : i32 to index
        %get3A_1450 = arith.index_cast %add3A_1406 : i32 to index
        %get3A_1451 = arith.constant 16 : index
        %get3A_1452 = tpu.vector_load %arg11[%get3A_1449, %get3A_1450, %get3A_1451] {strides = array<i32>} : memref<4x80x32xf32, #tpu.memory_space<vmem>>, vector<1x1x16xf32>,
        %get3A_1453 = vector.shape_cast %get3A_1452 : vector<1x1x16xf32> to vector<16xf32>
        %swap3A_1454 = arith.index_cast %rem3A_589 : i32 to index
        %swap3A_1455 = arith.index_cast %add3A_1406 : i32 to index
        %swap3A_1456 = arith.constant 16 : index
        %swap3A_1457 = tpu.vector_load %arg12[%swap3A_1454, %swap3A_1455, %swap3A_1456] {strides = array<i32>} : memref<4x80x112xf32, #tpu.memory_space<vmem>>, vector<1x1x16xf32>,
        %swap3A_1458 = vector.shape_cast %swap3A_1457 : vector<1x1x16xf32> to vector<16xf32>
        %swap3A_1459 = vector.shape_cast %get3A_1453 : vector<16xf32> to vector<1x1x16xf32>
        tpu.vector_store %arg12[%swap3A_1454, %swap3A_1455, %swap3A_1456], %swap3A_1459 {strides = array<i32>} : memref<4x80x112xf32, #tpu.memory_space<vmem>>, vector<1x1x16xf32>,
        %mul3A_1460 = vector.broadcast %squeeze3A_1402 : f32 to vector<16xf32>
        %mul3A_1461 = arith.mulf %get3A_1453, %mul3A_1460 : vector<16xf32>
        %swap3A_1462 = arith.index_cast %rem3A_589 : i32 to index
        %swap3A_1463 = arith.index_cast %add3A_1406 : i32 to index
        %swap3A_1464 = arith.constant 48 : index
        %swap3A_1465 = tpu.vector_load %arg12[%swap3A_1462, %swap3A_1463, %swap3A_1464] {strides = array<i32>} : memref<4x80x112xf32, #tpu.memory_space<vmem>>, vector<1x1x16xf32>,
        %swap3A_1466 = vector.shape_cast %swap3A_1465 : vector<1x1x16xf32> to vector<16xf32>
        %swap3A_1467 = vector.shape_cast %mul3A_1461 : vector<16xf32> to vector<1x1x16xf32>
        tpu.vector_store %arg12[%swap3A_1462, %swap3A_1463, %swap3A_1464], %swap3A_1467 {strides = array<i32>} : memref<4x80x112xf32, #tpu.memory_space<vmem>>, vector<1x1x16xf32>,
        %mul3A_1468 = vector.broadcast %squeeze3A_1400 : f32 to vector<16xf32>
        %mul3A_1469 = arith.mulf %get3A_1453, %mul3A_1468 : vector<16xf32>
        %swap3A_1470 = arith.index_cast %rem3A_589 : i32 to index
        %swap3A_1471 = arith.index_cast %add3A_1406 : i32 to index
        %swap3A_1472 = arith.constant 80 : index
        %swap3A_1473 = tpu.vector_load %arg12[%swap3A_1470, %swap3A_1471, %swap3A_1472] {strides = array<i32>} : memref<4x80x112xf32, #tpu.memory_space<vmem>>, vector<1x1x16xf32>,
        %swap3A_1474 = vector.shape_cast %swap3A_1473 : vector<1x1x16xf32> to vector<16xf32>
        %swap3A_1475 = vector.shape_cast %mul3A_1469 : vector<16xf32> to vector<1x1x16xf32>
        tpu.vector_store %arg12[%swap3A_1470, %swap3A_1471, %swap3A_1472], %swap3A_1475 {strides = array<i32>} : memref<4x80x112xf32, #tpu.memory_space<vmem>>, vector<1x1x16xf32>,
        %slice3A_1476 = vector.extract_strided_slice %get3A_633 {offsets = [11], sizes = [1], strides = [1]} : vector<16xf32> to vector<1xf32>
        %squeeze3A_1477 = vector.extract %slice3A_1476[0] : f32 from vector<1xf32>
        %slice3A_1478 = vector.extract_strided_slice %abs3A {offsets = [11], sizes = [1], strides = [1]} : vector<16xf32> to vector<1xf32>
        %squeeze3A_1479 = vector.extract %slice3A_1478[0] : f32 from vector<1xf32>
        %mul3A_1480 = arith.constant 16 : i32
        %mul3A_1481 = arith.muli %mul3A_1480, %scan3A_626 : i32
        %add3A_1482 = arith.constant 11 : i32
        %add3A_1483 = arith.addi %mul3A_1481, %add3A_1482 : i32
        %jit3A_1484 = arith.constant 0.000000e+00 : f32
        %broadcast_in_dim3A_1485 = vector.broadcast %squeeze3A_1477 : f32 to vector<16xf32>
        %broadcast_in_dim3A_1486 = vector.broadcast %jit3A_1484 : f32 to vector<16xf32>
        %select_n3A_1487 = arith.select %eq3A_10, %broadcast_in_dim3A_1485, %broadcast_in_dim3A_1486 : vector<16xi1>, vector<16xf32>
        %broadcast_in_dim3A_1488 = vector.broadcast %squeeze3A_1479 : f32 to vector<16xf32>
        %select_n3A_1489 = arith.select %eq3A_7, %broadcast_in_dim3A_1488, %select_n3A_1487 : vector<16xi1>, vector<16xf32>
        %jit3A_1490 = arith.constant 1.000000e+00 : f32
        %broadcast_in_dim3A_1491 = vector.broadcast %jit3A_1490 : f32 to vector<16xf32>
        %select_n3A_1492 = arith.select %eq3A_4, %broadcast_in_dim3A_1491, %select_n3A_1489 : vector<16xi1>, vector<16xf32>
        %swap3A_1493 = arith.index_cast %rem3A_589 : i32 to index
        %swap3A_1494 = arith.index_cast %add3A_1483 : i32 to index
        %swap3A_1495 = arith.constant 96 : index
        %swap3A_1496 = tpu.vector_load %arg12[%swap3A_1493, %swap3A_1494, %swap3A_1495] {strides = array<i32>} : memref<4x80x112xf32, #tpu.memory_space<vmem>>, vector<1x1x16xf32>,
        %swap3A_1497 = vector.shape_cast %swap3A_1496 : vector<1x1x16xf32> to vector<16xf32>
        %swap3A_1498 = vector.shape_cast %select_n3A_1492 : vector<16xf32> to vector<1x1x16xf32>
        tpu.vector_store %arg12[%swap3A_1493, %swap3A_1494, %swap3A_1495], %swap3A_1498 {strides = array<i32>} : memref<4x80x112xf32, #tpu.memory_space<vmem>>, vector<1x1x16xf32>,
        %get3A_1499 = arith.index_cast %rem3A_589 : i32 to index
        %get3A_1500 = arith.index_cast %add3A_1483 : i32 to index
        %get3A_1501 = arith.constant 0 : index
        %get3A_1502 = tpu.vector_load %arg11[%get3A_1499, %get3A_1500, %get3A_1501] {strides = array<i32>} : memref<4x80x32xf32, #tpu.memory_space<vmem>>, vector<1x1x16xf32>,
        %get3A_1503 = vector.shape_cast %get3A_1502 : vector<1x1x16xf32> to vector<16xf32>
        %swap3A_1504 = arith.index_cast %rem3A_589 : i32 to index
        %swap3A_1505 = arith.index_cast %add3A_1483 : i32 to index
        %swap3A_1506 = arith.constant 0 : index
        %swap3A_1507 = tpu.vector_load %arg12[%swap3A_1504, %swap3A_1505, %swap3A_1506] {strides = array<i32>} : memref<4x80x112xf32, #tpu.memory_space<vmem>>, vector<1x1x16xf32>,
        %swap3A_1508 = vector.shape_cast %swap3A_1507 : vector<1x1x16xf32> to vector<16xf32>
        %swap3A_1509 = vector.shape_cast %get3A_1503 : vector<16xf32> to vector<1x1x16xf32>
        tpu.vector_store %arg12[%swap3A_1504, %swap3A_1505, %swap3A_1506], %swap3A_1509 {strides = array<i32>} : memref<4x80x112xf32, #tpu.memory_space<vmem>>, vector<1x1x16xf32>,
        %mul3A_1510 = vector.broadcast %squeeze3A_1479 : f32 to vector<16xf32>
        %mul3A_1511 = arith.mulf %get3A_1503, %mul3A_1510 : vector<16xf32>
        %swap3A_1512 = arith.index_cast %rem3A_589 : i32 to index
        %swap3A_1513 = arith.index_cast %add3A_1483 : i32 to index
        %swap3A_1514 = arith.constant 32 : index
        %swap3A_1515 = tpu.vector_load %arg12[%swap3A_1512, %swap3A_1513, %swap3A_1514] {strides = array<i32>} : memref<4x80x112xf32, #tpu.memory_space<vmem>>, vector<1x1x16xf32>,
        %swap3A_1516 = vector.shape_cast %swap3A_1515 : vector<1x1x16xf32> to vector<16xf32>
        %swap3A_1517 = vector.shape_cast %mul3A_1511 : vector<16xf32> to vector<1x1x16xf32>
        tpu.vector_store %arg12[%swap3A_1512, %swap3A_1513, %swap3A_1514], %swap3A_1517 {strides = array<i32>} : memref<4x80x112xf32, #tpu.memory_space<vmem>>, vector<1x1x16xf32>,
        %mul3A_1518 = vector.broadcast %squeeze3A_1477 : f32 to vector<16xf32>
        %mul3A_1519 = arith.mulf %get3A_1503, %mul3A_1518 : vector<16xf32>
        %swap3A_1520 = arith.index_cast %rem3A_589 : i32 to index
        %swap3A_1521 = arith.index_cast %add3A_1483 : i32 to index
        %swap3A_1522 = arith.constant 64 : index
        %swap3A_1523 = tpu.vector_load %arg12[%swap3A_1520, %swap3A_1521, %swap3A_1522] {strides = array<i32>} : memref<4x80x112xf32, #tpu.memory_space<vmem>>, vector<1x1x16xf32>,
        %swap3A_1524 = vector.shape_cast %swap3A_1523 : vector<1x1x16xf32> to vector<16xf32>
        %swap3A_1525 = vector.shape_cast %mul3A_1519 : vector<16xf32> to vector<1x1x16xf32>
        tpu.vector_store %arg12[%swap3A_1520, %swap3A_1521, %swap3A_1522], %swap3A_1525 {strides = array<i32>} : memref<4x80x112xf32, #tpu.memory_space<vmem>>, vector<1x1x16xf32>,
        %get3A_1526 = arith.index_cast %rem3A_589 : i32 to index
        %get3A_1527 = arith.index_cast %add3A_1483 : i32 to index
        %get3A_1528 = arith.constant 16 : index
        %get3A_1529 = tpu.vector_load %arg11[%get3A_1526, %get3A_1527, %get3A_1528] {strides = array<i32>} : memref<4x80x32xf32, #tpu.memory_space<vmem>>, vector<1x1x16xf32>,
        %get3A_1530 = vector.shape_cast %get3A_1529 : vector<1x1x16xf32> to vector<16xf32>
        %swap3A_1531 = arith.index_cast %rem3A_589 : i32 to index
        %swap3A_1532 = arith.index_cast %add3A_1483 : i32 to index
        %swap3A_1533 = arith.constant 16 : index
        %swap3A_1534 = tpu.vector_load %arg12[%swap3A_1531, %swap3A_1532, %swap3A_1533] {strides = array<i32>} : memref<4x80x112xf32, #tpu.memory_space<vmem>>, vector<1x1x16xf32>,
        %swap3A_1535 = vector.shape_cast %swap3A_1534 : vector<1x1x16xf32> to vector<16xf32>
        %swap3A_1536 = vector.shape_cast %get3A_1530 : vector<16xf32> to vector<1x1x16xf32>
        tpu.vector_store %arg12[%swap3A_1531, %swap3A_1532, %swap3A_1533], %swap3A_1536 {strides = array<i32>} : memref<4x80x112xf32, #tpu.memory_space<vmem>>, vector<1x1x16xf32>,
        %mul3A_1537 = vector.broadcast %squeeze3A_1479 : f32 to vector<16xf32>
        %mul3A_1538 = arith.mulf %get3A_1530, %mul3A_1537 : vector<16xf32>
        %swap3A_1539 = arith.index_cast %rem3A_589 : i32 to index
        %swap3A_1540 = arith.index_cast %add3A_1483 : i32 to index
        %swap3A_1541 = arith.constant 48 : index
        %swap3A_1542 = tpu.vector_load %arg12[%swap3A_1539, %swap3A_1540, %swap3A_1541] {strides = array<i32>} : memref<4x80x112xf32, #tpu.memory_space<vmem>>, vector<1x1x16xf32>,
        %swap3A_1543 = vector.shape_cast %swap3A_1542 : vector<1x1x16xf32> to vector<16xf32>
        %swap3A_1544 = vector.shape_cast %mul3A_1538 : vector<16xf32> to vector<1x1x16xf32>
        tpu.vector_store %arg12[%swap3A_1539, %swap3A_1540, %swap3A_1541], %swap3A_1544 {strides = array<i32>} : memref<4x80x112xf32, #tpu.memory_space<vmem>>, vector<1x1x16xf32>,
        %mul3A_1545 = vector.broadcast %squeeze3A_1477 : f32 to vector<16xf32>
        %mul3A_1546 = arith.mulf %get3A_1530, %mul3A_1545 : vector<16xf32>
        %swap3A_1547 = arith.index_cast %rem3A_589 : i32 to index
        %swap3A_1548 = arith.index_cast %add3A_1483 : i32 to index
        %swap3A_1549 = arith.constant 80 : index
        %swap3A_1550 = tpu.vector_load %arg12[%swap3A_1547, %swap3A_1548, %swap3A_1549] {strides = array<i32>} : memref<4x80x112xf32, #tpu.memory_space<vmem>>, vector<1x1x16xf32>,
        %swap3A_1551 = vector.shape_cast %swap3A_1550 : vector<1x1x16xf32> to vector<16xf32>
        %swap3A_1552 = vector.shape_cast %mul3A_1546 : vector<16xf32> to vector<1x1x16xf32>
        tpu.vector_store %arg12[%swap3A_1547, %swap3A_1548, %swap3A_1549], %swap3A_1552 {strides = array<i32>} : memref<4x80x112xf32, #tpu.memory_space<vmem>>, vector<1x1x16xf32>,
        %slice3A_1553 = vector.extract_strided_slice %get3A_633 {offsets = [12], sizes = [1], strides = [1]} : vector<16xf32> to vector<1xf32>
        %squeeze3A_1554 = vector.extract %slice3A_1553[0] : f32 from vector<1xf32>
        %slice3A_1555 = vector.extract_strided_slice %abs3A {offsets = [12], sizes = [1], strides = [1]} : vector<16xf32> to vector<1xf32>
        %squeeze3A_1556 = vector.extract %slice3A_1555[0] : f32 from vector<1xf32>
        %mul3A_1557 = arith.constant 16 : i32
        %mul3A_1558 = arith.muli %mul3A_1557, %scan3A_626 : i32
        %add3A_1559 = arith.constant 12 : i32
        %add3A_1560 = arith.addi %mul3A_1558, %add3A_1559 : i32
        %jit3A_1561 = arith.constant 0.000000e+00 : f32
        %broadcast_in_dim3A_1562 = vector.broadcast %squeeze3A_1554 : f32 to vector<16xf32>
        %broadcast_in_dim3A_1563 = vector.broadcast %jit3A_1561 : f32 to vector<16xf32>
        %select_n3A_1564 = arith.select %eq3A_10, %broadcast_in_dim3A_1562, %broadcast_in_dim3A_1563 : vector<16xi1>, vector<16xf32>
        %broadcast_in_dim3A_1565 = vector.broadcast %squeeze3A_1556 : f32 to vector<16xf32>
        %select_n3A_1566 = arith.select %eq3A_7, %broadcast_in_dim3A_1565, %select_n3A_1564 : vector<16xi1>, vector<16xf32>
        %jit3A_1567 = arith.constant 1.000000e+00 : f32
        %broadcast_in_dim3A_1568 = vector.broadcast %jit3A_1567 : f32 to vector<16xf32>
        %select_n3A_1569 = arith.select %eq3A_4, %broadcast_in_dim3A_1568, %select_n3A_1566 : vector<16xi1>, vector<16xf32>
        %swap3A_1570 = arith.index_cast %rem3A_589 : i32 to index
        %swap3A_1571 = arith.index_cast %add3A_1560 : i32 to index
        %swap3A_1572 = arith.constant 96 : index
        %swap3A_1573 = tpu.vector_load %arg12[%swap3A_1570, %swap3A_1571, %swap3A_1572] {strides = array<i32>} : memref<4x80x112xf32, #tpu.memory_space<vmem>>, vector<1x1x16xf32>,
        %swap3A_1574 = vector.shape_cast %swap3A_1573 : vector<1x1x16xf32> to vector<16xf32>
        %swap3A_1575 = vector.shape_cast %select_n3A_1569 : vector<16xf32> to vector<1x1x16xf32>
        tpu.vector_store %arg12[%swap3A_1570, %swap3A_1571, %swap3A_1572], %swap3A_1575 {strides = array<i32>} : memref<4x80x112xf32, #tpu.memory_space<vmem>>, vector<1x1x16xf32>,
        %get3A_1576 = arith.index_cast %rem3A_589 : i32 to index
        %get3A_1577 = arith.index_cast %add3A_1560 : i32 to index
        %get3A_1578 = arith.constant 0 : index
        %get3A_1579 = tpu.vector_load %arg11[%get3A_1576, %get3A_1577, %get3A_1578] {strides = array<i32>} : memref<4x80x32xf32, #tpu.memory_space<vmem>>, vector<1x1x16xf32>,
        %get3A_1580 = vector.shape_cast %get3A_1579 : vector<1x1x16xf32> to vector<16xf32>
        %swap3A_1581 = arith.index_cast %rem3A_589 : i32 to index
        %swap3A_1582 = arith.index_cast %add3A_1560 : i32 to index
        %swap3A_1583 = arith.constant 0 : index
        %swap3A_1584 = tpu.vector_load %arg12[%swap3A_1581, %swap3A_1582, %swap3A_1583] {strides = array<i32>} : memref<4x80x112xf32, #tpu.memory_space<vmem>>, vector<1x1x16xf32>,
        %swap3A_1585 = vector.shape_cast %swap3A_1584 : vector<1x1x16xf32> to vector<16xf32>
        %swap3A_1586 = vector.shape_cast %get3A_1580 : vector<16xf32> to vector<1x1x16xf32>
        tpu.vector_store %arg12[%swap3A_1581, %swap3A_1582, %swap3A_1583], %swap3A_1586 {strides = array<i32>} : memref<4x80x112xf32, #tpu.memory_space<vmem>>, vector<1x1x16xf32>,
        %mul3A_1587 = vector.broadcast %squeeze3A_1556 : f32 to vector<16xf32>
        %mul3A_1588 = arith.mulf %get3A_1580, %mul3A_1587 : vector<16xf32>
        %swap3A_1589 = arith.index_cast %rem3A_589 : i32 to index
        %swap3A_1590 = arith.index_cast %add3A_1560 : i32 to index
        %swap3A_1591 = arith.constant 32 : index
        %swap3A_1592 = tpu.vector_load %arg12[%swap3A_1589, %swap3A_1590, %swap3A_1591] {strides = array<i32>} : memref<4x80x112xf32, #tpu.memory_space<vmem>>, vector<1x1x16xf32>,
        %swap3A_1593 = vector.shape_cast %swap3A_1592 : vector<1x1x16xf32> to vector<16xf32>
        %swap3A_1594 = vector.shape_cast %mul3A_1588 : vector<16xf32> to vector<1x1x16xf32>
        tpu.vector_store %arg12[%swap3A_1589, %swap3A_1590, %swap3A_1591], %swap3A_1594 {strides = array<i32>} : memref<4x80x112xf32, #tpu.memory_space<vmem>>, vector<1x1x16xf32>,
        %mul3A_1595 = vector.broadcast %squeeze3A_1554 : f32 to vector<16xf32>
        %mul3A_1596 = arith.mulf %get3A_1580, %mul3A_1595 : vector<16xf32>
        %swap3A_1597 = arith.index_cast %rem3A_589 : i32 to index
        %swap3A_1598 = arith.index_cast %add3A_1560 : i32 to index
        %swap3A_1599 = arith.constant 64 : index
        %swap3A_1600 = tpu.vector_load %arg12[%swap3A_1597, %swap3A_1598, %swap3A_1599] {strides = array<i32>} : memref<4x80x112xf32, #tpu.memory_space<vmem>>, vector<1x1x16xf32>,
        %swap3A_1601 = vector.shape_cast %swap3A_1600 : vector<1x1x16xf32> to vector<16xf32>
        %swap3A_1602 = vector.shape_cast %mul3A_1596 : vector<16xf32> to vector<1x1x16xf32>
        tpu.vector_store %arg12[%swap3A_1597, %swap3A_1598, %swap3A_1599], %swap3A_1602 {strides = array<i32>} : memref<4x80x112xf32, #tpu.memory_space<vmem>>, vector<1x1x16xf32>,
        %get3A_1603 = arith.index_cast %rem3A_589 : i32 to index
        %get3A_1604 = arith.index_cast %add3A_1560 : i32 to index
        %get3A_1605 = arith.constant 16 : index
        %get3A_1606 = tpu.vector_load %arg11[%get3A_1603, %get3A_1604, %get3A_1605] {strides = array<i32>} : memref<4x80x32xf32, #tpu.memory_space<vmem>>, vector<1x1x16xf32>,
        %get3A_1607 = vector.shape_cast %get3A_1606 : vector<1x1x16xf32> to vector<16xf32>
        %swap3A_1608 = arith.index_cast %rem3A_589 : i32 to index
        %swap3A_1609 = arith.index_cast %add3A_1560 : i32 to index
        %swap3A_1610 = arith.constant 16 : index
        %swap3A_1611 = tpu.vector_load %arg12[%swap3A_1608, %swap3A_1609, %swap3A_1610] {strides = array<i32>} : memref<4x80x112xf32, #tpu.memory_space<vmem>>, vector<1x1x16xf32>,
        %swap3A_1612 = vector.shape_cast %swap3A_1611 : vector<1x1x16xf32> to vector<16xf32>
        %swap3A_1613 = vector.shape_cast %get3A_1607 : vector<16xf32> to vector<1x1x16xf32>
        tpu.vector_store %arg12[%swap3A_1608, %swap3A_1609, %swap3A_1610], %swap3A_1613 {strides = array<i32>} : memref<4x80x112xf32, #tpu.memory_space<vmem>>, vector<1x1x16xf32>,
        %mul3A_1614 = vector.broadcast %squeeze3A_1556 : f32 to vector<16xf32>
        %mul3A_1615 = arith.mulf %get3A_1607, %mul3A_1614 : vector<16xf32>
        %swap3A_1616 = arith.index_cast %rem3A_589 : i32 to index
        %swap3A_1617 = arith.index_cast %add3A_1560 : i32 to index
        %swap3A_1618 = arith.constant 48 : index
        %swap3A_1619 = tpu.vector_load %arg12[%swap3A_1616, %swap3A_1617, %swap3A_1618] {strides = array<i32>} : memref<4x80x112xf32, #tpu.memory_space<vmem>>, vector<1x1x16xf32>,
        %swap3A_1620 = vector.shape_cast %swap3A_1619 : vector<1x1x16xf32> to vector<16xf32>
        %swap3A_1621 = vector.shape_cast %mul3A_1615 : vector<16xf32> to vector<1x1x16xf32>
        tpu.vector_store %arg12[%swap3A_1616, %swap3A_1617, %swap3A_1618], %swap3A_1621 {strides = array<i32>} : memref<4x80x112xf32, #tpu.memory_space<vmem>>, vector<1x1x16xf32>,
        %mul3A_1622 = vector.broadcast %squeeze3A_1554 : f32 to vector<16xf32>
        %mul3A_1623 = arith.mulf %get3A_1607, %mul3A_1622 : vector<16xf32>
        %swap3A_1624 = arith.index_cast %rem3A_589 : i32 to index
        %swap3A_1625 = arith.index_cast %add3A_1560 : i32 to index
        %swap3A_1626 = arith.constant 80 : index
        %swap3A_1627 = tpu.vector_load %arg12[%swap3A_1624, %swap3A_1625, %swap3A_1626] {strides = array<i32>} : memref<4x80x112xf32, #tpu.memory_space<vmem>>, vector<1x1x16xf32>,
        %swap3A_1628 = vector.shape_cast %swap3A_1627 : vector<1x1x16xf32> to vector<16xf32>
        %swap3A_1629 = vector.shape_cast %mul3A_1623 : vector<16xf32> to vector<1x1x16xf32>
        tpu.vector_store %arg12[%swap3A_1624, %swap3A_1625, %swap3A_1626], %swap3A_1629 {strides = array<i32>} : memref<4x80x112xf32, #tpu.memory_space<vmem>>, vector<1x1x16xf32>,
        %slice3A_1630 = vector.extract_strided_slice %get3A_633 {offsets = [13], sizes = [1], strides = [1]} : vector<16xf32> to vector<1xf32>
        %squeeze3A_1631 = vector.extract %slice3A_1630[0] : f32 from vector<1xf32>
        %slice3A_1632 = vector.extract_strided_slice %abs3A {offsets = [13], sizes = [1], strides = [1]} : vector<16xf32> to vector<1xf32>
        %squeeze3A_1633 = vector.extract %slice3A_1632[0] : f32 from vector<1xf32>
        %mul3A_1634 = arith.constant 16 : i32
        %mul3A_1635 = arith.muli %mul3A_1634, %scan3A_626 : i32
        %add3A_1636 = arith.constant 13 : i32
        %add3A_1637 = arith.addi %mul3A_1635, %add3A_1636 : i32
        %jit3A_1638 = arith.constant 0.000000e+00 : f32
        %broadcast_in_dim3A_1639 = vector.broadcast %squeeze3A_1631 : f32 to vector<16xf32>
        %broadcast_in_dim3A_1640 = vector.broadcast %jit3A_1638 : f32 to vector<16xf32>
        %select_n3A_1641 = arith.select %eq3A_10, %broadcast_in_dim3A_1639, %broadcast_in_dim3A_1640 : vector<16xi1>, vector<16xf32>
        %broadcast_in_dim3A_1642 = vector.broadcast %squeeze3A_1633 : f32 to vector<16xf32>
        %select_n3A_1643 = arith.select %eq3A_7, %broadcast_in_dim3A_1642, %select_n3A_1641 : vector<16xi1>, vector<16xf32>
        %jit3A_1644 = arith.constant 1.000000e+00 : f32
        %broadcast_in_dim3A_1645 = vector.broadcast %jit3A_1644 : f32 to vector<16xf32>
        %select_n3A_1646 = arith.select %eq3A_4, %broadcast_in_dim3A_1645, %select_n3A_1643 : vector<16xi1>, vector<16xf32>
        %swap3A_1647 = arith.index_cast %rem3A_589 : i32 to index
        %swap3A_1648 = arith.index_cast %add3A_1637 : i32 to index
        %swap3A_1649 = arith.constant 96 : index
        %swap3A_1650 = tpu.vector_load %arg12[%swap3A_1647, %swap3A_1648, %swap3A_1649] {strides = array<i32>} : memref<4x80x112xf32, #tpu.memory_space<vmem>>, vector<1x1x16xf32>,
        %swap3A_1651 = vector.shape_cast %swap3A_1650 : vector<1x1x16xf32> to vector<16xf32>
        %swap3A_1652 = vector.shape_cast %select_n3A_1646 : vector<16xf32> to vector<1x1x16xf32>
        tpu.vector_store %arg12[%swap3A_1647, %swap3A_1648, %swap3A_1649], %swap3A_1652 {strides = array<i32>} : memref<4x80x112xf32, #tpu.memory_space<vmem>>, vector<1x1x16xf32>,
        %get3A_1653 = arith.index_cast %rem3A_589 : i32 to index
        %get3A_1654 = arith.index_cast %add3A_1637 : i32 to index
        %get3A_1655 = arith.constant 0 : index
        %get3A_1656 = tpu.vector_load %arg11[%get3A_1653, %get3A_1654, %get3A_1655] {strides = array<i32>} : memref<4x80x32xf32, #tpu.memory_space<vmem>>, vector<1x1x16xf32>,
        %get3A_1657 = vector.shape_cast %get3A_1656 : vector<1x1x16xf32> to vector<16xf32>
        %swap3A_1658 = arith.index_cast %rem3A_589 : i32 to index
        %swap3A_1659 = arith.index_cast %add3A_1637 : i32 to index
        %swap3A_1660 = arith.constant 0 : index
        %swap3A_1661 = tpu.vector_load %arg12[%swap3A_1658, %swap3A_1659, %swap3A_1660] {strides = array<i32>} : memref<4x80x112xf32, #tpu.memory_space<vmem>>, vector<1x1x16xf32>,
        %swap3A_1662 = vector.shape_cast %swap3A_1661 : vector<1x1x16xf32> to vector<16xf32>
        %swap3A_1663 = vector.shape_cast %get3A_1657 : vector<16xf32> to vector<1x1x16xf32>
        tpu.vector_store %arg12[%swap3A_1658, %swap3A_1659, %swap3A_1660], %swap3A_1663 {strides = array<i32>} : memref<4x80x112xf32, #tpu.memory_space<vmem>>, vector<1x1x16xf32>,
        %mul3A_1664 = vector.broadcast %squeeze3A_1633 : f32 to vector<16xf32>
        %mul3A_1665 = arith.mulf %get3A_1657, %mul3A_1664 : vector<16xf32>
        %swap3A_1666 = arith.index_cast %rem3A_589 : i32 to index
        %swap3A_1667 = arith.index_cast %add3A_1637 : i32 to index
        %swap3A_1668 = arith.constant 32 : index
        %swap3A_1669 = tpu.vector_load %arg12[%swap3A_1666, %swap3A_1667, %swap3A_1668] {strides = array<i32>} : memref<4x80x112xf32, #tpu.memory_space<vmem>>, vector<1x1x16xf32>,
        %swap3A_1670 = vector.shape_cast %swap3A_1669 : vector<1x1x16xf32> to vector<16xf32>
        %swap3A_1671 = vector.shape_cast %mul3A_1665 : vector<16xf32> to vector<1x1x16xf32>
        tpu.vector_store %arg12[%swap3A_1666, %swap3A_1667, %swap3A_1668], %swap3A_1671 {strides = array<i32>} : memref<4x80x112xf32, #tpu.memory_space<vmem>>, vector<1x1x16xf32>,
        %mul3A_1672 = vector.broadcast %squeeze3A_1631 : f32 to vector<16xf32>
        %mul3A_1673 = arith.mulf %get3A_1657, %mul3A_1672 : vector<16xf32>
        %swap3A_1674 = arith.index_cast %rem3A_589 : i32 to index
        %swap3A_1675 = arith.index_cast %add3A_1637 : i32 to index
        %swap3A_1676 = arith.constant 64 : index
        %swap3A_1677 = tpu.vector_load %arg12[%swap3A_1674, %swap3A_1675, %swap3A_1676] {strides = array<i32>} : memref<4x80x112xf32, #tpu.memory_space<vmem>>, vector<1x1x16xf32>,
        %swap3A_1678 = vector.shape_cast %swap3A_1677 : vector<1x1x16xf32> to vector<16xf32>
        %swap3A_1679 = vector.shape_cast %mul3A_1673 : vector<16xf32> to vector<1x1x16xf32>
        tpu.vector_store %arg12[%swap3A_1674, %swap3A_1675, %swap3A_1676], %swap3A_1679 {strides = array<i32>} : memref<4x80x112xf32, #tpu.memory_space<vmem>>, vector<1x1x16xf32>,
        %get3A_1680 = arith.index_cast %rem3A_589 : i32 to index
        %get3A_1681 = arith.index_cast %add3A_1637 : i32 to index
        %get3A_1682 = arith.constant 16 : index
        %get3A_1683 = tpu.vector_load %arg11[%get3A_1680, %get3A_1681, %get3A_1682] {strides = array<i32>} : memref<4x80x32xf32, #tpu.memory_space<vmem>>, vector<1x1x16xf32>,
        %get3A_1684 = vector.shape_cast %get3A_1683 : vector<1x1x16xf32> to vector<16xf32>
        %swap3A_1685 = arith.index_cast %rem3A_589 : i32 to index
        %swap3A_1686 = arith.index_cast %add3A_1637 : i32 to index
        %swap3A_1687 = arith.constant 16 : index
        %swap3A_1688 = tpu.vector_load %arg12[%swap3A_1685, %swap3A_1686, %swap3A_1687] {strides = array<i32>} : memref<4x80x112xf32, #tpu.memory_space<vmem>>, vector<1x1x16xf32>,
        %swap3A_1689 = vector.shape_cast %swap3A_1688 : vector<1x1x16xf32> to vector<16xf32>
        %swap3A_1690 = vector.shape_cast %get3A_1684 : vector<16xf32> to vector<1x1x16xf32>
        tpu.vector_store %arg12[%swap3A_1685, %swap3A_1686, %swap3A_1687], %swap3A_1690 {strides = array<i32>} : memref<4x80x112xf32, #tpu.memory_space<vmem>>, vector<1x1x16xf32>,
        %mul3A_1691 = vector.broadcast %squeeze3A_1633 : f32 to vector<16xf32>
        %mul3A_1692 = arith.mulf %get3A_1684, %mul3A_1691 : vector<16xf32>
        %swap3A_1693 = arith.index_cast %rem3A_589 : i32 to index
        %swap3A_1694 = arith.index_cast %add3A_1637 : i32 to index
        %swap3A_1695 = arith.constant 48 : index
        %swap3A_1696 = tpu.vector_load %arg12[%swap3A_1693, %swap3A_1694, %swap3A_1695] {strides = array<i32>} : memref<4x80x112xf32, #tpu.memory_space<vmem>>, vector<1x1x16xf32>,
        %swap3A_1697 = vector.shape_cast %swap3A_1696 : vector<1x1x16xf32> to vector<16xf32>
        %swap3A_1698 = vector.shape_cast %mul3A_1692 : vector<16xf32> to vector<1x1x16xf32>
        tpu.vector_store %arg12[%swap3A_1693, %swap3A_1694, %swap3A_1695], %swap3A_1698 {strides = array<i32>} : memref<4x80x112xf32, #tpu.memory_space<vmem>>, vector<1x1x16xf32>,
        %mul3A_1699 = vector.broadcast %squeeze3A_1631 : f32 to vector<16xf32>
        %mul3A_1700 = arith.mulf %get3A_1684, %mul3A_1699 : vector<16xf32>
        %swap3A_1701 = arith.index_cast %rem3A_589 : i32 to index
        %swap3A_1702 = arith.index_cast %add3A_1637 : i32 to index
        %swap3A_1703 = arith.constant 80 : index
        %swap3A_1704 = tpu.vector_load %arg12[%swap3A_1701, %swap3A_1702, %swap3A_1703] {strides = array<i32>} : memref<4x80x112xf32, #tpu.memory_space<vmem>>, vector<1x1x16xf32>,
        %swap3A_1705 = vector.shape_cast %swap3A_1704 : vector<1x1x16xf32> to vector<16xf32>
        %swap3A_1706 = vector.shape_cast %mul3A_1700 : vector<16xf32> to vector<1x1x16xf32>
        tpu.vector_store %arg12[%swap3A_1701, %swap3A_1702, %swap3A_1703], %swap3A_1706 {strides = array<i32>} : memref<4x80x112xf32, #tpu.memory_space<vmem>>, vector<1x1x16xf32>,
        %slice3A_1707 = vector.extract_strided_slice %get3A_633 {offsets = [14], sizes = [1], strides = [1]} : vector<16xf32> to vector<1xf32>
        %squeeze3A_1708 = vector.extract %slice3A_1707[0] : f32 from vector<1xf32>
        %slice3A_1709 = vector.extract_strided_slice %abs3A {offsets = [14], sizes = [1], strides = [1]} : vector<16xf32> to vector<1xf32>
        %squeeze3A_1710 = vector.extract %slice3A_1709[0] : f32 from vector<1xf32>
        %mul3A_1711 = arith.constant 16 : i32
        %mul3A_1712 = arith.muli %mul3A_1711, %scan3A_626 : i32
        %add3A_1713 = arith.constant 14 : i32
        %add3A_1714 = arith.addi %mul3A_1712, %add3A_1713 : i32
        %jit3A_1715 = arith.constant 0.000000e+00 : f32
        %broadcast_in_dim3A_1716 = vector.broadcast %squeeze3A_1708 : f32 to vector<16xf32>
        %broadcast_in_dim3A_1717 = vector.broadcast %jit3A_1715 : f32 to vector<16xf32>
        %select_n3A_1718 = arith.select %eq3A_10, %broadcast_in_dim3A_1716, %broadcast_in_dim3A_1717 : vector<16xi1>, vector<16xf32>
        %broadcast_in_dim3A_1719 = vector.broadcast %squeeze3A_1710 : f32 to vector<16xf32>
        %select_n3A_1720 = arith.select %eq3A_7, %broadcast_in_dim3A_1719, %select_n3A_1718 : vector<16xi1>, vector<16xf32>
        %jit3A_1721 = arith.constant 1.000000e+00 : f32
        %broadcast_in_dim3A_1722 = vector.broadcast %jit3A_1721 : f32 to vector<16xf32>
        %select_n3A_1723 = arith.select %eq3A_4, %broadcast_in_dim3A_1722, %select_n3A_1720 : vector<16xi1>, vector<16xf32>
        %swap3A_1724 = arith.index_cast %rem3A_589 : i32 to index
        %swap3A_1725 = arith.index_cast %add3A_1714 : i32 to index
        %swap3A_1726 = arith.constant 96 : index
        %swap3A_1727 = tpu.vector_load %arg12[%swap3A_1724, %swap3A_1725, %swap3A_1726] {strides = array<i32>} : memref<4x80x112xf32, #tpu.memory_space<vmem>>, vector<1x1x16xf32>,
        %swap3A_1728 = vector.shape_cast %swap3A_1727 : vector<1x1x16xf32> to vector<16xf32>
        %swap3A_1729 = vector.shape_cast %select_n3A_1723 : vector<16xf32> to vector<1x1x16xf32>
        tpu.vector_store %arg12[%swap3A_1724, %swap3A_1725, %swap3A_1726], %swap3A_1729 {strides = array<i32>} : memref<4x80x112xf32, #tpu.memory_space<vmem>>, vector<1x1x16xf32>,
        %get3A_1730 = arith.index_cast %rem3A_589 : i32 to index
        %get3A_1731 = arith.index_cast %add3A_1714 : i32 to index
        %get3A_1732 = arith.constant 0 : index
        %get3A_1733 = tpu.vector_load %arg11[%get3A_1730, %get3A_1731, %get3A_1732] {strides = array<i32>} : memref<4x80x32xf32, #tpu.memory_space<vmem>>, vector<1x1x16xf32>,
        %get3A_1734 = vector.shape_cast %get3A_1733 : vector<1x1x16xf32> to vector<16xf32>
        %swap3A_1735 = arith.index_cast %rem3A_589 : i32 to index
        %swap3A_1736 = arith.index_cast %add3A_1714 : i32 to index
        %swap3A_1737 = arith.constant 0 : index
        %swap3A_1738 = tpu.vector_load %arg12[%swap3A_1735, %swap3A_1736, %swap3A_1737] {strides = array<i32>} : memref<4x80x112xf32, #tpu.memory_space<vmem>>, vector<1x1x16xf32>,
        %swap3A_1739 = vector.shape_cast %swap3A_1738 : vector<1x1x16xf32> to vector<16xf32>
        %swap3A_1740 = vector.shape_cast %get3A_1734 : vector<16xf32> to vector<1x1x16xf32>
        tpu.vector_store %arg12[%swap3A_1735, %swap3A_1736, %swap3A_1737], %swap3A_1740 {strides = array<i32>} : memref<4x80x112xf32, #tpu.memory_space<vmem>>, vector<1x1x16xf32>,
        %mul3A_1741 = vector.broadcast %squeeze3A_1710 : f32 to vector<16xf32>
        %mul3A_1742 = arith.mulf %get3A_1734, %mul3A_1741 : vector<16xf32>
        %swap3A_1743 = arith.index_cast %rem3A_589 : i32 to index
        %swap3A_1744 = arith.index_cast %add3A_1714 : i32 to index
        %swap3A_1745 = arith.constant 32 : index
        %swap3A_1746 = tpu.vector_load %arg12[%swap3A_1743, %swap3A_1744, %swap3A_1745] {strides = array<i32>} : memref<4x80x112xf32, #tpu.memory_space<vmem>>, vector<1x1x16xf32>,
        %swap3A_1747 = vector.shape_cast %swap3A_1746 : vector<1x1x16xf32> to vector<16xf32>
        %swap3A_1748 = vector.shape_cast %mul3A_1742 : vector<16xf32> to vector<1x1x16xf32>
        tpu.vector_store %arg12[%swap3A_1743, %swap3A_1744, %swap3A_1745], %swap3A_1748 {strides = array<i32>} : memref<4x80x112xf32, #tpu.memory_space<vmem>>, vector<1x1x16xf32>,
        %mul3A_1749 = vector.broadcast %squeeze3A_1708 : f32 to vector<16xf32>
        %mul3A_1750 = arith.mulf %get3A_1734, %mul3A_1749 : vector<16xf32>
        %swap3A_1751 = arith.index_cast %rem3A_589 : i32 to index
        %swap3A_1752 = arith.index_cast %add3A_1714 : i32 to index
        %swap3A_1753 = arith.constant 64 : index
        %swap3A_1754 = tpu.vector_load %arg12[%swap3A_1751, %swap3A_1752, %swap3A_1753] {strides = array<i32>} : memref<4x80x112xf32, #tpu.memory_space<vmem>>, vector<1x1x16xf32>,
        %swap3A_1755 = vector.shape_cast %swap3A_1754 : vector<1x1x16xf32> to vector<16xf32>
        %swap3A_1756 = vector.shape_cast %mul3A_1750 : vector<16xf32> to vector<1x1x16xf32>
        tpu.vector_store %arg12[%swap3A_1751, %swap3A_1752, %swap3A_1753], %swap3A_1756 {strides = array<i32>} : memref<4x80x112xf32, #tpu.memory_space<vmem>>, vector<1x1x16xf32>,
        %get3A_1757 = arith.index_cast %rem3A_589 : i32 to index
        %get3A_1758 = arith.index_cast %add3A_1714 : i32 to index
        %get3A_1759 = arith.constant 16 : index
        %get3A_1760 = tpu.vector_load %arg11[%get3A_1757, %get3A_1758, %get3A_1759] {strides = array<i32>} : memref<4x80x32xf32, #tpu.memory_space<vmem>>, vector<1x1x16xf32>,
        %get3A_1761 = vector.shape_cast %get3A_1760 : vector<1x1x16xf32> to vector<16xf32>
        %swap3A_1762 = arith.index_cast %rem3A_589 : i32 to index
        %swap3A_1763 = arith.index_cast %add3A_1714 : i32 to index
        %swap3A_1764 = arith.constant 16 : index
        %swap3A_1765 = tpu.vector_load %arg12[%swap3A_1762, %swap3A_1763, %swap3A_1764] {strides = array<i32>} : memref<4x80x112xf32, #tpu.memory_space<vmem>>, vector<1x1x16xf32>,
        %swap3A_1766 = vector.shape_cast %swap3A_1765 : vector<1x1x16xf32> to vector<16xf32>
        %swap3A_1767 = vector.shape_cast %get3A_1761 : vector<16xf32> to vector<1x1x16xf32>
        tpu.vector_store %arg12[%swap3A_1762, %swap3A_1763, %swap3A_1764], %swap3A_1767 {strides = array<i32>} : memref<4x80x112xf32, #tpu.memory_space<vmem>>, vector<1x1x16xf32>,
        %mul3A_1768 = vector.broadcast %squeeze3A_1710 : f32 to vector<16xf32>
        %mul3A_1769 = arith.mulf %get3A_1761, %mul3A_1768 : vector<16xf32>
        %swap3A_1770 = arith.index_cast %rem3A_589 : i32 to index
        %swap3A_1771 = arith.index_cast %add3A_1714 : i32 to index
        %swap3A_1772 = arith.constant 48 : index
        %swap3A_1773 = tpu.vector_load %arg12[%swap3A_1770, %swap3A_1771, %swap3A_1772] {strides = array<i32>} : memref<4x80x112xf32, #tpu.memory_space<vmem>>, vector<1x1x16xf32>,
        %swap3A_1774 = vector.shape_cast %swap3A_1773 : vector<1x1x16xf32> to vector<16xf32>
        %swap3A_1775 = vector.shape_cast %mul3A_1769 : vector<16xf32> to vector<1x1x16xf32>
        tpu.vector_store %arg12[%swap3A_1770, %swap3A_1771, %swap3A_1772], %swap3A_1775 {strides = array<i32>} : memref<4x80x112xf32, #tpu.memory_space<vmem>>, vector<1x1x16xf32>,
        %mul3A_1776 = vector.broadcast %squeeze3A_1708 : f32 to vector<16xf32>
        %mul3A_1777 = arith.mulf %get3A_1761, %mul3A_1776 : vector<16xf32>
        %swap3A_1778 = arith.index_cast %rem3A_589 : i32 to index
        %swap3A_1779 = arith.index_cast %add3A_1714 : i32 to index
        %swap3A_1780 = arith.constant 80 : index
        %swap3A_1781 = tpu.vector_load %arg12[%swap3A_1778, %swap3A_1779, %swap3A_1780] {strides = array<i32>} : memref<4x80x112xf32, #tpu.memory_space<vmem>>, vector<1x1x16xf32>,
        %swap3A_1782 = vector.shape_cast %swap3A_1781 : vector<1x1x16xf32> to vector<16xf32>
        %swap3A_1783 = vector.shape_cast %mul3A_1777 : vector<16xf32> to vector<1x1x16xf32>
        tpu.vector_store %arg12[%swap3A_1778, %swap3A_1779, %swap3A_1780], %swap3A_1783 {strides = array<i32>} : memref<4x80x112xf32, #tpu.memory_space<vmem>>, vector<1x1x16xf32>,
        %slice3A_1784 = vector.extract_strided_slice %get3A_633 {offsets = [15], sizes = [1], strides = [1]} : vector<16xf32> to vector<1xf32>
        %squeeze3A_1785 = vector.extract %slice3A_1784[0] : f32 from vector<1xf32>
        %slice3A_1786 = vector.extract_strided_slice %abs3A {offsets = [15], sizes = [1], strides = [1]} : vector<16xf32> to vector<1xf32>
        %squeeze3A_1787 = vector.extract %slice3A_1786[0] : f32 from vector<1xf32>
        %mul3A_1788 = arith.constant 16 : i32
        %mul3A_1789 = arith.muli %mul3A_1788, %scan3A_626 : i32
        %add3A_1790 = arith.constant 15 : i32
        %add3A_1791 = arith.addi %mul3A_1789, %add3A_1790 : i32
        %jit3A_1792 = arith.constant 0.000000e+00 : f32
        %broadcast_in_dim3A_1793 = vector.broadcast %squeeze3A_1785 : f32 to vector<16xf32>
        %broadcast_in_dim3A_1794 = vector.broadcast %jit3A_1792 : f32 to vector<16xf32>
        %select_n3A_1795 = arith.select %eq3A_10, %broadcast_in_dim3A_1793, %broadcast_in_dim3A_1794 : vector<16xi1>, vector<16xf32>
        %broadcast_in_dim3A_1796 = vector.broadcast %squeeze3A_1787 : f32 to vector<16xf32>
        %select_n3A_1797 = arith.select %eq3A_7, %broadcast_in_dim3A_1796, %select_n3A_1795 : vector<16xi1>, vector<16xf32>
        %jit3A_1798 = arith.constant 1.000000e+00 : f32
        %broadcast_in_dim3A_1799 = vector.broadcast %jit3A_1798 : f32 to vector<16xf32>
        %select_n3A_1800 = arith.select %eq3A_4, %broadcast_in_dim3A_1799, %select_n3A_1797 : vector<16xi1>, vector<16xf32>
        %swap3A_1801 = arith.index_cast %rem3A_589 : i32 to index
        %swap3A_1802 = arith.index_cast %add3A_1791 : i32 to index
        %swap3A_1803 = arith.constant 96 : index
        %swap3A_1804 = tpu.vector_load %arg12[%swap3A_1801, %swap3A_1802, %swap3A_1803] {strides = array<i32>} : memref<4x80x112xf32, #tpu.memory_space<vmem>>, vector<1x1x16xf32>,
        %swap3A_1805 = vector.shape_cast %swap3A_1804 : vector<1x1x16xf32> to vector<16xf32>
        %swap3A_1806 = vector.shape_cast %select_n3A_1800 : vector<16xf32> to vector<1x1x16xf32>
        tpu.vector_store %arg12[%swap3A_1801, %swap3A_1802, %swap3A_1803], %swap3A_1806 {strides = array<i32>} : memref<4x80x112xf32, #tpu.memory_space<vmem>>, vector<1x1x16xf32>,
        %get3A_1807 = arith.index_cast %rem3A_589 : i32 to index
        %get3A_1808 = arith.index_cast %add3A_1791 : i32 to index
        %get3A_1809 = arith.constant 0 : index
        %get3A_1810 = tpu.vector_load %arg11[%get3A_1807, %get3A_1808, %get3A_1809] {strides = array<i32>} : memref<4x80x32xf32, #tpu.memory_space<vmem>>, vector<1x1x16xf32>,
        %get3A_1811 = vector.shape_cast %get3A_1810 : vector<1x1x16xf32> to vector<16xf32>
        %swap3A_1812 = arith.index_cast %rem3A_589 : i32 to index
        %swap3A_1813 = arith.index_cast %add3A_1791 : i32 to index
        %swap3A_1814 = arith.constant 0 : index
        %swap3A_1815 = tpu.vector_load %arg12[%swap3A_1812, %swap3A_1813, %swap3A_1814] {strides = array<i32>} : memref<4x80x112xf32, #tpu.memory_space<vmem>>, vector<1x1x16xf32>,
        %swap3A_1816 = vector.shape_cast %swap3A_1815 : vector<1x1x16xf32> to vector<16xf32>
        %swap3A_1817 = vector.shape_cast %get3A_1811 : vector<16xf32> to vector<1x1x16xf32>
        tpu.vector_store %arg12[%swap3A_1812, %swap3A_1813, %swap3A_1814], %swap3A_1817 {strides = array<i32>} : memref<4x80x112xf32, #tpu.memory_space<vmem>>, vector<1x1x16xf32>,
        %mul3A_1818 = vector.broadcast %squeeze3A_1787 : f32 to vector<16xf32>
        %mul3A_1819 = arith.mulf %get3A_1811, %mul3A_1818 : vector<16xf32>
        %swap3A_1820 = arith.index_cast %rem3A_589 : i32 to index
        %swap3A_1821 = arith.index_cast %add3A_1791 : i32 to index
        %swap3A_1822 = arith.constant 32 : index
        %swap3A_1823 = tpu.vector_load %arg12[%swap3A_1820, %swap3A_1821, %swap3A_1822] {strides = array<i32>} : memref<4x80x112xf32, #tpu.memory_space<vmem>>, vector<1x1x16xf32>,
        %swap3A_1824 = vector.shape_cast %swap3A_1823 : vector<1x1x16xf32> to vector<16xf32>
        %swap3A_1825 = vector.shape_cast %mul3A_1819 : vector<16xf32> to vector<1x1x16xf32>
        tpu.vector_store %arg12[%swap3A_1820, %swap3A_1821, %swap3A_1822], %swap3A_1825 {strides = array<i32>} : memref<4x80x112xf32, #tpu.memory_space<vmem>>, vector<1x1x16xf32>,
        %mul3A_1826 = vector.broadcast %squeeze3A_1785 : f32 to vector<16xf32>
        %mul3A_1827 = arith.mulf %get3A_1811, %mul3A_1826 : vector<16xf32>
        %swap3A_1828 = arith.index_cast %rem3A_589 : i32 to index
        %swap3A_1829 = arith.index_cast %add3A_1791 : i32 to index
        %swap3A_1830 = arith.constant 64 : index
        %swap3A_1831 = tpu.vector_load %arg12[%swap3A_1828, %swap3A_1829, %swap3A_1830] {strides = array<i32>} : memref<4x80x112xf32, #tpu.memory_space<vmem>>, vector<1x1x16xf32>,
        %swap3A_1832 = vector.shape_cast %swap3A_1831 : vector<1x1x16xf32> to vector<16xf32>
        %swap3A_1833 = vector.shape_cast %mul3A_1827 : vector<16xf32> to vector<1x1x16xf32>
        tpu.vector_store %arg12[%swap3A_1828, %swap3A_1829, %swap3A_1830], %swap3A_1833 {strides = array<i32>} : memref<4x80x112xf32, #tpu.memory_space<vmem>>, vector<1x1x16xf32>,
        %get3A_1834 = arith.index_cast %rem3A_589 : i32 to index
        %get3A_1835 = arith.index_cast %add3A_1791 : i32 to index
        %get3A_1836 = arith.constant 16 : index
        %get3A_1837 = tpu.vector_load %arg11[%get3A_1834, %get3A_1835, %get3A_1836] {strides = array<i32>} : memref<4x80x32xf32, #tpu.memory_space<vmem>>, vector<1x1x16xf32>,
        %get3A_1838 = vector.shape_cast %get3A_1837 : vector<1x1x16xf32> to vector<16xf32>
        %swap3A_1839 = arith.index_cast %rem3A_589 : i32 to index
        %swap3A_1840 = arith.index_cast %add3A_1791 : i32 to index
        %swap3A_1841 = arith.constant 16 : index
        %swap3A_1842 = tpu.vector_load %arg12[%swap3A_1839, %swap3A_1840, %swap3A_1841] {strides = array<i32>} : memref<4x80x112xf32, #tpu.memory_space<vmem>>, vector<1x1x16xf32>,
        %swap3A_1843 = vector.shape_cast %swap3A_1842 : vector<1x1x16xf32> to vector<16xf32>
        %swap3A_1844 = vector.shape_cast %get3A_1838 : vector<16xf32> to vector<1x1x16xf32>
        tpu.vector_store %arg12[%swap3A_1839, %swap3A_1840, %swap3A_1841], %swap3A_1844 {strides = array<i32>} : memref<4x80x112xf32, #tpu.memory_space<vmem>>, vector<1x1x16xf32>,
        %mul3A_1845 = vector.broadcast %squeeze3A_1787 : f32 to vector<16xf32>
        %mul3A_1846 = arith.mulf %get3A_1838, %mul3A_1845 : vector<16xf32>
        %swap3A_1847 = arith.index_cast %rem3A_589 : i32 to index
        %swap3A_1848 = arith.index_cast %add3A_1791 : i32 to index
        %swap3A_1849 = arith.constant 48 : index
        %swap3A_1850 = tpu.vector_load %arg12[%swap3A_1847, %swap3A_1848, %swap3A_1849] {strides = array<i32>} : memref<4x80x112xf32, #tpu.memory_space<vmem>>, vector<1x1x16xf32>,
        %swap3A_1851 = vector.shape_cast %swap3A_1850 : vector<1x1x16xf32> to vector<16xf32>
        %swap3A_1852 = vector.shape_cast %mul3A_1846 : vector<16xf32> to vector<1x1x16xf32>
        tpu.vector_store %arg12[%swap3A_1847, %swap3A_1848, %swap3A_1849], %swap3A_1852 {strides = array<i32>} : memref<4x80x112xf32, #tpu.memory_space<vmem>>, vector<1x1x16xf32>,
        %mul3A_1853 = vector.broadcast %squeeze3A_1785 : f32 to vector<16xf32>
        %mul3A_1854 = arith.mulf %get3A_1838, %mul3A_1853 : vector<16xf32>
        %swap3A_1855 = arith.index_cast %rem3A_589 : i32 to index
        %swap3A_1856 = arith.index_cast %add3A_1791 : i32 to index
        %swap3A_1857 = arith.constant 80 : index
        %swap3A_1858 = tpu.vector_load %arg12[%swap3A_1855, %swap3A_1856, %swap3A_1857] {strides = array<i32>} : memref<4x80x112xf32, #tpu.memory_space<vmem>>, vector<1x1x16xf32>,
        %swap3A_1859 = vector.shape_cast %swap3A_1858 : vector<1x1x16xf32> to vector<16xf32>
        %swap3A_1860 = vector.shape_cast %mul3A_1854 : vector<16xf32> to vector<1x1x16xf32>
        tpu.vector_store %arg12[%swap3A_1855, %swap3A_1856, %swap3A_1857], %swap3A_1860 {strides = array<i32>} : memref<4x80x112xf32, #tpu.memory_space<vmem>>, vector<1x1x16xf32>,
        %scan3A_1861 = arith.constant 0 : i32
        scf.yield %scan3A_1861 : i32
      }
      %scan3A_612 = arith.constant 5 : i32
      %dma_start3A_613 = arith.constant 0 : i32
      %dma_start3A_614 = arith.constant 0 : i32
      %dma_start3A_615 = tpu.memref_slice %arg12[%rem3A_589, %dma_start3A_613, %dma_start3A_614] : memref<4x80x112xf32, #tpu.memory_space<vmem>> -> memref<1x80x112xf32, #tpu.memory_space<vmem>>
      %dma_start3A_616 = tpu.memref_squeeze %dma_start3A_615 : memref<1x80x112xf32, #tpu.memory_space<vmem>> -> memref<80x112xf32, #tpu.memory_space<vmem>>
      %dma_start3A_617 = arith.constant 0 : i32
      %dma_start3A_618 = tpu.memref_slice %arg9[%rem3A_589, %dma_start3A_617] : memref<4x80xi32, #tpu.memory_space<vmem>> -> memref<1x80xi32, #tpu.memory_space<vmem>>
      %dma_start3A_619 = tpu.memref_squeeze %dma_start3A_618 : memref<1x80xi32, #tpu.memory_space<vmem>> -> memref<80xi32, #tpu.memory_space<vmem>>
      %dma_start3A_620 = arith.constant 0 : i32
      %dma_start3A_621 = arith.constant 0 : i32
      %dma_start3A_622 = tpu.memref_slice %arg13[%dma_start3A_620, %dma_start3A_621] : memref<10000x112xf32, #tpu.memory_space<vmem_shared>> -> memref<10000x112xf32, #tpu.memory_space<vmem_shared>>
      %dma_start3A_623 = tpu.memref_slice %arg16[%rem3A_589] : memref<4x!tpu.dma_semaphore, #tpu.memory_space<semaphore_mem>> -> memref<1x!tpu.dma_semaphore, #tpu.memory_space<semaphore_mem>>
      %dma_start3A_624 = tpu.memref_squeeze %dma_start3A_623 : memref<1x!tpu.dma_semaphore, #tpu.memory_space<semaphore_mem>> -> memref<!tpu.dma_semaphore, #tpu.memory_space<semaphore_mem>>
      tpu.enqueue_indirect_dma source(%dma_start3A_616 : memref<80x112xf32, #tpu.memory_space<vmem>>) target(%dma_start3A_622 : memref<10000x112xf32, #tpu.memory_space<vmem_shared>>) offsets(%dma_start3A_619 : memref<80xi32, #tpu.memory_space<vmem>>) semaphore(%dma_start3A_624 : memref<!tpu.dma_semaphore, #tpu.memory_space<semaphore_mem>>) {add = true}
      %scan3A_625 = arith.constant 0 : i32
      scf.yield %scan3A_625 : i32
    }
    %scan3A_199 = arith.constant 250 : i32
    %dma_wait3A_200 = arith.constant 2 : i32
    %dma_wait3A_201 = arith.constant 2 : i32
    %dma_wait3A_202 = arith.constant 0 : i32
    %dma_wait3A_203 = arith.constant 0 : i32
    %dma_wait3A_204 = tpu.memref_slice %arg12[%dma_wait3A_200, %dma_wait3A_202, %dma_wait3A_203] : memref<4x80x112xf32, #tpu.memory_space<vmem>> -> memref<1x80x112xf32, #tpu.memory_space<vmem>>
    %dma_wait3A_205 = tpu.memref_squeeze %dma_wait3A_204 : memref<1x80x112xf32, #tpu.memory_space<vmem>> -> memref<80x112xf32, #tpu.memory_space<vmem>>
    %dma_wait3A_206 = arith.constant 0 : i32
    %dma_wait3A_207 = arith.constant 0 : i32
    %dma_wait3A_208 = tpu.memref_slice %arg6[%dma_wait3A_206, %dma_wait3A_207] : memref<10000x112xf32, #tpu.memory_space<hbm>> -> memref<80x112xf32, #tpu.memory_space<hbm>>
    %dma_wait3A_209 = tpu.memref_slice %arg16[%dma_wait3A_201] : memref<4x!tpu.dma_semaphore, #tpu.memory_space<semaphore_mem>> -> memref<1x!tpu.dma_semaphore, #tpu.memory_space<semaphore_mem>>
    %dma_wait3A_210 = tpu.memref_squeeze %dma_wait3A_209 : memref<1x!tpu.dma_semaphore, #tpu.memory_space<semaphore_mem>> -> memref<!tpu.dma_semaphore, #tpu.memory_space<semaphore_mem>>
    %dma_wait3A_211 = arith.constant 0 : i32
    %dma_wait3A_212 = arith.constant 0 : i32
    %dma_wait3A_213 = tpu.memref_slice %arg12[%dma_wait3A_200, %dma_wait3A_211, %dma_wait3A_212] : memref<4x80x112xf32, #tpu.memory_space<vmem>> -> memref<1x80x112xf32, #tpu.memory_space<vmem>>
    %dma_wait3A_214 = tpu.memref_squeeze %dma_wait3A_213 : memref<1x80x112xf32, #tpu.memory_space<vmem>> -> memref<80x112xf32, #tpu.memory_space<vmem>>
    %dma_wait3A_215 = arith.constant 0 : i32
    %dma_wait3A_216 = arith.constant 0 : i32
    %dma_wait3A_217 = tpu.memref_slice %arg6[%dma_wait3A_215, %dma_wait3A_216] : memref<10000x112xf32, #tpu.memory_space<hbm>> -> memref<80x112xf32, #tpu.memory_space<hbm>>
    tpu.wait_dma2 semaphore(%dma_wait3A_210 : memref<!tpu.dma_semaphore, #tpu.memory_space<semaphore_mem>>) src(%dma_wait3A_217 : memref<80x112xf32, #tpu.memory_space<hbm>>) dst(%dma_wait3A_214 : memref<80x112xf32, #tpu.memory_space<vmem>>)
    %dma_wait3A_218 = arith.constant 3 : i32
    %dma_wait3A_219 = arith.constant 3 : i32
    %dma_wait3A_220 = arith.constant 0 : i32
    %dma_wait3A_221 = arith.constant 0 : i32
    %dma_wait3A_222 = tpu.memref_slice %arg12[%dma_wait3A_218, %dma_wait3A_220, %dma_wait3A_221] : memref<4x80x112xf32, #tpu.memory_space<vmem>> -> memref<1x80x112xf32, #tpu.memory_space<vmem>>
    %dma_wait3A_223 = tpu.memref_squeeze %dma_wait3A_222 : memref<1x80x112xf32, #tpu.memory_space<vmem>> -> memref<80x112xf32, #tpu.memory_space<vmem>>
    %dma_wait3A_224 = arith.constant 0 : i32
    %dma_wait3A_225 = arith.constant 0 : i32
    %dma_wait3A_226 = tpu.memref_slice %arg6[%dma_wait3A_224, %dma_wait3A_225] : memref<10000x112xf32, #tpu.memory_space<hbm>> -> memref<80x112xf32, #tpu.memory_space<hbm>>
    %dma_wait3A_227 = tpu.memref_slice %arg16[%dma_wait3A_219] : memref<4x!tpu.dma_semaphore, #tpu.memory_space<semaphore_mem>> -> memref<1x!tpu.dma_semaphore, #tpu.memory_space<semaphore_mem>>
    %dma_wait3A_228 = tpu.memref_squeeze %dma_wait3A_227 : memref<1x!tpu.dma_semaphore, #tpu.memory_space<semaphore_mem>> -> memref<!tpu.dma_semaphore, #tpu.memory_space<semaphore_mem>>
    %dma_wait3A_229 = arith.constant 0 : i32
    %dma_wait3A_230 = arith.constant 0 : i32
    %dma_wait3A_231 = tpu.memref_slice %arg12[%dma_wait3A_218, %dma_wait3A_229, %dma_wait3A_230] : memref<4x80x112xf32, #tpu.memory_space<vmem>> -> memref<1x80x112xf32, #tpu.memory_space<vmem>>
    %dma_wait3A_232 = tpu.memref_squeeze %dma_wait3A_231 : memref<1x80x112xf32, #tpu.memory_space<vmem>> -> memref<80x112xf32, #tpu.memory_space<vmem>>
    %dma_wait3A_233 = arith.constant 0 : i32
    %dma_wait3A_234 = arith.constant 0 : i32
    %dma_wait3A_235 = tpu.memref_slice %arg6[%dma_wait3A_233, %dma_wait3A_234] : memref<10000x112xf32, #tpu.memory_space<hbm>> -> memref<80x112xf32, #tpu.memory_space<hbm>>
    tpu.wait_dma2 semaphore(%dma_wait3A_228 : memref<!tpu.dma_semaphore, #tpu.memory_space<semaphore_mem>>) src(%dma_wait3A_235 : memref<80x112xf32, #tpu.memory_space<hbm>>) dst(%dma_wait3A_232 : memref<80x112xf32, #tpu.memory_space<vmem>>)
    %dma_wait3A_236 = arith.constant 0 : i32
    %dma_wait3A_237 = arith.constant 0 : i32
    %dma_wait3A_238 = arith.constant 0 : i32
    %dma_wait3A_239 = arith.constant 0 : i32
    %dma_wait3A_240 = tpu.memref_slice %arg12[%dma_wait3A_236, %dma_wait3A_238, %dma_wait3A_239] : memref<4x80x112xf32, #tpu.memory_space<vmem>> -> memref<1x80x112xf32, #tpu.memory_space<vmem>>
    %dma_wait3A_241 = tpu.memref_squeeze %dma_wait3A_240 : memref<1x80x112xf32, #tpu.memory_space<vmem>> -> memref<80x112xf32, #tpu.memory_space<vmem>>
    %dma_wait3A_242 = arith.constant 0 : i32
    %dma_wait3A_243 = arith.constant 0 : i32
    %dma_wait3A_244 = tpu.memref_slice %arg6[%dma_wait3A_242, %dma_wait3A_243] : memref<10000x112xf32, #tpu.memory_space<hbm>> -> memref<80x112xf32, #tpu.memory_space<hbm>>
    %dma_wait3A_245 = tpu.memref_slice %arg16[%dma_wait3A_237] : memref<4x!tpu.dma_semaphore, #tpu.memory_space<semaphore_mem>> -> memref<1x!tpu.dma_semaphore, #tpu.memory_space<semaphore_mem>>
    %dma_wait3A_246 = tpu.memref_squeeze %dma_wait3A_245 : memref<1x!tpu.dma_semaphore, #tpu.memory_space<semaphore_mem>> -> memref<!tpu.dma_semaphore, #tpu.memory_space<semaphore_mem>>
    %dma_wait3A_247 = arith.constant 0 : i32
    %dma_wait3A_248 = arith.constant 0 : i32
    %dma_wait3A_249 = tpu.memref_slice %arg12[%dma_wait3A_236, %dma_wait3A_247, %dma_wait3A_248] : memref<4x80x112xf32, #tpu.memory_space<vmem>> -> memref<1x80x112xf32, #tpu.memory_space<vmem>>
    %dma_wait3A_250 = tpu.memref_squeeze %dma_wait3A_249 : memref<1x80x112xf32, #tpu.memory_space<vmem>> -> memref<80x112xf32, #tpu.memory_space<vmem>>
    %dma_wait3A_251 = arith.constant 0 : i32
    %dma_wait3A_252 = arith.constant 0 : i32
    %dma_wait3A_253 = tpu.memref_slice %arg6[%dma_wait3A_251, %dma_wait3A_252] : memref<10000x112xf32, #tpu.memory_space<hbm>> -> memref<80x112xf32, #tpu.memory_space<hbm>>
    tpu.wait_dma2 semaphore(%dma_wait3A_246 : memref<!tpu.dma_semaphore, #tpu.memory_space<semaphore_mem>>) src(%dma_wait3A_253 : memref<80x112xf32, #tpu.memory_space<hbm>>) dst(%dma_wait3A_250 : memref<80x112xf32, #tpu.memory_space<vmem>>)
    %dma_wait3A_254 = arith.constant 1 : i32
    %dma_wait3A_255 = arith.constant 1 : i32
    %dma_wait3A_256 = arith.constant 0 : i32
    %dma_wait3A_257 = arith.constant 0 : i32
    %dma_wait3A_258 = tpu.memref_slice %arg12[%dma_wait3A_254, %dma_wait3A_256, %dma_wait3A_257] : memref<4x80x112xf32, #tpu.memory_space<vmem>> -> memref<1x80x112xf32, #tpu.memory_space<vmem>>
    %dma_wait3A_259 = tpu.memref_squeeze %dma_wait3A_258 : memref<1x80x112xf32, #tpu.memory_space<vmem>> -> memref<80x112xf32, #tpu.memory_space<vmem>>
    %dma_wait3A_260 = arith.constant 0 : i32
    %dma_wait3A_261 = arith.constant 0 : i32
    %dma_wait3A_262 = tpu.memref_slice %arg6[%dma_wait3A_260, %dma_wait3A_261] : memref<10000x112xf32, #tpu.memory_space<hbm>> -> memref<80x112xf32, #tpu.memory_space<hbm>>
    %dma_wait3A_263 = tpu.memref_slice %arg16[%dma_wait3A_255] : memref<4x!tpu.dma_semaphore, #tpu.memory_space<semaphore_mem>> -> memref<1x!tpu.dma_semaphore, #tpu.memory_space<semaphore_mem>>
    %dma_wait3A_264 = tpu.memref_squeeze %dma_wait3A_263 : memref<1x!tpu.dma_semaphore, #tpu.memory_space<semaphore_mem>> -> memref<!tpu.dma_semaphore, #tpu.memory_space<semaphore_mem>>
    %dma_wait3A_265 = arith.constant 0 : i32
    %dma_wait3A_266 = arith.constant 0 : i32
    %dma_wait3A_267 = tpu.memref_slice %arg12[%dma_wait3A_254, %dma_wait3A_265, %dma_wait3A_266] : memref<4x80x112xf32, #tpu.memory_space<vmem>> -> memref<1x80x112xf32, #tpu.memory_space<vmem>>
    %dma_wait3A_268 = tpu.memref_squeeze %dma_wait3A_267 : memref<1x80x112xf32, #tpu.memory_space<vmem>> -> memref<80x112xf32, #tpu.memory_space<vmem>>
    %dma_wait3A_269 = arith.constant 0 : i32
    %dma_wait3A_270 = arith.constant 0 : i32
    %dma_wait3A_271 = tpu.memref_slice %arg6[%dma_wait3A_269, %dma_wait3A_270] : memref<10000x112xf32, #tpu.memory_space<hbm>> -> memref<80x112xf32, #tpu.memory_space<hbm>>
    tpu.wait_dma2 semaphore(%dma_wait3A_264 : memref<!tpu.dma_semaphore, #tpu.memory_space<semaphore_mem>>) src(%dma_wait3A_271 : memref<80x112xf32, #tpu.memory_space<hbm>>) dst(%dma_wait3A_268 : memref<80x112xf32, #tpu.memory_space<vmem>>)
    %barrier3A_272 = arith.constant 0 : index
    tpu.barrier barrier_id(%barrier3A_272)
    %add3A_273 = arith.constant 0 : i32
    %add3A_274 = arith.addi %add3A_273, %arg0 : i32
    %lt3A_275 = arith.constant 15 : i32
    %lt3A_276 = arith.cmpi slt, %arg1, %lt3A_275 : i32
    %convert_element_type3A_277 = arith.extui %lt3A_276 : i1 to i32
    %cond3A_278 = arith.constant 0 : i32
    %cond3A_279 = arith.cmpi ne, %convert_element_type3A_277, %cond3A_278 : i32
    scf.if %cond3A_279 {
      "tpu.region"() ({
        %run_scoped3A = tpu.sem_alloc : memref<!tpu.dma_semaphore, #tpu.memory_space<semaphore_mem>>
        %dma_start3A_572 = arith.constant 0 : i32
        %dma_start3A_573 = tpu.memref_slice %arg7[%add3A_274, %multiple_of3A, %dma_start3A_572] : memref<4x10000x112xf32, #tpu.memory_space<hbm>> -> memref<1x624x112xf32, #tpu.memory_space<hbm>>
        %dma_start3A_574 = tpu.memref_squeeze %dma_start3A_573 : memref<1x624x112xf32, #tpu.memory_space<hbm>> -> memref<624x112xf32, #tpu.memory_space<hbm>>
        %dma_start3A_575 = arith.constant 0 : i32
        %dma_start3A_576 = tpu.memref_slice %arg13[%multiple_of3A, %dma_start3A_575] : memref<10000x112xf32, #tpu.memory_space<vmem_shared>> -> memref<624x112xf32, #tpu.memory_space<vmem_shared>>
        tpu.enqueue_dma source(%dma_start3A_576 : memref<624x112xf32, #tpu.memory_space<vmem_shared>>) target(%dma_start3A_574 : memref<624x112xf32, #tpu.memory_space<hbm>>) target_semaphore(%run_scoped3A : memref<!tpu.dma_semaphore, #tpu.memory_space<semaphore_mem>>)
        %dma_wait3A_577 = arith.constant 0 : i32
        %dma_wait3A_578 = tpu.memref_slice %arg7[%add3A_274, %multiple_of3A, %dma_wait3A_577] : memref<4x10000x112xf32, #tpu.memory_space<hbm>> -> memref<1x624x112xf32, #tpu.memory_space<hbm>>
        %dma_wait3A_579 = tpu.memref_squeeze %dma_wait3A_578 : memref<1x624x112xf32, #tpu.memory_space<hbm>> -> memref<624x112xf32, #tpu.memory_space<hbm>>
        %dma_wait3A_580 = arith.constant 0 : i32
        %dma_wait3A_581 = tpu.memref_slice %arg13[%multiple_of3A, %dma_wait3A_580] : memref<10000x112xf32, #tpu.memory_space<vmem_shared>> -> memref<624x112xf32, #tpu.memory_space<vmem_shared>>
        tpu.wait_dma2 semaphore(%run_scoped3A : memref<!tpu.dma_semaphore, #tpu.memory_space<semaphore_mem>>) src(%dma_wait3A_581 : memref<624x112xf32, #tpu.memory_space<vmem_shared>>) dst(%dma_wait3A_579 : memref<624x112xf32, #tpu.memory_space<hbm>>)
        tpu.yield
      }) : () -> ()
    } else {
    }
    %eq3A_280 = arith.constant 15 : i32
    %eq3A_281 = arith.cmpi eq, %arg1, %eq3A_280 : i32
    %convert_element_type3A_282 = arith.extui %eq3A_281 : i1 to i32
    %cond3A_283 = arith.constant 0 : i32
    %cond3A_284 = arith.cmpi ne, %convert_element_type3A_282, %cond3A_283 : i32
    scf.if %cond3A_284 {
      "tpu.region"() ({
        %run_scoped3A = tpu.sem_alloc : memref<!tpu.dma_semaphore, #tpu.memory_space<semaphore_mem>>
        %dma_start3A_572 = arith.constant 9360 : i32
        %dma_start3A_573 = arith.constant 0 : i32
        %dma_start3A_574 = tpu.memref_slice %arg7[%add3A_274, %dma_start3A_572, %dma_start3A_573] : memref<4x10000x112xf32, #tpu.memory_space<hbm>> -> memref<1x640x112xf32, #tpu.memory_space<hbm>>
        %dma_start3A_575 = tpu.memref_squeeze %dma_start3A_574 : memref<1x640x112xf32, #tpu.memory_space<hbm>> -> memref<640x112xf32, #tpu.memory_space<hbm>>
        %dma_start3A_576 = arith.constant 9360 : i32
        %dma_start3A_577 = arith.constant 0 : i32
        %dma_start3A_578 = tpu.memref_slice %arg13[%dma_start3A_576, %dma_start3A_577] : memref<10000x112xf32, #tpu.memory_space<vmem_shared>> -> memref<640x112xf32, #tpu.memory_space<vmem_shared>>
        tpu.enqueue_dma source(%dma_start3A_578 : memref<640x112xf32, #tpu.memory_space<vmem_shared>>) target(%dma_start3A_575 : memref<640x112xf32, #tpu.memory_space<hbm>>) target_semaphore(%run_scoped3A : memref<!tpu.dma_semaphore, #tpu.memory_space<semaphore_mem>>)
        %dma_wait3A_579 = arith.constant 9360 : i32
        %dma_wait3A_580 = arith.constant 0 : i32
        %dma_wait3A_581 = tpu.memref_slice %arg7[%add3A_274, %dma_wait3A_579, %dma_wait3A_580] : memref<4x10000x112xf32, #tpu.memory_space<hbm>> -> memref<1x640x112xf32, #tpu.memory_space<hbm>>
        %dma_wait3A_582 = tpu.memref_squeeze %dma_wait3A_581 : memref<1x640x112xf32, #tpu.memory_space<hbm>> -> memref<640x112xf32, #tpu.memory_space<hbm>>
        %dma_wait3A_583 = arith.constant 9360 : i32
        %dma_wait3A_584 = arith.constant 0 : i32
        %dma_wait3A_585 = tpu.memref_slice %arg13[%dma_wait3A_583, %dma_wait3A_584] : memref<10000x112xf32, #tpu.memory_space<vmem_shared>> -> memref<640x112xf32, #tpu.memory_space<vmem_shared>>
        tpu.wait_dma2 semaphore(%run_scoped3A : memref<!tpu.dma_semaphore, #tpu.memory_space<semaphore_mem>>) src(%dma_wait3A_585 : memref<640x112xf32, #tpu.memory_space<vmem_shared>>) dst(%dma_wait3A_582 : memref<640x112xf32, #tpu.memory_space<hbm>>)
        tpu.yield
      }) : () -> ()
    } else {
    }
    %barrier3A_285 = arith.constant 0 : index
    tpu.barrier barrier_id(%barrier3A_285)
    %lt3A_286 = arith.constant 15 : i32
    %lt3A_287 = arith.cmpi slt, %arg1, %lt3A_286 : i32
    %convert_element_type3A_288 = arith.extui %lt3A_287 : i1 to i32
    %cond3A_289 = arith.constant 0 : i32
    %cond3A_290 = arith.cmpi ne, %convert_element_type3A_288, %cond3A_289 : i32
    scf.if %cond3A_290 {
      "tpu.region"() ({
        %run_scoped3A = tpu.sem_alloc : memref<!tpu.dma_semaphore, #tpu.memory_space<semaphore_mem>>
        %dma_start3A_572 = arith.constant 0 : i32
        %dma_start3A_573 = tpu.memref_slice %arg13[%multiple_of3A, %dma_start3A_572] : memref<10000x112xf32, #tpu.memory_space<vmem_shared>> -> memref<624x112xf32, #tpu.memory_space<vmem_shared>>
        %dma_start3A_574 = arith.constant 0 : i32
        %dma_start3A_575 = tpu.memref_slice %arg6[%multiple_of3A, %dma_start3A_574] : memref<10000x112xf32, #tpu.memory_space<hbm>> -> memref<624x112xf32, #tpu.memory_space<hbm>>
        tpu.enqueue_dma source(%dma_start3A_575 : memref<624x112xf32, #tpu.memory_space<hbm>>) target(%dma_start3A_573 : memref<624x112xf32, #tpu.memory_space<vmem_shared>>) target_semaphore(%run_scoped3A : memref<!tpu.dma_semaphore, #tpu.memory_space<semaphore_mem>>)
        %dma_wait3A_576 = arith.constant 0 : i32
        %dma_wait3A_577 = tpu.memref_slice %arg13[%multiple_of3A, %dma_wait3A_576] : memref<10000x112xf32, #tpu.memory_space<vmem_shared>> -> memref<624x112xf32, #tpu.memory_space<vmem_shared>>
        %dma_wait3A_578 = arith.constant 0 : i32
        %dma_wait3A_579 = tpu.memref_slice %arg6[%multiple_of3A, %dma_wait3A_578] : memref<10000x112xf32, #tpu.memory_space<hbm>> -> memref<624x112xf32, #tpu.memory_space<hbm>>
        tpu.wait_dma2 semaphore(%run_scoped3A : memref<!tpu.dma_semaphore, #tpu.memory_space<semaphore_mem>>) src(%dma_wait3A_579 : memref<624x112xf32, #tpu.memory_space<hbm>>) dst(%dma_wait3A_577 : memref<624x112xf32, #tpu.memory_space<vmem_shared>>)
        tpu.yield
      }) : () -> ()
    } else {
    }
    %eq3A_291 = arith.constant 15 : i32
    %eq3A_292 = arith.cmpi eq, %arg1, %eq3A_291 : i32
    %convert_element_type3A_293 = arith.extui %eq3A_292 : i1 to i32
    %cond3A_294 = arith.constant 0 : i32
    %cond3A_295 = arith.cmpi ne, %convert_element_type3A_293, %cond3A_294 : i32
    scf.if %cond3A_295 {
      "tpu.region"() ({
        %run_scoped3A = tpu.sem_alloc : memref<!tpu.dma_semaphore, #tpu.memory_space<semaphore_mem>>
        %dma_start3A_572 = arith.constant 9360 : i32
        %dma_start3A_573 = arith.constant 0 : i32
        %dma_start3A_574 = tpu.memref_slice %arg13[%dma_start3A_572, %dma_start3A_573] : memref<10000x112xf32, #tpu.memory_space<vmem_shared>> -> memref<640x112xf32, #tpu.memory_space<vmem_shared>>
        %dma_start3A_575 = arith.constant 9360 : i32
        %dma_start3A_576 = arith.constant 0 : i32
        %dma_start3A_577 = tpu.memref_slice %arg6[%dma_start3A_575, %dma_start3A_576] : memref<10000x112xf32, #tpu.memory_space<hbm>> -> memref<640x112xf32, #tpu.memory_space<hbm>>
        tpu.enqueue_dma source(%dma_start3A_577 : memref<640x112xf32, #tpu.memory_space<hbm>>) target(%dma_start3A_574 : memref<640x112xf32, #tpu.memory_space<vmem_shared>>) target_semaphore(%run_scoped3A : memref<!tpu.dma_semaphore, #tpu.memory_space<semaphore_mem>>)
        %dma_wait3A_578 = arith.constant 9360 : i32
        %dma_wait3A_579 = arith.constant 0 : i32
        %dma_wait3A_580 = tpu.memref_slice %arg13[%dma_wait3A_578, %dma_wait3A_579] : memref<10000x112xf32, #tpu.memory_space<vmem_shared>> -> memref<640x112xf32, #tpu.memory_space<vmem_shared>>
        %dma_wait3A_581 = arith.constant 9360 : i32
        %dma_wait3A_582 = arith.constant 0 : i32
        %dma_wait3A_583 = tpu.memref_slice %arg6[%dma_wait3A_581, %dma_wait3A_582] : memref<10000x112xf32, #tpu.memory_space<hbm>> -> memref<640x112xf32, #tpu.memory_space<hbm>>
        tpu.wait_dma2 semaphore(%run_scoped3A : memref<!tpu.dma_semaphore, #tpu.memory_space<semaphore_mem>>) src(%dma_wait3A_583 : memref<640x112xf32, #tpu.memory_space<hbm>>) dst(%dma_wait3A_580 : memref<640x112xf32, #tpu.memory_space<vmem_shared>>)
        tpu.yield
      }) : () -> ()
    } else {
    }
    %barrier3A_296 = arith.constant 0 : index
    tpu.barrier barrier_id(%barrier3A_296)
    %add3A_297 = arith.constant 2 : i32
    %add3A_298 = arith.addi %add3A_297, %arg0 : i32
    %rem3A_299 = arith.constant 0 : i32
    %rem3A_300 = arith.constant 4 : i32
    %rem3A_301 = arith.remsi %rem3A_299, %rem3A_300 : i32
    %add3A_302 = arith.constant 0 : i32
    %add3A_303 = arith.addi %mul3A_2, %add3A_302 : i32
    %multiple_of3A_304 = tpu.assume_multiple %add3A_303, 8 : i32
    %dma_start3A_305 = arith.constant 0 : i32
    %dma_start3A_306 = tpu.memref_slice %arg8[%rem3A_301, %dma_start3A_305] : memref<4x80xi32, #tpu.memory_space<vmem>> -> memref<1x80xi32, #tpu.memory_space<vmem>>
    %dma_start3A_307 = tpu.memref_squeeze %dma_start3A_306 : memref<1x80xi32, #tpu.memory_space<vmem>> -> memref<80xi32, #tpu.memory_space<vmem>>
    %dma_start3A_308 = tpu.memref_slice %arg3[%multiple_of3A_304] : memref<320000xi32, #tpu.memory_space<hbm>> -> memref<80xi32, #tpu.memory_space<hbm>>
    %dma_start3A_309 = tpu.memref_slice %arg14[%rem3A_301] : memref<4x!tpu.dma_semaphore, #tpu.memory_space<semaphore_mem>> -> memref<1x!tpu.dma_semaphore, #tpu.memory_space<semaphore_mem>>
    %dma_start3A_310 = tpu.memref_squeeze %dma_start3A_309 : memref<1x!tpu.dma_semaphore, #tpu.memory_space<semaphore_mem>> -> memref<!tpu.dma_semaphore, #tpu.memory_space<semaphore_mem>>
    %dma_start3A_311 = arith.constant 0 : i32
    %dma_start3A_312 = tpu.memref_slice %arg8[%rem3A_301, %dma_start3A_311] : memref<4x80xi32, #tpu.memory_space<vmem>> -> memref<1x80xi32, #tpu.memory_space<vmem>>
    %dma_start3A_313 = tpu.memref_squeeze %dma_start3A_312 : memref<1x80xi32, #tpu.memory_space<vmem>> -> memref<80xi32, #tpu.memory_space<vmem>>
    %dma_start3A_314 = tpu.memref_slice %arg3[%multiple_of3A_304] : memref<320000xi32, #tpu.memory_space<hbm>> -> memref<80xi32, #tpu.memory_space<hbm>>
    tpu.enqueue_dma source(%dma_start3A_314 : memref<80xi32, #tpu.memory_space<hbm>>) target(%dma_start3A_313 : memref<80xi32, #tpu.memory_space<vmem>>) target_semaphore(%dma_start3A_310 : memref<!tpu.dma_semaphore, #tpu.memory_space<semaphore_mem>>)
    %dma_start3A_315 = arith.constant 0 : i32
    %dma_start3A_316 = tpu.memref_slice %arg9[%rem3A_301, %dma_start3A_315] : memref<4x80xi32, #tpu.memory_space<vmem>> -> memref<1x80xi32, #tpu.memory_space<vmem>>
    %dma_start3A_317 = tpu.memref_squeeze %dma_start3A_316 : memref<1x80xi32, #tpu.memory_space<vmem>> -> memref<80xi32, #tpu.memory_space<vmem>>
    %dma_start3A_318 = tpu.memref_slice %arg4[%multiple_of3A_304] : memref<320000xi32, #tpu.memory_space<hbm>> -> memref<80xi32, #tpu.memory_space<hbm>>
    %dma_start3A_319 = tpu.memref_slice %arg14[%rem3A_301] : memref<4x!tpu.dma_semaphore, #tpu.memory_space<semaphore_mem>> -> memref<1x!tpu.dma_semaphore, #tpu.memory_space<semaphore_mem>>
    %dma_start3A_320 = tpu.memref_squeeze %dma_start3A_319 : memref<1x!tpu.dma_semaphore, #tpu.memory_space<semaphore_mem>> -> memref<!tpu.dma_semaphore, #tpu.memory_space<semaphore_mem>>
    %dma_start3A_321 = arith.constant 0 : i32
    %dma_start3A_322 = tpu.memref_slice %arg9[%rem3A_301, %dma_start3A_321] : memref<4x80xi32, #tpu.memory_space<vmem>> -> memref<1x80xi32, #tpu.memory_space<vmem>>
    %dma_start3A_323 = tpu.memref_squeeze %dma_start3A_322 : memref<1x80xi32, #tpu.memory_space<vmem>> -> memref<80xi32, #tpu.memory_space<vmem>>
    %dma_start3A_324 = tpu.memref_slice %arg4[%multiple_of3A_304] : memref<320000xi32, #tpu.memory_space<hbm>> -> memref<80xi32, #tpu.memory_space<hbm>>
    tpu.enqueue_dma source(%dma_start3A_324 : memref<80xi32, #tpu.memory_space<hbm>>) target(%dma_start3A_323 : memref<80xi32, #tpu.memory_space<vmem>>) target_semaphore(%dma_start3A_320 : memref<!tpu.dma_semaphore, #tpu.memory_space<semaphore_mem>>)
    %dma_start3A_325 = arith.constant 0 : i32
    %dma_start3A_326 = tpu.memref_slice %arg10[%rem3A_301, %dma_start3A_325] : memref<4x80xf32, #tpu.memory_space<vmem>> -> memref<1x80xf32, #tpu.memory_space<vmem>>
    %dma_start3A_327 = tpu.memref_squeeze %dma_start3A_326 : memref<1x80xf32, #tpu.memory_space<vmem>> -> memref<80xf32, #tpu.memory_space<vmem>>
    %dma_start3A_328 = tpu.memref_slice %arg5[%multiple_of3A_304] : memref<320000xf32, #tpu.memory_space<hbm>> -> memref<80xf32, #tpu.memory_space<hbm>>
    %dma_start3A_329 = tpu.memref_slice %arg14[%rem3A_301] : memref<4x!tpu.dma_semaphore, #tpu.memory_space<semaphore_mem>> -> memref<1x!tpu.dma_semaphore, #tpu.memory_space<semaphore_mem>>
    %dma_start3A_330 = tpu.memref_squeeze %dma_start3A_329 : memref<1x!tpu.dma_semaphore, #tpu.memory_space<semaphore_mem>> -> memref<!tpu.dma_semaphore, #tpu.memory_space<semaphore_mem>>
    %dma_start3A_331 = arith.constant 0 : i32
    %dma_start3A_332 = tpu.memref_slice %arg10[%rem3A_301, %dma_start3A_331] : memref<4x80xf32, #tpu.memory_space<vmem>> -> memref<1x80xf32, #tpu.memory_space<vmem>>
    %dma_start3A_333 = tpu.memref_squeeze %dma_start3A_332 : memref<1x80xf32, #tpu.memory_space<vmem>> -> memref<80xf32, #tpu.memory_space<vmem>>
    %dma_start3A_334 = tpu.memref_slice %arg5[%multiple_of3A_304] : memref<320000xf32, #tpu.memory_space<hbm>> -> memref<80xf32, #tpu.memory_space<hbm>>
    tpu.enqueue_dma source(%dma_start3A_334 : memref<80xf32, #tpu.memory_space<hbm>>) target(%dma_start3A_333 : memref<80xf32, #tpu.memory_space<vmem>>) target_semaphore(%dma_start3A_330 : memref<!tpu.dma_semaphore, #tpu.memory_space<semaphore_mem>>)
    %rem3A_335 = arith.constant 1 : i32
    %rem3A_336 = arith.constant 4 : i32
    %rem3A_337 = arith.remsi %rem3A_335, %rem3A_336 : i32
    %add3A_338 = arith.constant 80 : i32
    %add3A_339 = arith.addi %mul3A_2, %add3A_338 : i32
    %multiple_of3A_340 = tpu.assume_multiple %add3A_339, 8 : i32
    %dma_start3A_341 = arith.constant 0 : i32
    %dma_start3A_342 = tpu.memref_slice %arg8[%rem3A_337, %dma_start3A_341] : memref<4x80xi32, #tpu.memory_space<vmem>> -> memref<1x80xi32, #tpu.memory_space<vmem>>
    %dma_start3A_343 = tpu.memref_squeeze %dma_start3A_342 : memref<1x80xi32, #tpu.memory_space<vmem>> -> memref<80xi32, #tpu.memory_space<vmem>>
    %dma_start3A_344 = tpu.memref_slice %arg3[%multiple_of3A_340] : memref<320000xi32, #tpu.memory_space<hbm>> -> memref<80xi32, #tpu.memory_space<hbm>>
    %dma_start3A_345 = tpu.memref_slice %arg14[%rem3A_337] : memref<4x!tpu.dma_semaphore, #tpu.memory_space<semaphore_mem>> -> memref<1x!tpu.dma_semaphore, #tpu.memory_space<semaphore_mem>>
    %dma_start3A_346 = tpu.memref_squeeze %dma_start3A_345 : memref<1x!tpu.dma_semaphore, #tpu.memory_space<semaphore_mem>> -> memref<!tpu.dma_semaphore, #tpu.memory_space<semaphore_mem>>
    %dma_start3A_347 = arith.constant 0 : i32
    %dma_start3A_348 = tpu.memref_slice %arg8[%rem3A_337, %dma_start3A_347] : memref<4x80xi32, #tpu.memory_space<vmem>> -> memref<1x80xi32, #tpu.memory_space<vmem>>
    %dma_start3A_349 = tpu.memref_squeeze %dma_start3A_348 : memref<1x80xi32, #tpu.memory_space<vmem>> -> memref<80xi32, #tpu.memory_space<vmem>>
    %dma_start3A_350 = tpu.memref_slice %arg3[%multiple_of3A_340] : memref<320000xi32, #tpu.memory_space<hbm>> -> memref<80xi32, #tpu.memory_space<hbm>>
    tpu.enqueue_dma source(%dma_start3A_350 : memref<80xi32, #tpu.memory_space<hbm>>) target(%dma_start3A_349 : memref<80xi32, #tpu.memory_space<vmem>>) target_semaphore(%dma_start3A_346 : memref<!tpu.dma_semaphore, #tpu.memory_space<semaphore_mem>>)
    %dma_start3A_351 = arith.constant 0 : i32
    %dma_start3A_352 = tpu.memref_slice %arg9[%rem3A_337, %dma_start3A_351] : memref<4x80xi32, #tpu.memory_space<vmem>> -> memref<1x80xi32, #tpu.memory_space<vmem>>
    %dma_start3A_353 = tpu.memref_squeeze %dma_start3A_352 : memref<1x80xi32, #tpu.memory_space<vmem>> -> memref<80xi32, #tpu.memory_space<vmem>>
    %dma_start3A_354 = tpu.memref_slice %arg4[%multiple_of3A_340] : memref<320000xi32, #tpu.memory_space<hbm>> -> memref<80xi32, #tpu.memory_space<hbm>>
    %dma_start3A_355 = tpu.memref_slice %arg14[%rem3A_337] : memref<4x!tpu.dma_semaphore, #tpu.memory_space<semaphore_mem>> -> memref<1x!tpu.dma_semaphore, #tpu.memory_space<semaphore_mem>>
    %dma_start3A_356 = tpu.memref_squeeze %dma_start3A_355 : memref<1x!tpu.dma_semaphore, #tpu.memory_space<semaphore_mem>> -> memref<!tpu.dma_semaphore, #tpu.memory_space<semaphore_mem>>
    %dma_start3A_357 = arith.constant 0 : i32
    %dma_start3A_358 = tpu.memref_slice %arg9[%rem3A_337, %dma_start3A_357] : memref<4x80xi32, #tpu.memory_space<vmem>> -> memref<1x80xi32, #tpu.memory_space<vmem>>
    %dma_start3A_359 = tpu.memref_squeeze %dma_start3A_358 : memref<1x80xi32, #tpu.memory_space<vmem>> -> memref<80xi32, #tpu.memory_space<vmem>>
    %dma_start3A_360 = tpu.memref_slice %arg4[%multiple_of3A_340] : memref<320000xi32, #tpu.memory_space<hbm>> -> memref<80xi32, #tpu.memory_space<hbm>>
    tpu.enqueue_dma source(%dma_start3A_360 : memref<80xi32, #tpu.memory_space<hbm>>) target(%dma_start3A_359 : memref<80xi32, #tpu.memory_space<vmem>>) target_semaphore(%dma_start3A_356 : memref<!tpu.dma_semaphore, #tpu.memory_space<semaphore_mem>>)
    %dma_start3A_361 = arith.constant 0 : i32
    %dma_start3A_362 = tpu.memref_slice %arg10[%rem3A_337, %dma_start3A_361] : memref<4x80xf32, #tpu.memory_space<vmem>> -> memref<1x80xf32, #tpu.memory_space<vmem>>
    %dma_start3A_363 = tpu.memref_squeeze %dma_start3A_362 : memref<1x80xf32, #tpu.memory_space<vmem>> -> memref<80xf32, #tpu.memory_space<vmem>>
    %dma_start3A_364 = tpu.memref_slice %arg5[%multiple_of3A_340] : memref<320000xf32, #tpu.memory_space<hbm>> -> memref<80xf32, #tpu.memory_space<hbm>>
    %dma_start3A_365 = tpu.memref_slice %arg14[%rem3A_337] : memref<4x!tpu.dma_semaphore, #tpu.memory_space<semaphore_mem>> -> memref<1x!tpu.dma_semaphore, #tpu.memory_space<semaphore_mem>>
    %dma_start3A_366 = tpu.memref_squeeze %dma_start3A_365 : memref<1x!tpu.dma_semaphore, #tpu.memory_space<semaphore_mem>> -> memref<!tpu.dma_semaphore, #tpu.memory_space<semaphore_mem>>
    %dma_start3A_367 = arith.constant 0 : i32
    %dma_start3A_368 = tpu.memref_slice %arg10[%rem3A_337, %dma_start3A_367] : memref<4x80xf32, #tpu.memory_space<vmem>> -> memref<1x80xf32, #tpu.memory_space<vmem>>
    %dma_start3A_369 = tpu.memref_squeeze %dma_start3A_368 : memref<1x80xf32, #tpu.memory_space<vmem>> -> memref<80xf32, #tpu.memory_space<vmem>>
    %dma_start3A_370 = tpu.memref_slice %arg5[%multiple_of3A_340] : memref<320000xf32, #tpu.memory_space<hbm>> -> memref<80xf32, #tpu.memory_space<hbm>>
    tpu.enqueue_dma source(%dma_start3A_370 : memref<80xf32, #tpu.memory_space<hbm>>) target(%dma_start3A_369 : memref<80xf32, #tpu.memory_space<vmem>>) target_semaphore(%dma_start3A_366 : memref<!tpu.dma_semaphore, #tpu.memory_space<semaphore_mem>>)
    %rem3A_371 = arith.constant 0 : i32
    %rem3A_372 = arith.constant 4 : i32
    %rem3A_373 = arith.remsi %rem3A_371, %rem3A_372 : i32
    %dma_wait3A_374 = arith.constant 0 : i32
    %dma_wait3A_375 = tpu.memref_slice %arg8[%rem3A_373, %dma_wait3A_374] : memref<4x80xi32, #tpu.memory_space<vmem>> -> memref<1x80xi32, #tpu.memory_space<vmem>>
    %dma_wait3A_376 = tpu.memref_squeeze %dma_wait3A_375 : memref<1x80xi32, #tpu.memory_space<vmem>> -> memref<80xi32, #tpu.memory_space<vmem>>
    %dma_wait3A_377 = arith.constant 0 : i32
    %dma_wait3A_378 = tpu.memref_slice %arg3[%dma_wait3A_377] : memref<320000xi32, #tpu.memory_space<hbm>> -> memref<80xi32, #tpu.memory_space<hbm>>
    %dma_wait3A_379 = tpu.memref_slice %arg14[%rem3A_373] : memref<4x!tpu.dma_semaphore, #tpu.memory_space<semaphore_mem>> -> memref<1x!tpu.dma_semaphore, #tpu.memory_space<semaphore_mem>>
    %dma_wait3A_380 = tpu.memref_squeeze %dma_wait3A_379 : memref<1x!tpu.dma_semaphore, #tpu.memory_space<semaphore_mem>> -> memref<!tpu.dma_semaphore, #tpu.memory_space<semaphore_mem>>
    %dma_wait3A_381 = arith.constant 0 : i32
    %dma_wait3A_382 = tpu.memref_slice %arg8[%rem3A_373, %dma_wait3A_381] : memref<4x80xi32, #tpu.memory_space<vmem>> -> memref<1x80xi32, #tpu.memory_space<vmem>>
    %dma_wait3A_383 = tpu.memref_squeeze %dma_wait3A_382 : memref<1x80xi32, #tpu.memory_space<vmem>> -> memref<80xi32, #tpu.memory_space<vmem>>
    %dma_wait3A_384 = arith.constant 0 : i32
    %dma_wait3A_385 = tpu.memref_slice %arg3[%dma_wait3A_384] : memref<320000xi32, #tpu.memory_space<hbm>> -> memref<80xi32, #tpu.memory_space<hbm>>
    tpu.wait_dma2 semaphore(%dma_wait3A_380 : memref<!tpu.dma_semaphore, #tpu.memory_space<semaphore_mem>>) src(%dma_wait3A_385 : memref<80xi32, #tpu.memory_space<hbm>>) dst(%dma_wait3A_383 : memref<80xi32, #tpu.memory_space<vmem>>)
    %dma_wait3A_386 = arith.constant 0 : i32
    %dma_wait3A_387 = tpu.memref_slice %arg9[%rem3A_373, %dma_wait3A_386] : memref<4x80xi32, #tpu.memory_space<vmem>> -> memref<1x80xi32, #tpu.memory_space<vmem>>
    %dma_wait3A_388 = tpu.memref_squeeze %dma_wait3A_387 : memref<1x80xi32, #tpu.memory_space<vmem>> -> memref<80xi32, #tpu.memory_space<vmem>>
    %dma_wait3A_389 = arith.constant 0 : i32
    %dma_wait3A_390 = tpu.memref_slice %arg4[%dma_wait3A_389] : memref<320000xi32, #tpu.memory_space<hbm>> -> memref<80xi32, #tpu.memory_space<hbm>>
    %dma_wait3A_391 = tpu.memref_slice %arg14[%rem3A_373] : memref<4x!tpu.dma_semaphore, #tpu.memory_space<semaphore_mem>> -> memref<1x!tpu.dma_semaphore, #tpu.memory_space<semaphore_mem>>
    %dma_wait3A_392 = tpu.memref_squeeze %dma_wait3A_391 : memref<1x!tpu.dma_semaphore, #tpu.memory_space<semaphore_mem>> -> memref<!tpu.dma_semaphore, #tpu.memory_space<semaphore_mem>>
    %dma_wait3A_393 = arith.constant 0 : i32
    %dma_wait3A_394 = tpu.memref_slice %arg9[%rem3A_373, %dma_wait3A_393] : memref<4x80xi32, #tpu.memory_space<vmem>> -> memref<1x80xi32, #tpu.memory_space<vmem>>
    %dma_wait3A_395 = tpu.memref_squeeze %dma_wait3A_394 : memref<1x80xi32, #tpu.memory_space<vmem>> -> memref<80xi32, #tpu.memory_space<vmem>>
    %dma_wait3A_396 = arith.constant 0 : i32
    %dma_wait3A_397 = tpu.memref_slice %arg4[%dma_wait3A_396] : memref<320000xi32, #tpu.memory_space<hbm>> -> memref<80xi32, #tpu.memory_space<hbm>>
    tpu.wait_dma2 semaphore(%dma_wait3A_392 : memref<!tpu.dma_semaphore, #tpu.memory_space<semaphore_mem>>) src(%dma_wait3A_397 : memref<80xi32, #tpu.memory_space<hbm>>) dst(%dma_wait3A_395 : memref<80xi32, #tpu.memory_space<vmem>>)
    %dma_wait3A_398 = arith.constant 0 : i32
    %dma_wait3A_399 = tpu.memref_slice %arg10[%rem3A_373, %dma_wait3A_398] : memref<4x80xf32, #tpu.memory_space<vmem>> -> memref<1x80xf32, #tpu.memory_space<vmem>>
    %dma_wait3A_400 = tpu.memref_squeeze %dma_wait3A_399 : memref<1x80xf32, #tpu.memory_space<vmem>> -> memref<80xf32, #tpu.memory_space<vmem>>
    %dma_wait3A_401 = arith.constant 0 : i32
    %dma_wait3A_402 = tpu.memref_slice %arg5[%dma_wait3A_401] : memref<320000xf32, #tpu.memory_space<hbm>> -> memref<80xf32, #tpu.memory_space<hbm>>
    %dma_wait3A_403 = tpu.memref_slice %arg14[%rem3A_373] : memref<4x!tpu.dma_semaphore, #tpu.memory_space<semaphore_mem>> -> memref<1x!tpu.dma_semaphore, #tpu.memory_space<semaphore_mem>>
    %dma_wait3A_404 = tpu.memref_squeeze %dma_wait3A_403 : memref<1x!tpu.dma_semaphore, #tpu.memory_space<semaphore_mem>> -> memref<!tpu.dma_semaphore, #tpu.memory_space<semaphore_mem>>
    %dma_wait3A_405 = arith.constant 0 : i32
    %dma_wait3A_406 = tpu.memref_slice %arg10[%rem3A_373, %dma_wait3A_405] : memref<4x80xf32, #tpu.memory_space<vmem>> -> memref<1x80xf32, #tpu.memory_space<vmem>>
    %dma_wait3A_407 = tpu.memref_squeeze %dma_wait3A_406 : memref<1x80xf32, #tpu.memory_space<vmem>> -> memref<80xf32, #tpu.memory_space<vmem>>
    %dma_wait3A_408 = arith.constant 0 : i32
    %dma_wait3A_409 = tpu.memref_slice %arg5[%dma_wait3A_408] : memref<320000xf32, #tpu.memory_space<hbm>> -> memref<80xf32, #tpu.memory_space<hbm>>
    tpu.wait_dma2 semaphore(%dma_wait3A_404 : memref<!tpu.dma_semaphore, #tpu.memory_space<semaphore_mem>>) src(%dma_wait3A_409 : memref<80xf32, #tpu.memory_space<hbm>>) dst(%dma_wait3A_407 : memref<80xf32, #tpu.memory_space<vmem>>)
    %mul3A_410 = arith.constant 10000 : i32
    %mul3A_411 = arith.muli %add3A_298, %mul3A_410 : i32
    %get3A_412 = arith.index_cast %rem3A_373 : i32 to index
    %get3A_413 = arith.constant 0 : index
    %get3A_414 = tpu.vector_load %arg8[%get3A_412, %get3A_413] {strides = array<i32>} : memref<4x80xi32, #tpu.memory_space<vmem>>, vector<1x16xi32>,
    %get3A_415 = vector.shape_cast %get3A_414 : vector<1x16xi32> to vector<16xi32>
    %add3A_416 = vector.broadcast %mul3A_411 : i32 to vector<16xi32>
    %add3A_417 = arith.addi %get3A_415, %add3A_416 : vector<16xi32>
    %swap3A_418 = arith.index_cast %rem3A_373 : i32 to index
    %swap3A_419 = arith.constant 0 : index
    %swap3A_420 = tpu.vector_load %arg8[%swap3A_418, %swap3A_419] {strides = array<i32>} : memref<4x80xi32, #tpu.memory_space<vmem>>, vector<1x16xi32>,
    %swap3A_421 = vector.shape_cast %swap3A_420 : vector<1x16xi32> to vector<16xi32>
    %swap3A_422 = vector.shape_cast %add3A_417 : vector<16xi32> to vector<1x16xi32>
    tpu.vector_store %arg8[%swap3A_418, %swap3A_419], %swap3A_422 {strides = array<i32>} : memref<4x80xi32, #tpu.memory_space<vmem>>, vector<1x16xi32>,
    %get3A_423 = arith.index_cast %rem3A_373 : i32 to index
    %get3A_424 = arith.constant 16 : index
    %get3A_425 = tpu.vector_load %arg8[%get3A_423, %get3A_424] {strides = array<i32>} : memref<4x80xi32, #tpu.memory_space<vmem>>, vector<1x16xi32>,
    %get3A_426 = vector.shape_cast %get3A_425 : vector<1x16xi32> to vector<16xi32>
    %add3A_427 = vector.broadcast %mul3A_411 : i32 to vector<16xi32>
    %add3A_428 = arith.addi %get3A_426, %add3A_427 : vector<16xi32>
    %swap3A_429 = arith.index_cast %rem3A_373 : i32 to index
    %swap3A_430 = arith.constant 16 : index
    %swap3A_431 = tpu.vector_load %arg8[%swap3A_429, %swap3A_430] {strides = array<i32>} : memref<4x80xi32, #tpu.memory_space<vmem>>, vector<1x16xi32>,
    %swap3A_432 = vector.shape_cast %swap3A_431 : vector<1x16xi32> to vector<16xi32>
    %swap3A_433 = vector.shape_cast %add3A_428 : vector<16xi32> to vector<1x16xi32>
    tpu.vector_store %arg8[%swap3A_429, %swap3A_430], %swap3A_433 {strides = array<i32>} : memref<4x80xi32, #tpu.memory_space<vmem>>, vector<1x16xi32>,
    %get3A_434 = arith.index_cast %rem3A_373 : i32 to index
    %get3A_435 = arith.constant 32 : index
    %get3A_436 = tpu.vector_load %arg8[%get3A_434, %get3A_435] {strides = array<i32>} : memref<4x80xi32, #tpu.memory_space<vmem>>, vector<1x16xi32>,
    %get3A_437 = vector.shape_cast %get3A_436 : vector<1x16xi32> to vector<16xi32>
    %add3A_438 = vector.broadcast %mul3A_411 : i32 to vector<16xi32>
    %add3A_439 = arith.addi %get3A_437, %add3A_438 : vector<16xi32>
    %swap3A_440 = arith.index_cast %rem3A_373 : i32 to index
    %swap3A_441 = arith.constant 32 : index
    %swap3A_442 = tpu.vector_load %arg8[%swap3A_440, %swap3A_441] {strides = array<i32>} : memref<4x80xi32, #tpu.memory_space<vmem>>, vector<1x16xi32>,
    %swap3A_443 = vector.shape_cast %swap3A_442 : vector<1x16xi32> to vector<16xi32>
    %swap3A_444 = vector.shape_cast %add3A_439 : vector<16xi32> to vector<1x16xi32>
    tpu.vector_store %arg8[%swap3A_440, %swap3A_441], %swap3A_444 {strides = array<i32>} : memref<4x80xi32, #tpu.memory_space<vmem>>, vector<1x16xi32>,
    %get3A_445 = arith.index_cast %rem3A_373 : i32 to index
    %get3A_446 = arith.constant 48 : index
    %get3A_447 = tpu.vector_load %arg8[%get3A_445, %get3A_446] {strides = array<i32>} : memref<4x80xi32, #tpu.memory_space<vmem>>, vector<1x16xi32>,
    %get3A_448 = vector.shape_cast %get3A_447 : vector<1x16xi32> to vector<16xi32>
    %add3A_449 = vector.broadcast %mul3A_411 : i32 to vector<16xi32>
    %add3A_450 = arith.addi %get3A_448, %add3A_449 : vector<16xi32>
    %swap3A_451 = arith.index_cast %rem3A_373 : i32 to index
    %swap3A_452 = arith.constant 48 : index
    %swap3A_453 = tpu.vector_load %arg8[%swap3A_451, %swap3A_452] {strides = array<i32>} : memref<4x80xi32, #tpu.memory_space<vmem>>, vector<1x16xi32>,
    %swap3A_454 = vector.shape_cast %swap3A_453 : vector<1x16xi32> to vector<16xi32>
    %swap3A_455 = vector.shape_cast %add3A_450 : vector<16xi32> to vector<1x16xi32>
    tpu.vector_store %arg8[%swap3A_451, %swap3A_452], %swap3A_455 {strides = array<i32>} : memref<4x80xi32, #tpu.memory_space<vmem>>, vector<1x16xi32>,
    %get3A_456 = arith.index_cast %rem3A_373 : i32 to index
    %get3A_457 = arith.constant 64 : index
    %get3A_458 = tpu.vector_load %arg8[%get3A_456, %get3A_457] {strides = array<i32>} : memref<4x80xi32, #tpu.memory_space<vmem>>, vector<1x16xi32>,
    %get3A_459 = vector.shape_cast %get3A_458 : vector<1x16xi32> to vector<16xi32>
    %add3A_460 = vector.broadcast %mul3A_411 : i32 to vector<16xi32>
    %add3A_461 = arith.addi %get3A_459, %add3A_460 : vector<16xi32>
    %swap3A_462 = arith.index_cast %rem3A_373 : i32 to index
    %swap3A_463 = arith.constant 64 : index
    %swap3A_464 = tpu.vector_load %arg8[%swap3A_462, %swap3A_463] {strides = array<i32>} : memref<4x80xi32, #tpu.memory_space<vmem>>, vector<1x16xi32>,
    %swap3A_465 = vector.shape_cast %swap3A_464 : vector<1x16xi32> to vector<16xi32>
    %swap3A_466 = vector.shape_cast %add3A_461 : vector<16xi32> to vector<1x16xi32>
    tpu.vector_store %arg8[%swap3A_462, %swap3A_463], %swap3A_466 {strides = array<i32>} : memref<4x80xi32, #tpu.memory_space<vmem>>, vector<1x16xi32>,
    %dma_start3A_467 = arith.constant 0 : i32
    %dma_start3A_468 = arith.constant 0 : i32
    %dma_start3A_469 = tpu.memref_slice %arg11[%rem3A_373, %dma_start3A_467, %dma_start3A_468] : memref<4x80x32xf32, #tpu.memory_space<vmem>> -> memref<1x80x32xf32, #tpu.memory_space<vmem>>
    %dma_start3A_470 = tpu.memref_squeeze %dma_start3A_469 : memref<1x80x32xf32, #tpu.memory_space<vmem>> -> memref<80x32xf32, #tpu.memory_space<vmem>>
    %dma_start3A_471 = arith.constant 0 : i32
    %dma_start3A_472 = tpu.memref_slice %arg8[%rem3A_373, %dma_start3A_471] : memref<4x80xi32, #tpu.memory_space<vmem>> -> memref<1x80xi32, #tpu.memory_space<vmem>>
    %dma_start3A_473 = tpu.memref_squeeze %dma_start3A_472 : memref<1x80xi32, #tpu.memory_space<vmem>> -> memref<80xi32, #tpu.memory_space<vmem>>
    %dma_start3A_474 = arith.constant 0 : i32
    %dma_start3A_475 = arith.constant 0 : i32
    %dma_start3A_476 = tpu.memref_slice %arg2[%dma_start3A_474, %dma_start3A_475] : memref<40000x32xf32, #tpu.memory_space<hbm>> -> memref<40000x32xf32, #tpu.memory_space<hbm>>
    %dma_start3A_477 = tpu.memref_slice %arg15[%rem3A_373] : memref<4x!tpu.dma_semaphore, #tpu.memory_space<semaphore_mem>> -> memref<1x!tpu.dma_semaphore, #tpu.memory_space<semaphore_mem>>
    %dma_start3A_478 = tpu.memref_squeeze %dma_start3A_477 : memref<1x!tpu.dma_semaphore, #tpu.memory_space<semaphore_mem>> -> memref<!tpu.dma_semaphore, #tpu.memory_space<semaphore_mem>>
    tpu.enqueue_indirect_dma source(%dma_start3A_476 : memref<40000x32xf32, #tpu.memory_space<hbm>>) target(%dma_start3A_470 : memref<80x32xf32, #tpu.memory_space<vmem>>) offsets(%dma_start3A_473 : memref<80xi32, #tpu.memory_space<vmem>>) semaphore(%dma_start3A_478 : memref<!tpu.dma_semaphore, #tpu.memory_space<semaphore_mem>>)
    %scan3A_479 = arith.constant 0 : i32
    %scan3A_480 = arith.constant 0 : i32
    %scan3A_481 = arith.constant 250 : i32
    %scan3A_482 = arith.addi %scan3A_480, %scan3A_481 : i32
    %scan3A_483 = arith.constant 1 : i32
    %scan3A_484 = scf.for %scan3A_572 = %scan3A_480 to %scan3A_482 step %scan3A_483 iter_args(%scan3A_573 = %scan3A_479) -> (i32)  : i32 {
      %add3A_574 = arith.constant 1 : i32
      %add3A_575 = arith.addi %scan3A_572, %add3A_574 : i32
      %lt3A_576 = arith.constant 250 : i32
      %lt3A_577 = arith.cmpi slt, %add3A_575, %lt3A_576 : i32
      %convert_element_type3A_578 = arith.extui %lt3A_577 : i1 to i32
      %cond3A_579 = arith.constant 0 : i32
      %cond3A_580 = arith.cmpi ne, %convert_element_type3A_578, %cond3A_579 : i32
      scf.if %cond3A_580 {
        %add3A_626 = arith.constant 1 : i32
        %add3A_627 = arith.addi %scan3A_572, %add3A_626 : i32
        %rem3A_628 = arith.constant 4 : i32
        %rem3A_629 = arith.remsi %add3A_627, %rem3A_628 : i32
        %dma_wait3A_630 = arith.constant 0 : i32
        %dma_wait3A_631 = tpu.memref_slice %arg8[%rem3A_629, %dma_wait3A_630] : memref<4x80xi32, #tpu.memory_space<vmem>> -> memref<1x80xi32, #tpu.memory_space<vmem>>
        %dma_wait3A_632 = tpu.memref_squeeze %dma_wait3A_631 : memref<1x80xi32, #tpu.memory_space<vmem>> -> memref<80xi32, #tpu.memory_space<vmem>>
        %dma_wait3A_633 = arith.constant 0 : i32
        %dma_wait3A_634 = tpu.memref_slice %arg3[%dma_wait3A_633] : memref<320000xi32, #tpu.memory_space<hbm>> -> memref<80xi32, #tpu.memory_space<hbm>>
        %dma_wait3A_635 = tpu.memref_slice %arg14[%rem3A_629] : memref<4x!tpu.dma_semaphore, #tpu.memory_space<semaphore_mem>> -> memref<1x!tpu.dma_semaphore, #tpu.memory_space<semaphore_mem>>
        %dma_wait3A_636 = tpu.memref_squeeze %dma_wait3A_635 : memref<1x!tpu.dma_semaphore, #tpu.memory_space<semaphore_mem>> -> memref<!tpu.dma_semaphore, #tpu.memory_space<semaphore_mem>>
        %dma_wait3A_637 = arith.constant 0 : i32
        %dma_wait3A_638 = tpu.memref_slice %arg8[%rem3A_629, %dma_wait3A_637] : memref<4x80xi32, #tpu.memory_space<vmem>> -> memref<1x80xi32, #tpu.memory_space<vmem>>
        %dma_wait3A_639 = tpu.memref_squeeze %dma_wait3A_638 : memref<1x80xi32, #tpu.memory_space<vmem>> -> memref<80xi32, #tpu.memory_space<vmem>>
        %dma_wait3A_640 = arith.constant 0 : i32
        %dma_wait3A_641 = tpu.memref_slice %arg3[%dma_wait3A_640] : memref<320000xi32, #tpu.memory_space<hbm>> -> memref<80xi32, #tpu.memory_space<hbm>>
        tpu.wait_dma2 semaphore(%dma_wait3A_636 : memref<!tpu.dma_semaphore, #tpu.memory_space<semaphore_mem>>) src(%dma_wait3A_641 : memref<80xi32, #tpu.memory_space<hbm>>) dst(%dma_wait3A_639 : memref<80xi32, #tpu.memory_space<vmem>>)
        %dma_wait3A_642 = arith.constant 0 : i32
        %dma_wait3A_643 = tpu.memref_slice %arg9[%rem3A_629, %dma_wait3A_642] : memref<4x80xi32, #tpu.memory_space<vmem>> -> memref<1x80xi32, #tpu.memory_space<vmem>>
        %dma_wait3A_644 = tpu.memref_squeeze %dma_wait3A_643 : memref<1x80xi32, #tpu.memory_space<vmem>> -> memref<80xi32, #tpu.memory_space<vmem>>
        %dma_wait3A_645 = arith.constant 0 : i32
        %dma_wait3A_646 = tpu.memref_slice %arg4[%dma_wait3A_645] : memref<320000xi32, #tpu.memory_space<hbm>> -> memref<80xi32, #tpu.memory_space<hbm>>
        %dma_wait3A_647 = tpu.memref_slice %arg14[%rem3A_629] : memref<4x!tpu.dma_semaphore, #tpu.memory_space<semaphore_mem>> -> memref<1x!tpu.dma_semaphore, #tpu.memory_space<semaphore_mem>>
        %dma_wait3A_648 = tpu.memref_squeeze %dma_wait3A_647 : memref<1x!tpu.dma_semaphore, #tpu.memory_space<semaphore_mem>> -> memref<!tpu.dma_semaphore, #tpu.memory_space<semaphore_mem>>
        %dma_wait3A_649 = arith.constant 0 : i32
        %dma_wait3A_650 = tpu.memref_slice %arg9[%rem3A_629, %dma_wait3A_649] : memref<4x80xi32, #tpu.memory_space<vmem>> -> memref<1x80xi32, #tpu.memory_space<vmem>>
        %dma_wait3A_651 = tpu.memref_squeeze %dma_wait3A_650 : memref<1x80xi32, #tpu.memory_space<vmem>> -> memref<80xi32, #tpu.memory_space<vmem>>
        %dma_wait3A_652 = arith.constant 0 : i32
        %dma_wait3A_653 = tpu.memref_slice %arg4[%dma_wait3A_652] : memref<320000xi32, #tpu.memory_space<hbm>> -> memref<80xi32, #tpu.memory_space<hbm>>
        tpu.wait_dma2 semaphore(%dma_wait3A_648 : memref<!tpu.dma_semaphore, #tpu.memory_space<semaphore_mem>>) src(%dma_wait3A_653 : memref<80xi32, #tpu.memory_space<hbm>>) dst(%dma_wait3A_651 : memref<80xi32, #tpu.memory_space<vmem>>)
        %dma_wait3A_654 = arith.constant 0 : i32
        %dma_wait3A_655 = tpu.memref_slice %arg10[%rem3A_629, %dma_wait3A_654] : memref<4x80xf32, #tpu.memory_space<vmem>> -> memref<1x80xf32, #tpu.memory_space<vmem>>
        %dma_wait3A_656 = tpu.memref_squeeze %dma_wait3A_655 : memref<1x80xf32, #tpu.memory_space<vmem>> -> memref<80xf32, #tpu.memory_space<vmem>>
        %dma_wait3A_657 = arith.constant 0 : i32
        %dma_wait3A_658 = tpu.memref_slice %arg5[%dma_wait3A_657] : memref<320000xf32, #tpu.memory_space<hbm>> -> memref<80xf32, #tpu.memory_space<hbm>>
        %dma_wait3A_659 = tpu.memref_slice %arg14[%rem3A_629] : memref<4x!tpu.dma_semaphore, #tpu.memory_space<semaphore_mem>> -> memref<1x!tpu.dma_semaphore, #tpu.memory_space<semaphore_mem>>
        %dma_wait3A_660 = tpu.memref_squeeze %dma_wait3A_659 : memref<1x!tpu.dma_semaphore, #tpu.memory_space<semaphore_mem>> -> memref<!tpu.dma_semaphore, #tpu.memory_space<semaphore_mem>>
        %dma_wait3A_661 = arith.constant 0 : i32
        %dma_wait3A_662 = tpu.memref_slice %arg10[%rem3A_629, %dma_wait3A_661] : memref<4x80xf32, #tpu.memory_space<vmem>> -> memref<1x80xf32, #tpu.memory_space<vmem>>
        %dma_wait3A_663 = tpu.memref_squeeze %dma_wait3A_662 : memref<1x80xf32, #tpu.memory_space<vmem>> -> memref<80xf32, #tpu.memory_space<vmem>>
        %dma_wait3A_664 = arith.constant 0 : i32
        %dma_wait3A_665 = tpu.memref_slice %arg5[%dma_wait3A_664] : memref<320000xf32, #tpu.memory_space<hbm>> -> memref<80xf32, #tpu.memory_space<hbm>>
        tpu.wait_dma2 semaphore(%dma_wait3A_660 : memref<!tpu.dma_semaphore, #tpu.memory_space<semaphore_mem>>) src(%dma_wait3A_665 : memref<80xf32, #tpu.memory_space<hbm>>) dst(%dma_wait3A_663 : memref<80xf32, #tpu.memory_space<vmem>>)
        %mul3A_666 = arith.constant 10000 : i32
        %mul3A_667 = arith.muli %add3A_298, %mul3A_666 : i32
        %get3A_668 = arith.index_cast %rem3A_629 : i32 to index
        %get3A_669 = arith.constant 0 : index
        %get3A_670 = tpu.vector_load %arg8[%get3A_668, %get3A_669] {strides = array<i32>} : memref<4x80xi32, #tpu.memory_space<vmem>>, vector<1x16xi32>,
        %get3A_671 = vector.shape_cast %get3A_670 : vector<1x16xi32> to vector<16xi32>
        %add3A_672 = vector.broadcast %mul3A_667 : i32 to vector<16xi32>
        %add3A_673 = arith.addi %get3A_671, %add3A_672 : vector<16xi32>
        %swap3A_674 = arith.index_cast %rem3A_629 : i32 to index
        %swap3A_675 = arith.constant 0 : index
        %swap3A_676 = tpu.vector_load %arg8[%swap3A_674, %swap3A_675] {strides = array<i32>} : memref<4x80xi32, #tpu.memory_space<vmem>>, vector<1x16xi32>,
        %swap3A_677 = vector.shape_cast %swap3A_676 : vector<1x16xi32> to vector<16xi32>
        %swap3A_678 = vector.shape_cast %add3A_673 : vector<16xi32> to vector<1x16xi32>
        tpu.vector_store %arg8[%swap3A_674, %swap3A_675], %swap3A_678 {strides = array<i32>} : memref<4x80xi32, #tpu.memory_space<vmem>>, vector<1x16xi32>,
        %get3A_679 = arith.index_cast %rem3A_629 : i32 to index
        %get3A_680 = arith.constant 16 : index
        %get3A_681 = tpu.vector_load %arg8[%get3A_679, %get3A_680] {strides = array<i32>} : memref<4x80xi32, #tpu.memory_space<vmem>>, vector<1x16xi32>,
        %get3A_682 = vector.shape_cast %get3A_681 : vector<1x16xi32> to vector<16xi32>
        %add3A_683 = vector.broadcast %mul3A_667 : i32 to vector<16xi32>
        %add3A_684 = arith.addi %get3A_682, %add3A_683 : vector<16xi32>
        %swap3A_685 = arith.index_cast %rem3A_629 : i32 to index
        %swap3A_686 = arith.constant 16 : index
        %swap3A_687 = tpu.vector_load %arg8[%swap3A_685, %swap3A_686] {strides = array<i32>} : memref<4x80xi32, #tpu.memory_space<vmem>>, vector<1x16xi32>,
        %swap3A_688 = vector.shape_cast %swap3A_687 : vector<1x16xi32> to vector<16xi32>
        %swap3A_689 = vector.shape_cast %add3A_684 : vector<16xi32> to vector<1x16xi32>
        tpu.vector_store %arg8[%swap3A_685, %swap3A_686], %swap3A_689 {strides = array<i32>} : memref<4x80xi32, #tpu.memory_space<vmem>>, vector<1x16xi32>,
        %get3A_690 = arith.index_cast %rem3A_629 : i32 to index
        %get3A_691 = arith.constant 32 : index
        %get3A_692 = tpu.vector_load %arg8[%get3A_690, %get3A_691] {strides = array<i32>} : memref<4x80xi32, #tpu.memory_space<vmem>>, vector<1x16xi32>,
        %get3A_693 = vector.shape_cast %get3A_692 : vector<1x16xi32> to vector<16xi32>
        %add3A_694 = vector.broadcast %mul3A_667 : i32 to vector<16xi32>
        %add3A_695 = arith.addi %get3A_693, %add3A_694 : vector<16xi32>
        %swap3A_696 = arith.index_cast %rem3A_629 : i32 to index
        %swap3A_697 = arith.constant 32 : index
        %swap3A_698 = tpu.vector_load %arg8[%swap3A_696, %swap3A_697] {strides = array<i32>} : memref<4x80xi32, #tpu.memory_space<vmem>>, vector<1x16xi32>,
        %swap3A_699 = vector.shape_cast %swap3A_698 : vector<1x16xi32> to vector<16xi32>
        %swap3A_700 = vector.shape_cast %add3A_695 : vector<16xi32> to vector<1x16xi32>
        tpu.vector_store %arg8[%swap3A_696, %swap3A_697], %swap3A_700 {strides = array<i32>} : memref<4x80xi32, #tpu.memory_space<vmem>>, vector<1x16xi32>,
        %get3A_701 = arith.index_cast %rem3A_629 : i32 to index
        %get3A_702 = arith.constant 48 : index
        %get3A_703 = tpu.vector_load %arg8[%get3A_701, %get3A_702] {strides = array<i32>} : memref<4x80xi32, #tpu.memory_space<vmem>>, vector<1x16xi32>,
        %get3A_704 = vector.shape_cast %get3A_703 : vector<1x16xi32> to vector<16xi32>
        %add3A_705 = vector.broadcast %mul3A_667 : i32 to vector<16xi32>
        %add3A_706 = arith.addi %get3A_704, %add3A_705 : vector<16xi32>
        %swap3A_707 = arith.index_cast %rem3A_629 : i32 to index
        %swap3A_708 = arith.constant 48 : index
        %swap3A_709 = tpu.vector_load %arg8[%swap3A_707, %swap3A_708] {strides = array<i32>} : memref<4x80xi32, #tpu.memory_space<vmem>>, vector<1x16xi32>,
        %swap3A_710 = vector.shape_cast %swap3A_709 : vector<1x16xi32> to vector<16xi32>
        %swap3A_711 = vector.shape_cast %add3A_706 : vector<16xi32> to vector<1x16xi32>
        tpu.vector_store %arg8[%swap3A_707, %swap3A_708], %swap3A_711 {strides = array<i32>} : memref<4x80xi32, #tpu.memory_space<vmem>>, vector<1x16xi32>,
        %get3A_712 = arith.index_cast %rem3A_629 : i32 to index
        %get3A_713 = arith.constant 64 : index
        %get3A_714 = tpu.vector_load %arg8[%get3A_712, %get3A_713] {strides = array<i32>} : memref<4x80xi32, #tpu.memory_space<vmem>>, vector<1x16xi32>,
        %get3A_715 = vector.shape_cast %get3A_714 : vector<1x16xi32> to vector<16xi32>
        %add3A_716 = vector.broadcast %mul3A_667 : i32 to vector<16xi32>
        %add3A_717 = arith.addi %get3A_715, %add3A_716 : vector<16xi32>
        %swap3A_718 = arith.index_cast %rem3A_629 : i32 to index
        %swap3A_719 = arith.constant 64 : index
        %swap3A_720 = tpu.vector_load %arg8[%swap3A_718, %swap3A_719] {strides = array<i32>} : memref<4x80xi32, #tpu.memory_space<vmem>>, vector<1x16xi32>,
        %swap3A_721 = vector.shape_cast %swap3A_720 : vector<1x16xi32> to vector<16xi32>
        %swap3A_722 = vector.shape_cast %add3A_717 : vector<16xi32> to vector<1x16xi32>
        tpu.vector_store %arg8[%swap3A_718, %swap3A_719], %swap3A_722 {strides = array<i32>} : memref<4x80xi32, #tpu.memory_space<vmem>>, vector<1x16xi32>,
        %dma_start3A_723 = arith.constant 0 : i32
        %dma_start3A_724 = arith.constant 0 : i32
        %dma_start3A_725 = tpu.memref_slice %arg11[%rem3A_629, %dma_start3A_723, %dma_start3A_724] : memref<4x80x32xf32, #tpu.memory_space<vmem>> -> memref<1x80x32xf32, #tpu.memory_space<vmem>>
        %dma_start3A_726 = tpu.memref_squeeze %dma_start3A_725 : memref<1x80x32xf32, #tpu.memory_space<vmem>> -> memref<80x32xf32, #tpu.memory_space<vmem>>
        %dma_start3A_727 = arith.constant 0 : i32
        %dma_start3A_728 = tpu.memref_slice %arg8[%rem3A_629, %dma_start3A_727] : memref<4x80xi32, #tpu.memory_space<vmem>> -> memref<1x80xi32, #tpu.memory_space<vmem>>
        %dma_start3A_729 = tpu.memref_squeeze %dma_start3A_728 : memref<1x80xi32, #tpu.memory_space<vmem>> -> memref<80xi32, #tpu.memory_space<vmem>>
        %dma_start3A_730 = arith.constant 0 : i32
        %dma_start3A_731 = arith.constant 0 : i32
        %dma_start3A_732 = tpu.memref_slice %arg2[%dma_start3A_730, %dma_start3A_731] : memref<40000x32xf32, #tpu.memory_space<hbm>> -> memref<40000x32xf32, #tpu.memory_space<hbm>>
        %dma_start3A_733 = tpu.memref_slice %arg15[%rem3A_629] : memref<4x!tpu.dma_semaphore, #tpu.memory_space<semaphore_mem>> -> memref<1x!tpu.dma_semaphore, #tpu.memory_space<semaphore_mem>>
        %dma_start3A_734 = tpu.memref_squeeze %dma_start3A_733 : memref<1x!tpu.dma_semaphore, #tpu.memory_space<semaphore_mem>> -> memref<!tpu.dma_semaphore, #tpu.memory_space<semaphore_mem>>
        tpu.enqueue_indirect_dma source(%dma_start3A_732 : memref<40000x32xf32, #tpu.memory_space<hbm>>) target(%dma_start3A_726 : memref<80x32xf32, #tpu.memory_space<vmem>>) offsets(%dma_start3A_729 : memref<80xi32, #tpu.memory_space<vmem>>) semaphore(%dma_start3A_734 : memref<!tpu.dma_semaphore, #tpu.memory_space<semaphore_mem>>)
      } else {
      }
      %add3A_581 = arith.constant 2 : i32
      %add3A_582 = arith.addi %scan3A_572, %add3A_581 : i32
      %lt3A_583 = arith.constant 250 : i32
      %lt3A_584 = arith.cmpi slt, %add3A_582, %lt3A_583 : i32
      %convert_element_type3A_585 = arith.extui %lt3A_584 : i1 to i32
      %cond3A_586 = arith.constant 0 : i32
      %cond3A_587 = arith.cmpi ne, %convert_element_type3A_585, %cond3A_586 : i32
      scf.if %cond3A_587 {
        %ge3A = arith.constant 2 : i32
        %ge3A_626 = arith.cmpi sge, %scan3A_572, %ge3A : i32
        %convert_element_type3A_627 = arith.extui %ge3A_626 : i1 to i32
        %cond3A_628 = arith.constant 0 : i32
        %cond3A_629 = arith.cmpi ne, %convert_element_type3A_627, %cond3A_628 : i32
        scf.if %cond3A_629 {
          %add3A_668 = arith.constant 2 : i32
          %add3A_669 = arith.addi %scan3A_572, %add3A_668 : i32
          %rem3A_670 = arith.constant 4 : i32
          %rem3A_671 = arith.remsi %add3A_669, %rem3A_670 : i32
          %dma_wait3A_672 = arith.constant 0 : i32
          %dma_wait3A_673 = arith.constant 0 : i32
          %dma_wait3A_674 = tpu.memref_slice %arg12[%rem3A_671, %dma_wait3A_672, %dma_wait3A_673] : memref<4x80x112xf32, #tpu.memory_space<vmem>> -> memref<1x80x112xf32, #tpu.memory_space<vmem>>
          %dma_wait3A_675 = tpu.memref_squeeze %dma_wait3A_674 : memref<1x80x112xf32, #tpu.memory_space<vmem>> -> memref<80x112xf32, #tpu.memory_space<vmem>>
          %dma_wait3A_676 = arith.constant 0 : i32
          %dma_wait3A_677 = arith.constant 0 : i32
          %dma_wait3A_678 = tpu.memref_slice %arg6[%dma_wait3A_676, %dma_wait3A_677] : memref<10000x112xf32, #tpu.memory_space<hbm>> -> memref<80x112xf32, #tpu.memory_space<hbm>>
          %dma_wait3A_679 = tpu.memref_slice %arg16[%rem3A_671] : memref<4x!tpu.dma_semaphore, #tpu.memory_space<semaphore_mem>> -> memref<1x!tpu.dma_semaphore, #tpu.memory_space<semaphore_mem>>
          %dma_wait3A_680 = tpu.memref_squeeze %dma_wait3A_679 : memref<1x!tpu.dma_semaphore, #tpu.memory_space<semaphore_mem>> -> memref<!tpu.dma_semaphore, #tpu.memory_space<semaphore_mem>>
          %dma_wait3A_681 = arith.constant 0 : i32
          %dma_wait3A_682 = arith.constant 0 : i32
          %dma_wait3A_683 = tpu.memref_slice %arg12[%rem3A_671, %dma_wait3A_681, %dma_wait3A_682] : memref<4x80x112xf32, #tpu.memory_space<vmem>> -> memref<1x80x112xf32, #tpu.memory_space<vmem>>
          %dma_wait3A_684 = tpu.memref_squeeze %dma_wait3A_683 : memref<1x80x112xf32, #tpu.memory_space<vmem>> -> memref<80x112xf32, #tpu.memory_space<vmem>>
          %dma_wait3A_685 = arith.constant 0 : i32
          %dma_wait3A_686 = arith.constant 0 : i32
          %dma_wait3A_687 = tpu.memref_slice %arg6[%dma_wait3A_685, %dma_wait3A_686] : memref<10000x112xf32, #tpu.memory_space<hbm>> -> memref<80x112xf32, #tpu.memory_space<hbm>>
          tpu.wait_dma2 semaphore(%dma_wait3A_680 : memref<!tpu.dma_semaphore, #tpu.memory_space<semaphore_mem>>) src(%dma_wait3A_687 : memref<80x112xf32, #tpu.memory_space<hbm>>) dst(%dma_wait3A_684 : memref<80x112xf32, #tpu.memory_space<vmem>>)
        } else {
        }
        %add3A_630 = arith.constant 2 : i32
        %add3A_631 = arith.addi %scan3A_572, %add3A_630 : i32
        %rem3A_632 = arith.constant 4 : i32
        %rem3A_633 = arith.remsi %add3A_631, %rem3A_632 : i32
        %mul3A_634 = arith.constant 80 : i32
        %mul3A_635 = arith.muli %add3A_631, %mul3A_634 : i32
        %add3A_636 = arith.addi %mul3A_2, %mul3A_635 : i32
        %multiple_of3A_637 = tpu.assume_multiple %add3A_636, 8 : i32
        %dma_start3A_638 = arith.constant 0 : i32
        %dma_start3A_639 = tpu.memref_slice %arg8[%rem3A_633, %dma_start3A_638] : memref<4x80xi32, #tpu.memory_space<vmem>> -> memref<1x80xi32, #tpu.memory_space<vmem>>
        %dma_start3A_640 = tpu.memref_squeeze %dma_start3A_639 : memref<1x80xi32, #tpu.memory_space<vmem>> -> memref<80xi32, #tpu.memory_space<vmem>>
        %dma_start3A_641 = tpu.memref_slice %arg3[%multiple_of3A_637] : memref<320000xi32, #tpu.memory_space<hbm>> -> memref<80xi32, #tpu.memory_space<hbm>>
        %dma_start3A_642 = tpu.memref_slice %arg14[%rem3A_633] : memref<4x!tpu.dma_semaphore, #tpu.memory_space<semaphore_mem>> -> memref<1x!tpu.dma_semaphore, #tpu.memory_space<semaphore_mem>>
        %dma_start3A_643 = tpu.memref_squeeze %dma_start3A_642 : memref<1x!tpu.dma_semaphore, #tpu.memory_space<semaphore_mem>> -> memref<!tpu.dma_semaphore, #tpu.memory_space<semaphore_mem>>
        %dma_start3A_644 = arith.constant 0 : i32
        %dma_start3A_645 = tpu.memref_slice %arg8[%rem3A_633, %dma_start3A_644] : memref<4x80xi32, #tpu.memory_space<vmem>> -> memref<1x80xi32, #tpu.memory_space<vmem>>
        %dma_start3A_646 = tpu.memref_squeeze %dma_start3A_645 : memref<1x80xi32, #tpu.memory_space<vmem>> -> memref<80xi32, #tpu.memory_space<vmem>>
        %dma_start3A_647 = tpu.memref_slice %arg3[%multiple_of3A_637] : memref<320000xi32, #tpu.memory_space<hbm>> -> memref<80xi32, #tpu.memory_space<hbm>>
        tpu.enqueue_dma source(%dma_start3A_647 : memref<80xi32, #tpu.memory_space<hbm>>) target(%dma_start3A_646 : memref<80xi32, #tpu.memory_space<vmem>>) target_semaphore(%dma_start3A_643 : memref<!tpu.dma_semaphore, #tpu.memory_space<semaphore_mem>>)
        %dma_start3A_648 = arith.constant 0 : i32
        %dma_start3A_649 = tpu.memref_slice %arg9[%rem3A_633, %dma_start3A_648] : memref<4x80xi32, #tpu.memory_space<vmem>> -> memref<1x80xi32, #tpu.memory_space<vmem>>
        %dma_start3A_650 = tpu.memref_squeeze %dma_start3A_649 : memref<1x80xi32, #tpu.memory_space<vmem>> -> memref<80xi32, #tpu.memory_space<vmem>>
        %dma_start3A_651 = tpu.memref_slice %arg4[%multiple_of3A_637] : memref<320000xi32, #tpu.memory_space<hbm>> -> memref<80xi32, #tpu.memory_space<hbm>>
        %dma_start3A_652 = tpu.memref_slice %arg14[%rem3A_633] : memref<4x!tpu.dma_semaphore, #tpu.memory_space<semaphore_mem>> -> memref<1x!tpu.dma_semaphore, #tpu.memory_space<semaphore_mem>>
        %dma_start3A_653 = tpu.memref_squeeze %dma_start3A_652 : memref<1x!tpu.dma_semaphore, #tpu.memory_space<semaphore_mem>> -> memref<!tpu.dma_semaphore, #tpu.memory_space<semaphore_mem>>
        %dma_start3A_654 = arith.constant 0 : i32
        %dma_start3A_655 = tpu.memref_slice %arg9[%rem3A_633, %dma_start3A_654] : memref<4x80xi32, #tpu.memory_space<vmem>> -> memref<1x80xi32, #tpu.memory_space<vmem>>
        %dma_start3A_656 = tpu.memref_squeeze %dma_start3A_655 : memref<1x80xi32, #tpu.memory_space<vmem>> -> memref<80xi32, #tpu.memory_space<vmem>>
        %dma_start3A_657 = tpu.memref_slice %arg4[%multiple_of3A_637] : memref<320000xi32, #tpu.memory_space<hbm>> -> memref<80xi32, #tpu.memory_space<hbm>>
        tpu.enqueue_dma source(%dma_start3A_657 : memref<80xi32, #tpu.memory_space<hbm>>) target(%dma_start3A_656 : memref<80xi32, #tpu.memory_space<vmem>>) target_semaphore(%dma_start3A_653 : memref<!tpu.dma_semaphore, #tpu.memory_space<semaphore_mem>>)
        %dma_start3A_658 = arith.constant 0 : i32
        %dma_start3A_659 = tpu.memref_slice %arg10[%rem3A_633, %dma_start3A_658] : memref<4x80xf32, #tpu.memory_space<vmem>> -> memref<1x80xf32, #tpu.memory_space<vmem>>
        %dma_start3A_660 = tpu.memref_squeeze %dma_start3A_659 : memref<1x80xf32, #tpu.memory_space<vmem>> -> memref<80xf32, #tpu.memory_space<vmem>>
        %dma_start3A_661 = tpu.memref_slice %arg5[%multiple_of3A_637] : memref<320000xf32, #tpu.memory_space<hbm>> -> memref<80xf32, #tpu.memory_space<hbm>>
        %dma_start3A_662 = tpu.memref_slice %arg14[%rem3A_633] : memref<4x!tpu.dma_semaphore, #tpu.memory_space<semaphore_mem>> -> memref<1x!tpu.dma_semaphore, #tpu.memory_space<semaphore_mem>>
        %dma_start3A_663 = tpu.memref_squeeze %dma_start3A_662 : memref<1x!tpu.dma_semaphore, #tpu.memory_space<semaphore_mem>> -> memref<!tpu.dma_semaphore, #tpu.memory_space<semaphore_mem>>
        %dma_start3A_664 = arith.constant 0 : i32
        %dma_start3A_665 = tpu.memref_slice %arg10[%rem3A_633, %dma_start3A_664] : memref<4x80xf32, #tpu.memory_space<vmem>> -> memref<1x80xf32, #tpu.memory_space<vmem>>
        %dma_start3A_666 = tpu.memref_squeeze %dma_start3A_665 : memref<1x80xf32, #tpu.memory_space<vmem>> -> memref<80xf32, #tpu.memory_space<vmem>>
        %dma_start3A_667 = tpu.memref_slice %arg5[%multiple_of3A_637] : memref<320000xf32, #tpu.memory_space<hbm>> -> memref<80xf32, #tpu.memory_space<hbm>>
        tpu.enqueue_dma source(%dma_start3A_667 : memref<80xf32, #tpu.memory_space<hbm>>) target(%dma_start3A_666 : memref<80xf32, #tpu.memory_space<vmem>>) target_semaphore(%dma_start3A_663 : memref<!tpu.dma_semaphore, #tpu.memory_space<semaphore_mem>>)
      } else {
      }
      %rem3A_588 = arith.constant 4 : i32
      %rem3A_589 = arith.remsi %scan3A_572, %rem3A_588 : i32
      %dma_wait3A_590 = arith.constant 0 : i32
      %dma_wait3A_591 = arith.constant 0 : i32
      %dma_wait3A_592 = tpu.memref_slice %arg11[%rem3A_589, %dma_wait3A_590, %dma_wait3A_591] : memref<4x80x32xf32, #tpu.memory_space<vmem>> -> memref<1x80x32xf32, #tpu.memory_space<vmem>>
      %dma_wait3A_593 = tpu.memref_squeeze %dma_wait3A_592 : memref<1x80x32xf32, #tpu.memory_space<vmem>> -> memref<80x32xf32, #tpu.memory_space<vmem>>
      %dma_wait3A_594 = arith.constant 0 : i32
      %dma_wait3A_595 = arith.constant 0 : i32
      %dma_wait3A_596 = tpu.memref_slice %arg2[%dma_wait3A_594, %dma_wait3A_595] : memref<40000x32xf32, #tpu.memory_space<hbm>> -> memref<80x32xf32, #tpu.memory_space<hbm>>
      %dma_wait3A_597 = tpu.memref_slice %arg15[%rem3A_589] : memref<4x!tpu.dma_semaphore, #tpu.memory_space<semaphore_mem>> -> memref<1x!tpu.dma_semaphore, #tpu.memory_space<semaphore_mem>>
      %dma_wait3A_598 = tpu.memref_squeeze %dma_wait3A_597 : memref<1x!tpu.dma_semaphore, #tpu.memory_space<semaphore_mem>> -> memref<!tpu.dma_semaphore, #tpu.memory_space<semaphore_mem>>
      %dma_wait3A_599 = arith.constant 0 : i32
      %dma_wait3A_600 = arith.constant 0 : i32
      %dma_wait3A_601 = tpu.memref_slice %arg11[%rem3A_589, %dma_wait3A_599, %dma_wait3A_600] : memref<4x80x32xf32, #tpu.memory_space<vmem>> -> memref<1x80x32xf32, #tpu.memory_space<vmem>>
      %dma_wait3A_602 = tpu.memref_squeeze %dma_wait3A_601 : memref<1x80x32xf32, #tpu.memory_space<vmem>> -> memref<80x32xf32, #tpu.memory_space<vmem>>
      %dma_wait3A_603 = arith.constant 0 : i32
      %dma_wait3A_604 = arith.constant 0 : i32
      %dma_wait3A_605 = tpu.memref_slice %arg2[%dma_wait3A_603, %dma_wait3A_604] : memref<40000x32xf32, #tpu.memory_space<hbm>> -> memref<80x32xf32, #tpu.memory_space<hbm>>
      tpu.wait_dma2 semaphore(%dma_wait3A_598 : memref<!tpu.dma_semaphore, #tpu.memory_space<semaphore_mem>>) src(%dma_wait3A_605 : memref<80x32xf32, #tpu.memory_space<hbm>>) dst(%dma_wait3A_602 : memref<80x32xf32, #tpu.memory_space<vmem>>)
      %scan3A_606 = arith.constant 0 : i32
      %scan3A_607 = arith.constant 0 : i32
      %scan3A_608 = arith.constant 5 : i32
      %scan3A_609 = arith.addi %scan3A_607, %scan3A_608 : i32
      %scan3A_610 = arith.constant 1 : i32
      %scan3A_611 = scf.for %scan3A_626 = %scan3A_607 to %scan3A_609 step %scan3A_610 iter_args(%scan3A_627 = %scan3A_606) -> (i32)  : i32 {
        %mul3A_628 = arith.constant 16 : i32
        %mul3A_629 = arith.muli %mul3A_628, %scan3A_626 : i32
        %get3A_630 = arith.index_cast %rem3A_589 : i32 to index
        %get3A_631 = arith.index_cast %mul3A_629 : i32 to index
        %get3A_632 = tpu.vector_load %arg10[%get3A_630, %get3A_631] {strides = array<i32>} : memref<4x80xf32, #tpu.memory_space<vmem>>, vector<1x16xf32>,
        %get3A_633 = vector.shape_cast %get3A_632 : vector<1x16xf32> to vector<16xf32>
        %abs3A = math.absf %get3A_633 : vector<16xf32>
        %slice3A = vector.extract_strided_slice %get3A_633 {offsets = [0], sizes = [1], strides = [1]} : vector<16xf32> to vector<1xf32>
        %squeeze3A = vector.extract %slice3A[0] : f32 from vector<1xf32>
        %slice3A_634 = vector.extract_strided_slice %abs3A {offsets = [0], sizes = [1], strides = [1]} : vector<16xf32> to vector<1xf32>
        %squeeze3A_635 = vector.extract %slice3A_634[0] : f32 from vector<1xf32>
        %mul3A_636 = arith.constant 16 : i32
        %mul3A_637 = arith.muli %mul3A_636, %scan3A_626 : i32
        %add3A_638 = arith.constant 0 : i32
        %add3A_639 = arith.addi %mul3A_637, %add3A_638 : i32
        %jit3A = arith.constant 0.000000e+00 : f32
        %broadcast_in_dim3A = vector.broadcast %squeeze3A : f32 to vector<16xf32>
        %broadcast_in_dim3A_640 = vector.broadcast %jit3A : f32 to vector<16xf32>
        %select_n3A = arith.select %eq3A_10, %broadcast_in_dim3A, %broadcast_in_dim3A_640 : vector<16xi1>, vector<16xf32>
        %broadcast_in_dim3A_641 = vector.broadcast %squeeze3A_635 : f32 to vector<16xf32>
        %select_n3A_642 = arith.select %eq3A_7, %broadcast_in_dim3A_641, %select_n3A : vector<16xi1>, vector<16xf32>
        %jit3A_643 = arith.constant 1.000000e+00 : f32
        %broadcast_in_dim3A_644 = vector.broadcast %jit3A_643 : f32 to vector<16xf32>
        %select_n3A_645 = arith.select %eq3A_4, %broadcast_in_dim3A_644, %select_n3A_642 : vector<16xi1>, vector<16xf32>
        %swap3A_646 = arith.index_cast %rem3A_589 : i32 to index
        %swap3A_647 = arith.index_cast %add3A_639 : i32 to index
        %swap3A_648 = arith.constant 96 : index
        %swap3A_649 = tpu.vector_load %arg12[%swap3A_646, %swap3A_647, %swap3A_648] {strides = array<i32>} : memref<4x80x112xf32, #tpu.memory_space<vmem>>, vector<1x1x16xf32>,
        %swap3A_650 = vector.shape_cast %swap3A_649 : vector<1x1x16xf32> to vector<16xf32>
        %swap3A_651 = vector.shape_cast %select_n3A_645 : vector<16xf32> to vector<1x1x16xf32>
        tpu.vector_store %arg12[%swap3A_646, %swap3A_647, %swap3A_648], %swap3A_651 {strides = array<i32>} : memref<4x80x112xf32, #tpu.memory_space<vmem>>, vector<1x1x16xf32>,
        %get3A_652 = arith.index_cast %rem3A_589 : i32 to index
        %get3A_653 = arith.index_cast %add3A_639 : i32 to index
        %get3A_654 = arith.constant 0 : index
        %get3A_655 = tpu.vector_load %arg11[%get3A_652, %get3A_653, %get3A_654] {strides = array<i32>} : memref<4x80x32xf32, #tpu.memory_space<vmem>>, vector<1x1x16xf32>,
        %get3A_656 = vector.shape_cast %get3A_655 : vector<1x1x16xf32> to vector<16xf32>
        %swap3A_657 = arith.index_cast %rem3A_589 : i32 to index
        %swap3A_658 = arith.index_cast %add3A_639 : i32 to index
        %swap3A_659 = arith.constant 0 : index
        %swap3A_660 = tpu.vector_load %arg12[%swap3A_657, %swap3A_658, %swap3A_659] {strides = array<i32>} : memref<4x80x112xf32, #tpu.memory_space<vmem>>, vector<1x1x16xf32>,
        %swap3A_661 = vector.shape_cast %swap3A_660 : vector<1x1x16xf32> to vector<16xf32>
        %swap3A_662 = vector.shape_cast %get3A_656 : vector<16xf32> to vector<1x1x16xf32>
        tpu.vector_store %arg12[%swap3A_657, %swap3A_658, %swap3A_659], %swap3A_662 {strides = array<i32>} : memref<4x80x112xf32, #tpu.memory_space<vmem>>, vector<1x1x16xf32>,
        %mul3A_663 = vector.broadcast %squeeze3A_635 : f32 to vector<16xf32>
        %mul3A_664 = arith.mulf %get3A_656, %mul3A_663 : vector<16xf32>
        %swap3A_665 = arith.index_cast %rem3A_589 : i32 to index
        %swap3A_666 = arith.index_cast %add3A_639 : i32 to index
        %swap3A_667 = arith.constant 32 : index
        %swap3A_668 = tpu.vector_load %arg12[%swap3A_665, %swap3A_666, %swap3A_667] {strides = array<i32>} : memref<4x80x112xf32, #tpu.memory_space<vmem>>, vector<1x1x16xf32>,
        %swap3A_669 = vector.shape_cast %swap3A_668 : vector<1x1x16xf32> to vector<16xf32>
        %swap3A_670 = vector.shape_cast %mul3A_664 : vector<16xf32> to vector<1x1x16xf32>
        tpu.vector_store %arg12[%swap3A_665, %swap3A_666, %swap3A_667], %swap3A_670 {strides = array<i32>} : memref<4x80x112xf32, #tpu.memory_space<vmem>>, vector<1x1x16xf32>,
        %mul3A_671 = vector.broadcast %squeeze3A : f32 to vector<16xf32>
        %mul3A_672 = arith.mulf %get3A_656, %mul3A_671 : vector<16xf32>
        %swap3A_673 = arith.index_cast %rem3A_589 : i32 to index
        %swap3A_674 = arith.index_cast %add3A_639 : i32 to index
        %swap3A_675 = arith.constant 64 : index
        %swap3A_676 = tpu.vector_load %arg12[%swap3A_673, %swap3A_674, %swap3A_675] {strides = array<i32>} : memref<4x80x112xf32, #tpu.memory_space<vmem>>, vector<1x1x16xf32>,
        %swap3A_677 = vector.shape_cast %swap3A_676 : vector<1x1x16xf32> to vector<16xf32>
        %swap3A_678 = vector.shape_cast %mul3A_672 : vector<16xf32> to vector<1x1x16xf32>
        tpu.vector_store %arg12[%swap3A_673, %swap3A_674, %swap3A_675], %swap3A_678 {strides = array<i32>} : memref<4x80x112xf32, #tpu.memory_space<vmem>>, vector<1x1x16xf32>,
        %get3A_679 = arith.index_cast %rem3A_589 : i32 to index
        %get3A_680 = arith.index_cast %add3A_639 : i32 to index
        %get3A_681 = arith.constant 16 : index
        %get3A_682 = tpu.vector_load %arg11[%get3A_679, %get3A_680, %get3A_681] {strides = array<i32>} : memref<4x80x32xf32, #tpu.memory_space<vmem>>, vector<1x1x16xf32>,
        %get3A_683 = vector.shape_cast %get3A_682 : vector<1x1x16xf32> to vector<16xf32>
        %swap3A_684 = arith.index_cast %rem3A_589 : i32 to index
        %swap3A_685 = arith.index_cast %add3A_639 : i32 to index
        %swap3A_686 = arith.constant 16 : index
        %swap3A_687 = tpu.vector_load %arg12[%swap3A_684, %swap3A_685, %swap3A_686] {strides = array<i32>} : memref<4x80x112xf32, #tpu.memory_space<vmem>>, vector<1x1x16xf32>,
        %swap3A_688 = vector.shape_cast %swap3A_687 : vector<1x1x16xf32> to vector<16xf32>
        %swap3A_689 = vector.shape_cast %get3A_683 : vector<16xf32> to vector<1x1x16xf32>
        tpu.vector_store %arg12[%swap3A_684, %swap3A_685, %swap3A_686], %swap3A_689 {strides = array<i32>} : memref<4x80x112xf32, #tpu.memory_space<vmem>>, vector<1x1x16xf32>,
        %mul3A_690 = vector.broadcast %squeeze3A_635 : f32 to vector<16xf32>
        %mul3A_691 = arith.mulf %get3A_683, %mul3A_690 : vector<16xf32>
        %swap3A_692 = arith.index_cast %rem3A_589 : i32 to index
        %swap3A_693 = arith.index_cast %add3A_639 : i32 to index
        %swap3A_694 = arith.constant 48 : index
        %swap3A_695 = tpu.vector_load %arg12[%swap3A_692, %swap3A_693, %swap3A_694] {strides = array<i32>} : memref<4x80x112xf32, #tpu.memory_space<vmem>>, vector<1x1x16xf32>,
        %swap3A_696 = vector.shape_cast %swap3A_695 : vector<1x1x16xf32> to vector<16xf32>
        %swap3A_697 = vector.shape_cast %mul3A_691 : vector<16xf32> to vector<1x1x16xf32>
        tpu.vector_store %arg12[%swap3A_692, %swap3A_693, %swap3A_694], %swap3A_697 {strides = array<i32>} : memref<4x80x112xf32, #tpu.memory_space<vmem>>, vector<1x1x16xf32>,
        %mul3A_698 = vector.broadcast %squeeze3A : f32 to vector<16xf32>
        %mul3A_699 = arith.mulf %get3A_683, %mul3A_698 : vector<16xf32>
        %swap3A_700 = arith.index_cast %rem3A_589 : i32 to index
        %swap3A_701 = arith.index_cast %add3A_639 : i32 to index
        %swap3A_702 = arith.constant 80 : index
        %swap3A_703 = tpu.vector_load %arg12[%swap3A_700, %swap3A_701, %swap3A_702] {strides = array<i32>} : memref<4x80x112xf32, #tpu.memory_space<vmem>>, vector<1x1x16xf32>,
        %swap3A_704 = vector.shape_cast %swap3A_703 : vector<1x1x16xf32> to vector<16xf32>
        %swap3A_705 = vector.shape_cast %mul3A_699 : vector<16xf32> to vector<1x1x16xf32>
        tpu.vector_store %arg12[%swap3A_700, %swap3A_701, %swap3A_702], %swap3A_705 {strides = array<i32>} : memref<4x80x112xf32, #tpu.memory_space<vmem>>, vector<1x1x16xf32>,
        %slice3A_706 = vector.extract_strided_slice %get3A_633 {offsets = [1], sizes = [1], strides = [1]} : vector<16xf32> to vector<1xf32>
        %squeeze3A_707 = vector.extract %slice3A_706[0] : f32 from vector<1xf32>
        %slice3A_708 = vector.extract_strided_slice %abs3A {offsets = [1], sizes = [1], strides = [1]} : vector<16xf32> to vector<1xf32>
        %squeeze3A_709 = vector.extract %slice3A_708[0] : f32 from vector<1xf32>
        %mul3A_710 = arith.constant 16 : i32
        %mul3A_711 = arith.muli %mul3A_710, %scan3A_626 : i32
        %add3A_712 = arith.constant 1 : i32
        %add3A_713 = arith.addi %mul3A_711, %add3A_712 : i32
        %jit3A_714 = arith.constant 0.000000e+00 : f32
        %broadcast_in_dim3A_715 = vector.broadcast %squeeze3A_707 : f32 to vector<16xf32>
        %broadcast_in_dim3A_716 = vector.broadcast %jit3A_714 : f32 to vector<16xf32>
        %select_n3A_717 = arith.select %eq3A_10, %broadcast_in_dim3A_715, %broadcast_in_dim3A_716 : vector<16xi1>, vector<16xf32>
        %broadcast_in_dim3A_718 = vector.broadcast %squeeze3A_709 : f32 to vector<16xf32>
        %select_n3A_719 = arith.select %eq3A_7, %broadcast_in_dim3A_718, %select_n3A_717 : vector<16xi1>, vector<16xf32>
        %jit3A_720 = arith.constant 1.000000e+00 : f32
        %broadcast_in_dim3A_721 = vector.broadcast %jit3A_720 : f32 to vector<16xf32>
        %select_n3A_722 = arith.select %eq3A_4, %broadcast_in_dim3A_721, %select_n3A_719 : vector<16xi1>, vector<16xf32>
        %swap3A_723 = arith.index_cast %rem3A_589 : i32 to index
        %swap3A_724 = arith.index_cast %add3A_713 : i32 to index
        %swap3A_725 = arith.constant 96 : index
        %swap3A_726 = tpu.vector_load %arg12[%swap3A_723, %swap3A_724, %swap3A_725] {strides = array<i32>} : memref<4x80x112xf32, #tpu.memory_space<vmem>>, vector<1x1x16xf32>,
        %swap3A_727 = vector.shape_cast %swap3A_726 : vector<1x1x16xf32> to vector<16xf32>
        %swap3A_728 = vector.shape_cast %select_n3A_722 : vector<16xf32> to vector<1x1x16xf32>
        tpu.vector_store %arg12[%swap3A_723, %swap3A_724, %swap3A_725], %swap3A_728 {strides = array<i32>} : memref<4x80x112xf32, #tpu.memory_space<vmem>>, vector<1x1x16xf32>,
        %get3A_729 = arith.index_cast %rem3A_589 : i32 to index
        %get3A_730 = arith.index_cast %add3A_713 : i32 to index
        %get3A_731 = arith.constant 0 : index
        %get3A_732 = tpu.vector_load %arg11[%get3A_729, %get3A_730, %get3A_731] {strides = array<i32>} : memref<4x80x32xf32, #tpu.memory_space<vmem>>, vector<1x1x16xf32>,
        %get3A_733 = vector.shape_cast %get3A_732 : vector<1x1x16xf32> to vector<16xf32>
        %swap3A_734 = arith.index_cast %rem3A_589 : i32 to index
        %swap3A_735 = arith.index_cast %add3A_713 : i32 to index
        %swap3A_736 = arith.constant 0 : index
        %swap3A_737 = tpu.vector_load %arg12[%swap3A_734, %swap3A_735, %swap3A_736] {strides = array<i32>} : memref<4x80x112xf32, #tpu.memory_space<vmem>>, vector<1x1x16xf32>,
        %swap3A_738 = vector.shape_cast %swap3A_737 : vector<1x1x16xf32> to vector<16xf32>
        %swap3A_739 = vector.shape_cast %get3A_733 : vector<16xf32> to vector<1x1x16xf32>
        tpu.vector_store %arg12[%swap3A_734, %swap3A_735, %swap3A_736], %swap3A_739 {strides = array<i32>} : memref<4x80x112xf32, #tpu.memory_space<vmem>>, vector<1x1x16xf32>,
        %mul3A_740 = vector.broadcast %squeeze3A_709 : f32 to vector<16xf32>
        %mul3A_741 = arith.mulf %get3A_733, %mul3A_740 : vector<16xf32>
        %swap3A_742 = arith.index_cast %rem3A_589 : i32 to index
        %swap3A_743 = arith.index_cast %add3A_713 : i32 to index
        %swap3A_744 = arith.constant 32 : index
        %swap3A_745 = tpu.vector_load %arg12[%swap3A_742, %swap3A_743, %swap3A_744] {strides = array<i32>} : memref<4x80x112xf32, #tpu.memory_space<vmem>>, vector<1x1x16xf32>,
        %swap3A_746 = vector.shape_cast %swap3A_745 : vector<1x1x16xf32> to vector<16xf32>
        %swap3A_747 = vector.shape_cast %mul3A_741 : vector<16xf32> to vector<1x1x16xf32>
        tpu.vector_store %arg12[%swap3A_742, %swap3A_743, %swap3A_744], %swap3A_747 {strides = array<i32>} : memref<4x80x112xf32, #tpu.memory_space<vmem>>, vector<1x1x16xf32>,
        %mul3A_748 = vector.broadcast %squeeze3A_707 : f32 to vector<16xf32>
        %mul3A_749 = arith.mulf %get3A_733, %mul3A_748 : vector<16xf32>
        %swap3A_750 = arith.index_cast %rem3A_589 : i32 to index
        %swap3A_751 = arith.index_cast %add3A_713 : i32 to index
        %swap3A_752 = arith.constant 64 : index
        %swap3A_753 = tpu.vector_load %arg12[%swap3A_750, %swap3A_751, %swap3A_752] {strides = array<i32>} : memref<4x80x112xf32, #tpu.memory_space<vmem>>, vector<1x1x16xf32>,
        %swap3A_754 = vector.shape_cast %swap3A_753 : vector<1x1x16xf32> to vector<16xf32>
        %swap3A_755 = vector.shape_cast %mul3A_749 : vector<16xf32> to vector<1x1x16xf32>
        tpu.vector_store %arg12[%swap3A_750, %swap3A_751, %swap3A_752], %swap3A_755 {strides = array<i32>} : memref<4x80x112xf32, #tpu.memory_space<vmem>>, vector<1x1x16xf32>,
        %get3A_756 = arith.index_cast %rem3A_589 : i32 to index
        %get3A_757 = arith.index_cast %add3A_713 : i32 to index
        %get3A_758 = arith.constant 16 : index
        %get3A_759 = tpu.vector_load %arg11[%get3A_756, %get3A_757, %get3A_758] {strides = array<i32>} : memref<4x80x32xf32, #tpu.memory_space<vmem>>, vector<1x1x16xf32>,
        %get3A_760 = vector.shape_cast %get3A_759 : vector<1x1x16xf32> to vector<16xf32>
        %swap3A_761 = arith.index_cast %rem3A_589 : i32 to index
        %swap3A_762 = arith.index_cast %add3A_713 : i32 to index
        %swap3A_763 = arith.constant 16 : index
        %swap3A_764 = tpu.vector_load %arg12[%swap3A_761, %swap3A_762, %swap3A_763] {strides = array<i32>} : memref<4x80x112xf32, #tpu.memory_space<vmem>>, vector<1x1x16xf32>,
        %swap3A_765 = vector.shape_cast %swap3A_764 : vector<1x1x16xf32> to vector<16xf32>
        %swap3A_766 = vector.shape_cast %get3A_760 : vector<16xf32> to vector<1x1x16xf32>
        tpu.vector_store %arg12[%swap3A_761, %swap3A_762, %swap3A_763], %swap3A_766 {strides = array<i32>} : memref<4x80x112xf32, #tpu.memory_space<vmem>>, vector<1x1x16xf32>,
        %mul3A_767 = vector.broadcast %squeeze3A_709 : f32 to vector<16xf32>
        %mul3A_768 = arith.mulf %get3A_760, %mul3A_767 : vector<16xf32>
        %swap3A_769 = arith.index_cast %rem3A_589 : i32 to index
        %swap3A_770 = arith.index_cast %add3A_713 : i32 to index
        %swap3A_771 = arith.constant 48 : index
        %swap3A_772 = tpu.vector_load %arg12[%swap3A_769, %swap3A_770, %swap3A_771] {strides = array<i32>} : memref<4x80x112xf32, #tpu.memory_space<vmem>>, vector<1x1x16xf32>,
        %swap3A_773 = vector.shape_cast %swap3A_772 : vector<1x1x16xf32> to vector<16xf32>
        %swap3A_774 = vector.shape_cast %mul3A_768 : vector<16xf32> to vector<1x1x16xf32>
        tpu.vector_store %arg12[%swap3A_769, %swap3A_770, %swap3A_771], %swap3A_774 {strides = array<i32>} : memref<4x80x112xf32, #tpu.memory_space<vmem>>, vector<1x1x16xf32>,
        %mul3A_775 = vector.broadcast %squeeze3A_707 : f32 to vector<16xf32>
        %mul3A_776 = arith.mulf %get3A_760, %mul3A_775 : vector<16xf32>
        %swap3A_777 = arith.index_cast %rem3A_589 : i32 to index
        %swap3A_778 = arith.index_cast %add3A_713 : i32 to index
        %swap3A_779 = arith.constant 80 : index
        %swap3A_780 = tpu.vector_load %arg12[%swap3A_777, %swap3A_778, %swap3A_779] {strides = array<i32>} : memref<4x80x112xf32, #tpu.memory_space<vmem>>, vector<1x1x16xf32>,
        %swap3A_781 = vector.shape_cast %swap3A_780 : vector<1x1x16xf32> to vector<16xf32>
        %swap3A_782 = vector.shape_cast %mul3A_776 : vector<16xf32> to vector<1x1x16xf32>
        tpu.vector_store %arg12[%swap3A_777, %swap3A_778, %swap3A_779], %swap3A_782 {strides = array<i32>} : memref<4x80x112xf32, #tpu.memory_space<vmem>>, vector<1x1x16xf32>,
        %slice3A_783 = vector.extract_strided_slice %get3A_633 {offsets = [2], sizes = [1], strides = [1]} : vector<16xf32> to vector<1xf32>
        %squeeze3A_784 = vector.extract %slice3A_783[0] : f32 from vector<1xf32>
        %slice3A_785 = vector.extract_strided_slice %abs3A {offsets = [2], sizes = [1], strides = [1]} : vector<16xf32> to vector<1xf32>
        %squeeze3A_786 = vector.extract %slice3A_785[0] : f32 from vector<1xf32>
        %mul3A_787 = arith.constant 16 : i32
        %mul3A_788 = arith.muli %mul3A_787, %scan3A_626 : i32
        %add3A_789 = arith.constant 2 : i32
        %add3A_790 = arith.addi %mul3A_788, %add3A_789 : i32
        %jit3A_791 = arith.constant 0.000000e+00 : f32
        %broadcast_in_dim3A_792 = vector.broadcast %squeeze3A_784 : f32 to vector<16xf32>
        %broadcast_in_dim3A_793 = vector.broadcast %jit3A_791 : f32 to vector<16xf32>
        %select_n3A_794 = arith.select %eq3A_10, %broadcast_in_dim3A_792, %broadcast_in_dim3A_793 : vector<16xi1>, vector<16xf32>
        %broadcast_in_dim3A_795 = vector.broadcast %squeeze3A_786 : f32 to vector<16xf32>
        %select_n3A_796 = arith.select %eq3A_7, %broadcast_in_dim3A_795, %select_n3A_794 : vector<16xi1>, vector<16xf32>
        %jit3A_797 = arith.constant 1.000000e+00 : f32
        %broadcast_in_dim3A_798 = vector.broadcast %jit3A_797 : f32 to vector<16xf32>
        %select_n3A_799 = arith.select %eq3A_4, %broadcast_in_dim3A_798, %select_n3A_796 : vector<16xi1>, vector<16xf32>
        %swap3A_800 = arith.index_cast %rem3A_589 : i32 to index
        %swap3A_801 = arith.index_cast %add3A_790 : i32 to index
        %swap3A_802 = arith.constant 96 : index
        %swap3A_803 = tpu.vector_load %arg12[%swap3A_800, %swap3A_801, %swap3A_802] {strides = array<i32>} : memref<4x80x112xf32, #tpu.memory_space<vmem>>, vector<1x1x16xf32>,
        %swap3A_804 = vector.shape_cast %swap3A_803 : vector<1x1x16xf32> to vector<16xf32>
        %swap3A_805 = vector.shape_cast %select_n3A_799 : vector<16xf32> to vector<1x1x16xf32>
        tpu.vector_store %arg12[%swap3A_800, %swap3A_801, %swap3A_802], %swap3A_805 {strides = array<i32>} : memref<4x80x112xf32, #tpu.memory_space<vmem>>, vector<1x1x16xf32>,
        %get3A_806 = arith.index_cast %rem3A_589 : i32 to index
        %get3A_807 = arith.index_cast %add3A_790 : i32 to index
        %get3A_808 = arith.constant 0 : index
        %get3A_809 = tpu.vector_load %arg11[%get3A_806, %get3A_807, %get3A_808] {strides = array<i32>} : memref<4x80x32xf32, #tpu.memory_space<vmem>>, vector<1x1x16xf32>,
        %get3A_810 = vector.shape_cast %get3A_809 : vector<1x1x16xf32> to vector<16xf32>
        %swap3A_811 = arith.index_cast %rem3A_589 : i32 to index
        %swap3A_812 = arith.index_cast %add3A_790 : i32 to index
        %swap3A_813 = arith.constant 0 : index
        %swap3A_814 = tpu.vector_load %arg12[%swap3A_811, %swap3A_812, %swap3A_813] {strides = array<i32>} : memref<4x80x112xf32, #tpu.memory_space<vmem>>, vector<1x1x16xf32>,
        %swap3A_815 = vector.shape_cast %swap3A_814 : vector<1x1x16xf32> to vector<16xf32>
        %swap3A_816 = vector.shape_cast %get3A_810 : vector<16xf32> to vector<1x1x16xf32>
        tpu.vector_store %arg12[%swap3A_811, %swap3A_812, %swap3A_813], %swap3A_816 {strides = array<i32>} : memref<4x80x112xf32, #tpu.memory_space<vmem>>, vector<1x1x16xf32>,
        %mul3A_817 = vector.broadcast %squeeze3A_786 : f32 to vector<16xf32>
        %mul3A_818 = arith.mulf %get3A_810, %mul3A_817 : vector<16xf32>
        %swap3A_819 = arith.index_cast %rem3A_589 : i32 to index
        %swap3A_820 = arith.index_cast %add3A_790 : i32 to index
        %swap3A_821 = arith.constant 32 : index
        %swap3A_822 = tpu.vector_load %arg12[%swap3A_819, %swap3A_820, %swap3A_821] {strides = array<i32>} : memref<4x80x112xf32, #tpu.memory_space<vmem>>, vector<1x1x16xf32>,
        %swap3A_823 = vector.shape_cast %swap3A_822 : vector<1x1x16xf32> to vector<16xf32>
        %swap3A_824 = vector.shape_cast %mul3A_818 : vector<16xf32> to vector<1x1x16xf32>
        tpu.vector_store %arg12[%swap3A_819, %swap3A_820, %swap3A_821], %swap3A_824 {strides = array<i32>} : memref<4x80x112xf32, #tpu.memory_space<vmem>>, vector<1x1x16xf32>,
        %mul3A_825 = vector.broadcast %squeeze3A_784 : f32 to vector<16xf32>
        %mul3A_826 = arith.mulf %get3A_810, %mul3A_825 : vector<16xf32>
        %swap3A_827 = arith.index_cast %rem3A_589 : i32 to index
        %swap3A_828 = arith.index_cast %add3A_790 : i32 to index
        %swap3A_829 = arith.constant 64 : index
        %swap3A_830 = tpu.vector_load %arg12[%swap3A_827, %swap3A_828, %swap3A_829] {strides = array<i32>} : memref<4x80x112xf32, #tpu.memory_space<vmem>>, vector<1x1x16xf32>,
        %swap3A_831 = vector.shape_cast %swap3A_830 : vector<1x1x16xf32> to vector<16xf32>
        %swap3A_832 = vector.shape_cast %mul3A_826 : vector<16xf32> to vector<1x1x16xf32>
        tpu.vector_store %arg12[%swap3A_827, %swap3A_828, %swap3A_829], %swap3A_832 {strides = array<i32>} : memref<4x80x112xf32, #tpu.memory_space<vmem>>, vector<1x1x16xf32>,
        %get3A_833 = arith.index_cast %rem3A_589 : i32 to index
        %get3A_834 = arith.index_cast %add3A_790 : i32 to index
        %get3A_835 = arith.constant 16 : index
        %get3A_836 = tpu.vector_load %arg11[%get3A_833, %get3A_834, %get3A_835] {strides = array<i32>} : memref<4x80x32xf32, #tpu.memory_space<vmem>>, vector<1x1x16xf32>,
        %get3A_837 = vector.shape_cast %get3A_836 : vector<1x1x16xf32> to vector<16xf32>
        %swap3A_838 = arith.index_cast %rem3A_589 : i32 to index
        %swap3A_839 = arith.index_cast %add3A_790 : i32 to index
        %swap3A_840 = arith.constant 16 : index
        %swap3A_841 = tpu.vector_load %arg12[%swap3A_838, %swap3A_839, %swap3A_840] {strides = array<i32>} : memref<4x80x112xf32, #tpu.memory_space<vmem>>, vector<1x1x16xf32>,
        %swap3A_842 = vector.shape_cast %swap3A_841 : vector<1x1x16xf32> to vector<16xf32>
        %swap3A_843 = vector.shape_cast %get3A_837 : vector<16xf32> to vector<1x1x16xf32>
        tpu.vector_store %arg12[%swap3A_838, %swap3A_839, %swap3A_840], %swap3A_843 {strides = array<i32>} : memref<4x80x112xf32, #tpu.memory_space<vmem>>, vector<1x1x16xf32>,
        %mul3A_844 = vector.broadcast %squeeze3A_786 : f32 to vector<16xf32>
        %mul3A_845 = arith.mulf %get3A_837, %mul3A_844 : vector<16xf32>
        %swap3A_846 = arith.index_cast %rem3A_589 : i32 to index
        %swap3A_847 = arith.index_cast %add3A_790 : i32 to index
        %swap3A_848 = arith.constant 48 : index
        %swap3A_849 = tpu.vector_load %arg12[%swap3A_846, %swap3A_847, %swap3A_848] {strides = array<i32>} : memref<4x80x112xf32, #tpu.memory_space<vmem>>, vector<1x1x16xf32>,
        %swap3A_850 = vector.shape_cast %swap3A_849 : vector<1x1x16xf32> to vector<16xf32>
        %swap3A_851 = vector.shape_cast %mul3A_845 : vector<16xf32> to vector<1x1x16xf32>
        tpu.vector_store %arg12[%swap3A_846, %swap3A_847, %swap3A_848], %swap3A_851 {strides = array<i32>} : memref<4x80x112xf32, #tpu.memory_space<vmem>>, vector<1x1x16xf32>,
        %mul3A_852 = vector.broadcast %squeeze3A_784 : f32 to vector<16xf32>
        %mul3A_853 = arith.mulf %get3A_837, %mul3A_852 : vector<16xf32>
        %swap3A_854 = arith.index_cast %rem3A_589 : i32 to index
        %swap3A_855 = arith.index_cast %add3A_790 : i32 to index
        %swap3A_856 = arith.constant 80 : index
        %swap3A_857 = tpu.vector_load %arg12[%swap3A_854, %swap3A_855, %swap3A_856] {strides = array<i32>} : memref<4x80x112xf32, #tpu.memory_space<vmem>>, vector<1x1x16xf32>,
        %swap3A_858 = vector.shape_cast %swap3A_857 : vector<1x1x16xf32> to vector<16xf32>
        %swap3A_859 = vector.shape_cast %mul3A_853 : vector<16xf32> to vector<1x1x16xf32>
        tpu.vector_store %arg12[%swap3A_854, %swap3A_855, %swap3A_856], %swap3A_859 {strides = array<i32>} : memref<4x80x112xf32, #tpu.memory_space<vmem>>, vector<1x1x16xf32>,
        %slice3A_860 = vector.extract_strided_slice %get3A_633 {offsets = [3], sizes = [1], strides = [1]} : vector<16xf32> to vector<1xf32>
        %squeeze3A_861 = vector.extract %slice3A_860[0] : f32 from vector<1xf32>
        %slice3A_862 = vector.extract_strided_slice %abs3A {offsets = [3], sizes = [1], strides = [1]} : vector<16xf32> to vector<1xf32>
        %squeeze3A_863 = vector.extract %slice3A_862[0] : f32 from vector<1xf32>
        %mul3A_864 = arith.constant 16 : i32
        %mul3A_865 = arith.muli %mul3A_864, %scan3A_626 : i32
        %add3A_866 = arith.constant 3 : i32
        %add3A_867 = arith.addi %mul3A_865, %add3A_866 : i32
        %jit3A_868 = arith.constant 0.000000e+00 : f32
        %broadcast_in_dim3A_869 = vector.broadcast %squeeze3A_861 : f32 to vector<16xf32>
        %broadcast_in_dim3A_870 = vector.broadcast %jit3A_868 : f32 to vector<16xf32>
        %select_n3A_871 = arith.select %eq3A_10, %broadcast_in_dim3A_869, %broadcast_in_dim3A_870 : vector<16xi1>, vector<16xf32>
        %broadcast_in_dim3A_872 = vector.broadcast %squeeze3A_863 : f32 to vector<16xf32>
        %select_n3A_873 = arith.select %eq3A_7, %broadcast_in_dim3A_872, %select_n3A_871 : vector<16xi1>, vector<16xf32>
        %jit3A_874 = arith.constant 1.000000e+00 : f32
        %broadcast_in_dim3A_875 = vector.broadcast %jit3A_874 : f32 to vector<16xf32>
        %select_n3A_876 = arith.select %eq3A_4, %broadcast_in_dim3A_875, %select_n3A_873 : vector<16xi1>, vector<16xf32>
        %swap3A_877 = arith.index_cast %rem3A_589 : i32 to index
        %swap3A_878 = arith.index_cast %add3A_867 : i32 to index
        %swap3A_879 = arith.constant 96 : index
        %swap3A_880 = tpu.vector_load %arg12[%swap3A_877, %swap3A_878, %swap3A_879] {strides = array<i32>} : memref<4x80x112xf32, #tpu.memory_space<vmem>>, vector<1x1x16xf32>,
        %swap3A_881 = vector.shape_cast %swap3A_880 : vector<1x1x16xf32> to vector<16xf32>
        %swap3A_882 = vector.shape_cast %select_n3A_876 : vector<16xf32> to vector<1x1x16xf32>
        tpu.vector_store %arg12[%swap3A_877, %swap3A_878, %swap3A_879], %swap3A_882 {strides = array<i32>} : memref<4x80x112xf32, #tpu.memory_space<vmem>>, vector<1x1x16xf32>,
        %get3A_883 = arith.index_cast %rem3A_589 : i32 to index
        %get3A_884 = arith.index_cast %add3A_867 : i32 to index
        %get3A_885 = arith.constant 0 : index
        %get3A_886 = tpu.vector_load %arg11[%get3A_883, %get3A_884, %get3A_885] {strides = array<i32>} : memref<4x80x32xf32, #tpu.memory_space<vmem>>, vector<1x1x16xf32>,
        %get3A_887 = vector.shape_cast %get3A_886 : vector<1x1x16xf32> to vector<16xf32>
        %swap3A_888 = arith.index_cast %rem3A_589 : i32 to index
        %swap3A_889 = arith.index_cast %add3A_867 : i32 to index
        %swap3A_890 = arith.constant 0 : index
        %swap3A_891 = tpu.vector_load %arg12[%swap3A_888, %swap3A_889, %swap3A_890] {strides = array<i32>} : memref<4x80x112xf32, #tpu.memory_space<vmem>>, vector<1x1x16xf32>,
        %swap3A_892 = vector.shape_cast %swap3A_891 : vector<1x1x16xf32> to vector<16xf32>
        %swap3A_893 = vector.shape_cast %get3A_887 : vector<16xf32> to vector<1x1x16xf32>
        tpu.vector_store %arg12[%swap3A_888, %swap3A_889, %swap3A_890], %swap3A_893 {strides = array<i32>} : memref<4x80x112xf32, #tpu.memory_space<vmem>>, vector<1x1x16xf32>,
        %mul3A_894 = vector.broadcast %squeeze3A_863 : f32 to vector<16xf32>
        %mul3A_895 = arith.mulf %get3A_887, %mul3A_894 : vector<16xf32>
        %swap3A_896 = arith.index_cast %rem3A_589 : i32 to index
        %swap3A_897 = arith.index_cast %add3A_867 : i32 to index
        %swap3A_898 = arith.constant 32 : index
        %swap3A_899 = tpu.vector_load %arg12[%swap3A_896, %swap3A_897, %swap3A_898] {strides = array<i32>} : memref<4x80x112xf32, #tpu.memory_space<vmem>>, vector<1x1x16xf32>,
        %swap3A_900 = vector.shape_cast %swap3A_899 : vector<1x1x16xf32> to vector<16xf32>
        %swap3A_901 = vector.shape_cast %mul3A_895 : vector<16xf32> to vector<1x1x16xf32>
        tpu.vector_store %arg12[%swap3A_896, %swap3A_897, %swap3A_898], %swap3A_901 {strides = array<i32>} : memref<4x80x112xf32, #tpu.memory_space<vmem>>, vector<1x1x16xf32>,
        %mul3A_902 = vector.broadcast %squeeze3A_861 : f32 to vector<16xf32>
        %mul3A_903 = arith.mulf %get3A_887, %mul3A_902 : vector<16xf32>
        %swap3A_904 = arith.index_cast %rem3A_589 : i32 to index
        %swap3A_905 = arith.index_cast %add3A_867 : i32 to index
        %swap3A_906 = arith.constant 64 : index
        %swap3A_907 = tpu.vector_load %arg12[%swap3A_904, %swap3A_905, %swap3A_906] {strides = array<i32>} : memref<4x80x112xf32, #tpu.memory_space<vmem>>, vector<1x1x16xf32>,
        %swap3A_908 = vector.shape_cast %swap3A_907 : vector<1x1x16xf32> to vector<16xf32>
        %swap3A_909 = vector.shape_cast %mul3A_903 : vector<16xf32> to vector<1x1x16xf32>
        tpu.vector_store %arg12[%swap3A_904, %swap3A_905, %swap3A_906], %swap3A_909 {strides = array<i32>} : memref<4x80x112xf32, #tpu.memory_space<vmem>>, vector<1x1x16xf32>,
        %get3A_910 = arith.index_cast %rem3A_589 : i32 to index
        %get3A_911 = arith.index_cast %add3A_867 : i32 to index
        %get3A_912 = arith.constant 16 : index
        %get3A_913 = tpu.vector_load %arg11[%get3A_910, %get3A_911, %get3A_912] {strides = array<i32>} : memref<4x80x32xf32, #tpu.memory_space<vmem>>, vector<1x1x16xf32>,
        %get3A_914 = vector.shape_cast %get3A_913 : vector<1x1x16xf32> to vector<16xf32>
        %swap3A_915 = arith.index_cast %rem3A_589 : i32 to index
        %swap3A_916 = arith.index_cast %add3A_867 : i32 to index
        %swap3A_917 = arith.constant 16 : index
        %swap3A_918 = tpu.vector_load %arg12[%swap3A_915, %swap3A_916, %swap3A_917] {strides = array<i32>} : memref<4x80x112xf32, #tpu.memory_space<vmem>>, vector<1x1x16xf32>,
        %swap3A_919 = vector.shape_cast %swap3A_918 : vector<1x1x16xf32> to vector<16xf32>
        %swap3A_920 = vector.shape_cast %get3A_914 : vector<16xf32> to vector<1x1x16xf32>
        tpu.vector_store %arg12[%swap3A_915, %swap3A_916, %swap3A_917], %swap3A_920 {strides = array<i32>} : memref<4x80x112xf32, #tpu.memory_space<vmem>>, vector<1x1x16xf32>,
        %mul3A_921 = vector.broadcast %squeeze3A_863 : f32 to vector<16xf32>
        %mul3A_922 = arith.mulf %get3A_914, %mul3A_921 : vector<16xf32>
        %swap3A_923 = arith.index_cast %rem3A_589 : i32 to index
        %swap3A_924 = arith.index_cast %add3A_867 : i32 to index
        %swap3A_925 = arith.constant 48 : index
        %swap3A_926 = tpu.vector_load %arg12[%swap3A_923, %swap3A_924, %swap3A_925] {strides = array<i32>} : memref<4x80x112xf32, #tpu.memory_space<vmem>>, vector<1x1x16xf32>,
        %swap3A_927 = vector.shape_cast %swap3A_926 : vector<1x1x16xf32> to vector<16xf32>
        %swap3A_928 = vector.shape_cast %mul3A_922 : vector<16xf32> to vector<1x1x16xf32>
        tpu.vector_store %arg12[%swap3A_923, %swap3A_924, %swap3A_925], %swap3A_928 {strides = array<i32>} : memref<4x80x112xf32, #tpu.memory_space<vmem>>, vector<1x1x16xf32>,
        %mul3A_929 = vector.broadcast %squeeze3A_861 : f32 to vector<16xf32>
        %mul3A_930 = arith.mulf %get3A_914, %mul3A_929 : vector<16xf32>
        %swap3A_931 = arith.index_cast %rem3A_589 : i32 to index
        %swap3A_932 = arith.index_cast %add3A_867 : i32 to index
        %swap3A_933 = arith.constant 80 : index
        %swap3A_934 = tpu.vector_load %arg12[%swap3A_931, %swap3A_932, %swap3A_933] {strides = array<i32>} : memref<4x80x112xf32, #tpu.memory_space<vmem>>, vector<1x1x16xf32>,
        %swap3A_935 = vector.shape_cast %swap3A_934 : vector<1x1x16xf32> to vector<16xf32>
        %swap3A_936 = vector.shape_cast %mul3A_930 : vector<16xf32> to vector<1x1x16xf32>
        tpu.vector_store %arg12[%swap3A_931, %swap3A_932, %swap3A_933], %swap3A_936 {strides = array<i32>} : memref<4x80x112xf32, #tpu.memory_space<vmem>>, vector<1x1x16xf32>,
        %slice3A_937 = vector.extract_strided_slice %get3A_633 {offsets = [4], sizes = [1], strides = [1]} : vector<16xf32> to vector<1xf32>
        %squeeze3A_938 = vector.extract %slice3A_937[0] : f32 from vector<1xf32>
        %slice3A_939 = vector.extract_strided_slice %abs3A {offsets = [4], sizes = [1], strides = [1]} : vector<16xf32> to vector<1xf32>
        %squeeze3A_940 = vector.extract %slice3A_939[0] : f32 from vector<1xf32>
        %mul3A_941 = arith.constant 16 : i32
        %mul3A_942 = arith.muli %mul3A_941, %scan3A_626 : i32
        %add3A_943 = arith.constant 4 : i32
        %add3A_944 = arith.addi %mul3A_942, %add3A_943 : i32
        %jit3A_945 = arith.constant 0.000000e+00 : f32
        %broadcast_in_dim3A_946 = vector.broadcast %squeeze3A_938 : f32 to vector<16xf32>
        %broadcast_in_dim3A_947 = vector.broadcast %jit3A_945 : f32 to vector<16xf32>
        %select_n3A_948 = arith.select %eq3A_10, %broadcast_in_dim3A_946, %broadcast_in_dim3A_947 : vector<16xi1>, vector<16xf32>
        %broadcast_in_dim3A_949 = vector.broadcast %squeeze3A_940 : f32 to vector<16xf32>
        %select_n3A_950 = arith.select %eq3A_7, %broadcast_in_dim3A_949, %select_n3A_948 : vector<16xi1>, vector<16xf32>
        %jit3A_951 = arith.constant 1.000000e+00 : f32
        %broadcast_in_dim3A_952 = vector.broadcast %jit3A_951 : f32 to vector<16xf32>
        %select_n3A_953 = arith.select %eq3A_4, %broadcast_in_dim3A_952, %select_n3A_950 : vector<16xi1>, vector<16xf32>
        %swap3A_954 = arith.index_cast %rem3A_589 : i32 to index
        %swap3A_955 = arith.index_cast %add3A_944 : i32 to index
        %swap3A_956 = arith.constant 96 : index
        %swap3A_957 = tpu.vector_load %arg12[%swap3A_954, %swap3A_955, %swap3A_956] {strides = array<i32>} : memref<4x80x112xf32, #tpu.memory_space<vmem>>, vector<1x1x16xf32>,
        %swap3A_958 = vector.shape_cast %swap3A_957 : vector<1x1x16xf32> to vector<16xf32>
        %swap3A_959 = vector.shape_cast %select_n3A_953 : vector<16xf32> to vector<1x1x16xf32>
        tpu.vector_store %arg12[%swap3A_954, %swap3A_955, %swap3A_956], %swap3A_959 {strides = array<i32>} : memref<4x80x112xf32, #tpu.memory_space<vmem>>, vector<1x1x16xf32>,
        %get3A_960 = arith.index_cast %rem3A_589 : i32 to index
        %get3A_961 = arith.index_cast %add3A_944 : i32 to index
        %get3A_962 = arith.constant 0 : index
        %get3A_963 = tpu.vector_load %arg11[%get3A_960, %get3A_961, %get3A_962] {strides = array<i32>} : memref<4x80x32xf32, #tpu.memory_space<vmem>>, vector<1x1x16xf32>,
        %get3A_964 = vector.shape_cast %get3A_963 : vector<1x1x16xf32> to vector<16xf32>
        %swap3A_965 = arith.index_cast %rem3A_589 : i32 to index
        %swap3A_966 = arith.index_cast %add3A_944 : i32 to index
        %swap3A_967 = arith.constant 0 : index
        %swap3A_968 = tpu.vector_load %arg12[%swap3A_965, %swap3A_966, %swap3A_967] {strides = array<i32>} : memref<4x80x112xf32, #tpu.memory_space<vmem>>, vector<1x1x16xf32>,
        %swap3A_969 = vector.shape_cast %swap3A_968 : vector<1x1x16xf32> to vector<16xf32>
        %swap3A_970 = vector.shape_cast %get3A_964 : vector<16xf32> to vector<1x1x16xf32>
        tpu.vector_store %arg12[%swap3A_965, %swap3A_966, %swap3A_967], %swap3A_970 {strides = array<i32>} : memref<4x80x112xf32, #tpu.memory_space<vmem>>, vector<1x1x16xf32>,
        %mul3A_971 = vector.broadcast %squeeze3A_940 : f32 to vector<16xf32>
        %mul3A_972 = arith.mulf %get3A_964, %mul3A_971 : vector<16xf32>
        %swap3A_973 = arith.index_cast %rem3A_589 : i32 to index
        %swap3A_974 = arith.index_cast %add3A_944 : i32 to index
        %swap3A_975 = arith.constant 32 : index
        %swap3A_976 = tpu.vector_load %arg12[%swap3A_973, %swap3A_974, %swap3A_975] {strides = array<i32>} : memref<4x80x112xf32, #tpu.memory_space<vmem>>, vector<1x1x16xf32>,
        %swap3A_977 = vector.shape_cast %swap3A_976 : vector<1x1x16xf32> to vector<16xf32>
        %swap3A_978 = vector.shape_cast %mul3A_972 : vector<16xf32> to vector<1x1x16xf32>
        tpu.vector_store %arg12[%swap3A_973, %swap3A_974, %swap3A_975], %swap3A_978 {strides = array<i32>} : memref<4x80x112xf32, #tpu.memory_space<vmem>>, vector<1x1x16xf32>,
        %mul3A_979 = vector.broadcast %squeeze3A_938 : f32 to vector<16xf32>
        %mul3A_980 = arith.mulf %get3A_964, %mul3A_979 : vector<16xf32>
        %swap3A_981 = arith.index_cast %rem3A_589 : i32 to index
        %swap3A_982 = arith.index_cast %add3A_944 : i32 to index
        %swap3A_983 = arith.constant 64 : index
        %swap3A_984 = tpu.vector_load %arg12[%swap3A_981, %swap3A_982, %swap3A_983] {strides = array<i32>} : memref<4x80x112xf32, #tpu.memory_space<vmem>>, vector<1x1x16xf32>,
        %swap3A_985 = vector.shape_cast %swap3A_984 : vector<1x1x16xf32> to vector<16xf32>
        %swap3A_986 = vector.shape_cast %mul3A_980 : vector<16xf32> to vector<1x1x16xf32>
        tpu.vector_store %arg12[%swap3A_981, %swap3A_982, %swap3A_983], %swap3A_986 {strides = array<i32>} : memref<4x80x112xf32, #tpu.memory_space<vmem>>, vector<1x1x16xf32>,
        %get3A_987 = arith.index_cast %rem3A_589 : i32 to index
        %get3A_988 = arith.index_cast %add3A_944 : i32 to index
        %get3A_989 = arith.constant 16 : index
        %get3A_990 = tpu.vector_load %arg11[%get3A_987, %get3A_988, %get3A_989] {strides = array<i32>} : memref<4x80x32xf32, #tpu.memory_space<vmem>>, vector<1x1x16xf32>,
        %get3A_991 = vector.shape_cast %get3A_990 : vector<1x1x16xf32> to vector<16xf32>
        %swap3A_992 = arith.index_cast %rem3A_589 : i32 to index
        %swap3A_993 = arith.index_cast %add3A_944 : i32 to index
        %swap3A_994 = arith.constant 16 : index
        %swap3A_995 = tpu.vector_load %arg12[%swap3A_992, %swap3A_993, %swap3A_994] {strides = array<i32>} : memref<4x80x112xf32, #tpu.memory_space<vmem>>, vector<1x1x16xf32>,
        %swap3A_996 = vector.shape_cast %swap3A_995 : vector<1x1x16xf32> to vector<16xf32>
        %swap3A_997 = vector.shape_cast %get3A_991 : vector<16xf32> to vector<1x1x16xf32>
        tpu.vector_store %arg12[%swap3A_992, %swap3A_993, %swap3A_994], %swap3A_997 {strides = array<i32>} : memref<4x80x112xf32, #tpu.memory_space<vmem>>, vector<1x1x16xf32>,
        %mul3A_998 = vector.broadcast %squeeze3A_940 : f32 to vector<16xf32>
        %mul3A_999 = arith.mulf %get3A_991, %mul3A_998 : vector<16xf32>
        %swap3A_1000 = arith.index_cast %rem3A_589 : i32 to index
        %swap3A_1001 = arith.index_cast %add3A_944 : i32 to index
        %swap3A_1002 = arith.constant 48 : index
        %swap3A_1003 = tpu.vector_load %arg12[%swap3A_1000, %swap3A_1001, %swap3A_1002] {strides = array<i32>} : memref<4x80x112xf32, #tpu.memory_space<vmem>>, vector<1x1x16xf32>,
        %swap3A_1004 = vector.shape_cast %swap3A_1003 : vector<1x1x16xf32> to vector<16xf32>
        %swap3A_1005 = vector.shape_cast %mul3A_999 : vector<16xf32> to vector<1x1x16xf32>
        tpu.vector_store %arg12[%swap3A_1000, %swap3A_1001, %swap3A_1002], %swap3A_1005 {strides = array<i32>} : memref<4x80x112xf32, #tpu.memory_space<vmem>>, vector<1x1x16xf32>,
        %mul3A_1006 = vector.broadcast %squeeze3A_938 : f32 to vector<16xf32>
        %mul3A_1007 = arith.mulf %get3A_991, %mul3A_1006 : vector<16xf32>
        %swap3A_1008 = arith.index_cast %rem3A_589 : i32 to index
        %swap3A_1009 = arith.index_cast %add3A_944 : i32 to index
        %swap3A_1010 = arith.constant 80 : index
        %swap3A_1011 = tpu.vector_load %arg12[%swap3A_1008, %swap3A_1009, %swap3A_1010] {strides = array<i32>} : memref<4x80x112xf32, #tpu.memory_space<vmem>>, vector<1x1x16xf32>,
        %swap3A_1012 = vector.shape_cast %swap3A_1011 : vector<1x1x16xf32> to vector<16xf32>
        %swap3A_1013 = vector.shape_cast %mul3A_1007 : vector<16xf32> to vector<1x1x16xf32>
        tpu.vector_store %arg12[%swap3A_1008, %swap3A_1009, %swap3A_1010], %swap3A_1013 {strides = array<i32>} : memref<4x80x112xf32, #tpu.memory_space<vmem>>, vector<1x1x16xf32>,
        %slice3A_1014 = vector.extract_strided_slice %get3A_633 {offsets = [5], sizes = [1], strides = [1]} : vector<16xf32> to vector<1xf32>
        %squeeze3A_1015 = vector.extract %slice3A_1014[0] : f32 from vector<1xf32>
        %slice3A_1016 = vector.extract_strided_slice %abs3A {offsets = [5], sizes = [1], strides = [1]} : vector<16xf32> to vector<1xf32>
        %squeeze3A_1017 = vector.extract %slice3A_1016[0] : f32 from vector<1xf32>
        %mul3A_1018 = arith.constant 16 : i32
        %mul3A_1019 = arith.muli %mul3A_1018, %scan3A_626 : i32
        %add3A_1020 = arith.constant 5 : i32
        %add3A_1021 = arith.addi %mul3A_1019, %add3A_1020 : i32
        %jit3A_1022 = arith.constant 0.000000e+00 : f32
        %broadcast_in_dim3A_1023 = vector.broadcast %squeeze3A_1015 : f32 to vector<16xf32>
        %broadcast_in_dim3A_1024 = vector.broadcast %jit3A_1022 : f32 to vector<16xf32>
        %select_n3A_1025 = arith.select %eq3A_10, %broadcast_in_dim3A_1023, %broadcast_in_dim3A_1024 : vector<16xi1>, vector<16xf32>
        %broadcast_in_dim3A_1026 = vector.broadcast %squeeze3A_1017 : f32 to vector<16xf32>
        %select_n3A_1027 = arith.select %eq3A_7, %broadcast_in_dim3A_1026, %select_n3A_1025 : vector<16xi1>, vector<16xf32>
        %jit3A_1028 = arith.constant 1.000000e+00 : f32
        %broadcast_in_dim3A_1029 = vector.broadcast %jit3A_1028 : f32 to vector<16xf32>
        %select_n3A_1030 = arith.select %eq3A_4, %broadcast_in_dim3A_1029, %select_n3A_1027 : vector<16xi1>, vector<16xf32>
        %swap3A_1031 = arith.index_cast %rem3A_589 : i32 to index
        %swap3A_1032 = arith.index_cast %add3A_1021 : i32 to index
        %swap3A_1033 = arith.constant 96 : index
        %swap3A_1034 = tpu.vector_load %arg12[%swap3A_1031, %swap3A_1032, %swap3A_1033] {strides = array<i32>} : memref<4x80x112xf32, #tpu.memory_space<vmem>>, vector<1x1x16xf32>,
        %swap3A_1035 = vector.shape_cast %swap3A_1034 : vector<1x1x16xf32> to vector<16xf32>
        %swap3A_1036 = vector.shape_cast %select_n3A_1030 : vector<16xf32> to vector<1x1x16xf32>
        tpu.vector_store %arg12[%swap3A_1031, %swap3A_1032, %swap3A_1033], %swap3A_1036 {strides = array<i32>} : memref<4x80x112xf32, #tpu.memory_space<vmem>>, vector<1x1x16xf32>,
        %get3A_1037 = arith.index_cast %rem3A_589 : i32 to index
        %get3A_1038 = arith.index_cast %add3A_1021 : i32 to index
        %get3A_1039 = arith.constant 0 : index
        %get3A_1040 = tpu.vector_load %arg11[%get3A_1037, %get3A_1038, %get3A_1039] {strides = array<i32>} : memref<4x80x32xf32, #tpu.memory_space<vmem>>, vector<1x1x16xf32>,
        %get3A_1041 = vector.shape_cast %get3A_1040 : vector<1x1x16xf32> to vector<16xf32>
        %swap3A_1042 = arith.index_cast %rem3A_589 : i32 to index
        %swap3A_1043 = arith.index_cast %add3A_1021 : i32 to index
        %swap3A_1044 = arith.constant 0 : index
        %swap3A_1045 = tpu.vector_load %arg12[%swap3A_1042, %swap3A_1043, %swap3A_1044] {strides = array<i32>} : memref<4x80x112xf32, #tpu.memory_space<vmem>>, vector<1x1x16xf32>,
        %swap3A_1046 = vector.shape_cast %swap3A_1045 : vector<1x1x16xf32> to vector<16xf32>
        %swap3A_1047 = vector.shape_cast %get3A_1041 : vector<16xf32> to vector<1x1x16xf32>
        tpu.vector_store %arg12[%swap3A_1042, %swap3A_1043, %swap3A_1044], %swap3A_1047 {strides = array<i32>} : memref<4x80x112xf32, #tpu.memory_space<vmem>>, vector<1x1x16xf32>,
        %mul3A_1048 = vector.broadcast %squeeze3A_1017 : f32 to vector<16xf32>
        %mul3A_1049 = arith.mulf %get3A_1041, %mul3A_1048 : vector<16xf32>
        %swap3A_1050 = arith.index_cast %rem3A_589 : i32 to index
        %swap3A_1051 = arith.index_cast %add3A_1021 : i32 to index
        %swap3A_1052 = arith.constant 32 : index
        %swap3A_1053 = tpu.vector_load %arg12[%swap3A_1050, %swap3A_1051, %swap3A_1052] {strides = array<i32>} : memref<4x80x112xf32, #tpu.memory_space<vmem>>, vector<1x1x16xf32>,
        %swap3A_1054 = vector.shape_cast %swap3A_1053 : vector<1x1x16xf32> to vector<16xf32>
        %swap3A_1055 = vector.shape_cast %mul3A_1049 : vector<16xf32> to vector<1x1x16xf32>
        tpu.vector_store %arg12[%swap3A_1050, %swap3A_1051, %swap3A_1052], %swap3A_1055 {strides = array<i32>} : memref<4x80x112xf32, #tpu.memory_space<vmem>>, vector<1x1x16xf32>,
        %mul3A_1056 = vector.broadcast %squeeze3A_1015 : f32 to vector<16xf32>
        %mul3A_1057 = arith.mulf %get3A_1041, %mul3A_1056 : vector<16xf32>
        %swap3A_1058 = arith.index_cast %rem3A_589 : i32 to index
        %swap3A_1059 = arith.index_cast %add3A_1021 : i32 to index
        %swap3A_1060 = arith.constant 64 : index
        %swap3A_1061 = tpu.vector_load %arg12[%swap3A_1058, %swap3A_1059, %swap3A_1060] {strides = array<i32>} : memref<4x80x112xf32, #tpu.memory_space<vmem>>, vector<1x1x16xf32>,
        %swap3A_1062 = vector.shape_cast %swap3A_1061 : vector<1x1x16xf32> to vector<16xf32>
        %swap3A_1063 = vector.shape_cast %mul3A_1057 : vector<16xf32> to vector<1x1x16xf32>
        tpu.vector_store %arg12[%swap3A_1058, %swap3A_1059, %swap3A_1060], %swap3A_1063 {strides = array<i32>} : memref<4x80x112xf32, #tpu.memory_space<vmem>>, vector<1x1x16xf32>,
        %get3A_1064 = arith.index_cast %rem3A_589 : i32 to index
        %get3A_1065 = arith.index_cast %add3A_1021 : i32 to index
        %get3A_1066 = arith.constant 16 : index
        %get3A_1067 = tpu.vector_load %arg11[%get3A_1064, %get3A_1065, %get3A_1066] {strides = array<i32>} : memref<4x80x32xf32, #tpu.memory_space<vmem>>, vector<1x1x16xf32>,
        %get3A_1068 = vector.shape_cast %get3A_1067 : vector<1x1x16xf32> to vector<16xf32>
        %swap3A_1069 = arith.index_cast %rem3A_589 : i32 to index
        %swap3A_1070 = arith.index_cast %add3A_1021 : i32 to index
        %swap3A_1071 = arith.constant 16 : index
        %swap3A_1072 = tpu.vector_load %arg12[%swap3A_1069, %swap3A_1070, %swap3A_1071] {strides = array<i32>} : memref<4x80x112xf32, #tpu.memory_space<vmem>>, vector<1x1x16xf32>,
        %swap3A_1073 = vector.shape_cast %swap3A_1072 : vector<1x1x16xf32> to vector<16xf32>
        %swap3A_1074 = vector.shape_cast %get3A_1068 : vector<16xf32> to vector<1x1x16xf32>
        tpu.vector_store %arg12[%swap3A_1069, %swap3A_1070, %swap3A_1071], %swap3A_1074 {strides = array<i32>} : memref<4x80x112xf32, #tpu.memory_space<vmem>>, vector<1x1x16xf32>,
        %mul3A_1075 = vector.broadcast %squeeze3A_1017 : f32 to vector<16xf32>
        %mul3A_1076 = arith.mulf %get3A_1068, %mul3A_1075 : vector<16xf32>
        %swap3A_1077 = arith.index_cast %rem3A_589 : i32 to index
        %swap3A_1078 = arith.index_cast %add3A_1021 : i32 to index
        %swap3A_1079 = arith.constant 48 : index
        %swap3A_1080 = tpu.vector_load %arg12[%swap3A_1077, %swap3A_1078, %swap3A_1079] {strides = array<i32>} : memref<4x80x112xf32, #tpu.memory_space<vmem>>, vector<1x1x16xf32>,
        %swap3A_1081 = vector.shape_cast %swap3A_1080 : vector<1x1x16xf32> to vector<16xf32>
        %swap3A_1082 = vector.shape_cast %mul3A_1076 : vector<16xf32> to vector<1x1x16xf32>
        tpu.vector_store %arg12[%swap3A_1077, %swap3A_1078, %swap3A_1079], %swap3A_1082 {strides = array<i32>} : memref<4x80x112xf32, #tpu.memory_space<vmem>>, vector<1x1x16xf32>,
        %mul3A_1083 = vector.broadcast %squeeze3A_1015 : f32 to vector<16xf32>
        %mul3A_1084 = arith.mulf %get3A_1068, %mul3A_1083 : vector<16xf32>
        %swap3A_1085 = arith.index_cast %rem3A_589 : i32 to index
        %swap3A_1086 = arith.index_cast %add3A_1021 : i32 to index
        %swap3A_1087 = arith.constant 80 : index
        %swap3A_1088 = tpu.vector_load %arg12[%swap3A_1085, %swap3A_1086, %swap3A_1087] {strides = array<i32>} : memref<4x80x112xf32, #tpu.memory_space<vmem>>, vector<1x1x16xf32>,
        %swap3A_1089 = vector.shape_cast %swap3A_1088 : vector<1x1x16xf32> to vector<16xf32>
        %swap3A_1090 = vector.shape_cast %mul3A_1084 : vector<16xf32> to vector<1x1x16xf32>
        tpu.vector_store %arg12[%swap3A_1085, %swap3A_1086, %swap3A_1087], %swap3A_1090 {strides = array<i32>} : memref<4x80x112xf32, #tpu.memory_space<vmem>>, vector<1x1x16xf32>,
        %slice3A_1091 = vector.extract_strided_slice %get3A_633 {offsets = [6], sizes = [1], strides = [1]} : vector<16xf32> to vector<1xf32>
        %squeeze3A_1092 = vector.extract %slice3A_1091[0] : f32 from vector<1xf32>
        %slice3A_1093 = vector.extract_strided_slice %abs3A {offsets = [6], sizes = [1], strides = [1]} : vector<16xf32> to vector<1xf32>
        %squeeze3A_1094 = vector.extract %slice3A_1093[0] : f32 from vector<1xf32>
        %mul3A_1095 = arith.constant 16 : i32
        %mul3A_1096 = arith.muli %mul3A_1095, %scan3A_626 : i32
        %add3A_1097 = arith.constant 6 : i32
        %add3A_1098 = arith.addi %mul3A_1096, %add3A_1097 : i32
        %jit3A_1099 = arith.constant 0.000000e+00 : f32
        %broadcast_in_dim3A_1100 = vector.broadcast %squeeze3A_1092 : f32 to vector<16xf32>
        %broadcast_in_dim3A_1101 = vector.broadcast %jit3A_1099 : f32 to vector<16xf32>
        %select_n3A_1102 = arith.select %eq3A_10, %broadcast_in_dim3A_1100, %broadcast_in_dim3A_1101 : vector<16xi1>, vector<16xf32>
        %broadcast_in_dim3A_1103 = vector.broadcast %squeeze3A_1094 : f32 to vector<16xf32>
        %select_n3A_1104 = arith.select %eq3A_7, %broadcast_in_dim3A_1103, %select_n3A_1102 : vector<16xi1>, vector<16xf32>
        %jit3A_1105 = arith.constant 1.000000e+00 : f32
        %broadcast_in_dim3A_1106 = vector.broadcast %jit3A_1105 : f32 to vector<16xf32>
        %select_n3A_1107 = arith.select %eq3A_4, %broadcast_in_dim3A_1106, %select_n3A_1104 : vector<16xi1>, vector<16xf32>
        %swap3A_1108 = arith.index_cast %rem3A_589 : i32 to index
        %swap3A_1109 = arith.index_cast %add3A_1098 : i32 to index
        %swap3A_1110 = arith.constant 96 : index
        %swap3A_1111 = tpu.vector_load %arg12[%swap3A_1108, %swap3A_1109, %swap3A_1110] {strides = array<i32>} : memref<4x80x112xf32, #tpu.memory_space<vmem>>, vector<1x1x16xf32>,
        %swap3A_1112 = vector.shape_cast %swap3A_1111 : vector<1x1x16xf32> to vector<16xf32>
        %swap3A_1113 = vector.shape_cast %select_n3A_1107 : vector<16xf32> to vector<1x1x16xf32>
        tpu.vector_store %arg12[%swap3A_1108, %swap3A_1109, %swap3A_1110], %swap3A_1113 {strides = array<i32>} : memref<4x80x112xf32, #tpu.memory_space<vmem>>, vector<1x1x16xf32>,
        %get3A_1114 = arith.index_cast %rem3A_589 : i32 to index
        %get3A_1115 = arith.index_cast %add3A_1098 : i32 to index
        %get3A_1116 = arith.constant 0 : index
        %get3A_1117 = tpu.vector_load %arg11[%get3A_1114, %get3A_1115, %get3A_1116] {strides = array<i32>} : memref<4x80x32xf32, #tpu.memory_space<vmem>>, vector<1x1x16xf32>,
        %get3A_1118 = vector.shape_cast %get3A_1117 : vector<1x1x16xf32> to vector<16xf32>
        %swap3A_1119 = arith.index_cast %rem3A_589 : i32 to index
        %swap3A_1120 = arith.index_cast %add3A_1098 : i32 to index
        %swap3A_1121 = arith.constant 0 : index
        %swap3A_1122 = tpu.vector_load %arg12[%swap3A_1119, %swap3A_1120, %swap3A_1121] {strides = array<i32>} : memref<4x80x112xf32, #tpu.memory_space<vmem>>, vector<1x1x16xf32>,
        %swap3A_1123 = vector.shape_cast %swap3A_1122 : vector<1x1x16xf32> to vector<16xf32>
        %swap3A_1124 = vector.shape_cast %get3A_1118 : vector<16xf32> to vector<1x1x16xf32>
        tpu.vector_store %arg12[%swap3A_1119, %swap3A_1120, %swap3A_1121], %swap3A_1124 {strides = array<i32>} : memref<4x80x112xf32, #tpu.memory_space<vmem>>, vector<1x1x16xf32>,
        %mul3A_1125 = vector.broadcast %squeeze3A_1094 : f32 to vector<16xf32>
        %mul3A_1126 = arith.mulf %get3A_1118, %mul3A_1125 : vector<16xf32>
        %swap3A_1127 = arith.index_cast %rem3A_589 : i32 to index
        %swap3A_1128 = arith.index_cast %add3A_1098 : i32 to index
        %swap3A_1129 = arith.constant 32 : index
        %swap3A_1130 = tpu.vector_load %arg12[%swap3A_1127, %swap3A_1128, %swap3A_1129] {strides = array<i32>} : memref<4x80x112xf32, #tpu.memory_space<vmem>>, vector<1x1x16xf32>,
        %swap3A_1131 = vector.shape_cast %swap3A_1130 : vector<1x1x16xf32> to vector<16xf32>
        %swap3A_1132 = vector.shape_cast %mul3A_1126 : vector<16xf32> to vector<1x1x16xf32>
        tpu.vector_store %arg12[%swap3A_1127, %swap3A_1128, %swap3A_1129], %swap3A_1132 {strides = array<i32>} : memref<4x80x112xf32, #tpu.memory_space<vmem>>, vector<1x1x16xf32>,
        %mul3A_1133 = vector.broadcast %squeeze3A_1092 : f32 to vector<16xf32>
        %mul3A_1134 = arith.mulf %get3A_1118, %mul3A_1133 : vector<16xf32>
        %swap3A_1135 = arith.index_cast %rem3A_589 : i32 to index
        %swap3A_1136 = arith.index_cast %add3A_1098 : i32 to index
        %swap3A_1137 = arith.constant 64 : index
        %swap3A_1138 = tpu.vector_load %arg12[%swap3A_1135, %swap3A_1136, %swap3A_1137] {strides = array<i32>} : memref<4x80x112xf32, #tpu.memory_space<vmem>>, vector<1x1x16xf32>,
        %swap3A_1139 = vector.shape_cast %swap3A_1138 : vector<1x1x16xf32> to vector<16xf32>
        %swap3A_1140 = vector.shape_cast %mul3A_1134 : vector<16xf32> to vector<1x1x16xf32>
        tpu.vector_store %arg12[%swap3A_1135, %swap3A_1136, %swap3A_1137], %swap3A_1140 {strides = array<i32>} : memref<4x80x112xf32, #tpu.memory_space<vmem>>, vector<1x1x16xf32>,
        %get3A_1141 = arith.index_cast %rem3A_589 : i32 to index
        %get3A_1142 = arith.index_cast %add3A_1098 : i32 to index
        %get3A_1143 = arith.constant 16 : index
        %get3A_1144 = tpu.vector_load %arg11[%get3A_1141, %get3A_1142, %get3A_1143] {strides = array<i32>} : memref<4x80x32xf32, #tpu.memory_space<vmem>>, vector<1x1x16xf32>,
        %get3A_1145 = vector.shape_cast %get3A_1144 : vector<1x1x16xf32> to vector<16xf32>
        %swap3A_1146 = arith.index_cast %rem3A_589 : i32 to index
        %swap3A_1147 = arith.index_cast %add3A_1098 : i32 to index
        %swap3A_1148 = arith.constant 16 : index
        %swap3A_1149 = tpu.vector_load %arg12[%swap3A_1146, %swap3A_1147, %swap3A_1148] {strides = array<i32>} : memref<4x80x112xf32, #tpu.memory_space<vmem>>, vector<1x1x16xf32>,
        %swap3A_1150 = vector.shape_cast %swap3A_1149 : vector<1x1x16xf32> to vector<16xf32>
        %swap3A_1151 = vector.shape_cast %get3A_1145 : vector<16xf32> to vector<1x1x16xf32>
        tpu.vector_store %arg12[%swap3A_1146, %swap3A_1147, %swap3A_1148], %swap3A_1151 {strides = array<i32>} : memref<4x80x112xf32, #tpu.memory_space<vmem>>, vector<1x1x16xf32>,
        %mul3A_1152 = vector.broadcast %squeeze3A_1094 : f32 to vector<16xf32>
        %mul3A_1153 = arith.mulf %get3A_1145, %mul3A_1152 : vector<16xf32>
        %swap3A_1154 = arith.index_cast %rem3A_589 : i32 to index
        %swap3A_1155 = arith.index_cast %add3A_1098 : i32 to index
        %swap3A_1156 = arith.constant 48 : index
        %swap3A_1157 = tpu.vector_load %arg12[%swap3A_1154, %swap3A_1155, %swap3A_1156] {strides = array<i32>} : memref<4x80x112xf32, #tpu.memory_space<vmem>>, vector<1x1x16xf32>,
        %swap3A_1158 = vector.shape_cast %swap3A_1157 : vector<1x1x16xf32> to vector<16xf32>
        %swap3A_1159 = vector.shape_cast %mul3A_1153 : vector<16xf32> to vector<1x1x16xf32>
        tpu.vector_store %arg12[%swap3A_1154, %swap3A_1155, %swap3A_1156], %swap3A_1159 {strides = array<i32>} : memref<4x80x112xf32, #tpu.memory_space<vmem>>, vector<1x1x16xf32>,
        %mul3A_1160 = vector.broadcast %squeeze3A_1092 : f32 to vector<16xf32>
        %mul3A_1161 = arith.mulf %get3A_1145, %mul3A_1160 : vector<16xf32>
        %swap3A_1162 = arith.index_cast %rem3A_589 : i32 to index
        %swap3A_1163 = arith.index_cast %add3A_1098 : i32 to index
        %swap3A_1164 = arith.constant 80 : index
        %swap3A_1165 = tpu.vector_load %arg12[%swap3A_1162, %swap3A_1163, %swap3A_1164] {strides = array<i32>} : memref<4x80x112xf32, #tpu.memory_space<vmem>>, vector<1x1x16xf32>,
        %swap3A_1166 = vector.shape_cast %swap3A_1165 : vector<1x1x16xf32> to vector<16xf32>
        %swap3A_1167 = vector.shape_cast %mul3A_1161 : vector<16xf32> to vector<1x1x16xf32>
        tpu.vector_store %arg12[%swap3A_1162, %swap3A_1163, %swap3A_1164], %swap3A_1167 {strides = array<i32>} : memref<4x80x112xf32, #tpu.memory_space<vmem>>, vector<1x1x16xf32>,
        %slice3A_1168 = vector.extract_strided_slice %get3A_633 {offsets = [7], sizes = [1], strides = [1]} : vector<16xf32> to vector<1xf32>
        %squeeze3A_1169 = vector.extract %slice3A_1168[0] : f32 from vector<1xf32>
        %slice3A_1170 = vector.extract_strided_slice %abs3A {offsets = [7], sizes = [1], strides = [1]} : vector<16xf32> to vector<1xf32>
        %squeeze3A_1171 = vector.extract %slice3A_1170[0] : f32 from vector<1xf32>
        %mul3A_1172 = arith.constant 16 : i32
        %mul3A_1173 = arith.muli %mul3A_1172, %scan3A_626 : i32
        %add3A_1174 = arith.constant 7 : i32
        %add3A_1175 = arith.addi %mul3A_1173, %add3A_1174 : i32
        %jit3A_1176 = arith.constant 0.000000e+00 : f32
        %broadcast_in_dim3A_1177 = vector.broadcast %squeeze3A_1169 : f32 to vector<16xf32>
        %broadcast_in_dim3A_1178 = vector.broadcast %jit3A_1176 : f32 to vector<16xf32>
        %select_n3A_1179 = arith.select %eq3A_10, %broadcast_in_dim3A_1177, %broadcast_in_dim3A_1178 : vector<16xi1>, vector<16xf32>
        %broadcast_in_dim3A_1180 = vector.broadcast %squeeze3A_1171 : f32 to vector<16xf32>
        %select_n3A_1181 = arith.select %eq3A_7, %broadcast_in_dim3A_1180, %select_n3A_1179 : vector<16xi1>, vector<16xf32>
        %jit3A_1182 = arith.constant 1.000000e+00 : f32
        %broadcast_in_dim3A_1183 = vector.broadcast %jit3A_1182 : f32 to vector<16xf32>
        %select_n3A_1184 = arith.select %eq3A_4, %broadcast_in_dim3A_1183, %select_n3A_1181 : vector<16xi1>, vector<16xf32>
        %swap3A_1185 = arith.index_cast %rem3A_589 : i32 to index
        %swap3A_1186 = arith.index_cast %add3A_1175 : i32 to index
        %swap3A_1187 = arith.constant 96 : index
        %swap3A_1188 = tpu.vector_load %arg12[%swap3A_1185, %swap3A_1186, %swap3A_1187] {strides = array<i32>} : memref<4x80x112xf32, #tpu.memory_space<vmem>>, vector<1x1x16xf32>,
        %swap3A_1189 = vector.shape_cast %swap3A_1188 : vector<1x1x16xf32> to vector<16xf32>
        %swap3A_1190 = vector.shape_cast %select_n3A_1184 : vector<16xf32> to vector<1x1x16xf32>
        tpu.vector_store %arg12[%swap3A_1185, %swap3A_1186, %swap3A_1187], %swap3A_1190 {strides = array<i32>} : memref<4x80x112xf32, #tpu.memory_space<vmem>>, vector<1x1x16xf32>,
        %get3A_1191 = arith.index_cast %rem3A_589 : i32 to index
        %get3A_1192 = arith.index_cast %add3A_1175 : i32 to index
        %get3A_1193 = arith.constant 0 : index
        %get3A_1194 = tpu.vector_load %arg11[%get3A_1191, %get3A_1192, %get3A_1193] {strides = array<i32>} : memref<4x80x32xf32, #tpu.memory_space<vmem>>, vector<1x1x16xf32>,
        %get3A_1195 = vector.shape_cast %get3A_1194 : vector<1x1x16xf32> to vector<16xf32>
        %swap3A_1196 = arith.index_cast %rem3A_589 : i32 to index
        %swap3A_1197 = arith.index_cast %add3A_1175 : i32 to index
        %swap3A_1198 = arith.constant 0 : index
        %swap3A_1199 = tpu.vector_load %arg12[%swap3A_1196, %swap3A_1197, %swap3A_1198] {strides = array<i32>} : memref<4x80x112xf32, #tpu.memory_space<vmem>>, vector<1x1x16xf32>,
        %swap3A_1200 = vector.shape_cast %swap3A_1199 : vector<1x1x16xf32> to vector<16xf32>
        %swap3A_1201 = vector.shape_cast %get3A_1195 : vector<16xf32> to vector<1x1x16xf32>
        tpu.vector_store %arg12[%swap3A_1196, %swap3A_1197, %swap3A_1198], %swap3A_1201 {strides = array<i32>} : memref<4x80x112xf32, #tpu.memory_space<vmem>>, vector<1x1x16xf32>,
        %mul3A_1202 = vector.broadcast %squeeze3A_1171 : f32 to vector<16xf32>
        %mul3A_1203 = arith.mulf %get3A_1195, %mul3A_1202 : vector<16xf32>
        %swap3A_1204 = arith.index_cast %rem3A_589 : i32 to index
        %swap3A_1205 = arith.index_cast %add3A_1175 : i32 to index
        %swap3A_1206 = arith.constant 32 : index
        %swap3A_1207 = tpu.vector_load %arg12[%swap3A_1204, %swap3A_1205, %swap3A_1206] {strides = array<i32>} : memref<4x80x112xf32, #tpu.memory_space<vmem>>, vector<1x1x16xf32>,
        %swap3A_1208 = vector.shape_cast %swap3A_1207 : vector<1x1x16xf32> to vector<16xf32>
        %swap3A_1209 = vector.shape_cast %mul3A_1203 : vector<16xf32> to vector<1x1x16xf32>
        tpu.vector_store %arg12[%swap3A_1204, %swap3A_1205, %swap3A_1206], %swap3A_1209 {strides = array<i32>} : memref<4x80x112xf32, #tpu.memory_space<vmem>>, vector<1x1x16xf32>,
        %mul3A_1210 = vector.broadcast %squeeze3A_1169 : f32 to vector<16xf32>
        %mul3A_1211 = arith.mulf %get3A_1195, %mul3A_1210 : vector<16xf32>
        %swap3A_1212 = arith.index_cast %rem3A_589 : i32 to index
        %swap3A_1213 = arith.index_cast %add3A_1175 : i32 to index
        %swap3A_1214 = arith.constant 64 : index
        %swap3A_1215 = tpu.vector_load %arg12[%swap3A_1212, %swap3A_1213, %swap3A_1214] {strides = array<i32>} : memref<4x80x112xf32, #tpu.memory_space<vmem>>, vector<1x1x16xf32>,
        %swap3A_1216 = vector.shape_cast %swap3A_1215 : vector<1x1x16xf32> to vector<16xf32>
        %swap3A_1217 = vector.shape_cast %mul3A_1211 : vector<16xf32> to vector<1x1x16xf32>
        tpu.vector_store %arg12[%swap3A_1212, %swap3A_1213, %swap3A_1214], %swap3A_1217 {strides = array<i32>} : memref<4x80x112xf32, #tpu.memory_space<vmem>>, vector<1x1x16xf32>,
        %get3A_1218 = arith.index_cast %rem3A_589 : i32 to index
        %get3A_1219 = arith.index_cast %add3A_1175 : i32 to index
        %get3A_1220 = arith.constant 16 : index
        %get3A_1221 = tpu.vector_load %arg11[%get3A_1218, %get3A_1219, %get3A_1220] {strides = array<i32>} : memref<4x80x32xf32, #tpu.memory_space<vmem>>, vector<1x1x16xf32>,
        %get3A_1222 = vector.shape_cast %get3A_1221 : vector<1x1x16xf32> to vector<16xf32>
        %swap3A_1223 = arith.index_cast %rem3A_589 : i32 to index
        %swap3A_1224 = arith.index_cast %add3A_1175 : i32 to index
        %swap3A_1225 = arith.constant 16 : index
        %swap3A_1226 = tpu.vector_load %arg12[%swap3A_1223, %swap3A_1224, %swap3A_1225] {strides = array<i32>} : memref<4x80x112xf32, #tpu.memory_space<vmem>>, vector<1x1x16xf32>,
        %swap3A_1227 = vector.shape_cast %swap3A_1226 : vector<1x1x16xf32> to vector<16xf32>
        %swap3A_1228 = vector.shape_cast %get3A_1222 : vector<16xf32> to vector<1x1x16xf32>
        tpu.vector_store %arg12[%swap3A_1223, %swap3A_1224, %swap3A_1225], %swap3A_1228 {strides = array<i32>} : memref<4x80x112xf32, #tpu.memory_space<vmem>>, vector<1x1x16xf32>,
        %mul3A_1229 = vector.broadcast %squeeze3A_1171 : f32 to vector<16xf32>
        %mul3A_1230 = arith.mulf %get3A_1222, %mul3A_1229 : vector<16xf32>
        %swap3A_1231 = arith.index_cast %rem3A_589 : i32 to index
        %swap3A_1232 = arith.index_cast %add3A_1175 : i32 to index
        %swap3A_1233 = arith.constant 48 : index
        %swap3A_1234 = tpu.vector_load %arg12[%swap3A_1231, %swap3A_1232, %swap3A_1233] {strides = array<i32>} : memref<4x80x112xf32, #tpu.memory_space<vmem>>, vector<1x1x16xf32>,
        %swap3A_1235 = vector.shape_cast %swap3A_1234 : vector<1x1x16xf32> to vector<16xf32>
        %swap3A_1236 = vector.shape_cast %mul3A_1230 : vector<16xf32> to vector<1x1x16xf32>
        tpu.vector_store %arg12[%swap3A_1231, %swap3A_1232, %swap3A_1233], %swap3A_1236 {strides = array<i32>} : memref<4x80x112xf32, #tpu.memory_space<vmem>>, vector<1x1x16xf32>,
        %mul3A_1237 = vector.broadcast %squeeze3A_1169 : f32 to vector<16xf32>
        %mul3A_1238 = arith.mulf %get3A_1222, %mul3A_1237 : vector<16xf32>
        %swap3A_1239 = arith.index_cast %rem3A_589 : i32 to index
        %swap3A_1240 = arith.index_cast %add3A_1175 : i32 to index
        %swap3A_1241 = arith.constant 80 : index
        %swap3A_1242 = tpu.vector_load %arg12[%swap3A_1239, %swap3A_1240, %swap3A_1241] {strides = array<i32>} : memref<4x80x112xf32, #tpu.memory_space<vmem>>, vector<1x1x16xf32>,
        %swap3A_1243 = vector.shape_cast %swap3A_1242 : vector<1x1x16xf32> to vector<16xf32>
        %swap3A_1244 = vector.shape_cast %mul3A_1238 : vector<16xf32> to vector<1x1x16xf32>
        tpu.vector_store %arg12[%swap3A_1239, %swap3A_1240, %swap3A_1241], %swap3A_1244 {strides = array<i32>} : memref<4x80x112xf32, #tpu.memory_space<vmem>>, vector<1x1x16xf32>,
        %slice3A_1245 = vector.extract_strided_slice %get3A_633 {offsets = [8], sizes = [1], strides = [1]} : vector<16xf32> to vector<1xf32>
        %squeeze3A_1246 = vector.extract %slice3A_1245[0] : f32 from vector<1xf32>
        %slice3A_1247 = vector.extract_strided_slice %abs3A {offsets = [8], sizes = [1], strides = [1]} : vector<16xf32> to vector<1xf32>
        %squeeze3A_1248 = vector.extract %slice3A_1247[0] : f32 from vector<1xf32>
        %mul3A_1249 = arith.constant 16 : i32
        %mul3A_1250 = arith.muli %mul3A_1249, %scan3A_626 : i32
        %add3A_1251 = arith.constant 8 : i32
        %add3A_1252 = arith.addi %mul3A_1250, %add3A_1251 : i32
        %jit3A_1253 = arith.constant 0.000000e+00 : f32
        %broadcast_in_dim3A_1254 = vector.broadcast %squeeze3A_1246 : f32 to vector<16xf32>
        %broadcast_in_dim3A_1255 = vector.broadcast %jit3A_1253 : f32 to vector<16xf32>
        %select_n3A_1256 = arith.select %eq3A_10, %broadcast_in_dim3A_1254, %broadcast_in_dim3A_1255 : vector<16xi1>, vector<16xf32>
        %broadcast_in_dim3A_1257 = vector.broadcast %squeeze3A_1248 : f32 to vector<16xf32>
        %select_n3A_1258 = arith.select %eq3A_7, %broadcast_in_dim3A_1257, %select_n3A_1256 : vector<16xi1>, vector<16xf32>
        %jit3A_1259 = arith.constant 1.000000e+00 : f32
        %broadcast_in_dim3A_1260 = vector.broadcast %jit3A_1259 : f32 to vector<16xf32>
        %select_n3A_1261 = arith.select %eq3A_4, %broadcast_in_dim3A_1260, %select_n3A_1258 : vector<16xi1>, vector<16xf32>
        %swap3A_1262 = arith.index_cast %rem3A_589 : i32 to index
        %swap3A_1263 = arith.index_cast %add3A_1252 : i32 to index
        %swap3A_1264 = arith.constant 96 : index
        %swap3A_1265 = tpu.vector_load %arg12[%swap3A_1262, %swap3A_1263, %swap3A_1264] {strides = array<i32>} : memref<4x80x112xf32, #tpu.memory_space<vmem>>, vector<1x1x16xf32>,
        %swap3A_1266 = vector.shape_cast %swap3A_1265 : vector<1x1x16xf32> to vector<16xf32>
        %swap3A_1267 = vector.shape_cast %select_n3A_1261 : vector<16xf32> to vector<1x1x16xf32>
        tpu.vector_store %arg12[%swap3A_1262, %swap3A_1263, %swap3A_1264], %swap3A_1267 {strides = array<i32>} : memref<4x80x112xf32, #tpu.memory_space<vmem>>, vector<1x1x16xf32>,
        %get3A_1268 = arith.index_cast %rem3A_589 : i32 to index
        %get3A_1269 = arith.index_cast %add3A_1252 : i32 to index
        %get3A_1270 = arith.constant 0 : index
        %get3A_1271 = tpu.vector_load %arg11[%get3A_1268, %get3A_1269, %get3A_1270] {strides = array<i32>} : memref<4x80x32xf32, #tpu.memory_space<vmem>>, vector<1x1x16xf32>,
        %get3A_1272 = vector.shape_cast %get3A_1271 : vector<1x1x16xf32> to vector<16xf32>
        %swap3A_1273 = arith.index_cast %rem3A_589 : i32 to index
        %swap3A_1274 = arith.index_cast %add3A_1252 : i32 to index
        %swap3A_1275 = arith.constant 0 : index
        %swap3A_1276 = tpu.vector_load %arg12[%swap3A_1273, %swap3A_1274, %swap3A_1275] {strides = array<i32>} : memref<4x80x112xf32, #tpu.memory_space<vmem>>, vector<1x1x16xf32>,
        %swap3A_1277 = vector.shape_cast %swap3A_1276 : vector<1x1x16xf32> to vector<16xf32>
        %swap3A_1278 = vector.shape_cast %get3A_1272 : vector<16xf32> to vector<1x1x16xf32>
        tpu.vector_store %arg12[%swap3A_1273, %swap3A_1274, %swap3A_1275], %swap3A_1278 {strides = array<i32>} : memref<4x80x112xf32, #tpu.memory_space<vmem>>, vector<1x1x16xf32>,
        %mul3A_1279 = vector.broadcast %squeeze3A_1248 : f32 to vector<16xf32>
        %mul3A_1280 = arith.mulf %get3A_1272, %mul3A_1279 : vector<16xf32>
        %swap3A_1281 = arith.index_cast %rem3A_589 : i32 to index
        %swap3A_1282 = arith.index_cast %add3A_1252 : i32 to index
        %swap3A_1283 = arith.constant 32 : index
        %swap3A_1284 = tpu.vector_load %arg12[%swap3A_1281, %swap3A_1282, %swap3A_1283] {strides = array<i32>} : memref<4x80x112xf32, #tpu.memory_space<vmem>>, vector<1x1x16xf32>,
        %swap3A_1285 = vector.shape_cast %swap3A_1284 : vector<1x1x16xf32> to vector<16xf32>
        %swap3A_1286 = vector.shape_cast %mul3A_1280 : vector<16xf32> to vector<1x1x16xf32>
        tpu.vector_store %arg12[%swap3A_1281, %swap3A_1282, %swap3A_1283], %swap3A_1286 {strides = array<i32>} : memref<4x80x112xf32, #tpu.memory_space<vmem>>, vector<1x1x16xf32>,
        %mul3A_1287 = vector.broadcast %squeeze3A_1246 : f32 to vector<16xf32>
        %mul3A_1288 = arith.mulf %get3A_1272, %mul3A_1287 : vector<16xf32>
        %swap3A_1289 = arith.index_cast %rem3A_589 : i32 to index
        %swap3A_1290 = arith.index_cast %add3A_1252 : i32 to index
        %swap3A_1291 = arith.constant 64 : index
        %swap3A_1292 = tpu.vector_load %arg12[%swap3A_1289, %swap3A_1290, %swap3A_1291] {strides = array<i32>} : memref<4x80x112xf32, #tpu.memory_space<vmem>>, vector<1x1x16xf32>,
        %swap3A_1293 = vector.shape_cast %swap3A_1292 : vector<1x1x16xf32> to vector<16xf32>
        %swap3A_1294 = vector.shape_cast %mul3A_1288 : vector<16xf32> to vector<1x1x16xf32>
        tpu.vector_store %arg12[%swap3A_1289, %swap3A_1290, %swap3A_1291], %swap3A_1294 {strides = array<i32>} : memref<4x80x112xf32, #tpu.memory_space<vmem>>, vector<1x1x16xf32>,
        %get3A_1295 = arith.index_cast %rem3A_589 : i32 to index
        %get3A_1296 = arith.index_cast %add3A_1252 : i32 to index
        %get3A_1297 = arith.constant 16 : index
        %get3A_1298 = tpu.vector_load %arg11[%get3A_1295, %get3A_1296, %get3A_1297] {strides = array<i32>} : memref<4x80x32xf32, #tpu.memory_space<vmem>>, vector<1x1x16xf32>,
        %get3A_1299 = vector.shape_cast %get3A_1298 : vector<1x1x16xf32> to vector<16xf32>
        %swap3A_1300 = arith.index_cast %rem3A_589 : i32 to index
        %swap3A_1301 = arith.index_cast %add3A_1252 : i32 to index
        %swap3A_1302 = arith.constant 16 : index
        %swap3A_1303 = tpu.vector_load %arg12[%swap3A_1300, %swap3A_1301, %swap3A_1302] {strides = array<i32>} : memref<4x80x112xf32, #tpu.memory_space<vmem>>, vector<1x1x16xf32>,
        %swap3A_1304 = vector.shape_cast %swap3A_1303 : vector<1x1x16xf32> to vector<16xf32>
        %swap3A_1305 = vector.shape_cast %get3A_1299 : vector<16xf32> to vector<1x1x16xf32>
        tpu.vector_store %arg12[%swap3A_1300, %swap3A_1301, %swap3A_1302], %swap3A_1305 {strides = array<i32>} : memref<4x80x112xf32, #tpu.memory_space<vmem>>, vector<1x1x16xf32>,
        %mul3A_1306 = vector.broadcast %squeeze3A_1248 : f32 to vector<16xf32>
        %mul3A_1307 = arith.mulf %get3A_1299, %mul3A_1306 : vector<16xf32>
        %swap3A_1308 = arith.index_cast %rem3A_589 : i32 to index
        %swap3A_1309 = arith.index_cast %add3A_1252 : i32 to index
        %swap3A_1310 = arith.constant 48 : index
        %swap3A_1311 = tpu.vector_load %arg12[%swap3A_1308, %swap3A_1309, %swap3A_1310] {strides = array<i32>} : memref<4x80x112xf32, #tpu.memory_space<vmem>>, vector<1x1x16xf32>,
        %swap3A_1312 = vector.shape_cast %swap3A_1311 : vector<1x1x16xf32> to vector<16xf32>
        %swap3A_1313 = vector.shape_cast %mul3A_1307 : vector<16xf32> to vector<1x1x16xf32>
        tpu.vector_store %arg12[%swap3A_1308, %swap3A_1309, %swap3A_1310], %swap3A_1313 {strides = array<i32>} : memref<4x80x112xf32, #tpu.memory_space<vmem>>, vector<1x1x16xf32>,
        %mul3A_1314 = vector.broadcast %squeeze3A_1246 : f32 to vector<16xf32>
        %mul3A_1315 = arith.mulf %get3A_1299, %mul3A_1314 : vector<16xf32>
        %swap3A_1316 = arith.index_cast %rem3A_589 : i32 to index
        %swap3A_1317 = arith.index_cast %add3A_1252 : i32 to index
        %swap3A_1318 = arith.constant 80 : index
        %swap3A_1319 = tpu.vector_load %arg12[%swap3A_1316, %swap3A_1317, %swap3A_1318] {strides = array<i32>} : memref<4x80x112xf32, #tpu.memory_space<vmem>>, vector<1x1x16xf32>,
        %swap3A_1320 = vector.shape_cast %swap3A_1319 : vector<1x1x16xf32> to vector<16xf32>
        %swap3A_1321 = vector.shape_cast %mul3A_1315 : vector<16xf32> to vector<1x1x16xf32>
        tpu.vector_store %arg12[%swap3A_1316, %swap3A_1317, %swap3A_1318], %swap3A_1321 {strides = array<i32>} : memref<4x80x112xf32, #tpu.memory_space<vmem>>, vector<1x1x16xf32>,
        %slice3A_1322 = vector.extract_strided_slice %get3A_633 {offsets = [9], sizes = [1], strides = [1]} : vector<16xf32> to vector<1xf32>
        %squeeze3A_1323 = vector.extract %slice3A_1322[0] : f32 from vector<1xf32>
        %slice3A_1324 = vector.extract_strided_slice %abs3A {offsets = [9], sizes = [1], strides = [1]} : vector<16xf32> to vector<1xf32>
        %squeeze3A_1325 = vector.extract %slice3A_1324[0] : f32 from vector<1xf32>
        %mul3A_1326 = arith.constant 16 : i32
        %mul3A_1327 = arith.muli %mul3A_1326, %scan3A_626 : i32
        %add3A_1328 = arith.constant 9 : i32
        %add3A_1329 = arith.addi %mul3A_1327, %add3A_1328 : i32
        %jit3A_1330 = arith.constant 0.000000e+00 : f32
        %broadcast_in_dim3A_1331 = vector.broadcast %squeeze3A_1323 : f32 to vector<16xf32>
        %broadcast_in_dim3A_1332 = vector.broadcast %jit3A_1330 : f32 to vector<16xf32>
        %select_n3A_1333 = arith.select %eq3A_10, %broadcast_in_dim3A_1331, %broadcast_in_dim3A_1332 : vector<16xi1>, vector<16xf32>
        %broadcast_in_dim3A_1334 = vector.broadcast %squeeze3A_1325 : f32 to vector<16xf32>
        %select_n3A_1335 = arith.select %eq3A_7, %broadcast_in_dim3A_1334, %select_n3A_1333 : vector<16xi1>, vector<16xf32>
        %jit3A_1336 = arith.constant 1.000000e+00 : f32
        %broadcast_in_dim3A_1337 = vector.broadcast %jit3A_1336 : f32 to vector<16xf32>
        %select_n3A_1338 = arith.select %eq3A_4, %broadcast_in_dim3A_1337, %select_n3A_1335 : vector<16xi1>, vector<16xf32>
        %swap3A_1339 = arith.index_cast %rem3A_589 : i32 to index
        %swap3A_1340 = arith.index_cast %add3A_1329 : i32 to index
        %swap3A_1341 = arith.constant 96 : index
        %swap3A_1342 = tpu.vector_load %arg12[%swap3A_1339, %swap3A_1340, %swap3A_1341] {strides = array<i32>} : memref<4x80x112xf32, #tpu.memory_space<vmem>>, vector<1x1x16xf32>,
        %swap3A_1343 = vector.shape_cast %swap3A_1342 : vector<1x1x16xf32> to vector<16xf32>
        %swap3A_1344 = vector.shape_cast %select_n3A_1338 : vector<16xf32> to vector<1x1x16xf32>
        tpu.vector_store %arg12[%swap3A_1339, %swap3A_1340, %swap3A_1341], %swap3A_1344 {strides = array<i32>} : memref<4x80x112xf32, #tpu.memory_space<vmem>>, vector<1x1x16xf32>,
        %get3A_1345 = arith.index_cast %rem3A_589 : i32 to index
        %get3A_1346 = arith.index_cast %add3A_1329 : i32 to index
        %get3A_1347 = arith.constant 0 : index
        %get3A_1348 = tpu.vector_load %arg11[%get3A_1345, %get3A_1346, %get3A_1347] {strides = array<i32>} : memref<4x80x32xf32, #tpu.memory_space<vmem>>, vector<1x1x16xf32>,
        %get3A_1349 = vector.shape_cast %get3A_1348 : vector<1x1x16xf32> to vector<16xf32>
        %swap3A_1350 = arith.index_cast %rem3A_589 : i32 to index
        %swap3A_1351 = arith.index_cast %add3A_1329 : i32 to index
        %swap3A_1352 = arith.constant 0 : index
        %swap3A_1353 = tpu.vector_load %arg12[%swap3A_1350, %swap3A_1351, %swap3A_1352] {strides = array<i32>} : memref<4x80x112xf32, #tpu.memory_space<vmem>>, vector<1x1x16xf32>,
        %swap3A_1354 = vector.shape_cast %swap3A_1353 : vector<1x1x16xf32> to vector<16xf32>
        %swap3A_1355 = vector.shape_cast %get3A_1349 : vector<16xf32> to vector<1x1x16xf32>
        tpu.vector_store %arg12[%swap3A_1350, %swap3A_1351, %swap3A_1352], %swap3A_1355 {strides = array<i32>} : memref<4x80x112xf32, #tpu.memory_space<vmem>>, vector<1x1x16xf32>,
        %mul3A_1356 = vector.broadcast %squeeze3A_1325 : f32 to vector<16xf32>
        %mul3A_1357 = arith.mulf %get3A_1349, %mul3A_1356 : vector<16xf32>
        %swap3A_1358 = arith.index_cast %rem3A_589 : i32 to index
        %swap3A_1359 = arith.index_cast %add3A_1329 : i32 to index
        %swap3A_1360 = arith.constant 32 : index
        %swap3A_1361 = tpu.vector_load %arg12[%swap3A_1358, %swap3A_1359, %swap3A_1360] {strides = array<i32>} : memref<4x80x112xf32, #tpu.memory_space<vmem>>, vector<1x1x16xf32>,
        %swap3A_1362 = vector.shape_cast %swap3A_1361 : vector<1x1x16xf32> to vector<16xf32>
        %swap3A_1363 = vector.shape_cast %mul3A_1357 : vector<16xf32> to vector<1x1x16xf32>
        tpu.vector_store %arg12[%swap3A_1358, %swap3A_1359, %swap3A_1360], %swap3A_1363 {strides = array<i32>} : memref<4x80x112xf32, #tpu.memory_space<vmem>>, vector<1x1x16xf32>,
        %mul3A_1364 = vector.broadcast %squeeze3A_1323 : f32 to vector<16xf32>
        %mul3A_1365 = arith.mulf %get3A_1349, %mul3A_1364 : vector<16xf32>
        %swap3A_1366 = arith.index_cast %rem3A_589 : i32 to index
        %swap3A_1367 = arith.index_cast %add3A_1329 : i32 to index
        %swap3A_1368 = arith.constant 64 : index
        %swap3A_1369 = tpu.vector_load %arg12[%swap3A_1366, %swap3A_1367, %swap3A_1368] {strides = array<i32>} : memref<4x80x112xf32, #tpu.memory_space<vmem>>, vector<1x1x16xf32>,
        %swap3A_1370 = vector.shape_cast %swap3A_1369 : vector<1x1x16xf32> to vector<16xf32>
        %swap3A_1371 = vector.shape_cast %mul3A_1365 : vector<16xf32> to vector<1x1x16xf32>
        tpu.vector_store %arg12[%swap3A_1366, %swap3A_1367, %swap3A_1368], %swap3A_1371 {strides = array<i32>} : memref<4x80x112xf32, #tpu.memory_space<vmem>>, vector<1x1x16xf32>,
        %get3A_1372 = arith.index_cast %rem3A_589 : i32 to index
        %get3A_1373 = arith.index_cast %add3A_1329 : i32 to index
        %get3A_1374 = arith.constant 16 : index
        %get3A_1375 = tpu.vector_load %arg11[%get3A_1372, %get3A_1373, %get3A_1374] {strides = array<i32>} : memref<4x80x32xf32, #tpu.memory_space<vmem>>, vector<1x1x16xf32>,
        %get3A_1376 = vector.shape_cast %get3A_1375 : vector<1x1x16xf32> to vector<16xf32>
        %swap3A_1377 = arith.index_cast %rem3A_589 : i32 to index
        %swap3A_1378 = arith.index_cast %add3A_1329 : i32 to index
        %swap3A_1379 = arith.constant 16 : index
        %swap3A_1380 = tpu.vector_load %arg12[%swap3A_1377, %swap3A_1378, %swap3A_1379] {strides = array<i32>} : memref<4x80x112xf32, #tpu.memory_space<vmem>>, vector<1x1x16xf32>,
        %swap3A_1381 = vector.shape_cast %swap3A_1380 : vector<1x1x16xf32> to vector<16xf32>
        %swap3A_1382 = vector.shape_cast %get3A_1376 : vector<16xf32> to vector<1x1x16xf32>
        tpu.vector_store %arg12[%swap3A_1377, %swap3A_1378, %swap3A_1379], %swap3A_1382 {strides = array<i32>} : memref<4x80x112xf32, #tpu.memory_space<vmem>>, vector<1x1x16xf32>,
        %mul3A_1383 = vector.broadcast %squeeze3A_1325 : f32 to vector<16xf32>
        %mul3A_1384 = arith.mulf %get3A_1376, %mul3A_1383 : vector<16xf32>
        %swap3A_1385 = arith.index_cast %rem3A_589 : i32 to index
        %swap3A_1386 = arith.index_cast %add3A_1329 : i32 to index
        %swap3A_1387 = arith.constant 48 : index
        %swap3A_1388 = tpu.vector_load %arg12[%swap3A_1385, %swap3A_1386, %swap3A_1387] {strides = array<i32>} : memref<4x80x112xf32, #tpu.memory_space<vmem>>, vector<1x1x16xf32>,
        %swap3A_1389 = vector.shape_cast %swap3A_1388 : vector<1x1x16xf32> to vector<16xf32>
        %swap3A_1390 = vector.shape_cast %mul3A_1384 : vector<16xf32> to vector<1x1x16xf32>
        tpu.vector_store %arg12[%swap3A_1385, %swap3A_1386, %swap3A_1387], %swap3A_1390 {strides = array<i32>} : memref<4x80x112xf32, #tpu.memory_space<vmem>>, vector<1x1x16xf32>,
        %mul3A_1391 = vector.broadcast %squeeze3A_1323 : f32 to vector<16xf32>
        %mul3A_1392 = arith.mulf %get3A_1376, %mul3A_1391 : vector<16xf32>
        %swap3A_1393 = arith.index_cast %rem3A_589 : i32 to index
        %swap3A_1394 = arith.index_cast %add3A_1329 : i32 to index
        %swap3A_1395 = arith.constant 80 : index
        %swap3A_1396 = tpu.vector_load %arg12[%swap3A_1393, %swap3A_1394, %swap3A_1395] {strides = array<i32>} : memref<4x80x112xf32, #tpu.memory_space<vmem>>, vector<1x1x16xf32>,
        %swap3A_1397 = vector.shape_cast %swap3A_1396 : vector<1x1x16xf32> to vector<16xf32>
        %swap3A_1398 = vector.shape_cast %mul3A_1392 : vector<16xf32> to vector<1x1x16xf32>
        tpu.vector_store %arg12[%swap3A_1393, %swap3A_1394, %swap3A_1395], %swap3A_1398 {strides = array<i32>} : memref<4x80x112xf32, #tpu.memory_space<vmem>>, vector<1x1x16xf32>,
        %slice3A_1399 = vector.extract_strided_slice %get3A_633 {offsets = [10], sizes = [1], strides = [1]} : vector<16xf32> to vector<1xf32>
        %squeeze3A_1400 = vector.extract %slice3A_1399[0] : f32 from vector<1xf32>
        %slice3A_1401 = vector.extract_strided_slice %abs3A {offsets = [10], sizes = [1], strides = [1]} : vector<16xf32> to vector<1xf32>
        %squeeze3A_1402 = vector.extract %slice3A_1401[0] : f32 from vector<1xf32>
        %mul3A_1403 = arith.constant 16 : i32
        %mul3A_1404 = arith.muli %mul3A_1403, %scan3A_626 : i32
        %add3A_1405 = arith.constant 10 : i32
        %add3A_1406 = arith.addi %mul3A_1404, %add3A_1405 : i32
        %jit3A_1407 = arith.constant 0.000000e+00 : f32
        %broadcast_in_dim3A_1408 = vector.broadcast %squeeze3A_1400 : f32 to vector<16xf32>
        %broadcast_in_dim3A_1409 = vector.broadcast %jit3A_1407 : f32 to vector<16xf32>
        %select_n3A_1410 = arith.select %eq3A_10, %broadcast_in_dim3A_1408, %broadcast_in_dim3A_1409 : vector<16xi1>, vector<16xf32>
        %broadcast_in_dim3A_1411 = vector.broadcast %squeeze3A_1402 : f32 to vector<16xf32>
        %select_n3A_1412 = arith.select %eq3A_7, %broadcast_in_dim3A_1411, %select_n3A_1410 : vector<16xi1>, vector<16xf32>
        %jit3A_1413 = arith.constant 1.000000e+00 : f32
        %broadcast_in_dim3A_1414 = vector.broadcast %jit3A_1413 : f32 to vector<16xf32>
        %select_n3A_1415 = arith.select %eq3A_4, %broadcast_in_dim3A_1414, %select_n3A_1412 : vector<16xi1>, vector<16xf32>
        %swap3A_1416 = arith.index_cast %rem3A_589 : i32 to index
        %swap3A_1417 = arith.index_cast %add3A_1406 : i32 to index
        %swap3A_1418 = arith.constant 96 : index
        %swap3A_1419 = tpu.vector_load %arg12[%swap3A_1416, %swap3A_1417, %swap3A_1418] {strides = array<i32>} : memref<4x80x112xf32, #tpu.memory_space<vmem>>, vector<1x1x16xf32>,
        %swap3A_1420 = vector.shape_cast %swap3A_1419 : vector<1x1x16xf32> to vector<16xf32>
        %swap3A_1421 = vector.shape_cast %select_n3A_1415 : vector<16xf32> to vector<1x1x16xf32>
        tpu.vector_store %arg12[%swap3A_1416, %swap3A_1417, %swap3A_1418], %swap3A_1421 {strides = array<i32>} : memref<4x80x112xf32, #tpu.memory_space<vmem>>, vector<1x1x16xf32>,
        %get3A_1422 = arith.index_cast %rem3A_589 : i32 to index
        %get3A_1423 = arith.index_cast %add3A_1406 : i32 to index
        %get3A_1424 = arith.constant 0 : index
        %get3A_1425 = tpu.vector_load %arg11[%get3A_1422, %get3A_1423, %get3A_1424] {strides = array<i32>} : memref<4x80x32xf32, #tpu.memory_space<vmem>>, vector<1x1x16xf32>,
        %get3A_1426 = vector.shape_cast %get3A_1425 : vector<1x1x16xf32> to vector<16xf32>
        %swap3A_1427 = arith.index_cast %rem3A_589 : i32 to index
        %swap3A_1428 = arith.index_cast %add3A_1406 : i32 to index
        %swap3A_1429 = arith.constant 0 : index
        %swap3A_1430 = tpu.vector_load %arg12[%swap3A_1427, %swap3A_1428, %swap3A_1429] {strides = array<i32>} : memref<4x80x112xf32, #tpu.memory_space<vmem>>, vector<1x1x16xf32>,
        %swap3A_1431 = vector.shape_cast %swap3A_1430 : vector<1x1x16xf32> to vector<16xf32>
        %swap3A_1432 = vector.shape_cast %get3A_1426 : vector<16xf32> to vector<1x1x16xf32>
        tpu.vector_store %arg12[%swap3A_1427, %swap3A_1428, %swap3A_1429], %swap3A_1432 {strides = array<i32>} : memref<4x80x112xf32, #tpu.memory_space<vmem>>, vector<1x1x16xf32>,
        %mul3A_1433 = vector.broadcast %squeeze3A_1402 : f32 to vector<16xf32>
        %mul3A_1434 = arith.mulf %get3A_1426, %mul3A_1433 : vector<16xf32>
        %swap3A_1435 = arith.index_cast %rem3A_589 : i32 to index
        %swap3A_1436 = arith.index_cast %add3A_1406 : i32 to index
        %swap3A_1437 = arith.constant 32 : index
        %swap3A_1438 = tpu.vector_load %arg12[%swap3A_1435, %swap3A_1436, %swap3A_1437] {strides = array<i32>} : memref<4x80x112xf32, #tpu.memory_space<vmem>>, vector<1x1x16xf32>,
        %swap3A_1439 = vector.shape_cast %swap3A_1438 : vector<1x1x16xf32> to vector<16xf32>
        %swap3A_1440 = vector.shape_cast %mul3A_1434 : vector<16xf32> to vector<1x1x16xf32>
        tpu.vector_store %arg12[%swap3A_1435, %swap3A_1436, %swap3A_1437], %swap3A_1440 {strides = array<i32>} : memref<4x80x112xf32, #tpu.memory_space<vmem>>, vector<1x1x16xf32>,
        %mul3A_1441 = vector.broadcast %squeeze3A_1400 : f32 to vector<16xf32>
        %mul3A_1442 = arith.mulf %get3A_1426, %mul3A_1441 : vector<16xf32>
        %swap3A_1443 = arith.index_cast %rem3A_589 : i32 to index
        %swap3A_1444 = arith.index_cast %add3A_1406 : i32 to index
        %swap3A_1445 = arith.constant 64 : index
        %swap3A_1446 = tpu.vector_load %arg12[%swap3A_1443, %swap3A_1444, %swap3A_1445] {strides = array<i32>} : memref<4x80x112xf32, #tpu.memory_space<vmem>>, vector<1x1x16xf32>,
        %swap3A_1447 = vector.shape_cast %swap3A_1446 : vector<1x1x16xf32> to vector<16xf32>
        %swap3A_1448 = vector.shape_cast %mul3A_1442 : vector<16xf32> to vector<1x1x16xf32>
        tpu.vector_store %arg12[%swap3A_1443, %swap3A_1444, %swap3A_1445], %swap3A_1448 {strides = array<i32>} : memref<4x80x112xf32, #tpu.memory_space<vmem>>, vector<1x1x16xf32>,
        %get3A_1449 = arith.index_cast %rem3A_589 : i32 to index
        %get3A_1450 = arith.index_cast %add3A_1406 : i32 to index
        %get3A_1451 = arith.constant 16 : index
        %get3A_1452 = tpu.vector_load %arg11[%get3A_1449, %get3A_1450, %get3A_1451] {strides = array<i32>} : memref<4x80x32xf32, #tpu.memory_space<vmem>>, vector<1x1x16xf32>,
        %get3A_1453 = vector.shape_cast %get3A_1452 : vector<1x1x16xf32> to vector<16xf32>
        %swap3A_1454 = arith.index_cast %rem3A_589 : i32 to index
        %swap3A_1455 = arith.index_cast %add3A_1406 : i32 to index
        %swap3A_1456 = arith.constant 16 : index
        %swap3A_1457 = tpu.vector_load %arg12[%swap3A_1454, %swap3A_1455, %swap3A_1456] {strides = array<i32>} : memref<4x80x112xf32, #tpu.memory_space<vmem>>, vector<1x1x16xf32>,
        %swap3A_1458 = vector.shape_cast %swap3A_1457 : vector<1x1x16xf32> to vector<16xf32>
        %swap3A_1459 = vector.shape_cast %get3A_1453 : vector<16xf32> to vector<1x1x16xf32>
        tpu.vector_store %arg12[%swap3A_1454, %swap3A_1455, %swap3A_1456], %swap3A_1459 {strides = array<i32>} : memref<4x80x112xf32, #tpu.memory_space<vmem>>, vector<1x1x16xf32>,
        %mul3A_1460 = vector.broadcast %squeeze3A_1402 : f32 to vector<16xf32>
        %mul3A_1461 = arith.mulf %get3A_1453, %mul3A_1460 : vector<16xf32>
        %swap3A_1462 = arith.index_cast %rem3A_589 : i32 to index
        %swap3A_1463 = arith.index_cast %add3A_1406 : i32 to index
        %swap3A_1464 = arith.constant 48 : index
        %swap3A_1465 = tpu.vector_load %arg12[%swap3A_1462, %swap3A_1463, %swap3A_1464] {strides = array<i32>} : memref<4x80x112xf32, #tpu.memory_space<vmem>>, vector<1x1x16xf32>,
        %swap3A_1466 = vector.shape_cast %swap3A_1465 : vector<1x1x16xf32> to vector<16xf32>
        %swap3A_1467 = vector.shape_cast %mul3A_1461 : vector<16xf32> to vector<1x1x16xf32>
        tpu.vector_store %arg12[%swap3A_1462, %swap3A_1463, %swap3A_1464], %swap3A_1467 {strides = array<i32>} : memref<4x80x112xf32, #tpu.memory_space<vmem>>, vector<1x1x16xf32>,
        %mul3A_1468 = vector.broadcast %squeeze3A_1400 : f32 to vector<16xf32>
        %mul3A_1469 = arith.mulf %get3A_1453, %mul3A_1468 : vector<16xf32>
        %swap3A_1470 = arith.index_cast %rem3A_589 : i32 to index
        %swap3A_1471 = arith.index_cast %add3A_1406 : i32 to index
        %swap3A_1472 = arith.constant 80 : index
        %swap3A_1473 = tpu.vector_load %arg12[%swap3A_1470, %swap3A_1471, %swap3A_1472] {strides = array<i32>} : memref<4x80x112xf32, #tpu.memory_space<vmem>>, vector<1x1x16xf32>,
        %swap3A_1474 = vector.shape_cast %swap3A_1473 : vector<1x1x16xf32> to vector<16xf32>
        %swap3A_1475 = vector.shape_cast %mul3A_1469 : vector<16xf32> to vector<1x1x16xf32>
        tpu.vector_store %arg12[%swap3A_1470, %swap3A_1471, %swap3A_1472], %swap3A_1475 {strides = array<i32>} : memref<4x80x112xf32, #tpu.memory_space<vmem>>, vector<1x1x16xf32>,
        %slice3A_1476 = vector.extract_strided_slice %get3A_633 {offsets = [11], sizes = [1], strides = [1]} : vector<16xf32> to vector<1xf32>
        %squeeze3A_1477 = vector.extract %slice3A_1476[0] : f32 from vector<1xf32>
        %slice3A_1478 = vector.extract_strided_slice %abs3A {offsets = [11], sizes = [1], strides = [1]} : vector<16xf32> to vector<1xf32>
        %squeeze3A_1479 = vector.extract %slice3A_1478[0] : f32 from vector<1xf32>
        %mul3A_1480 = arith.constant 16 : i32
        %mul3A_1481 = arith.muli %mul3A_1480, %scan3A_626 : i32
        %add3A_1482 = arith.constant 11 : i32
        %add3A_1483 = arith.addi %mul3A_1481, %add3A_1482 : i32
        %jit3A_1484 = arith.constant 0.000000e+00 : f32
        %broadcast_in_dim3A_1485 = vector.broadcast %squeeze3A_1477 : f32 to vector<16xf32>
        %broadcast_in_dim3A_1486 = vector.broadcast %jit3A_1484 : f32 to vector<16xf32>
        %select_n3A_1487 = arith.select %eq3A_10, %broadcast_in_dim3A_1485, %broadcast_in_dim3A_1486 : vector<16xi1>, vector<16xf32>
        %broadcast_in_dim3A_1488 = vector.broadcast %squeeze3A_1479 : f32 to vector<16xf32>
        %select_n3A_1489 = arith.select %eq3A_7, %broadcast_in_dim3A_1488, %select_n3A_1487 : vector<16xi1>, vector<16xf32>
        %jit3A_1490 = arith.constant 1.000000e+00 : f32
        %broadcast_in_dim3A_1491 = vector.broadcast %jit3A_1490 : f32 to vector<16xf32>
        %select_n3A_1492 = arith.select %eq3A_4, %broadcast_in_dim3A_1491, %select_n3A_1489 : vector<16xi1>, vector<16xf32>
        %swap3A_1493 = arith.index_cast %rem3A_589 : i32 to index
        %swap3A_1494 = arith.index_cast %add3A_1483 : i32 to index
        %swap3A_1495 = arith.constant 96 : index
        %swap3A_1496 = tpu.vector_load %arg12[%swap3A_1493, %swap3A_1494, %swap3A_1495] {strides = array<i32>} : memref<4x80x112xf32, #tpu.memory_space<vmem>>, vector<1x1x16xf32>,
        %swap3A_1497 = vector.shape_cast %swap3A_1496 : vector<1x1x16xf32> to vector<16xf32>
        %swap3A_1498 = vector.shape_cast %select_n3A_1492 : vector<16xf32> to vector<1x1x16xf32>
        tpu.vector_store %arg12[%swap3A_1493, %swap3A_1494, %swap3A_1495], %swap3A_1498 {strides = array<i32>} : memref<4x80x112xf32, #tpu.memory_space<vmem>>, vector<1x1x16xf32>,
        %get3A_1499 = arith.index_cast %rem3A_589 : i32 to index
        %get3A_1500 = arith.index_cast %add3A_1483 : i32 to index
        %get3A_1501 = arith.constant 0 : index
        %get3A_1502 = tpu.vector_load %arg11[%get3A_1499, %get3A_1500, %get3A_1501] {strides = array<i32>} : memref<4x80x32xf32, #tpu.memory_space<vmem>>, vector<1x1x16xf32>,
        %get3A_1503 = vector.shape_cast %get3A_1502 : vector<1x1x16xf32> to vector<16xf32>
        %swap3A_1504 = arith.index_cast %rem3A_589 : i32 to index
        %swap3A_1505 = arith.index_cast %add3A_1483 : i32 to index
        %swap3A_1506 = arith.constant 0 : index
        %swap3A_1507 = tpu.vector_load %arg12[%swap3A_1504, %swap3A_1505, %swap3A_1506] {strides = array<i32>} : memref<4x80x112xf32, #tpu.memory_space<vmem>>, vector<1x1x16xf32>,
        %swap3A_1508 = vector.shape_cast %swap3A_1507 : vector<1x1x16xf32> to vector<16xf32>
        %swap3A_1509 = vector.shape_cast %get3A_1503 : vector<16xf32> to vector<1x1x16xf32>
        tpu.vector_store %arg12[%swap3A_1504, %swap3A_1505, %swap3A_1506], %swap3A_1509 {strides = array<i32>} : memref<4x80x112xf32, #tpu.memory_space<vmem>>, vector<1x1x16xf32>,
        %mul3A_1510 = vector.broadcast %squeeze3A_1479 : f32 to vector<16xf32>
        %mul3A_1511 = arith.mulf %get3A_1503, %mul3A_1510 : vector<16xf32>
        %swap3A_1512 = arith.index_cast %rem3A_589 : i32 to index
        %swap3A_1513 = arith.index_cast %add3A_1483 : i32 to index
        %swap3A_1514 = arith.constant 32 : index
        %swap3A_1515 = tpu.vector_load %arg12[%swap3A_1512, %swap3A_1513, %swap3A_1514] {strides = array<i32>} : memref<4x80x112xf32, #tpu.memory_space<vmem>>, vector<1x1x16xf32>,
        %swap3A_1516 = vector.shape_cast %swap3A_1515 : vector<1x1x16xf32> to vector<16xf32>
        %swap3A_1517 = vector.shape_cast %mul3A_1511 : vector<16xf32> to vector<1x1x16xf32>
        tpu.vector_store %arg12[%swap3A_1512, %swap3A_1513, %swap3A_1514], %swap3A_1517 {strides = array<i32>} : memref<4x80x112xf32, #tpu.memory_space<vmem>>, vector<1x1x16xf32>,
        %mul3A_1518 = vector.broadcast %squeeze3A_1477 : f32 to vector<16xf32>
        %mul3A_1519 = arith.mulf %get3A_1503, %mul3A_1518 : vector<16xf32>
        %swap3A_1520 = arith.index_cast %rem3A_589 : i32 to index
        %swap3A_1521 = arith.index_cast %add3A_1483 : i32 to index
        %swap3A_1522 = arith.constant 64 : index
        %swap3A_1523 = tpu.vector_load %arg12[%swap3A_1520, %swap3A_1521, %swap3A_1522] {strides = array<i32>} : memref<4x80x112xf32, #tpu.memory_space<vmem>>, vector<1x1x16xf32>,
        %swap3A_1524 = vector.shape_cast %swap3A_1523 : vector<1x1x16xf32> to vector<16xf32>
        %swap3A_1525 = vector.shape_cast %mul3A_1519 : vector<16xf32> to vector<1x1x16xf32>
        tpu.vector_store %arg12[%swap3A_1520, %swap3A_1521, %swap3A_1522], %swap3A_1525 {strides = array<i32>} : memref<4x80x112xf32, #tpu.memory_space<vmem>>, vector<1x1x16xf32>,
        %get3A_1526 = arith.index_cast %rem3A_589 : i32 to index
        %get3A_1527 = arith.index_cast %add3A_1483 : i32 to index
        %get3A_1528 = arith.constant 16 : index
        %get3A_1529 = tpu.vector_load %arg11[%get3A_1526, %get3A_1527, %get3A_1528] {strides = array<i32>} : memref<4x80x32xf32, #tpu.memory_space<vmem>>, vector<1x1x16xf32>,
        %get3A_1530 = vector.shape_cast %get3A_1529 : vector<1x1x16xf32> to vector<16xf32>
        %swap3A_1531 = arith.index_cast %rem3A_589 : i32 to index
        %swap3A_1532 = arith.index_cast %add3A_1483 : i32 to index
        %swap3A_1533 = arith.constant 16 : index
        %swap3A_1534 = tpu.vector_load %arg12[%swap3A_1531, %swap3A_1532, %swap3A_1533] {strides = array<i32>} : memref<4x80x112xf32, #tpu.memory_space<vmem>>, vector<1x1x16xf32>,
        %swap3A_1535 = vector.shape_cast %swap3A_1534 : vector<1x1x16xf32> to vector<16xf32>
        %swap3A_1536 = vector.shape_cast %get3A_1530 : vector<16xf32> to vector<1x1x16xf32>
        tpu.vector_store %arg12[%swap3A_1531, %swap3A_1532, %swap3A_1533], %swap3A_1536 {strides = array<i32>} : memref<4x80x112xf32, #tpu.memory_space<vmem>>, vector<1x1x16xf32>,
        %mul3A_1537 = vector.broadcast %squeeze3A_1479 : f32 to vector<16xf32>
        %mul3A_1538 = arith.mulf %get3A_1530, %mul3A_1537 : vector<16xf32>
        %swap3A_1539 = arith.index_cast %rem3A_589 : i32 to index
        %swap3A_1540 = arith.index_cast %add3A_1483 : i32 to index
        %swap3A_1541 = arith.constant 48 : index
        %swap3A_1542 = tpu.vector_load %arg12[%swap3A_1539, %swap3A_1540, %swap3A_1541] {strides = array<i32>} : memref<4x80x112xf32, #tpu.memory_space<vmem>>, vector<1x1x16xf32>,
        %swap3A_1543 = vector.shape_cast %swap3A_1542 : vector<1x1x16xf32> to vector<16xf32>
        %swap3A_1544 = vector.shape_cast %mul3A_1538 : vector<16xf32> to vector<1x1x16xf32>
        tpu.vector_store %arg12[%swap3A_1539, %swap3A_1540, %swap3A_1541], %swap3A_1544 {strides = array<i32>} : memref<4x80x112xf32, #tpu.memory_space<vmem>>, vector<1x1x16xf32>,
        %mul3A_1545 = vector.broadcast %squeeze3A_1477 : f32 to vector<16xf32>
        %mul3A_1546 = arith.mulf %get3A_1530, %mul3A_1545 : vector<16xf32>
        %swap3A_1547 = arith.index_cast %rem3A_589 : i32 to index
        %swap3A_1548 = arith.index_cast %add3A_1483 : i32 to index
        %swap3A_1549 = arith.constant 80 : index
        %swap3A_1550 = tpu.vector_load %arg12[%swap3A_1547, %swap3A_1548, %swap3A_1549] {strides = array<i32>} : memref<4x80x112xf32, #tpu.memory_space<vmem>>, vector<1x1x16xf32>,
        %swap3A_1551 = vector.shape_cast %swap3A_1550 : vector<1x1x16xf32> to vector<16xf32>
        %swap3A_1552 = vector.shape_cast %mul3A_1546 : vector<16xf32> to vector<1x1x16xf32>
        tpu.vector_store %arg12[%swap3A_1547, %swap3A_1548, %swap3A_1549], %swap3A_1552 {strides = array<i32>} : memref<4x80x112xf32, #tpu.memory_space<vmem>>, vector<1x1x16xf32>,
        %slice3A_1553 = vector.extract_strided_slice %get3A_633 {offsets = [12], sizes = [1], strides = [1]} : vector<16xf32> to vector<1xf32>
        %squeeze3A_1554 = vector.extract %slice3A_1553[0] : f32 from vector<1xf32>
        %slice3A_1555 = vector.extract_strided_slice %abs3A {offsets = [12], sizes = [1], strides = [1]} : vector<16xf32> to vector<1xf32>
        %squeeze3A_1556 = vector.extract %slice3A_1555[0] : f32 from vector<1xf32>
        %mul3A_1557 = arith.constant 16 : i32
        %mul3A_1558 = arith.muli %mul3A_1557, %scan3A_626 : i32
        %add3A_1559 = arith.constant 12 : i32
        %add3A_1560 = arith.addi %mul3A_1558, %add3A_1559 : i32
        %jit3A_1561 = arith.constant 0.000000e+00 : f32
        %broadcast_in_dim3A_1562 = vector.broadcast %squeeze3A_1554 : f32 to vector<16xf32>
        %broadcast_in_dim3A_1563 = vector.broadcast %jit3A_1561 : f32 to vector<16xf32>
        %select_n3A_1564 = arith.select %eq3A_10, %broadcast_in_dim3A_1562, %broadcast_in_dim3A_1563 : vector<16xi1>, vector<16xf32>
        %broadcast_in_dim3A_1565 = vector.broadcast %squeeze3A_1556 : f32 to vector<16xf32>
        %select_n3A_1566 = arith.select %eq3A_7, %broadcast_in_dim3A_1565, %select_n3A_1564 : vector<16xi1>, vector<16xf32>
        %jit3A_1567 = arith.constant 1.000000e+00 : f32
        %broadcast_in_dim3A_1568 = vector.broadcast %jit3A_1567 : f32 to vector<16xf32>
        %select_n3A_1569 = arith.select %eq3A_4, %broadcast_in_dim3A_1568, %select_n3A_1566 : vector<16xi1>, vector<16xf32>
        %swap3A_1570 = arith.index_cast %rem3A_589 : i32 to index
        %swap3A_1571 = arith.index_cast %add3A_1560 : i32 to index
        %swap3A_1572 = arith.constant 96 : index
        %swap3A_1573 = tpu.vector_load %arg12[%swap3A_1570, %swap3A_1571, %swap3A_1572] {strides = array<i32>} : memref<4x80x112xf32, #tpu.memory_space<vmem>>, vector<1x1x16xf32>,
        %swap3A_1574 = vector.shape_cast %swap3A_1573 : vector<1x1x16xf32> to vector<16xf32>
        %swap3A_1575 = vector.shape_cast %select_n3A_1569 : vector<16xf32> to vector<1x1x16xf32>
        tpu.vector_store %arg12[%swap3A_1570, %swap3A_1571, %swap3A_1572], %swap3A_1575 {strides = array<i32>} : memref<4x80x112xf32, #tpu.memory_space<vmem>>, vector<1x1x16xf32>,
        %get3A_1576 = arith.index_cast %rem3A_589 : i32 to index
        %get3A_1577 = arith.index_cast %add3A_1560 : i32 to index
        %get3A_1578 = arith.constant 0 : index
        %get3A_1579 = tpu.vector_load %arg11[%get3A_1576, %get3A_1577, %get3A_1578] {strides = array<i32>} : memref<4x80x32xf32, #tpu.memory_space<vmem>>, vector<1x1x16xf32>,
        %get3A_1580 = vector.shape_cast %get3A_1579 : vector<1x1x16xf32> to vector<16xf32>
        %swap3A_1581 = arith.index_cast %rem3A_589 : i32 to index
        %swap3A_1582 = arith.index_cast %add3A_1560 : i32 to index
        %swap3A_1583 = arith.constant 0 : index
        %swap3A_1584 = tpu.vector_load %arg12[%swap3A_1581, %swap3A_1582, %swap3A_1583] {strides = array<i32>} : memref<4x80x112xf32, #tpu.memory_space<vmem>>, vector<1x1x16xf32>,
        %swap3A_1585 = vector.shape_cast %swap3A_1584 : vector<1x1x16xf32> to vector<16xf32>
        %swap3A_1586 = vector.shape_cast %get3A_1580 : vector<16xf32> to vector<1x1x16xf32>
        tpu.vector_store %arg12[%swap3A_1581, %swap3A_1582, %swap3A_1583], %swap3A_1586 {strides = array<i32>} : memref<4x80x112xf32, #tpu.memory_space<vmem>>, vector<1x1x16xf32>,
        %mul3A_1587 = vector.broadcast %squeeze3A_1556 : f32 to vector<16xf32>
        %mul3A_1588 = arith.mulf %get3A_1580, %mul3A_1587 : vector<16xf32>
        %swap3A_1589 = arith.index_cast %rem3A_589 : i32 to index
        %swap3A_1590 = arith.index_cast %add3A_1560 : i32 to index
        %swap3A_1591 = arith.constant 32 : index
        %swap3A_1592 = tpu.vector_load %arg12[%swap3A_1589, %swap3A_1590, %swap3A_1591] {strides = array<i32>} : memref<4x80x112xf32, #tpu.memory_space<vmem>>, vector<1x1x16xf32>,
        %swap3A_1593 = vector.shape_cast %swap3A_1592 : vector<1x1x16xf32> to vector<16xf32>
        %swap3A_1594 = vector.shape_cast %mul3A_1588 : vector<16xf32> to vector<1x1x16xf32>
        tpu.vector_store %arg12[%swap3A_1589, %swap3A_1590, %swap3A_1591], %swap3A_1594 {strides = array<i32>} : memref<4x80x112xf32, #tpu.memory_space<vmem>>, vector<1x1x16xf32>,
        %mul3A_1595 = vector.broadcast %squeeze3A_1554 : f32 to vector<16xf32>
        %mul3A_1596 = arith.mulf %get3A_1580, %mul3A_1595 : vector<16xf32>
        %swap3A_1597 = arith.index_cast %rem3A_589 : i32 to index
        %swap3A_1598 = arith.index_cast %add3A_1560 : i32 to index
        %swap3A_1599 = arith.constant 64 : index
        %swap3A_1600 = tpu.vector_load %arg12[%swap3A_1597, %swap3A_1598, %swap3A_1599] {strides = array<i32>} : memref<4x80x112xf32, #tpu.memory_space<vmem>>, vector<1x1x16xf32>,
        %swap3A_1601 = vector.shape_cast %swap3A_1600 : vector<1x1x16xf32> to vector<16xf32>
        %swap3A_1602 = vector.shape_cast %mul3A_1596 : vector<16xf32> to vector<1x1x16xf32>
        tpu.vector_store %arg12[%swap3A_1597, %swap3A_1598, %swap3A_1599], %swap3A_1602 {strides = array<i32>} : memref<4x80x112xf32, #tpu.memory_space<vmem>>, vector<1x1x16xf32>,
        %get3A_1603 = arith.index_cast %rem3A_589 : i32 to index
        %get3A_1604 = arith.index_cast %add3A_1560 : i32 to index
        %get3A_1605 = arith.constant 16 : index
        %get3A_1606 = tpu.vector_load %arg11[%get3A_1603, %get3A_1604, %get3A_1605] {strides = array<i32>} : memref<4x80x32xf32, #tpu.memory_space<vmem>>, vector<1x1x16xf32>,
        %get3A_1607 = vector.shape_cast %get3A_1606 : vector<1x1x16xf32> to vector<16xf32>
        %swap3A_1608 = arith.index_cast %rem3A_589 : i32 to index
        %swap3A_1609 = arith.index_cast %add3A_1560 : i32 to index
        %swap3A_1610 = arith.constant 16 : index
        %swap3A_1611 = tpu.vector_load %arg12[%swap3A_1608, %swap3A_1609, %swap3A_1610] {strides = array<i32>} : memref<4x80x112xf32, #tpu.memory_space<vmem>>, vector<1x1x16xf32>,
        %swap3A_1612 = vector.shape_cast %swap3A_1611 : vector<1x1x16xf32> to vector<16xf32>
        %swap3A_1613 = vector.shape_cast %get3A_1607 : vector<16xf32> to vector<1x1x16xf32>
        tpu.vector_store %arg12[%swap3A_1608, %swap3A_1609, %swap3A_1610], %swap3A_1613 {strides = array<i32>} : memref<4x80x112xf32, #tpu.memory_space<vmem>>, vector<1x1x16xf32>,
        %mul3A_1614 = vector.broadcast %squeeze3A_1556 : f32 to vector<16xf32>
        %mul3A_1615 = arith.mulf %get3A_1607, %mul3A_1614 : vector<16xf32>
        %swap3A_1616 = arith.index_cast %rem3A_589 : i32 to index
        %swap3A_1617 = arith.index_cast %add3A_1560 : i32 to index
        %swap3A_1618 = arith.constant 48 : index
        %swap3A_1619 = tpu.vector_load %arg12[%swap3A_1616, %swap3A_1617, %swap3A_1618] {strides = array<i32>} : memref<4x80x112xf32, #tpu.memory_space<vmem>>, vector<1x1x16xf32>,
        %swap3A_1620 = vector.shape_cast %swap3A_1619 : vector<1x1x16xf32> to vector<16xf32>
        %swap3A_1621 = vector.shape_cast %mul3A_1615 : vector<16xf32> to vector<1x1x16xf32>
        tpu.vector_store %arg12[%swap3A_1616, %swap3A_1617, %swap3A_1618], %swap3A_1621 {strides = array<i32>} : memref<4x80x112xf32, #tpu.memory_space<vmem>>, vector<1x1x16xf32>,
        %mul3A_1622 = vector.broadcast %squeeze3A_1554 : f32 to vector<16xf32>
        %mul3A_1623 = arith.mulf %get3A_1607, %mul3A_1622 : vector<16xf32>
        %swap3A_1624 = arith.index_cast %rem3A_589 : i32 to index
        %swap3A_1625 = arith.index_cast %add3A_1560 : i32 to index
        %swap3A_1626 = arith.constant 80 : index
        %swap3A_1627 = tpu.vector_load %arg12[%swap3A_1624, %swap3A_1625, %swap3A_1626] {strides = array<i32>} : memref<4x80x112xf32, #tpu.memory_space<vmem>>, vector<1x1x16xf32>,
        %swap3A_1628 = vector.shape_cast %swap3A_1627 : vector<1x1x16xf32> to vector<16xf32>
        %swap3A_1629 = vector.shape_cast %mul3A_1623 : vector<16xf32> to vector<1x1x16xf32>
        tpu.vector_store %arg12[%swap3A_1624, %swap3A_1625, %swap3A_1626], %swap3A_1629 {strides = array<i32>} : memref<4x80x112xf32, #tpu.memory_space<vmem>>, vector<1x1x16xf32>,
        %slice3A_1630 = vector.extract_strided_slice %get3A_633 {offsets = [13], sizes = [1], strides = [1]} : vector<16xf32> to vector<1xf32>
        %squeeze3A_1631 = vector.extract %slice3A_1630[0] : f32 from vector<1xf32>
        %slice3A_1632 = vector.extract_strided_slice %abs3A {offsets = [13], sizes = [1], strides = [1]} : vector<16xf32> to vector<1xf32>
        %squeeze3A_1633 = vector.extract %slice3A_1632[0] : f32 from vector<1xf32>
        %mul3A_1634 = arith.constant 16 : i32
        %mul3A_1635 = arith.muli %mul3A_1634, %scan3A_626 : i32
        %add3A_1636 = arith.constant 13 : i32
        %add3A_1637 = arith.addi %mul3A_1635, %add3A_1636 : i32
        %jit3A_1638 = arith.constant 0.000000e+00 : f32
        %broadcast_in_dim3A_1639 = vector.broadcast %squeeze3A_1631 : f32 to vector<16xf32>
        %broadcast_in_dim3A_1640 = vector.broadcast %jit3A_1638 : f32 to vector<16xf32>
        %select_n3A_1641 = arith.select %eq3A_10, %broadcast_in_dim3A_1639, %broadcast_in_dim3A_1640 : vector<16xi1>, vector<16xf32>
        %broadcast_in_dim3A_1642 = vector.broadcast %squeeze3A_1633 : f32 to vector<16xf32>
        %select_n3A_1643 = arith.select %eq3A_7, %broadcast_in_dim3A_1642, %select_n3A_1641 : vector<16xi1>, vector<16xf32>
        %jit3A_1644 = arith.constant 1.000000e+00 : f32
        %broadcast_in_dim3A_1645 = vector.broadcast %jit3A_1644 : f32 to vector<16xf32>
        %select_n3A_1646 = arith.select %eq3A_4, %broadcast_in_dim3A_1645, %select_n3A_1643 : vector<16xi1>, vector<16xf32>
        %swap3A_1647 = arith.index_cast %rem3A_589 : i32 to index
        %swap3A_1648 = arith.index_cast %add3A_1637 : i32 to index
        %swap3A_1649 = arith.constant 96 : index
        %swap3A_1650 = tpu.vector_load %arg12[%swap3A_1647, %swap3A_1648, %swap3A_1649] {strides = array<i32>} : memref<4x80x112xf32, #tpu.memory_space<vmem>>, vector<1x1x16xf32>,
        %swap3A_1651 = vector.shape_cast %swap3A_1650 : vector<1x1x16xf32> to vector<16xf32>
        %swap3A_1652 = vector.shape_cast %select_n3A_1646 : vector<16xf32> to vector<1x1x16xf32>
        tpu.vector_store %arg12[%swap3A_1647, %swap3A_1648, %swap3A_1649], %swap3A_1652 {strides = array<i32>} : memref<4x80x112xf32, #tpu.memory_space<vmem>>, vector<1x1x16xf32>,
        %get3A_1653 = arith.index_cast %rem3A_589 : i32 to index
        %get3A_1654 = arith.index_cast %add3A_1637 : i32 to index
        %get3A_1655 = arith.constant 0 : index
        %get3A_1656 = tpu.vector_load %arg11[%get3A_1653, %get3A_1654, %get3A_1655] {strides = array<i32>} : memref<4x80x32xf32, #tpu.memory_space<vmem>>, vector<1x1x16xf32>,
        %get3A_1657 = vector.shape_cast %get3A_1656 : vector<1x1x16xf32> to vector<16xf32>
        %swap3A_1658 = arith.index_cast %rem3A_589 : i32 to index
        %swap3A_1659 = arith.index_cast %add3A_1637 : i32 to index
        %swap3A_1660 = arith.constant 0 : index
        %swap3A_1661 = tpu.vector_load %arg12[%swap3A_1658, %swap3A_1659, %swap3A_1660] {strides = array<i32>} : memref<4x80x112xf32, #tpu.memory_space<vmem>>, vector<1x1x16xf32>,
        %swap3A_1662 = vector.shape_cast %swap3A_1661 : vector<1x1x16xf32> to vector<16xf32>
        %swap3A_1663 = vector.shape_cast %get3A_1657 : vector<16xf32> to vector<1x1x16xf32>
        tpu.vector_store %arg12[%swap3A_1658, %swap3A_1659, %swap3A_1660], %swap3A_1663 {strides = array<i32>} : memref<4x80x112xf32, #tpu.memory_space<vmem>>, vector<1x1x16xf32>,
        %mul3A_1664 = vector.broadcast %squeeze3A_1633 : f32 to vector<16xf32>
        %mul3A_1665 = arith.mulf %get3A_1657, %mul3A_1664 : vector<16xf32>
        %swap3A_1666 = arith.index_cast %rem3A_589 : i32 to index
        %swap3A_1667 = arith.index_cast %add3A_1637 : i32 to index
        %swap3A_1668 = arith.constant 32 : index
        %swap3A_1669 = tpu.vector_load %arg12[%swap3A_1666, %swap3A_1667, %swap3A_1668] {strides = array<i32>} : memref<4x80x112xf32, #tpu.memory_space<vmem>>, vector<1x1x16xf32>,
        %swap3A_1670 = vector.shape_cast %swap3A_1669 : vector<1x1x16xf32> to vector<16xf32>
        %swap3A_1671 = vector.shape_cast %mul3A_1665 : vector<16xf32> to vector<1x1x16xf32>
        tpu.vector_store %arg12[%swap3A_1666, %swap3A_1667, %swap3A_1668], %swap3A_1671 {strides = array<i32>} : memref<4x80x112xf32, #tpu.memory_space<vmem>>, vector<1x1x16xf32>,
        %mul3A_1672 = vector.broadcast %squeeze3A_1631 : f32 to vector<16xf32>
        %mul3A_1673 = arith.mulf %get3A_1657, %mul3A_1672 : vector<16xf32>
        %swap3A_1674 = arith.index_cast %rem3A_589 : i32 to index
        %swap3A_1675 = arith.index_cast %add3A_1637 : i32 to index
        %swap3A_1676 = arith.constant 64 : index
        %swap3A_1677 = tpu.vector_load %arg12[%swap3A_1674, %swap3A_1675, %swap3A_1676] {strides = array<i32>} : memref<4x80x112xf32, #tpu.memory_space<vmem>>, vector<1x1x16xf32>,
        %swap3A_1678 = vector.shape_cast %swap3A_1677 : vector<1x1x16xf32> to vector<16xf32>
        %swap3A_1679 = vector.shape_cast %mul3A_1673 : vector<16xf32> to vector<1x1x16xf32>
        tpu.vector_store %arg12[%swap3A_1674, %swap3A_1675, %swap3A_1676], %swap3A_1679 {strides = array<i32>} : memref<4x80x112xf32, #tpu.memory_space<vmem>>, vector<1x1x16xf32>,
        %get3A_1680 = arith.index_cast %rem3A_589 : i32 to index
        %get3A_1681 = arith.index_cast %add3A_1637 : i32 to index
        %get3A_1682 = arith.constant 16 : index
        %get3A_1683 = tpu.vector_load %arg11[%get3A_1680, %get3A_1681, %get3A_1682] {strides = array<i32>} : memref<4x80x32xf32, #tpu.memory_space<vmem>>, vector<1x1x16xf32>,
        %get3A_1684 = vector.shape_cast %get3A_1683 : vector<1x1x16xf32> to vector<16xf32>
        %swap3A_1685 = arith.index_cast %rem3A_589 : i32 to index
        %swap3A_1686 = arith.index_cast %add3A_1637 : i32 to index
        %swap3A_1687 = arith.constant 16 : index
        %swap3A_1688 = tpu.vector_load %arg12[%swap3A_1685, %swap3A_1686, %swap3A_1687] {strides = array<i32>} : memref<4x80x112xf32, #tpu.memory_space<vmem>>, vector<1x1x16xf32>,
        %swap3A_1689 = vector.shape_cast %swap3A_1688 : vector<1x1x16xf32> to vector<16xf32>
        %swap3A_1690 = vector.shape_cast %get3A_1684 : vector<16xf32> to vector<1x1x16xf32>
        tpu.vector_store %arg12[%swap3A_1685, %swap3A_1686, %swap3A_1687], %swap3A_1690 {strides = array<i32>} : memref<4x80x112xf32, #tpu.memory_space<vmem>>, vector<1x1x16xf32>,
        %mul3A_1691 = vector.broadcast %squeeze3A_1633 : f32 to vector<16xf32>
        %mul3A_1692 = arith.mulf %get3A_1684, %mul3A_1691 : vector<16xf32>
        %swap3A_1693 = arith.index_cast %rem3A_589 : i32 to index
        %swap3A_1694 = arith.index_cast %add3A_1637 : i32 to index
        %swap3A_1695 = arith.constant 48 : index
        %swap3A_1696 = tpu.vector_load %arg12[%swap3A_1693, %swap3A_1694, %swap3A_1695] {strides = array<i32>} : memref<4x80x112xf32, #tpu.memory_space<vmem>>, vector<1x1x16xf32>,
        %swap3A_1697 = vector.shape_cast %swap3A_1696 : vector<1x1x16xf32> to vector<16xf32>
        %swap3A_1698 = vector.shape_cast %mul3A_1692 : vector<16xf32> to vector<1x1x16xf32>
        tpu.vector_store %arg12[%swap3A_1693, %swap3A_1694, %swap3A_1695], %swap3A_1698 {strides = array<i32>} : memref<4x80x112xf32, #tpu.memory_space<vmem>>, vector<1x1x16xf32>,
        %mul3A_1699 = vector.broadcast %squeeze3A_1631 : f32 to vector<16xf32>
        %mul3A_1700 = arith.mulf %get3A_1684, %mul3A_1699 : vector<16xf32>
        %swap3A_1701 = arith.index_cast %rem3A_589 : i32 to index
        %swap3A_1702 = arith.index_cast %add3A_1637 : i32 to index
        %swap3A_1703 = arith.constant 80 : index
        %swap3A_1704 = tpu.vector_load %arg12[%swap3A_1701, %swap3A_1702, %swap3A_1703] {strides = array<i32>} : memref<4x80x112xf32, #tpu.memory_space<vmem>>, vector<1x1x16xf32>,
        %swap3A_1705 = vector.shape_cast %swap3A_1704 : vector<1x1x16xf32> to vector<16xf32>
        %swap3A_1706 = vector.shape_cast %mul3A_1700 : vector<16xf32> to vector<1x1x16xf32>
        tpu.vector_store %arg12[%swap3A_1701, %swap3A_1702, %swap3A_1703], %swap3A_1706 {strides = array<i32>} : memref<4x80x112xf32, #tpu.memory_space<vmem>>, vector<1x1x16xf32>,
        %slice3A_1707 = vector.extract_strided_slice %get3A_633 {offsets = [14], sizes = [1], strides = [1]} : vector<16xf32> to vector<1xf32>
        %squeeze3A_1708 = vector.extract %slice3A_1707[0] : f32 from vector<1xf32>
        %slice3A_1709 = vector.extract_strided_slice %abs3A {offsets = [14], sizes = [1], strides = [1]} : vector<16xf32> to vector<1xf32>
        %squeeze3A_1710 = vector.extract %slice3A_1709[0] : f32 from vector<1xf32>
        %mul3A_1711 = arith.constant 16 : i32
        %mul3A_1712 = arith.muli %mul3A_1711, %scan3A_626 : i32
        %add3A_1713 = arith.constant 14 : i32
        %add3A_1714 = arith.addi %mul3A_1712, %add3A_1713 : i32
        %jit3A_1715 = arith.constant 0.000000e+00 : f32
        %broadcast_in_dim3A_1716 = vector.broadcast %squeeze3A_1708 : f32 to vector<16xf32>
        %broadcast_in_dim3A_1717 = vector.broadcast %jit3A_1715 : f32 to vector<16xf32>
        %select_n3A_1718 = arith.select %eq3A_10, %broadcast_in_dim3A_1716, %broadcast_in_dim3A_1717 : vector<16xi1>, vector<16xf32>
        %broadcast_in_dim3A_1719 = vector.broadcast %squeeze3A_1710 : f32 to vector<16xf32>
        %select_n3A_1720 = arith.select %eq3A_7, %broadcast_in_dim3A_1719, %select_n3A_1718 : vector<16xi1>, vector<16xf32>
        %jit3A_1721 = arith.constant 1.000000e+00 : f32
        %broadcast_in_dim3A_1722 = vector.broadcast %jit3A_1721 : f32 to vector<16xf32>
        %select_n3A_1723 = arith.select %eq3A_4, %broadcast_in_dim3A_1722, %select_n3A_1720 : vector<16xi1>, vector<16xf32>
        %swap3A_1724 = arith.index_cast %rem3A_589 : i32 to index
        %swap3A_1725 = arith.index_cast %add3A_1714 : i32 to index
        %swap3A_1726 = arith.constant 96 : index
        %swap3A_1727 = tpu.vector_load %arg12[%swap3A_1724, %swap3A_1725, %swap3A_1726] {strides = array<i32>} : memref<4x80x112xf32, #tpu.memory_space<vmem>>, vector<1x1x16xf32>,
        %swap3A_1728 = vector.shape_cast %swap3A_1727 : vector<1x1x16xf32> to vector<16xf32>
        %swap3A_1729 = vector.shape_cast %select_n3A_1723 : vector<16xf32> to vector<1x1x16xf32>
        tpu.vector_store %arg12[%swap3A_1724, %swap3A_1725, %swap3A_1726], %swap3A_1729 {strides = array<i32>} : memref<4x80x112xf32, #tpu.memory_space<vmem>>, vector<1x1x16xf32>,
        %get3A_1730 = arith.index_cast %rem3A_589 : i32 to index
        %get3A_1731 = arith.index_cast %add3A_1714 : i32 to index
        %get3A_1732 = arith.constant 0 : index
        %get3A_1733 = tpu.vector_load %arg11[%get3A_1730, %get3A_1731, %get3A_1732] {strides = array<i32>} : memref<4x80x32xf32, #tpu.memory_space<vmem>>, vector<1x1x16xf32>,
        %get3A_1734 = vector.shape_cast %get3A_1733 : vector<1x1x16xf32> to vector<16xf32>
        %swap3A_1735 = arith.index_cast %rem3A_589 : i32 to index
        %swap3A_1736 = arith.index_cast %add3A_1714 : i32 to index
        %swap3A_1737 = arith.constant 0 : index
        %swap3A_1738 = tpu.vector_load %arg12[%swap3A_1735, %swap3A_1736, %swap3A_1737] {strides = array<i32>} : memref<4x80x112xf32, #tpu.memory_space<vmem>>, vector<1x1x16xf32>,
        %swap3A_1739 = vector.shape_cast %swap3A_1738 : vector<1x1x16xf32> to vector<16xf32>
        %swap3A_1740 = vector.shape_cast %get3A_1734 : vector<16xf32> to vector<1x1x16xf32>
        tpu.vector_store %arg12[%swap3A_1735, %swap3A_1736, %swap3A_1737], %swap3A_1740 {strides = array<i32>} : memref<4x80x112xf32, #tpu.memory_space<vmem>>, vector<1x1x16xf32>,
        %mul3A_1741 = vector.broadcast %squeeze3A_1710 : f32 to vector<16xf32>
        %mul3A_1742 = arith.mulf %get3A_1734, %mul3A_1741 : vector<16xf32>
        %swap3A_1743 = arith.index_cast %rem3A_589 : i32 to index
        %swap3A_1744 = arith.index_cast %add3A_1714 : i32 to index
        %swap3A_1745 = arith.constant 32 : index
        %swap3A_1746 = tpu.vector_load %arg12[%swap3A_1743, %swap3A_1744, %swap3A_1745] {strides = array<i32>} : memref<4x80x112xf32, #tpu.memory_space<vmem>>, vector<1x1x16xf32>,
        %swap3A_1747 = vector.shape_cast %swap3A_1746 : vector<1x1x16xf32> to vector<16xf32>
        %swap3A_1748 = vector.shape_cast %mul3A_1742 : vector<16xf32> to vector<1x1x16xf32>
        tpu.vector_store %arg12[%swap3A_1743, %swap3A_1744, %swap3A_1745], %swap3A_1748 {strides = array<i32>} : memref<4x80x112xf32, #tpu.memory_space<vmem>>, vector<1x1x16xf32>,
        %mul3A_1749 = vector.broadcast %squeeze3A_1708 : f32 to vector<16xf32>
        %mul3A_1750 = arith.mulf %get3A_1734, %mul3A_1749 : vector<16xf32>
        %swap3A_1751 = arith.index_cast %rem3A_589 : i32 to index
        %swap3A_1752 = arith.index_cast %add3A_1714 : i32 to index
        %swap3A_1753 = arith.constant 64 : index
        %swap3A_1754 = tpu.vector_load %arg12[%swap3A_1751, %swap3A_1752, %swap3A_1753] {strides = array<i32>} : memref<4x80x112xf32, #tpu.memory_space<vmem>>, vector<1x1x16xf32>,
        %swap3A_1755 = vector.shape_cast %swap3A_1754 : vector<1x1x16xf32> to vector<16xf32>
        %swap3A_1756 = vector.shape_cast %mul3A_1750 : vector<16xf32> to vector<1x1x16xf32>
        tpu.vector_store %arg12[%swap3A_1751, %swap3A_1752, %swap3A_1753], %swap3A_1756 {strides = array<i32>} : memref<4x80x112xf32, #tpu.memory_space<vmem>>, vector<1x1x16xf32>,
        %get3A_1757 = arith.index_cast %rem3A_589 : i32 to index
        %get3A_1758 = arith.index_cast %add3A_1714 : i32 to index
        %get3A_1759 = arith.constant 16 : index
        %get3A_1760 = tpu.vector_load %arg11[%get3A_1757, %get3A_1758, %get3A_1759] {strides = array<i32>} : memref<4x80x32xf32, #tpu.memory_space<vmem>>, vector<1x1x16xf32>,
        %get3A_1761 = vector.shape_cast %get3A_1760 : vector<1x1x16xf32> to vector<16xf32>
        %swap3A_1762 = arith.index_cast %rem3A_589 : i32 to index
        %swap3A_1763 = arith.index_cast %add3A_1714 : i32 to index
        %swap3A_1764 = arith.constant 16 : index
        %swap3A_1765 = tpu.vector_load %arg12[%swap3A_1762, %swap3A_1763, %swap3A_1764] {strides = array<i32>} : memref<4x80x112xf32, #tpu.memory_space<vmem>>, vector<1x1x16xf32>,
        %swap3A_1766 = vector.shape_cast %swap3A_1765 : vector<1x1x16xf32> to vector<16xf32>
        %swap3A_1767 = vector.shape_cast %get3A_1761 : vector<16xf32> to vector<1x1x16xf32>
        tpu.vector_store %arg12[%swap3A_1762, %swap3A_1763, %swap3A_1764], %swap3A_1767 {strides = array<i32>} : memref<4x80x112xf32, #tpu.memory_space<vmem>>, vector<1x1x16xf32>,
        %mul3A_1768 = vector.broadcast %squeeze3A_1710 : f32 to vector<16xf32>
        %mul3A_1769 = arith.mulf %get3A_1761, %mul3A_1768 : vector<16xf32>
        %swap3A_1770 = arith.index_cast %rem3A_589 : i32 to index
        %swap3A_1771 = arith.index_cast %add3A_1714 : i32 to index
        %swap3A_1772 = arith.constant 48 : index
        %swap3A_1773 = tpu.vector_load %arg12[%swap3A_1770, %swap3A_1771, %swap3A_1772] {strides = array<i32>} : memref<4x80x112xf32, #tpu.memory_space<vmem>>, vector<1x1x16xf32>,
        %swap3A_1774 = vector.shape_cast %swap3A_1773 : vector<1x1x16xf32> to vector<16xf32>
        %swap3A_1775 = vector.shape_cast %mul3A_1769 : vector<16xf32> to vector<1x1x16xf32>
        tpu.vector_store %arg12[%swap3A_1770, %swap3A_1771, %swap3A_1772], %swap3A_1775 {strides = array<i32>} : memref<4x80x112xf32, #tpu.memory_space<vmem>>, vector<1x1x16xf32>,
        %mul3A_1776 = vector.broadcast %squeeze3A_1708 : f32 to vector<16xf32>
        %mul3A_1777 = arith.mulf %get3A_1761, %mul3A_1776 : vector<16xf32>
        %swap3A_1778 = arith.index_cast %rem3A_589 : i32 to index
        %swap3A_1779 = arith.index_cast %add3A_1714 : i32 to index
        %swap3A_1780 = arith.constant 80 : index
        %swap3A_1781 = tpu.vector_load %arg12[%swap3A_1778, %swap3A_1779, %swap3A_1780] {strides = array<i32>} : memref<4x80x112xf32, #tpu.memory_space<vmem>>, vector<1x1x16xf32>,
        %swap3A_1782 = vector.shape_cast %swap3A_1781 : vector<1x1x16xf32> to vector<16xf32>
        %swap3A_1783 = vector.shape_cast %mul3A_1777 : vector<16xf32> to vector<1x1x16xf32>
        tpu.vector_store %arg12[%swap3A_1778, %swap3A_1779, %swap3A_1780], %swap3A_1783 {strides = array<i32>} : memref<4x80x112xf32, #tpu.memory_space<vmem>>, vector<1x1x16xf32>,
        %slice3A_1784 = vector.extract_strided_slice %get3A_633 {offsets = [15], sizes = [1], strides = [1]} : vector<16xf32> to vector<1xf32>
        %squeeze3A_1785 = vector.extract %slice3A_1784[0] : f32 from vector<1xf32>
        %slice3A_1786 = vector.extract_strided_slice %abs3A {offsets = [15], sizes = [1], strides = [1]} : vector<16xf32> to vector<1xf32>
        %squeeze3A_1787 = vector.extract %slice3A_1786[0] : f32 from vector<1xf32>
        %mul3A_1788 = arith.constant 16 : i32
        %mul3A_1789 = arith.muli %mul3A_1788, %scan3A_626 : i32
        %add3A_1790 = arith.constant 15 : i32
        %add3A_1791 = arith.addi %mul3A_1789, %add3A_1790 : i32
        %jit3A_1792 = arith.constant 0.000000e+00 : f32
        %broadcast_in_dim3A_1793 = vector.broadcast %squeeze3A_1785 : f32 to vector<16xf32>
        %broadcast_in_dim3A_1794 = vector.broadcast %jit3A_1792 : f32 to vector<16xf32>
        %select_n3A_1795 = arith.select %eq3A_10, %broadcast_in_dim3A_1793, %broadcast_in_dim3A_1794 : vector<16xi1>, vector<16xf32>
        %broadcast_in_dim3A_1796 = vector.broadcast %squeeze3A_1787 : f32 to vector<16xf32>
        %select_n3A_1797 = arith.select %eq3A_7, %broadcast_in_dim3A_1796, %select_n3A_1795 : vector<16xi1>, vector<16xf32>
        %jit3A_1798 = arith.constant 1.000000e+00 : f32
        %broadcast_in_dim3A_1799 = vector.broadcast %jit3A_1798 : f32 to vector<16xf32>
        %select_n3A_1800 = arith.select %eq3A_4, %broadcast_in_dim3A_1799, %select_n3A_1797 : vector<16xi1>, vector<16xf32>
        %swap3A_1801 = arith.index_cast %rem3A_589 : i32 to index
        %swap3A_1802 = arith.index_cast %add3A_1791 : i32 to index
        %swap3A_1803 = arith.constant 96 : index
        %swap3A_1804 = tpu.vector_load %arg12[%swap3A_1801, %swap3A_1802, %swap3A_1803] {strides = array<i32>} : memref<4x80x112xf32, #tpu.memory_space<vmem>>, vector<1x1x16xf32>,
        %swap3A_1805 = vector.shape_cast %swap3A_1804 : vector<1x1x16xf32> to vector<16xf32>
        %swap3A_1806 = vector.shape_cast %select_n3A_1800 : vector<16xf32> to vector<1x1x16xf32>
        tpu.vector_store %arg12[%swap3A_1801, %swap3A_1802, %swap3A_1803], %swap3A_1806 {strides = array<i32>} : memref<4x80x112xf32, #tpu.memory_space<vmem>>, vector<1x1x16xf32>,
        %get3A_1807 = arith.index_cast %rem3A_589 : i32 to index
        %get3A_1808 = arith.index_cast %add3A_1791 : i32 to index
        %get3A_1809 = arith.constant 0 : index
        %get3A_1810 = tpu.vector_load %arg11[%get3A_1807, %get3A_1808, %get3A_1809] {strides = array<i32>} : memref<4x80x32xf32, #tpu.memory_space<vmem>>, vector<1x1x16xf32>,
        %get3A_1811 = vector.shape_cast %get3A_1810 : vector<1x1x16xf32> to vector<16xf32>
        %swap3A_1812 = arith.index_cast %rem3A_589 : i32 to index
        %swap3A_1813 = arith.index_cast %add3A_1791 : i32 to index
        %swap3A_1814 = arith.constant 0 : index
        %swap3A_1815 = tpu.vector_load %arg12[%swap3A_1812, %swap3A_1813, %swap3A_1814] {strides = array<i32>} : memref<4x80x112xf32, #tpu.memory_space<vmem>>, vector<1x1x16xf32>,
        %swap3A_1816 = vector.shape_cast %swap3A_1815 : vector<1x1x16xf32> to vector<16xf32>
        %swap3A_1817 = vector.shape_cast %get3A_1811 : vector<16xf32> to vector<1x1x16xf32>
        tpu.vector_store %arg12[%swap3A_1812, %swap3A_1813, %swap3A_1814], %swap3A_1817 {strides = array<i32>} : memref<4x80x112xf32, #tpu.memory_space<vmem>>, vector<1x1x16xf32>,
        %mul3A_1818 = vector.broadcast %squeeze3A_1787 : f32 to vector<16xf32>
        %mul3A_1819 = arith.mulf %get3A_1811, %mul3A_1818 : vector<16xf32>
        %swap3A_1820 = arith.index_cast %rem3A_589 : i32 to index
        %swap3A_1821 = arith.index_cast %add3A_1791 : i32 to index
        %swap3A_1822 = arith.constant 32 : index
        %swap3A_1823 = tpu.vector_load %arg12[%swap3A_1820, %swap3A_1821, %swap3A_1822] {strides = array<i32>} : memref<4x80x112xf32, #tpu.memory_space<vmem>>, vector<1x1x16xf32>,
        %swap3A_1824 = vector.shape_cast %swap3A_1823 : vector<1x1x16xf32> to vector<16xf32>
        %swap3A_1825 = vector.shape_cast %mul3A_1819 : vector<16xf32> to vector<1x1x16xf32>
        tpu.vector_store %arg12[%swap3A_1820, %swap3A_1821, %swap3A_1822], %swap3A_1825 {strides = array<i32>} : memref<4x80x112xf32, #tpu.memory_space<vmem>>, vector<1x1x16xf32>,
        %mul3A_1826 = vector.broadcast %squeeze3A_1785 : f32 to vector<16xf32>
        %mul3A_1827 = arith.mulf %get3A_1811, %mul3A_1826 : vector<16xf32>
        %swap3A_1828 = arith.index_cast %rem3A_589 : i32 to index
        %swap3A_1829 = arith.index_cast %add3A_1791 : i32 to index
        %swap3A_1830 = arith.constant 64 : index
        %swap3A_1831 = tpu.vector_load %arg12[%swap3A_1828, %swap3A_1829, %swap3A_1830] {strides = array<i32>} : memref<4x80x112xf32, #tpu.memory_space<vmem>>, vector<1x1x16xf32>,
        %swap3A_1832 = vector.shape_cast %swap3A_1831 : vector<1x1x16xf32> to vector<16xf32>
        %swap3A_1833 = vector.shape_cast %mul3A_1827 : vector<16xf32> to vector<1x1x16xf32>
        tpu.vector_store %arg12[%swap3A_1828, %swap3A_1829, %swap3A_1830], %swap3A_1833 {strides = array<i32>} : memref<4x80x112xf32, #tpu.memory_space<vmem>>, vector<1x1x16xf32>,
        %get3A_1834 = arith.index_cast %rem3A_589 : i32 to index
        %get3A_1835 = arith.index_cast %add3A_1791 : i32 to index
        %get3A_1836 = arith.constant 16 : index
        %get3A_1837 = tpu.vector_load %arg11[%get3A_1834, %get3A_1835, %get3A_1836] {strides = array<i32>} : memref<4x80x32xf32, #tpu.memory_space<vmem>>, vector<1x1x16xf32>,
        %get3A_1838 = vector.shape_cast %get3A_1837 : vector<1x1x16xf32> to vector<16xf32>
        %swap3A_1839 = arith.index_cast %rem3A_589 : i32 to index
        %swap3A_1840 = arith.index_cast %add3A_1791 : i32 to index
        %swap3A_1841 = arith.constant 16 : index
        %swap3A_1842 = tpu.vector_load %arg12[%swap3A_1839, %swap3A_1840, %swap3A_1841] {strides = array<i32>} : memref<4x80x112xf32, #tpu.memory_space<vmem>>, vector<1x1x16xf32>,
        %swap3A_1843 = vector.shape_cast %swap3A_1842 : vector<1x1x16xf32> to vector<16xf32>
        %swap3A_1844 = vector.shape_cast %get3A_1838 : vector<16xf32> to vector<1x1x16xf32>
        tpu.vector_store %arg12[%swap3A_1839, %swap3A_1840, %swap3A_1841], %swap3A_1844 {strides = array<i32>} : memref<4x80x112xf32, #tpu.memory_space<vmem>>, vector<1x1x16xf32>,
        %mul3A_1845 = vector.broadcast %squeeze3A_1787 : f32 to vector<16xf32>
        %mul3A_1846 = arith.mulf %get3A_1838, %mul3A_1845 : vector<16xf32>
        %swap3A_1847 = arith.index_cast %rem3A_589 : i32 to index
        %swap3A_1848 = arith.index_cast %add3A_1791 : i32 to index
        %swap3A_1849 = arith.constant 48 : index
        %swap3A_1850 = tpu.vector_load %arg12[%swap3A_1847, %swap3A_1848, %swap3A_1849] {strides = array<i32>} : memref<4x80x112xf32, #tpu.memory_space<vmem>>, vector<1x1x16xf32>,
        %swap3A_1851 = vector.shape_cast %swap3A_1850 : vector<1x1x16xf32> to vector<16xf32>
        %swap3A_1852 = vector.shape_cast %mul3A_1846 : vector<16xf32> to vector<1x1x16xf32>
        tpu.vector_store %arg12[%swap3A_1847, %swap3A_1848, %swap3A_1849], %swap3A_1852 {strides = array<i32>} : memref<4x80x112xf32, #tpu.memory_space<vmem>>, vector<1x1x16xf32>,
        %mul3A_1853 = vector.broadcast %squeeze3A_1785 : f32 to vector<16xf32>
        %mul3A_1854 = arith.mulf %get3A_1838, %mul3A_1853 : vector<16xf32>
        %swap3A_1855 = arith.index_cast %rem3A_589 : i32 to index
        %swap3A_1856 = arith.index_cast %add3A_1791 : i32 to index
        %swap3A_1857 = arith.constant 80 : index
        %swap3A_1858 = tpu.vector_load %arg12[%swap3A_1855, %swap3A_1856, %swap3A_1857] {strides = array<i32>} : memref<4x80x112xf32, #tpu.memory_space<vmem>>, vector<1x1x16xf32>,
        %swap3A_1859 = vector.shape_cast %swap3A_1858 : vector<1x1x16xf32> to vector<16xf32>
        %swap3A_1860 = vector.shape_cast %mul3A_1854 : vector<16xf32> to vector<1x1x16xf32>
        tpu.vector_store %arg12[%swap3A_1855, %swap3A_1856, %swap3A_1857], %swap3A_1860 {strides = array<i32>} : memref<4x80x112xf32, #tpu.memory_space<vmem>>, vector<1x1x16xf32>,
        %scan3A_1861 = arith.constant 0 : i32
        scf.yield %scan3A_1861 : i32
      }
      %scan3A_612 = arith.constant 5 : i32
      %dma_start3A_613 = arith.constant 0 : i32
      %dma_start3A_614 = arith.constant 0 : i32
      %dma_start3A_615 = tpu.memref_slice %arg12[%rem3A_589, %dma_start3A_613, %dma_start3A_614] : memref<4x80x112xf32, #tpu.memory_space<vmem>> -> memref<1x80x112xf32, #tpu.memory_space<vmem>>
      %dma_start3A_616 = tpu.memref_squeeze %dma_start3A_615 : memref<1x80x112xf32, #tpu.memory_space<vmem>> -> memref<80x112xf32, #tpu.memory_space<vmem>>
      %dma_start3A_617 = arith.constant 0 : i32
      %dma_start3A_618 = tpu.memref_slice %arg9[%rem3A_589, %dma_start3A_617] : memref<4x80xi32, #tpu.memory_space<vmem>> -> memref<1x80xi32, #tpu.memory_space<vmem>>
      %dma_start3A_619 = tpu.memref_squeeze %dma_start3A_618 : memref<1x80xi32, #tpu.memory_space<vmem>> -> memref<80xi32, #tpu.memory_space<vmem>>
      %dma_start3A_620 = arith.constant 0 : i32
      %dma_start3A_621 = arith.constant 0 : i32
      %dma_start3A_622 = tpu.memref_slice %arg13[%dma_start3A_620, %dma_start3A_621] : memref<10000x112xf32, #tpu.memory_space<vmem_shared>> -> memref<10000x112xf32, #tpu.memory_space<vmem_shared>>
      %dma_start3A_623 = tpu.memref_slice %arg16[%rem3A_589] : memref<4x!tpu.dma_semaphore, #tpu.memory_space<semaphore_mem>> -> memref<1x!tpu.dma_semaphore, #tpu.memory_space<semaphore_mem>>
      %dma_start3A_624 = tpu.memref_squeeze %dma_start3A_623 : memref<1x!tpu.dma_semaphore, #tpu.memory_space<semaphore_mem>> -> memref<!tpu.dma_semaphore, #tpu.memory_space<semaphore_mem>>
      tpu.enqueue_indirect_dma source(%dma_start3A_616 : memref<80x112xf32, #tpu.memory_space<vmem>>) target(%dma_start3A_622 : memref<10000x112xf32, #tpu.memory_space<vmem_shared>>) offsets(%dma_start3A_619 : memref<80xi32, #tpu.memory_space<vmem>>) semaphore(%dma_start3A_624 : memref<!tpu.dma_semaphore, #tpu.memory_space<semaphore_mem>>) {add = true}
      %scan3A_625 = arith.constant 0 : i32
      scf.yield %scan3A_625 : i32
    }
    %scan3A_485 = arith.constant 250 : i32
    %dma_wait3A_486 = arith.constant 2 : i32
    %dma_wait3A_487 = arith.constant 2 : i32
    %dma_wait3A_488 = arith.constant 0 : i32
    %dma_wait3A_489 = arith.constant 0 : i32
    %dma_wait3A_490 = tpu.memref_slice %arg12[%dma_wait3A_486, %dma_wait3A_488, %dma_wait3A_489] : memref<4x80x112xf32, #tpu.memory_space<vmem>> -> memref<1x80x112xf32, #tpu.memory_space<vmem>>
    %dma_wait3A_491 = tpu.memref_squeeze %dma_wait3A_490 : memref<1x80x112xf32, #tpu.memory_space<vmem>> -> memref<80x112xf32, #tpu.memory_space<vmem>>
    %dma_wait3A_492 = arith.constant 0 : i32
    %dma_wait3A_493 = arith.constant 0 : i32
    %dma_wait3A_494 = tpu.memref_slice %arg6[%dma_wait3A_492, %dma_wait3A_493] : memref<10000x112xf32, #tpu.memory_space<hbm>> -> memref<80x112xf32, #tpu.memory_space<hbm>>
    %dma_wait3A_495 = tpu.memref_slice %arg16[%dma_wait3A_487] : memref<4x!tpu.dma_semaphore, #tpu.memory_space<semaphore_mem>> -> memref<1x!tpu.dma_semaphore, #tpu.memory_space<semaphore_mem>>
    %dma_wait3A_496 = tpu.memref_squeeze %dma_wait3A_495 : memref<1x!tpu.dma_semaphore, #tpu.memory_space<semaphore_mem>> -> memref<!tpu.dma_semaphore, #tpu.memory_space<semaphore_mem>>
    %dma_wait3A_497 = arith.constant 0 : i32
    %dma_wait3A_498 = arith.constant 0 : i32
    %dma_wait3A_499 = tpu.memref_slice %arg12[%dma_wait3A_486, %dma_wait3A_497, %dma_wait3A_498] : memref<4x80x112xf32, #tpu.memory_space<vmem>> -> memref<1x80x112xf32, #tpu.memory_space<vmem>>
    %dma_wait3A_500 = tpu.memref_squeeze %dma_wait3A_499 : memref<1x80x112xf32, #tpu.memory_space<vmem>> -> memref<80x112xf32, #tpu.memory_space<vmem>>
    %dma_wait3A_501 = arith.constant 0 : i32
    %dma_wait3A_502 = arith.constant 0 : i32
    %dma_wait3A_503 = tpu.memref_slice %arg6[%dma_wait3A_501, %dma_wait3A_502] : memref<10000x112xf32, #tpu.memory_space<hbm>> -> memref<80x112xf32, #tpu.memory_space<hbm>>
    tpu.wait_dma2 semaphore(%dma_wait3A_496 : memref<!tpu.dma_semaphore, #tpu.memory_space<semaphore_mem>>) src(%dma_wait3A_503 : memref<80x112xf32, #tpu.memory_space<hbm>>) dst(%dma_wait3A_500 : memref<80x112xf32, #tpu.memory_space<vmem>>)
    %dma_wait3A_504 = arith.constant 3 : i32
    %dma_wait3A_505 = arith.constant 3 : i32
    %dma_wait3A_506 = arith.constant 0 : i32
    %dma_wait3A_507 = arith.constant 0 : i32
    %dma_wait3A_508 = tpu.memref_slice %arg12[%dma_wait3A_504, %dma_wait3A_506, %dma_wait3A_507] : memref<4x80x112xf32, #tpu.memory_space<vmem>> -> memref<1x80x112xf32, #tpu.memory_space<vmem>>
    %dma_wait3A_509 = tpu.memref_squeeze %dma_wait3A_508 : memref<1x80x112xf32, #tpu.memory_space<vmem>> -> memref<80x112xf32, #tpu.memory_space<vmem>>
    %dma_wait3A_510 = arith.constant 0 : i32
    %dma_wait3A_511 = arith.constant 0 : i32
    %dma_wait3A_512 = tpu.memref_slice %arg6[%dma_wait3A_510, %dma_wait3A_511] : memref<10000x112xf32, #tpu.memory_space<hbm>> -> memref<80x112xf32, #tpu.memory_space<hbm>>
    %dma_wait3A_513 = tpu.memref_slice %arg16[%dma_wait3A_505] : memref<4x!tpu.dma_semaphore, #tpu.memory_space<semaphore_mem>> -> memref<1x!tpu.dma_semaphore, #tpu.memory_space<semaphore_mem>>
    %dma_wait3A_514 = tpu.memref_squeeze %dma_wait3A_513 : memref<1x!tpu.dma_semaphore, #tpu.memory_space<semaphore_mem>> -> memref<!tpu.dma_semaphore, #tpu.memory_space<semaphore_mem>>
    %dma_wait3A_515 = arith.constant 0 : i32
    %dma_wait3A_516 = arith.constant 0 : i32
    %dma_wait3A_517 = tpu.memref_slice %arg12[%dma_wait3A_504, %dma_wait3A_515, %dma_wait3A_516] : memref<4x80x112xf32, #tpu.memory_space<vmem>> -> memref<1x80x112xf32, #tpu.memory_space<vmem>>
    %dma_wait3A_518 = tpu.memref_squeeze %dma_wait3A_517 : memref<1x80x112xf32, #tpu.memory_space<vmem>> -> memref<80x112xf32, #tpu.memory_space<vmem>>
    %dma_wait3A_519 = arith.constant 0 : i32
    %dma_wait3A_520 = arith.constant 0 : i32
    %dma_wait3A_521 = tpu.memref_slice %arg6[%dma_wait3A_519, %dma_wait3A_520] : memref<10000x112xf32, #tpu.memory_space<hbm>> -> memref<80x112xf32, #tpu.memory_space<hbm>>
    tpu.wait_dma2 semaphore(%dma_wait3A_514 : memref<!tpu.dma_semaphore, #tpu.memory_space<semaphore_mem>>) src(%dma_wait3A_521 : memref<80x112xf32, #tpu.memory_space<hbm>>) dst(%dma_wait3A_518 : memref<80x112xf32, #tpu.memory_space<vmem>>)
    %dma_wait3A_522 = arith.constant 0 : i32
    %dma_wait3A_523 = arith.constant 0 : i32
    %dma_wait3A_524 = arith.constant 0 : i32
    %dma_wait3A_525 = arith.constant 0 : i32
    %dma_wait3A_526 = tpu.memref_slice %arg12[%dma_wait3A_522, %dma_wait3A_524, %dma_wait3A_525] : memref<4x80x112xf32, #tpu.memory_space<vmem>> -> memref<1x80x112xf32, #tpu.memory_space<vmem>>
    %dma_wait3A_527 = tpu.memref_squeeze %dma_wait3A_526 : memref<1x80x112xf32, #tpu.memory_space<vmem>> -> memref<80x112xf32, #tpu.memory_space<vmem>>
    %dma_wait3A_528 = arith.constant 0 : i32
    %dma_wait3A_529 = arith.constant 0 : i32
    %dma_wait3A_530 = tpu.memref_slice %arg6[%dma_wait3A_528, %dma_wait3A_529] : memref<10000x112xf32, #tpu.memory_space<hbm>> -> memref<80x112xf32, #tpu.memory_space<hbm>>
    %dma_wait3A_531 = tpu.memref_slice %arg16[%dma_wait3A_523] : memref<4x!tpu.dma_semaphore, #tpu.memory_space<semaphore_mem>> -> memref<1x!tpu.dma_semaphore, #tpu.memory_space<semaphore_mem>>
    %dma_wait3A_532 = tpu.memref_squeeze %dma_wait3A_531 : memref<1x!tpu.dma_semaphore, #tpu.memory_space<semaphore_mem>> -> memref<!tpu.dma_semaphore, #tpu.memory_space<semaphore_mem>>
    %dma_wait3A_533 = arith.constant 0 : i32
    %dma_wait3A_534 = arith.constant 0 : i32
    %dma_wait3A_535 = tpu.memref_slice %arg12[%dma_wait3A_522, %dma_wait3A_533, %dma_wait3A_534] : memref<4x80x112xf32, #tpu.memory_space<vmem>> -> memref<1x80x112xf32, #tpu.memory_space<vmem>>
    %dma_wait3A_536 = tpu.memref_squeeze %dma_wait3A_535 : memref<1x80x112xf32, #tpu.memory_space<vmem>> -> memref<80x112xf32, #tpu.memory_space<vmem>>
    %dma_wait3A_537 = arith.constant 0 : i32
    %dma_wait3A_538 = arith.constant 0 : i32
    %dma_wait3A_539 = tpu.memref_slice %arg6[%dma_wait3A_537, %dma_wait3A_538] : memref<10000x112xf32, #tpu.memory_space<hbm>> -> memref<80x112xf32, #tpu.memory_space<hbm>>
    tpu.wait_dma2 semaphore(%dma_wait3A_532 : memref<!tpu.dma_semaphore, #tpu.memory_space<semaphore_mem>>) src(%dma_wait3A_539 : memref<80x112xf32, #tpu.memory_space<hbm>>) dst(%dma_wait3A_536 : memref<80x112xf32, #tpu.memory_space<vmem>>)
    %dma_wait3A_540 = arith.constant 1 : i32
    %dma_wait3A_541 = arith.constant 1 : i32
    %dma_wait3A_542 = arith.constant 0 : i32
    %dma_wait3A_543 = arith.constant 0 : i32
    %dma_wait3A_544 = tpu.memref_slice %arg12[%dma_wait3A_540, %dma_wait3A_542, %dma_wait3A_543] : memref<4x80x112xf32, #tpu.memory_space<vmem>> -> memref<1x80x112xf32, #tpu.memory_space<vmem>>
    %dma_wait3A_545 = tpu.memref_squeeze %dma_wait3A_544 : memref<1x80x112xf32, #tpu.memory_space<vmem>> -> memref<80x112xf32, #tpu.memory_space<vmem>>
    %dma_wait3A_546 = arith.constant 0 : i32
    %dma_wait3A_547 = arith.constant 0 : i32
    %dma_wait3A_548 = tpu.memref_slice %arg6[%dma_wait3A_546, %dma_wait3A_547] : memref<10000x112xf32, #tpu.memory_space<hbm>> -> memref<80x112xf32, #tpu.memory_space<hbm>>
    %dma_wait3A_549 = tpu.memref_slice %arg16[%dma_wait3A_541] : memref<4x!tpu.dma_semaphore, #tpu.memory_space<semaphore_mem>> -> memref<1x!tpu.dma_semaphore, #tpu.memory_space<semaphore_mem>>
    %dma_wait3A_550 = tpu.memref_squeeze %dma_wait3A_549 : memref<1x!tpu.dma_semaphore, #tpu.memory_space<semaphore_mem>> -> memref<!tpu.dma_semaphore, #tpu.memory_space<semaphore_mem>>
    %dma_wait3A_551 = arith.constant 0 : i32
    %dma_wait3A_552 = arith.constant 0 : i32
    %dma_wait3A_553 = tpu.memref_slice %arg12[%dma_wait3A_540, %dma_wait3A_551, %dma_wait3A_552] : memref<4x80x112xf32, #tpu.memory_space<vmem>> -> memref<1x80x112xf32, #tpu.memory_space<vmem>>
    %dma_wait3A_554 = tpu.memref_squeeze %dma_wait3A_553 : memref<1x80x112xf32, #tpu.memory_space<vmem>> -> memref<80x112xf32, #tpu.memory_space<vmem>>
    %dma_wait3A_555 = arith.constant 0 : i32
    %dma_wait3A_556 = arith.constant 0 : i32
    %dma_wait3A_557 = tpu.memref_slice %arg6[%dma_wait3A_555, %dma_wait3A_556] : memref<10000x112xf32, #tpu.memory_space<hbm>> -> memref<80x112xf32, #tpu.memory_space<hbm>>
    tpu.wait_dma2 semaphore(%dma_wait3A_550 : memref<!tpu.dma_semaphore, #tpu.memory_space<semaphore_mem>>) src(%dma_wait3A_557 : memref<80x112xf32, #tpu.memory_space<hbm>>) dst(%dma_wait3A_554 : memref<80x112xf32, #tpu.memory_space<vmem>>)
    %barrier3A_558 = arith.constant 0 : index
    tpu.barrier barrier_id(%barrier3A_558)
    %add3A_559 = arith.constant 2 : i32
    %add3A_560 = arith.addi %add3A_559, %arg0 : i32
    %lt3A_561 = arith.constant 15 : i32
    %lt3A_562 = arith.cmpi slt, %arg1, %lt3A_561 : i32
    %convert_element_type3A_563 = arith.extui %lt3A_562 : i1 to i32
    %cond3A_564 = arith.constant 0 : i32
    %cond3A_565 = arith.cmpi ne, %convert_element_type3A_563, %cond3A_564 : i32
    scf.if %cond3A_565 {
      "tpu.region"() ({
        %run_scoped3A = tpu.sem_alloc : memref<!tpu.dma_semaphore, #tpu.memory_space<semaphore_mem>>
        %dma_start3A_572 = arith.constant 0 : i32
        %dma_start3A_573 = tpu.memref_slice %arg7[%add3A_560, %multiple_of3A, %dma_start3A_572] : memref<4x10000x112xf32, #tpu.memory_space<hbm>> -> memref<1x624x112xf32, #tpu.memory_space<hbm>>
        %dma_start3A_574 = tpu.memref_squeeze %dma_start3A_573 : memref<1x624x112xf32, #tpu.memory_space<hbm>> -> memref<624x112xf32, #tpu.memory_space<hbm>>
        %dma_start3A_575 = arith.constant 0 : i32
        %dma_start3A_576 = tpu.memref_slice %arg13[%multiple_of3A, %dma_start3A_575] : memref<10000x112xf32, #tpu.memory_space<vmem_shared>> -> memref<624x112xf32, #tpu.memory_space<vmem_shared>>
        tpu.enqueue_dma source(%dma_start3A_576 : memref<624x112xf32, #tpu.memory_space<vmem_shared>>) target(%dma_start3A_574 : memref<624x112xf32, #tpu.memory_space<hbm>>) target_semaphore(%run_scoped3A : memref<!tpu.dma_semaphore, #tpu.memory_space<semaphore_mem>>)
        %dma_wait3A_577 = arith.constant 0 : i32
        %dma_wait3A_578 = tpu.memref_slice %arg7[%add3A_560, %multiple_of3A, %dma_wait3A_577] : memref<4x10000x112xf32, #tpu.memory_space<hbm>> -> memref<1x624x112xf32, #tpu.memory_space<hbm>>
        %dma_wait3A_579 = tpu.memref_squeeze %dma_wait3A_578 : memref<1x624x112xf32, #tpu.memory_space<hbm>> -> memref<624x112xf32, #tpu.memory_space<hbm>>
        %dma_wait3A_580 = arith.constant 0 : i32
        %dma_wait3A_581 = tpu.memref_slice %arg13[%multiple_of3A, %dma_wait3A_580] : memref<10000x112xf32, #tpu.memory_space<vmem_shared>> -> memref<624x112xf32, #tpu.memory_space<vmem_shared>>
        tpu.wait_dma2 semaphore(%run_scoped3A : memref<!tpu.dma_semaphore, #tpu.memory_space<semaphore_mem>>) src(%dma_wait3A_581 : memref<624x112xf32, #tpu.memory_space<vmem_shared>>) dst(%dma_wait3A_579 : memref<624x112xf32, #tpu.memory_space<hbm>>)
        tpu.yield
      }) : () -> ()
    } else {
    }
    %eq3A_566 = arith.constant 15 : i32
    %eq3A_567 = arith.cmpi eq, %arg1, %eq3A_566 : i32
    %convert_element_type3A_568 = arith.extui %eq3A_567 : i1 to i32
    %cond3A_569 = arith.constant 0 : i32
    %cond3A_570 = arith.cmpi ne, %convert_element_type3A_568, %cond3A_569 : i32
    scf.if %cond3A_570 {
      "tpu.region"() ({
        %run_scoped3A = tpu.sem_alloc : memref<!tpu.dma_semaphore, #tpu.memory_space<semaphore_mem>>
        %dma_start3A_572 = arith.constant 9360 : i32
        %dma_start3A_573 = arith.constant 0 : i32
        %dma_start3A_574 = tpu.memref_slice %arg7[%add3A_560, %dma_start3A_572, %dma_start3A_573] : memref<4x10000x112xf32, #tpu.memory_space<hbm>> -> memref<1x640x112xf32, #tpu.memory_space<hbm>>
        %dma_start3A_575 = tpu.memref_squeeze %dma_start3A_574 : memref<1x640x112xf32, #tpu.memory_space<hbm>> -> memref<640x112xf32, #tpu.memory_space<hbm>>
        %dma_start3A_576 = arith.constant 9360 : i32
        %dma_start3A_577 = arith.constant 0 : i32
        %dma_start3A_578 = tpu.memref_slice %arg13[%dma_start3A_576, %dma_start3A_577] : memref<10000x112xf32, #tpu.memory_space<vmem_shared>> -> memref<640x112xf32, #tpu.memory_space<vmem_shared>>
        tpu.enqueue_dma source(%dma_start3A_578 : memref<640x112xf32, #tpu.memory_space<vmem_shared>>) target(%dma_start3A_575 : memref<640x112xf32, #tpu.memory_space<hbm>>) target_semaphore(%run_scoped3A : memref<!tpu.dma_semaphore, #tpu.memory_space<semaphore_mem>>)
        %dma_wait3A_579 = arith.constant 9360 : i32
        %dma_wait3A_580 = arith.constant 0 : i32
        %dma_wait3A_581 = tpu.memref_slice %arg7[%add3A_560, %dma_wait3A_579, %dma_wait3A_580] : memref<4x10000x112xf32, #tpu.memory_space<hbm>> -> memref<1x640x112xf32, #tpu.memory_space<hbm>>
        %dma_wait3A_582 = tpu.memref_squeeze %dma_wait3A_581 : memref<1x640x112xf32, #tpu.memory_space<hbm>> -> memref<640x112xf32, #tpu.memory_space<hbm>>
        %dma_wait3A_583 = arith.constant 9360 : i32
        %dma_wait3A_584 = arith.constant 0 : i32
        %dma_wait3A_585 = tpu.memref_slice %arg13[%dma_wait3A_583, %dma_wait3A_584] : memref<10000x112xf32, #tpu.memory_space<vmem_shared>> -> memref<640x112xf32, #tpu.memory_space<vmem_shared>>
        tpu.wait_dma2 semaphore(%run_scoped3A : memref<!tpu.dma_semaphore, #tpu.memory_space<semaphore_mem>>) src(%dma_wait3A_585 : memref<640x112xf32, #tpu.memory_space<vmem_shared>>) dst(%dma_wait3A_582 : memref<640x112xf32, #tpu.memory_space<hbm>>)
        tpu.yield
      }) : () -> ()
    } else {
    }
    %barrier3A_571 = arith.constant 0 : index
    tpu.barrier barrier_id(%barrier3A_571)
    return
  }
}

module attributes {stable_mosaic.version = 14 : i64} {
  func.func @_mm_body(%arg0: i32, %arg1: memref<1000x128xf32, #tpu.memory_space<vmem>>, %arg2: memref<128x256xf32, #tpu.memory_space<vmem>>, %arg3: memref<1000x256xf32, #tpu.memory_space<vmem>>) attributes {dimension_semantics = [#tpu.dimension_semantics<arbitrary>], iteration_bounds = array<i64: 10>, scalar_prefetch = 0 : i64, scratch_operands = 0 : i64, tpu.core_type = #tpu.core_type<tc>, window_params = [{transform_indices = @transform_0, window_bounds = array<i64: 1000, 128>}, {pipeline_mode = #tpu.pipeline_mode<synchronous>, transform_indices = @transform_1, window_bounds = array<i64: 128, 256>}, {transform_indices = @transform_2, window_bounds = array<i64: 1000, 256>}]} {
    %get3A = arith.constant 0 : index
    %get3A_0 = arith.constant 0 : index
    %get3A_1 = vector.load %arg1[%get3A, %get3A_0] : memref<1000x128xf32, #tpu.memory_space<vmem>>, vector<1000x128xf32>
    %get3A_2 = arith.constant 0 : index
    %get3A_3 = arith.constant 0 : index
    %get3A_4 = vector.load %arg2[%get3A_2, %get3A_3] : memref<128x256xf32, #tpu.memory_space<vmem>>, vector<128x256xf32>
    %dot_general3A = arith.constant dense<0.000000e+00> : vector<1000x256xf32>
    %dot_general3A_5 = tpu.matmul %get3A_1, %get3A_4, %dot_general3A {dimension_numbers = #tpu.dot_dimension_numbers<[1], [0], [0], [1], [0, 0, 1, 1], [], []>, transpose_lhs_hint = false} : vector<1000x128xf32>, vector<128x256xf32>, vector<1000x256xf32> -> vector<1000x256xf32>
    %swap3A = arith.constant 0 : index
    %swap3A_6 = arith.constant 0 : index
    %swap3A_7 = vector.load %arg3[%swap3A, %swap3A_6] : memref<1000x256xf32, #tpu.memory_space<vmem>>, vector<1000x256xf32>
    tpu.vector_store %arg3[%swap3A, %swap3A_6], %dot_general3A_5 {strides = array<i32>} : memref<1000x256xf32, #tpu.memory_space<vmem>>, vector<1000x256xf32>,
    return
  }
  func.func @transform_0(%arg0: i32) -> (i32, i32) {
    %c0_i32 = arith.constant 0 : i32
    %c0_i32_0 = arith.constant 0 : i32
    return %arg0, %c0_i32 : i32, i32
  }
  func.func @transform_1(%arg0: i32) -> (i32, i32) {
    %c0_i32 = arith.constant 0 : i32
    %c0_i32_0 = arith.constant 0 : i32
    %c0_i32_1 = arith.constant 0 : i32
    return %c0_i32, %c0_i32_0 : i32, i32
  }
  func.func @transform_2(%arg0: i32) -> (i32, i32) {
    %c0_i32 = arith.constant 0 : i32
    %c0_i32_0 = arith.constant 0 : i32
    return %arg0, %c0_i32 : i32, i32
  }
}

module attributes {stable_mosaic.version = 14 : i64} {
  func.func @_post_body(%arg0: i32, %arg1: memref<1000x128xf32, #tpu.memory_space<vmem>>, %arg2: memref<1000x128xf32, #tpu.memory_space<vmem>>, %arg3: memref<1000x128xf32, #tpu.memory_space<vmem>>, %arg4: memref<1000x128xf32, #tpu.memory_space<vmem>>, %arg5: memref<1000x128xf32, #tpu.memory_space<vmem>>, %arg6: memref<1000x16xf32, #tpu.memory_space<vmem>>, %arg7: memref<1000x1xf32, #tpu.memory_space<vmem>>, %arg8: memref<512x128xf32, #tpu.memory_space<vmem>>, %arg9: memref<1x128xf32, #tpu.memory_space<vmem>>, %arg10: memref<1x128xf32, #tpu.memory_space<vmem>>, %arg11: memref<1000x128xf32, #tpu.memory_space<vmem>>, %arg12: memref<1x128xf32, #tpu.memory_space<vmem>>, %arg13: memref<1x128xf32, #tpu.memory_space<vmem>>) attributes {dimension_semantics = [#tpu.dimension_semantics<arbitrary>], iteration_bounds = array<i64: 10>, scalar_prefetch = 0 : i64, scratch_operands = 0 : i64, tpu.core_type = #tpu.core_type<tc>, window_params = [{transform_indices = @transform_0, window_bounds = array<i64: 1000, 128>}, {transform_indices = @transform_1, window_bounds = array<i64: 1000, 128>}, {transform_indices = @transform_2, window_bounds = array<i64: 1000, 128>}, {transform_indices = @transform_3, window_bounds = array<i64: 1000, 128>}, {transform_indices = @transform_4, window_bounds = array<i64: 1000, 128>}, {transform_indices = @transform_5, window_bounds = array<i64: 1000, 16>}, {transform_indices = @transform_6, window_bounds = array<i64: 1000, 1>}, {pipeline_mode = #tpu.pipeline_mode<synchronous>, transform_indices = @transform_7, window_bounds = array<i64: 512, 128>}, {pipeline_mode = #tpu.pipeline_mode<synchronous>, transform_indices = @transform_8, window_bounds = array<i64: 1, 128>}, {pipeline_mode = #tpu.pipeline_mode<synchronous>, transform_indices = @transform_9, window_bounds = array<i64: 1, 128>}, {transform_indices = @transform_10, window_bounds = array<i64: 1000, 128>}, {pipeline_mode = #tpu.pipeline_mode<synchronous>, transform_indices = @transform_11, window_bounds = array<i64: 1, 128>}, {pipeline_mode = #tpu.pipeline_mode<synchronous>, transform_indices = @transform_12, window_bounds = array<i64: 1, 128>}]} {
    %get3A = arith.constant 0 : index
    %get3A_0 = arith.constant 0 : index
    %get3A_1 = vector.load %arg1[%get3A, %get3A_0] : memref<1000x128xf32, #tpu.memory_space<vmem>>, vector<1000x128xf32>
    %get3A_2 = arith.constant 0 : index
    %get3A_3 = arith.constant 0 : index
    %get3A_4 = vector.load %arg2[%get3A_2, %get3A_3] : memref<1000x128xf32, #tpu.memory_space<vmem>>, vector<1000x128xf32>
    %get3A_5 = arith.constant 0 : index
    %get3A_6 = arith.constant 0 : index
    %get3A_7 = vector.load %arg9[%get3A_5, %get3A_6] : memref<1x128xf32, #tpu.memory_space<vmem>>, vector<1x128xf32>
    %add3A = vector.broadcast %get3A_7 : vector<1x128xf32> to vector<1000x128xf32>
    %add3A_8 = arith.addf %get3A_4, %add3A : vector<1000x128xf32>
    %get3A_9 = arith.constant 0 : index
    %get3A_10 = arith.constant 0 : index
    %get3A_11 = vector.load %arg6[%get3A_9, %get3A_10] : memref<1000x16xf32, #tpu.memory_space<vmem>>, vector<1000x16xf32>
    %slice3A = vector.extract_strided_slice %get3A_11 {offsets = [0, 0], sizes = [1000, 1], strides = [1, 1]} : vector<1000x16xf32> to vector<1000x1xf32>
    %slice3A_12 = vector.extract_strided_slice %get3A_11 {offsets = [0, 1], sizes = [1000, 1], strides = [1, 1]} : vector<1000x16xf32> to vector<1000x1xf32>
    %slice3A_13 = vector.extract_strided_slice %get3A_11 {offsets = [0, 2], sizes = [1000, 1], strides = [1, 1]} : vector<1000x16xf32> to vector<1000x1xf32>
    %max3A = arith.constant 1.000000e+00 : f32
    %max3A_14 = vector.broadcast %max3A : f32 to vector<1000x1xf32>
    %max3A_15 = arith.maximumf %slice3A, %max3A_14 : vector<1000x1xf32>
    %add3A_16 = arith.constant 9.99999993E-9 : f32
    %add3A_17 = vector.broadcast %add3A_16 : f32 to vector<1000x1xf32>
    %add3A_18 = arith.addf %slice3A_12, %add3A_17 : vector<1000x1xf32>
    %div3A = arith.constant 1.000000e+00 : f32
    %div3A_19 = vector.broadcast %div3A : f32 to vector<1000x1xf32>
    %div3A_20 = arith.divf %div3A_19, %add3A_18 : vector<1000x1xf32>
    %get3A_21 = arith.constant 0 : index
    %get3A_22 = arith.constant 0 : index
    %get3A_23 = vector.load %arg3[%get3A_21, %get3A_22] : memref<1000x128xf32, #tpu.memory_space<vmem>>, vector<1000x128xf32>
    %mul3A = vector.broadcast %slice3A : vector<1000x1xf32> to vector<1000x128xf32>
    %mul3A_24 = arith.mulf %mul3A, %add3A_8 : vector<1000x128xf32>
    %add3A_25 = arith.addf %get3A_23, %mul3A_24 : vector<1000x128xf32>
    %div3A_26 = vector.broadcast %max3A_15 : vector<1000x1xf32> to vector<1000x128xf32>
    %div3A_27 = arith.divf %add3A_25, %div3A_26 : vector<1000x128xf32>
    %get3A_28 = arith.constant 0 : index
    %get3A_29 = arith.constant 0 : index
    %get3A_30 = vector.load %arg4[%get3A_28, %get3A_29] : memref<1000x128xf32, #tpu.memory_space<vmem>>, vector<1000x128xf32>
    %mul3A_31 = vector.broadcast %slice3A_12 : vector<1000x1xf32> to vector<1000x128xf32>
    %mul3A_32 = arith.mulf %mul3A_31, %add3A_8 : vector<1000x128xf32>
    %add3A_33 = arith.addf %get3A_30, %mul3A_32 : vector<1000x128xf32>
    %mul3A_34 = vector.broadcast %div3A_20 : vector<1000x1xf32> to vector<1000x128xf32>
    %mul3A_35 = arith.mulf %add3A_33, %mul3A_34 : vector<1000x128xf32>
    %get3A_36 = arith.constant 0 : index
    %get3A_37 = arith.constant 0 : index
    %get3A_38 = vector.load %arg5[%get3A_36, %get3A_37] : memref<1000x128xf32, #tpu.memory_space<vmem>>, vector<1000x128xf32>
    %mul3A_39 = vector.broadcast %slice3A_13 : vector<1000x1xf32> to vector<1000x128xf32>
    %mul3A_40 = arith.mulf %mul3A_39, %add3A_8 : vector<1000x128xf32>
    %add3A_41 = arith.addf %get3A_38, %mul3A_40 : vector<1000x128xf32>
    %mul3A_42 = vector.broadcast %div3A_20 : vector<1000x1xf32> to vector<1000x128xf32>
    %mul3A_43 = arith.mulf %add3A_41, %mul3A_42 : vector<1000x128xf32>
    %mul3A_44 = arith.mulf %slice3A_13, %div3A_20 : vector<1000x1xf32>
    %mul3A_45 = vector.broadcast %mul3A_44 : vector<1000x1xf32> to vector<1000x128xf32>
    %mul3A_46 = arith.mulf %mul3A_45, %get3A_1 : vector<1000x128xf32>
    %sub3A = arith.subf %mul3A_43, %mul3A_46 : vector<1000x128xf32>
    %abs3A = math.absf %sub3A : vector<1000x128xf32>
    %concatenate3A = tpu.concatenate %get3A_1, %div3A_27, %mul3A_35, %abs3A in 1 : vector<1000x128xf32>, vector<1000x128xf32>, vector<1000x128xf32>, vector<1000x128xf32> -> vector<1000x512xf32>
    %get3A_47 = arith.constant 0 : index
    %get3A_48 = arith.constant 0 : index
    %get3A_49 = vector.load %arg8[%get3A_47, %get3A_48] : memref<512x128xf32, #tpu.memory_space<vmem>>, vector<512x128xf32>
    %dot_general3A = arith.constant dense<0.000000e+00> : vector<1000x128xf32>
    %dot_general3A_50 = tpu.matmul %concatenate3A, %get3A_49, %dot_general3A {dimension_numbers = #tpu.dot_dimension_numbers<[1], [0], [0], [1], [0, 0, 1, 1], [], []>, transpose_lhs_hint = false} : vector<1000x512xf32>, vector<512x128xf32>, vector<1000x128xf32> -> vector<1000x128xf32>
    %get3A_51 = arith.constant 0 : index
    %get3A_52 = arith.constant 0 : index
    %get3A_53 = vector.load %arg10[%get3A_51, %get3A_52] : memref<1x128xf32, #tpu.memory_space<vmem>>, vector<1x128xf32>
    %add3A_54 = vector.broadcast %get3A_53 : vector<1x128xf32> to vector<1000x128xf32>
    %add3A_55 = arith.addf %dot_general3A_50, %add3A_54 : vector<1000x128xf32>
    %get3A_56 = arith.constant 0 : index
    %get3A_57 = arith.constant 0 : index
    %get3A_58 = vector.load %arg7[%get3A_56, %get3A_57] : memref<1000x1xf32, #tpu.memory_space<vmem>>, vector<1000x1xf32>
    %mul3A_59 = vector.broadcast %get3A_58 : vector<1000x1xf32> to vector<1000x128xf32>
    %mul3A_60 = arith.mulf %add3A_55, %mul3A_59 : vector<1000x128xf32>
    %swap3A = arith.constant 0 : index
    %swap3A_61 = arith.constant 0 : index
    %swap3A_62 = vector.load %arg11[%swap3A, %swap3A_61] : memref<1000x128xf32, #tpu.memory_space<vmem>>, vector<1000x128xf32>
    tpu.vector_store %arg11[%swap3A, %swap3A_61], %mul3A_60 {strides = array<i32>} : memref<1000x128xf32, #tpu.memory_space<vmem>>, vector<1000x128xf32>,
    %eq3A = arith.constant 0 : i32
    %eq3A_63 = arith.cmpi eq, %arg0, %eq3A : i32
    %convert_element_type3A = arith.extui %eq3A_63 : i1 to i32
    %cond3A = arith.constant 0 : i32
    %cond3A_64 = arith.cmpi ne, %convert_element_type3A, %cond3A : i32
    scf.if %cond3A_64 {
      %broadcast_in_dim3A_84 = arith.constant 0.000000e+00 : f32
      %broadcast_in_dim3A_85 = vector.broadcast %broadcast_in_dim3A_84 : f32 to vector<1x128xf32>
      %swap3A_86 = arith.constant 0 : index
      %swap3A_87 = arith.constant 0 : index
      %swap3A_88 = vector.load %arg12[%swap3A_86, %swap3A_87] : memref<1x128xf32, #tpu.memory_space<vmem>>, vector<1x128xf32>
      tpu.vector_store %arg12[%swap3A_86, %swap3A_87], %broadcast_in_dim3A_85 {strides = array<i32>} : memref<1x128xf32, #tpu.memory_space<vmem>>, vector<1x128xf32>,
      %broadcast_in_dim3A_89 = arith.constant 0.000000e+00 : f32
      %broadcast_in_dim3A_90 = vector.broadcast %broadcast_in_dim3A_89 : f32 to vector<1x128xf32>
      %swap3A_91 = arith.constant 0 : index
      %swap3A_92 = arith.constant 0 : index
      %swap3A_93 = vector.load %arg13[%swap3A_91, %swap3A_92] : memref<1x128xf32, #tpu.memory_space<vmem>>, vector<1x128xf32>
      tpu.vector_store %arg13[%swap3A_91, %swap3A_92], %broadcast_in_dim3A_90 {strides = array<i32>} : memref<1x128xf32, #tpu.memory_space<vmem>>, vector<1x128xf32>,
    } else {
    }
    %get3A_65 = arith.constant 0 : index
    %get3A_66 = arith.constant 0 : index
    %get3A_67 = vector.load %arg12[%get3A_65, %get3A_66] : memref<1x128xf32, #tpu.memory_space<vmem>>, vector<1x128xf32>
    %reduce_sum3A = arith.constant dense<0.000000e+00> : vector<128xf32>
    %reduce_sum3A_68 = vector.multi_reduction <add>, %mul3A_60, %reduce_sum3A [0] : vector<1000x128xf32> to vector<128xf32>
    %broadcast_in_dim3A = vector.shape_cast %reduce_sum3A_68 : vector<128xf32> to vector<1x128xf32>
    %add3A_69 = arith.addf %get3A_67, %broadcast_in_dim3A : vector<1x128xf32>
    %swap3A_70 = arith.constant 0 : index
    %swap3A_71 = arith.constant 0 : index
    %swap3A_72 = vector.load %arg12[%swap3A_70, %swap3A_71] : memref<1x128xf32, #tpu.memory_space<vmem>>, vector<1x128xf32>
    tpu.vector_store %arg12[%swap3A_70, %swap3A_71], %add3A_69 {strides = array<i32>} : memref<1x128xf32, #tpu.memory_space<vmem>>, vector<1x128xf32>,
    %get3A_73 = arith.constant 0 : index
    %get3A_74 = arith.constant 0 : index
    %get3A_75 = vector.load %arg13[%get3A_73, %get3A_74] : memref<1x128xf32, #tpu.memory_space<vmem>>, vector<1x128xf32>
    %mul3A_76 = arith.mulf %mul3A_60, %mul3A_60 : vector<1000x128xf32>
    %reduce_sum3A_77 = arith.constant dense<0.000000e+00> : vector<128xf32>
    %reduce_sum3A_78 = vector.multi_reduction <add>, %mul3A_76, %reduce_sum3A_77 [0] : vector<1000x128xf32> to vector<128xf32>
    %broadcast_in_dim3A_79 = vector.shape_cast %reduce_sum3A_78 : vector<128xf32> to vector<1x128xf32>
    %add3A_80 = arith.addf %get3A_75, %broadcast_in_dim3A_79 : vector<1x128xf32>
    %swap3A_81 = arith.constant 0 : index
    %swap3A_82 = arith.constant 0 : index
    %swap3A_83 = vector.load %arg13[%swap3A_81, %swap3A_82] : memref<1x128xf32, #tpu.memory_space<vmem>>, vector<1x128xf32>
    tpu.vector_store %arg13[%swap3A_81, %swap3A_82], %add3A_80 {strides = array<i32>} : memref<1x128xf32, #tpu.memory_space<vmem>>, vector<1x128xf32>,
    return
  }
  func.func @transform_0(%arg0: i32) -> (i32, i32) {
    %c0_i32 = arith.constant 0 : i32
    %c0_i32_0 = arith.constant 0 : i32
    return %arg0, %c0_i32 : i32, i32
  }
  func.func @transform_1(%arg0: i32) -> (i32, i32) {
    %c0_i32 = arith.constant 0 : i32
    %c0_i32_0 = arith.constant 0 : i32
    return %arg0, %c0_i32 : i32, i32
  }
  func.func @transform_2(%arg0: i32) -> (i32, i32) {
    %c0_i32 = arith.constant 0 : i32
    %c0_i32_0 = arith.constant 0 : i32
    return %arg0, %c0_i32 : i32, i32
  }
  func.func @transform_3(%arg0: i32) -> (i32, i32) {
    %c0_i32 = arith.constant 0 : i32
    %c0_i32_0 = arith.constant 0 : i32
    return %arg0, %c0_i32 : i32, i32
  }
  func.func @transform_4(%arg0: i32) -> (i32, i32) {
    %c0_i32 = arith.constant 0 : i32
    %c0_i32_0 = arith.constant 0 : i32
    return %arg0, %c0_i32 : i32, i32
  }
  func.func @transform_5(%arg0: i32) -> (i32, i32) {
    %c0_i32 = arith.constant 0 : i32
    %c0_i32_0 = arith.constant 0 : i32
    return %arg0, %c0_i32 : i32, i32
  }
  func.func @transform_6(%arg0: i32) -> (i32, i32) {
    %c0_i32 = arith.constant 0 : i32
    %c0_i32_0 = arith.constant 0 : i32
    return %arg0, %c0_i32 : i32, i32
  }
  func.func @transform_7(%arg0: i32) -> (i32, i32) {
    %c0_i32 = arith.constant 0 : i32
    %c0_i32_0 = arith.constant 0 : i32
    %c0_i32_1 = arith.constant 0 : i32
    return %c0_i32, %c0_i32_0 : i32, i32
  }
  func.func @transform_8(%arg0: i32) -> (i32, i32) {
    %c0_i32 = arith.constant 0 : i32
    %c0_i32_0 = arith.constant 0 : i32
    %c0_i32_1 = arith.constant 0 : i32
    return %c0_i32, %c0_i32_0 : i32, i32
  }
  func.func @transform_9(%arg0: i32) -> (i32, i32) {
    %c0_i32 = arith.constant 0 : i32
    %c0_i32_0 = arith.constant 0 : i32
    %c0_i32_1 = arith.constant 0 : i32
    return %c0_i32, %c0_i32_0 : i32, i32
  }
  func.func @transform_10(%arg0: i32) -> (i32, i32) {
    %c0_i32 = arith.constant 0 : i32
    %c0_i32_0 = arith.constant 0 : i32
    return %arg0, %c0_i32 : i32, i32
  }
  func.func @transform_11(%arg0: i32) -> (i32, i32) {
    %c0_i32 = arith.constant 0 : i32
    %c0_i32_0 = arith.constant 0 : i32
    %c0_i32_1 = arith.constant 0 : i32
    return %c0_i32, %c0_i32_0 : i32, i32
  }
  func.func @transform_12(%arg0: i32) -> (i32, i32) {
    %c0_i32 = arith.constant 0 : i32
    %c0_i32_0 = arith.constant 0 : i32
    %c0_i32_1 = arith.constant 0 : i32
    return %c0_i32, %c0_i32_0 : i32, i32
  }
}

module attributes {stable_mosaic.version = 14 : i64} {
  func.func @_bn_body(%arg0: i32, %arg1: memref<1000x128xf32, #tpu.memory_space<vmem>>, %arg2: memref<1000x128xf32, #tpu.memory_space<vmem>>, %arg3: memref<1x128xf32, #tpu.memory_space<vmem>>, %arg4: memref<1x128xf32, #tpu.memory_space<vmem>>, %arg5: memref<1x128xf32, #tpu.memory_space<vmem>>, %arg6: memref<1x128xf32, #tpu.memory_space<vmem>>, %arg7: memref<1xf32, #tpu.memory_space<smem>>, %arg8: memref<1000x128xf32, #tpu.memory_space<vmem>>) attributes {dimension_semantics = [#tpu.dimension_semantics<arbitrary>], iteration_bounds = array<i64: 10>, scalar_prefetch = 0 : i64, scratch_operands = 0 : i64, tpu.core_type = #tpu.core_type<tc>, window_params = [{transform_indices = @transform_0, window_bounds = array<i64: 1000, 128>}, {transform_indices = @transform_1, window_bounds = array<i64: 1000, 128>}, {pipeline_mode = #tpu.pipeline_mode<synchronous>, transform_indices = @transform_2, window_bounds = array<i64: 1, 128>}, {pipeline_mode = #tpu.pipeline_mode<synchronous>, transform_indices = @transform_3, window_bounds = array<i64: 1, 128>}, {pipeline_mode = #tpu.pipeline_mode<synchronous>, transform_indices = @transform_4, window_bounds = array<i64: 1, 128>}, {pipeline_mode = #tpu.pipeline_mode<synchronous>, transform_indices = @transform_5, window_bounds = array<i64: 1, 128>}, {transform_indices = @transform_6, window_bounds = array<i64: 1>}, {transform_indices = @transform_7, window_bounds = array<i64: 1000, 128>}]} {
    %get3A = arith.constant 0 : index
    %get3A_0 = memref.load %arg7[%get3A] : memref<1xf32, #tpu.memory_space<smem>>
    %get3A_1 = arith.constant 0 : index
    %get3A_2 = arith.constant 0 : index
    %get3A_3 = vector.load %arg3[%get3A_1, %get3A_2] : memref<1x128xf32, #tpu.memory_space<vmem>>, vector<1x128xf32>
    %div3A = vector.broadcast %get3A_0 : f32 to vector<1x128xf32>
    %div3A_4 = arith.divf %get3A_3, %div3A : vector<1x128xf32>
    %get3A_5 = arith.constant 0 : index
    %get3A_6 = arith.constant 0 : index
    %get3A_7 = vector.load %arg4[%get3A_5, %get3A_6] : memref<1x128xf32, #tpu.memory_space<vmem>>, vector<1x128xf32>
    %div3A_8 = vector.broadcast %get3A_0 : f32 to vector<1x128xf32>
    %div3A_9 = arith.divf %get3A_7, %div3A_8 : vector<1x128xf32>
    %mul3A = arith.mulf %div3A_4, %div3A_4 : vector<1x128xf32>
    %sub3A = arith.subf %div3A_9, %mul3A : vector<1x128xf32>
    %add3A = arith.constant 9.99999974E-6 : f32
    %add3A_10 = vector.broadcast %add3A : f32 to vector<1x128xf32>
    %add3A_11 = arith.addf %sub3A, %add3A_10 : vector<1x128xf32>
    %rsqrt3A = math.rsqrt %add3A_11 : vector<1x128xf32>
    %get3A_12 = arith.constant 0 : index
    %get3A_13 = arith.constant 0 : index
    %get3A_14 = vector.load %arg1[%get3A_12, %get3A_13] : memref<1000x128xf32, #tpu.memory_space<vmem>>, vector<1000x128xf32>
    %sub3A_15 = vector.broadcast %div3A_4 : vector<1x128xf32> to vector<1000x128xf32>
    %sub3A_16 = arith.subf %get3A_14, %sub3A_15 : vector<1000x128xf32>
    %get3A_17 = arith.constant 0 : index
    %get3A_18 = arith.constant 0 : index
    %get3A_19 = vector.load %arg5[%get3A_17, %get3A_18] : memref<1x128xf32, #tpu.memory_space<vmem>>, vector<1x128xf32>
    %mul3A_20 = arith.mulf %rsqrt3A, %get3A_19 : vector<1x128xf32>
    %mul3A_21 = vector.broadcast %mul3A_20 : vector<1x128xf32> to vector<1000x128xf32>
    %mul3A_22 = arith.mulf %sub3A_16, %mul3A_21 : vector<1000x128xf32>
    %get3A_23 = arith.constant 0 : index
    %get3A_24 = arith.constant 0 : index
    %get3A_25 = vector.load %arg6[%get3A_23, %get3A_24] : memref<1x128xf32, #tpu.memory_space<vmem>>, vector<1x128xf32>
    %add3A_26 = vector.broadcast %get3A_25 : vector<1x128xf32> to vector<1000x128xf32>
    %add3A_27 = arith.addf %mul3A_22, %add3A_26 : vector<1000x128xf32>
    %get3A_28 = arith.constant 0 : index
    %get3A_29 = arith.constant 0 : index
    %get3A_30 = vector.load %arg2[%get3A_28, %get3A_29] : memref<1000x128xf32, #tpu.memory_space<vmem>>, vector<1000x128xf32>
    %max3A = arith.constant 0.000000e+00 : f32
    %max3A_31 = vector.broadcast %max3A : f32 to vector<1000x128xf32>
    %max3A_32 = arith.maximumf %add3A_27, %max3A_31 : vector<1000x128xf32>
    %add3A_33 = arith.addf %get3A_30, %max3A_32 : vector<1000x128xf32>
    %swap3A = arith.constant 0 : index
    %swap3A_34 = arith.constant 0 : index
    %swap3A_35 = vector.load %arg8[%swap3A, %swap3A_34] : memref<1000x128xf32, #tpu.memory_space<vmem>>, vector<1000x128xf32>
    tpu.vector_store %arg8[%swap3A, %swap3A_34], %add3A_33 {strides = array<i32>} : memref<1000x128xf32, #tpu.memory_space<vmem>>, vector<1000x128xf32>,
    return
  }
  func.func @transform_0(%arg0: i32) -> (i32, i32) {
    %c0_i32 = arith.constant 0 : i32
    %c0_i32_0 = arith.constant 0 : i32
    return %arg0, %c0_i32 : i32, i32
  }
  func.func @transform_1(%arg0: i32) -> (i32, i32) {
    %c0_i32 = arith.constant 0 : i32
    %c0_i32_0 = arith.constant 0 : i32
    return %arg0, %c0_i32 : i32, i32
  }
  func.func @transform_2(%arg0: i32) -> (i32, i32) {
    %c0_i32 = arith.constant 0 : i32
    %c0_i32_0 = arith.constant 0 : i32
    %c0_i32_1 = arith.constant 0 : i32
    return %c0_i32, %c0_i32_0 : i32, i32
  }
  func.func @transform_3(%arg0: i32) -> (i32, i32) {
    %c0_i32 = arith.constant 0 : i32
    %c0_i32_0 = arith.constant 0 : i32
    %c0_i32_1 = arith.constant 0 : i32
    return %c0_i32, %c0_i32_0 : i32, i32
  }
  func.func @transform_4(%arg0: i32) -> (i32, i32) {
    %c0_i32 = arith.constant 0 : i32
    %c0_i32_0 = arith.constant 0 : i32
    %c0_i32_1 = arith.constant 0 : i32
    return %c0_i32, %c0_i32_0 : i32, i32
  }
  func.func @transform_5(%arg0: i32) -> (i32, i32) {
    %c0_i32 = arith.constant 0 : i32
    %c0_i32_0 = arith.constant 0 : i32
    %c0_i32_1 = arith.constant 0 : i32
    return %c0_i32, %c0_i32_0 : i32, i32
  }
  func.func @transform_6(%arg0: i32) -> i32 {
    %c0_i32 = arith.constant 0 : i32
    %c0_i32_0 = arith.constant 0 : i32
    return %c0_i32 : i32
  }
  func.func @transform_7(%arg0: i32) -> (i32, i32) {
    %c0_i32 = arith.constant 0 : i32
    %c0_i32_0 = arith.constant 0 : i32
    return %arg0, %c0_i32 : i32, i32
  }
}

</mosaic_0001>

<sc_bundles>
// kernel: kernel.6.cloned.1.call-start
scs
__scs_entry_jumppad:
0x0: {  	(pc) =	sbr.rel $0x88, $3  }
0x1: {  	(tag) =	ssettag $0x0;
	lr =	simm.s32 $0x1  }
0x2: {  	[smem:$0x3F97] =	sst lr;
	_ =	strace $0xD0000000  }
0x3: {  	_ = 	snop  }
0x4: {  	_ = 	snop  }
0x5: {  	_ = 	snop  }
0x6: {  	_ = 	snop  }
0x7: {  	_ = 	snop  }
__scs_overlays_trampoline_lowered:
0x8: {  	[smem:$0x3FA6] =	sst s0  }
0x9: {  	[smem:$0x3FA7] =	sst s1  }
0xa: {  	[smem:$0x3FA8] =	sst s2  }
0xb: {  	[smem:$0x3FA9] =	sst s3  }
0xc: {  	[smem:$0x3FAA] =	sst s4  }
0xd: {  	[smem:$0x3FAB] =	sst s5  }
0xe: {  	[smem:$0x3FAC] =	sst s6  }
0xf: {  	[smem:$0x3FAD] =	sst s7  }
0x10: {  	[smem:$0x3FAE] =	sst s8  }
0x11: {  	[smem:$0x3FAF] =	sst s9;
	s0 =	simm.s32 @!p0 $0x0  }
0x12: {  	s1 =	sld [smem:$0x3F95];
	s0 =	simm.s32 @p0 $0x1  }
0x13: {  	[smem:$0x3FB0] =	sst s0;
	s0 =	simm.s32 @!p1 $0x0  }
0x14: {  	s2 =	sld [smem:$0x3F94];
	s0 =	simm.s32 @p1 $0x1  }
0x15: {  	[smem:$0x3FB1] =	sst s0;
	s0 =	simm.s32 @!p2 $0x0  }
0x16: {  	s3 =	sld [smem:$0x3FDB];
	s0 =	simm.s32 @p2 $0x1  }
0x17: {  	s4 =	simm.s32 $0x1BF5;
	[smem:$0x3FB3] =	sst s0  }
0x18: {  	s0 =	sld [smem:$0x3F96];
	_ =	swait.ge [sflag:s4], $0x0  }
0x19: {  	s7 =	sld [smem:$0x3F97]  }
0x1a: {  	s8 =	sadd.s32 $0xFFFFE003, lr  }
0x1b: {  	s9 =	sadd.s32 $0xFFFFFEF7, lr;
	s5 =	simm.s32 $0xFFFFFFFF;
	p2 =	slt.u32 s8, $0xFFFFF086  }
0x1c: {  	p1 =	slt.u32 s9, $0xF7A;
	s5 =	simm.s32 @!p2 $0x0  }
0x1d: {  	s5 =	simm.s32 @p1 $0x1;
	p0 =	seq.s32 s7, s2  }
0x1e: {  	s7 =	smul.u32 @!p0 $0xF7A, s2;
	p2 =	seq.s32 @!p0 s5, $0x0  }
0x1f: {  	s9 =	smul.u32 $0xF7A, s1;
	s8 =	simm.s32 @!p0 $0x1BF5;
	p2 =	por !p2, p0  }
0x20: {  	[sflag:s8] =	ssyncset.s32 @!p0 $0xFFFFF086;
	s6 =	sadd.s32 @!p0 s3, s7;
	s7 =	simm.s32 @!p0 $0x108  }
0x21: {  	s3 =	sadd.s32 s3, s9;
	s6 =	sadd.s32 @!p0 $0x88, s6;
	s7 =	simm.s32 @p2 $0x1082  }
0x22: {  	[simem:s7], [sflag:s8] =	dma.local @!p0 [hbm:s6], $0xF7A  }
0x23: {  	s9 =	sor.u32 $0xD0000000, s2;
	s6 =	simm.s32 $0x108;
	_ =	swait.ge @!p0 [sflag:s8], $0x0  }
0x24: {  	s3 =	sadd.s32 $0x88, s3;
	s6 =	simm.s32 @!p1 $0x1082;
	[sflag:s4] =	ssyncset.s32 $0xFFFFF086  }
0x25: {  	[simem:s6], [sflag:s4] =	dma.local [hbm:s3], $0xF7A  }
0x26: {  	[smem:$0x3F97] =	sst s1;
	(tag) =	ssettag s2;
	_ =	strace s9  }
0x27: {  	s1 =	sld [smem:$0x3FA7]  }
0x28: {  	s2 =	sld [smem:$0x3FA8]  }
0x29: {  	s4 =	sld [smem:$0x3FAA]  }
0x2a: {  	p0 =	seq.s32 s5, $0x0;
	s5 =	sld [smem:$0x3FAB]  }
0x2b: {  	s6 =	sld [smem:$0x3FAC]  }
0x2c: {  	s7 =	sld [smem:$0x3FAD]  }
0x2d: {  	s3 =	simm.s32 $0x108;
	s8 =	sld [smem:$0x3FAE]  }
0x2e: {  	s3 =	simm.s32 @!p0 $0x1082;
	s9 =	sld [smem:$0x3FAF]  }
0x2f: {  	lr =	sadd.s32 s0, s3;
	s0 =	sld [smem:$0x3FA6]  }
0x30: {  	s3 =	sld [smem:$0x3FA9]  }
0x31: {  	[smem:$0x3FB2] =	sst s10  }
0x32: {  	s10 =	sld [smem:$0x3FB0];
	_ =	sdelay $0x3  }
0x33: {  	p0 =	seq.s32 s10, $0x1;
	s10 =	sld [smem:$0x3FB2];
	_ =	sdelay $0x3  }
0x34: {  	[smem:$0x3FB2] =	sst s10  }
0x35: {  	s10 =	sld [smem:$0x3FB1];
	_ =	sdelay $0x3  }
0x36: {  	p1 =	seq.s32 s10, $0x1;
	s10 =	sld [smem:$0x3FB2];
	_ =	sdelay $0x3  }
0x37: {  	[smem:$0x3FB2] =	sst s10  }
0x38: {  	s10 =	sld [smem:$0x3FB3]  }
0x39: {  	_ = 	snop;
	(pc) =	sbr.ind lr, $3  }
0x3a: {  	_ = 	snop  }
0x3b: {  	_ = 	snop  }
0x3c: {  	p2 =	seq.s32 s10, $0x1;
	s10 =	sld [smem:$0x3FB2]  }
0x3d: {  	_ =	shalt  }
0x3e: {  	_ =	shalt  }
0x3f: {  	_ =	shalt  }
0x40: {  	_ =	shalt  }
0x41: {  	_ =	shalt  }
0x42: {  	_ =	shalt  }
0x43: {  	_ =	shalt  }
0x44: {  	_ =	shalt  }
0x45: {  	_ =	shalt  }
0x46: {  	_ =	shalt  }
0x47: {  	_ =	shalt  }
0x48: {  	_ =	shalt  }
0x49: {  	_ =	shalt  }
0x4a: {  	_ =	shalt  }
0x4b: {  	_ =	shalt  }
0x4c: {  	_ =	shalt  }
0x4d: {  	_ =	shalt  }
0x4e: {  	_ =	shalt  }
0x4f: {  	_ =	shalt  }
0x50: {  	_ =	shalt  }
0x51: {  	_ =	shalt  }
0x52: {  	_ =	shalt  }
0x53: {  	_ =	shalt  }
0x54: {  	_ =	shalt  }
0x55: {  	_ =	shalt  }
0x56: {  	_ =	shalt  }
0x57: {  	_ =	shalt  }
0x58: {  	_ =	shalt  }
0x59: {  	_ =	shalt  }
0x5a: {  	_ =	shalt  }
0x5b: {  	_ =	shalt  }
0x5c: {  	_ =	shalt  }
0x5d: {  	_ =	shalt  }
0x5e: {  	_ =	shalt  }
0x5f: {  	_ =	shalt  }
0x60: {  	_ =	shalt  }
0x61: {  	_ =	shalt  }
0x62: {  	_ =	shalt  }
0x63: {  	_ =	shalt  }
0x64: {  	_ =	shalt  }
0x65: {  	_ =	shalt  }
0x66: {  	_ =	shalt  }
0x67: {  	_ =	shalt  }
0x68: {  	_ =	shalt  }
0x69: {  	_ =	shalt  }
0x6a: {  	_ =	shalt  }
0x6b: {  	_ =	shalt  }
0x6c: {  	_ =	shalt  }
0x6d: {  	_ =	shalt  }
0x6e: {  	_ =	shalt  }
0x6f: {  	_ =	shalt  }
0x70: {  	_ =	shalt  }
0x71: {  	_ =	shalt  }
0x72: {  	_ =	shalt  }
0x73: {  	_ =	shalt  }
0x74: {  	_ =	shalt  }
0x75: {  	_ =	shalt  }
0x76: {  	_ =	shalt  }
0x77: {  	_ =	shalt  }
0x78: {  	_ =	shalt  }
0x79: {  	_ =	shalt  }
0x7a: {  	_ =	shalt  }
0x7b: {  	_ =	shalt  }
0x7c: {  	_ =	shalt  }
0x7d: {  	_ =	shalt  }
0x7e: {  	_ =	shalt  }
0x7f: {  	_ =	shalt  }
0x80: {  	_ =	shalt  }
0x81: {  	_ =	shalt  }
0x82: {  	_ =	shalt  }
0x83: {  	_ =	shalt  }
0x84: {  	_ =	shalt  }
0x85: {  	_ =	shalt  }
0x86: {  	_ =	shalt  }
0x87: {  	_ =	shalt  }
.Lfunc_end0:
.L_simem_size_0:
called_computation_lowered:
.L_overlay_start_0:
0x88: {  	s2 =	sld [smem:$0x3FD9]  }
0x89: {  	s3 =	sld [smem:$0x3FFE];
	_ =	sdelay $0x1  }
0x8a: {  	s1 =	srdreg.scid  }
0x8b: {  	s0 =	sand.u32 $0x1, s1  }
0x8c: {  	s17 =	sshll.u32 s0, $0xA;
	s2 =	sadd.s32 s3, s2  }
0x8d: {  	s2 =	sadd.s32 s2, s17  }
0x8e: {  	[smem:$0x3FBE] =	sst s2  }
0x8f: {  	_ = 	snop  }
0x90: {  	s2 =	sld [smem:$0x3FD0];
	(tm) =	ssettm $0x1  }
0x91: {  	s18 =	sld [smem:$0x3FFB];
	_ =	sdelay $0x3  }
0x92: {  	_ =	strace s18  }
0x93: {  	s3 =	sld [smem:$0x3FFC];
	_ =	sdelay $0x3  }
0x94: {  	_ =	strace s3  }
0x95: {  	s3 =	sld [smem:$0x3FFD];
	_ =	sdelay $0x3  }
0x96: {  	_ =	strace s3  }
0x97: {  	_ =	strace $0x8FFFFFFF  }
0x98: {  	s19 =	sld [smem:$0x3FDB];
	_ =	sdelay $0x1  }
0x99: {  	s4 =	simm.s32 $_scs_section_size  }
0x9a: {  	s5 =	simm.s32 $_size__tile_overlayer_lowered;
	s6 =	simm.s32 $_tile_overlayer_lowered  }
0x9b: {  	s22 =	simm.s32 $0x1BFF;
	s21 =	sshll.u32 s6, $0x1;
	s3 =	sadd.s32 s4, s19  }
0x9c: {  	s7 =	simm.s32 $0x0;
	s20 =	sshll.u32 s5, $0x1;
	s5 =	sadd.s32 s21, s3  }
0x9d: {  	[timem:s7], [sflag:s22] =	dma.local [hbm:s5], s20  }
0x9e: {  	_ =	swait.ge [sflag:s22], s20  }
0x9f: {  	s4 =	ssub.s32 $0x0, s20;
	[sflag:s22] =	ssyncset.done $0x0  }
0xa0: {  	[sflag:s22] =	ssyncadd.s32 s4;
	_ =	sdelay $0x1  }
0xa1: {  	s23 =	simm.s32 $0x1B8B  }
0xa2: {  	_ =	swait.ge [sflag:s23], $0x1  }
0xa3: {  	[sflag:s23] =	ssyncset.done $0x0  }
0xa4: {  	s25 =	simm.s32 $0x1B8E;
	s24 =	sld [smem:$0x3FFE];
	[sflag:s23] =	ssyncadd.s32 $0xFFFFFFFF  }
0xa5: {  	s26 =	simm.s32 $execute0_lowered;
	[smem:$0x3FD2] =	sst s25  }
0xa6: {  	s5 =	sshll.u32 s26, $0x1;
	_ =	strace $0x80000046;
	[dreg:$0x1] =	wrdreg $0xFFFFFFFF  }
0xa7: {  	s28 =	simm.s32 $_size_execute0_lowered;
	s3 =	sadd.s32 s3, s5;
	[dreg:$0x0] =	wrdreg $0x0  }
0xa8: {  	s5 =	sshll.u32 s28, $0x1;
	[dreg:$0x2] =	wrdreg s3  }
0xa9: {  	[dreg:$0x3] =	wrdreg s5  }
0xaa: {  	[dreg:$0x4] =	wrdreg $0xC0  }
0xab: {  	_ =	task [dreg:s7], $0x5FFFF  }
0xac: {  	[dreg:$0x1] =	wrdreg $0xFFFFFFFF  }
0xad: {  	[dreg:$0x0] =	wrdreg $0x60  }
0xae: {  	[dreg:$0x2] =	wrdreg s2  }
0xaf: {  	[dreg:$0x3] =	wrdreg s24  }
0xb0: {  	[dreg:$0x4] =	wrdreg $0xB7C00  }
0xb1: {  	[dreg:$0x5] =	wrdreg $0x9  }
0xb2: {  	_ =	task.clear_ibuf [dreg:s7], $0x6FFFF;
	_ =	strace $0x90000046  }
0xb3: {  	s29 =	simm.s32 $0x9;
	_ =	strace $0x80000048  }
0xb4: {  	_ =	swait.ge [sflag:s29], $0x1  }
0xb5: {  	[sflag:s29] =	ssyncadd.s32 $0xFFFFFFFF  }
0xb6: {  	_ =	strace $0x90000048  }
0xb7: {  	_ =	sfence  }
0xb8: {  	s30 =	sld [smem:$0x0];
	_ =	sdelay $0x2  }
0xb9: {  	s31 =	sshll.u32 s1, $0xD;
	s1 =	sshrl.u32 s1, $0x2  }
0xba: {  	s3 =	sand.u32 $0x4000, s31;
	s1 =	sadd.s32 s1, s30  }
0xbb: {  	s0 =	sor.u32 s3, s0;
	s1 =	sshll.u32 s1, $0x11  }
0xbc: {  	s0 =	sor.u32 s1, s0  }
0xbd: {  	s0 =	sadd.s32 $0x8F2B, s0  }
0xbe: {  	[sflag:s0] =	ssyncadd.remote.s32 $0x1  }
0xbf: {  	_ =	sfence.sel $0xFFFF  }
0xc0: {  	[dreg:$0x0] =	wrdreg $0xFFFFFFFF;
	(pc) =	sbr.abs _section_cstart, $3  }
0xc1: {  	[dreg:$0x1] =	wrdreg $0xFFFFFFFF  }
0xc2: {  	_ =	task.clear_ibuf [dreg:s7], $0x2FFFF;
	_ =	strace $0x9FFFFFFF  }
0xc3: {  	(tm) =	ssettm $0x7FFFFFFF  }
tec
execute0_lowered:
.L_overlay_start_1:
0x0: {  	(tag) =	ssettag $0x1  }
0x1: {  	s1 =	rddreg [dreg:$0x0]  }
0x2: {  	s0 =	rddreg [dreg:$0x1]  }
0x3: {  	s3 =	rddreg [dreg:$0x2];
	s4 =	simm.s32 $0x0  }
0x4: {  	s15 =	stileid.u32;
	s7 =	srdreg.scid;
	s30 =	simm.s32 $0x1  }
0x5: {  	[smem:$0x7FF] =	sst s4;
	s2 =	smul.u32 $0x11100, s15;
	s5 =	sadd.s32 $0xAE00, s0  }
0x6: {  	s6 =	sadd.s32 $0x1000, s0;
	s9 =	sand.u32 $0x1, s7;
	s7 =	sadd.s32 $0x14C00, s0  }
0x7: {  	s12 =	sadd.s32 $0x40E00, s0;
	s20 =	sadd.s32 $0xFFF00, s3;
	p0 =	seq.s32 s15, $0xF  }
0x8: {  	_ =	strace $0x80000047;
	s10 =	ssub.s32 $0x2, s9;
	s22 =	smul.u32 $0x111700, s9  }
0x9: {  	[dreg:$0x6] =	wrdreg s20;
	s23 =	sor.u32 $0x2, s9;
	s9 =	smul.u32 $0x2710, s9  }
0xa: {  	s8 =	sshrl.u32 s2, $0x3;
	s19 =	sshrl.u32 s10, $0x1;
	s25 =	smul.u32 $0x111700, s23  }
0xb: {  	s13 =	sadd.s32 s2, s3;
	s29 =	smul.u32 $0x2710, s23;
	s11 =	sadd.s32 s8, s0  }
0xc: {  	s10 =	ssub.s32 s10, s19;
	s8 =	smul.u32 $0x4E20, s15;
	[dreg:$0x4] =	wrdreg s13  }
0xd: {  	s0 =	sadd.s32 $0x3E9E0, s0;
	s17 =	sadd.s32 s2, s22;
	v0 =	vmov s9;
	s9 =	simm.s32 $0x0  }
0xe: {  	s11 =	sadd.s32 $0x1EA00, s11;
	[dreg:$0x7] =	wrdreg s0;
	s17 =	sshrl.u32 s17, $0x3  }
0xf: {  	s2 =	sadd.s32 s2, s25;
	s26 =	sshrl.u32 s25, $0x3;
	s31 =	smax.u32 s10, $0x1  }
0x10: {  	s25 =	simm.s32 $0xA;
	[dreg:$0x5] =	wrdreg s11;
	s21 =	sshrl.u32 s8, $0x3  }
0x11: {  	s17 =	sadd.s32 s12, s17;
	s11 =	sshrl.u32 s22, $0x3;
	[dreg:$0xf] =	wrdreg s31  }
0x12: {  	s2 =	sshrl.u32 s2, $0x3;
	s14 =	sadd.s32 s5, s21;
	[dreg:$0xb] =	wrdreg s17  }
0x13: {  	s24 =	sadd.s32 s6, s21;
	s16 =	sadd.s32 s7, s21;
	[dreg:$0x8] =	wrdreg s14  }
0x14: {  	s0 =	sadd.s32 $0xA, s21;
	s11 =	sadd.s32 s12, s11;
	[dreg:$0x9] =	wrdreg s24  }
0x15: {  	s2 =	sadd.s32 s12, s2;
	[dreg:$0xa] =	wrdreg s16;
	s16 =	sadd.s32 s5, s0  }
0x16: {  	[dreg:$0xc] =	wrdreg s2;
	s2 =	sadd.s32 s12, s26;
	s19 =	sadd.s32 s6, s0  }
0x17: {  	s20 =	sadd.s32 s7, s0;
	s28 =	sadd.s32 $0x1FFE0, s11;
	s26 =	simm.s32 $0x50  }
0x18: {  	vm0 =	vcmask $0xB08;
	vm1 =	vcmask $0x3F08;
	s0 =	simm.s32 $0xB;
	[dreg:$0xd] =	wrdreg s28;
	s2 =	sadd.s32 $0x1FFE0, s2  }
0x19: {  	v2 =	vlaneseq.u32;
	vm2 =	vcmask $0x3F0C;
	v1 =	vmov s29;
	s24 =	simm.s32 $0x9;
	[dreg:$0xe] =	wrdreg s2;
	s2 =	simm.s32 $0xC  }
.LBB2_1:
0x1a: {  	s10 =	rddreg [dreg:$0x6]  }
0x1b: {  	s11 =	rddreg [dreg:$0x7];
	s28 =	sshrl.u32 @p0 s10, $0x3;
	s10 =	simm.s32 @p0 $0x1FCD  }
0x1c: {  	[spmem:s28], [sflag:s10] =	dma.local @p0 [hbm:s11], $0x2300  }
0x1d: {  	s10 =	simm.s32 @p0 $0xD  }
0x1e: {  	_ =	swait.ge @p0 [sflag:s10], $0x2300  }
0x1f: {  	s11 =	stileid.u32;
	[sflag:s10] =	ssyncset.done @p0 $0x0  }
0x20: {  	s11 =	sshll.u32 @!p0 s11, $0x6;
	[sflag:s10] =	ssyncadd.s32 @p0 $0xFFFFDD00;
	s10 =	rddreg [dreg:$0x4]  }
0x21: {  	s29 =	sor.u32 @!p0 $0x1C0D, s11;
	s11 =	sshrl.u32 @!p0 s10, $0x3;
	s10 =	rddreg [dreg:$0x5]  }
0x22: {  	[spmem:s11], [sflag:s29] =	dma.local @!p0 [hbm:s10], $0x2220  }
0x23: {  	s10 =	simm.s32 @!p0 $0xD  }
0x24: {  	_ =	swait.ge @!p0 [sflag:s10], $0x2220  }
0x25: {  	[sflag:s10] =	ssyncset.done @!p0 $0x0  }
0x26: {  	[sflag:s10] =	ssyncadd.s32 @!p0 $0xFFFFDDE0  }
0x27: {  	[bflag:$0x0] =	sbarrier.arrive $0xFFFF  }
0x28: {  	s14 =	rddreg [dreg:$0x8]  }
0x29: {  	[tilespmem:s4], [sflag:$0x1] =	stream.linear.gather [hbm4b:s14+s4], $0x50, $0x38;
	[tilespmem:$0x1C930] =	vst v63  }
0x2a: {  	s12 =	simm.s32 $0x140;
	s15 =	rddreg [dreg:$0x9]  }
0x2b: {  	[tilespmem:s12], [sflag:$0x1] =	stream.linear.gather [hbm4b:s15+s4], $0x50, $0x38;
	[tilespmem:$0x1C930] =	vst v63  }
0x2c: {  	s18 =	simm.s32 $0x280;
	s17 =	rddreg [dreg:$0xa]  }
0x2d: {  	[tilespmem:s18], [sflag:$0x1] =	stream.linear.gather [hbm4b:s17+s4], $0x50, $0x38;
	[tilespmem:$0x1C930] =	vst v63  }
0x2e: {  	_ = 	snop  }
0x2f: {  	[tilespmem:s26], [sflag:$0x2] =	stream.linear.gather [hbm4b:s16+s4], $0x50, $0x38;
	[tilespmem:$0x1C930] =	vst v63  }
0x30: {  	s21 =	simm.s32 $0x190  }
0x31: {  	[tilespmem:s21], [sflag:$0x2] =	stream.linear.gather [hbm4b:s19+s4], $0x50, $0x38;
	[tilespmem:$0x1C930] =	vst v63  }
0x32: {  	s22 =	simm.s32 $0x2D0  }
0x33: {  	[tilespmem:s22], [sflag:$0x2] =	stream.linear.gather [hbm4b:s20+s4], $0x50, $0x38;
	[tilespmem:$0x1C930] =	vst v63  }
0x34: {  	_ =	swait.ge [sflag:s30], $0x50  }
0x35: {  	[sflag:s30] =	ssyncset.done $0x0  }
0x36: {  	[sflag:s30] =	ssyncadd.s32 $0xFFFFFFB0  }
0x37: {  	_ =	swait.ge [sflag:s30], $0x50  }
0x38: {  	[sflag:s30] =	ssyncset.done $0x0  }
0x39: {  	[sflag:s30] =	ssyncadd.s32 $0xFFFFFFB0  }
0x3a: {  	_ =	swait.ge [sflag:s30], $0x50  }
0x3b: {  	[sflag:s30] =	ssyncset.done $0x0  }
0x3c: {  	[sflag:s30] =	ssyncadd.s32 $0xFFFFFFB0  }
0x3d: {  	v3 =	vld [tilespmem:$0x0]  }
0x3e: {  	v4 =	vld [tilespmem:$0x10]  }
0x3f: {  	v5 =	vld [tilespmem:$0x20]  }
0x40: {  	v6 =	vld [tilespmem:$0x30]  }
0x41: {  	v7 =	vld [tilespmem:$0x40]  }
0x42: {  	v3 =	vadd.s32 v0, v3  }
0x43: {  	[tilespmem:$0x0] =	vst v3;
	v3 =	vadd.s32 v0, v4  }
0x44: {  	[tilespmem:$0x10] =	vst v3;
	v3 =	vadd.s32 v0, v5  }
0x45: {  	[tilespmem:$0x20] =	vst v3;
	v3 =	vadd.s32 v0, v6  }
0x46: {  	[tilespmem:$0x30] =	vst v3;
	v3 =	vadd.s32 v0, v7  }
0x47: {  	s23 =	simm.s32 $0x3C0;
	s31 =	simm.s32 $0x0;
	s17 =	simm.s32 $0x0;
	[tilespmem:$0x40] =	vst v3  }
0x48: {  	[tilespmem:s23], [sflag:$0x5] =	stream.indirect.gather [hbm4b:s1+s26], $0x20, s4, s26, $0xb8;
	[tilespmem:$0x1C930] =	vst v63  }
.LBB2_2:
0x49: {  	s10 =	smov.u32 s17  }
0x4a: {  	s17 =	sadd.s32 $0x1, s17;
	p1 =	seq.s32 s10, $0xF9  }
0x4b: {  	s12 =	sand.u32 @!p1 $0x3, s17  }
0x4c: {  	s13 =	sadd.s32 @!p1 $0x1, s12  }
0x4d: {  	_ =	swait.ge @!p1 [sflag:s13], $0x50  }
0x4e: {  	[sflag:s13] =	ssyncset.done @!p1 $0x0  }
0x4f: {  	[sflag:s13] =	ssyncadd.s32 @!p1 $0xFFFFFFB0  }
0x50: {  	_ =	swait.ge @!p1 [sflag:s13], $0x50  }
0x51: {  	[sflag:s13] =	ssyncset.done @!p1 $0x0  }
0x52: {  	[sflag:s13] =	ssyncadd.s32 @!p1 $0xFFFFFFB0  }
0x53: {  	s14 =	smul.u32 @!p1 $0x140, s12;
	_ =	swait.ge @!p1 [sflag:s13], $0x50  }
0x54: {  	[sflag:s13] =	ssyncset.done @!p1 $0x0  }
0x55: {  	s14 =	sshrl.u32 @!p1 s14, $0x2;
	[sflag:s13] =	ssyncadd.s32 @!p1 $0xFFFFFFB0  }
0x56: {  	v3 =	vld @!p1 [tilespmem:s14+$0x0]  }
0x57: {  	v4 =	vld @!p1 [tilespmem:s14+$0x10]  }
0x58: {  	v5 =	vld @!p1 [tilespmem:s14+$0x20]  }
0x59: {  	v6 =	vld @!p1 [tilespmem:s14+$0x30]  }
0x5a: {  	v7 =	vld @!p1 [tilespmem:s14+$0x40]  }
0x5b: {  	v3 =	vadd.s32 @!p1 v0, v3  }
0x5c: {  	[tilespmem:s14+$0x0] =	vst @!p1 v3;
	v3 =	vadd.s32 @!p1 v0, v4  }
0x5d: {  	p3 =	sgt.u32 @!p1 s10, $0xF7;
	s13 =	smul.u32 @!p1 $0x2800, s12;
	[tilespmem:s14+$0x10] =	vst @!p1 v3;
	v3 =	vadd.s32 @!p1 v0, v5  }
0x5e: {  	p2 =	por p3, p1;
	[tilespmem:s14+$0x20] =	vst @!p1 v3;
	v3 =	vadd.s32 @!p1 v0, v6  }
0x5f: {  	s18 =	simm.s32 @!p1 $0x50;
	p4 =	slt.u32 @!p2 s10, $0x2;
	s13 =	sshrl.u32 @!p1 s13, $0x2;
	[tilespmem:s14+$0x30] =	vst @!p1 v3;
	v3 =	vadd.s32 @!p1 v0, v7  }
0x60: {  	p5 =	por @!p1 p4, p3;
	s12 =	sadd.s32 @!p1 $0x5, s12;
	s13 =	sadd.s32 @!p1 $0x3C0, s13;
	[tilespmem:s14+$0x40] =	vst @!p1 v3  }
0x61: {  	[tilespmem:s13], [sflag:s12] =	stream.indirect.gather @!p1 [hbm4b:s1+s18], $0x20, s14, s18, $0xb8;
	[tilespmem:$0x1C930] =	vst v63  }
0x62: {  	p5 =	por p5, p1;
	s12 =	sadd.s32 @!p1 $0x2, s10  }
0x63: {  	s23 =	simm.s32 @!p2 $0x0;
	s14 =	sand.u32 @!p5 $0x3, s12  }
0x64: {  	p3 =	por @!p1 !p4, p3;
	s21 =	smul.u32 @!p2 $0x50, s12;
	s18 =	sadd.s32 @!p5 $0x9, s14  }
0x65: {  	s13 =	sand.u32 $0x3, s31;
	p1 =	por !p3, p1;
	_ =	swait.ge @!p5 [sflag:s18], $0x2300  }
0x66: {  	s14 =	smov.u32 @p1 s12;
	s12 =	sadd.s32 @!p2 s8, s21;
	[sflag:s18] =	ssyncset.done @!p5 $0x0  }
0x67: {  	s12 =	sshrl.u32 @!p2 s12, $0x3;
	[sflag:s18] =	ssyncadd.s32 @!p5 $0xFFFFDD00;
	s18 =	smul.u32 @!p2 $0x50, s14  }
0x68: {  	s22 =	smul.u32 $0x140, s13;
	s14 =	sadd.s32 @!p2 $0x1, s14;
	s21 =	sadd.s32 @!p2 s5, s12  }
0x69: {  	[tilespmem:s18], [sflag:s14] =	stream.linear.gather @!p2 [hbm4b:s21+s23], $0x50, $0x38;
	[tilespmem:$0x1C930] =	vst v63  }
0x6a: {  	s15 =	sadd.s32 @!p2 s6, s12;
	s21 =	sshrl.u32 s22, $0x2;
	s22 =	sadd.s32 @!p2 $0x140, s18  }
0x6b: {  	[tilespmem:s22], [sflag:s14] =	stream.linear.gather @!p2 [hbm4b:s15+s23], $0x50, $0x38;
	[tilespmem:$0x1C930] =	vst v63  }
0x6c: {  	s12 =	sadd.s32 @!p2 s7, s12;
	s18 =	sadd.s32 @!p2 $0x280, s18;
	s22 =	sadd.s32 $0x280, s21  }
0x6d: {  	[tilespmem:s18], [sflag:s14] =	stream.linear.gather @!p2 [hbm4b:s12+s23], $0x50, $0x38;
	[tilespmem:$0x1C930] =	vst v63  }
0x6e: {  	v3 =	vmov s22;
	s18 =	sand.u32 $0x3, s10  }
0x6f: {  	s10 =	sadd.s32 $0x5, s18  }
0x70: {  	_ =	swait.ge [sflag:s10], $0xA00  }
0x71: {  	[sflag:s10] =	ssyncset.done $0x0  }
0x72: {  	s23 =	simm.s32 $0x0;
	[sflag:s10] =	ssyncadd.s32 $0xFFFFF600  }
0x73: {  	v5 =	vld.idx.msk [tilespmem:v3+s23+$0x0 ss:$0x1], $0xffff;
	_ =	sdelay $0x4  }
0x74: {  	v4 =	vand.u32 $0x7FFFFFFF, v5;
	v6 =	vbroadcast v5, $0x0  }
0x75: {  	s12 =	smul.u32 $0x8C00, s13;
	v7 =	vbroadcast v4, $0x0  }
0x76: {  	s14 =	smul.u32 $0x2800, s13;
	v8 =	vnsel vm0, $0x0, v6  }
0x77: {  	vm3 =	veq.s32 v2, $0x0;
	s10 =	sshrl.u32 s12, $0x2;
	v8 =	vsel vm1, v8, v7  }
0x78: {  	s12 =	sshrl.u32 s14, $0x2;
	s21 =	sadd.s32 $0x2F40, s10;
	v8 =	vsel vm3, $0x3F800000, v8  }
0x79: {  	s22 =	sadd.s32 $0x4C0, s12;
	[tilespmem:s21+$0xFFFFFCE0] =	vst v8  }
0x7a: {  	v8 =	vld [tilespmem:s22+$0xFFFFFF00];
	_ =	sdelay $0x4  }
0x7b: {  	v9 =	vmul.f32 v7, v8  }
0x7c: {  	v10 =	vmul.f32 v8, v6;
	[tilespmem:s21+$0xFFFFFC80] =	vst v8  }
0x7d: {  	[tilespmem:s21+$0xFFFFFCA0] =	vst v9  }
0x7e: {  	[tilespmem:s21+$0xFFFFFCC0] =	vst v10  }
0x7f: {  	v9 =	vbroadcast v5, $0x1;
	v8 =	vld [tilespmem:s22+$0xFFFFFF10];
	_ =	sdelay $0x1  }
0x80: {  	v10 =	vnsel vm0, $0x0, v9  }
0x81: {  	v10 =	vsel vm1, v10, v4  }
0x82: {  	v10 =	vsel vm3, $0x3F800000, v10  }
0x83: {  	[tilespmem:s21+$0xFFFFFD50] =	vst v10;
	v7 =	vmul.f32 v8, v7  }
0x84: {  	v6 =	vmul.f32 v8, v6;
	[tilespmem:s21+$0xFFFFFC90] =	vst v8  }
0x85: {  	[tilespmem:s21+$0xFFFFFCB0] =	vst v7  }
0x86: {  	[tilespmem:s21+$0xFFFFFCD0] =	vst v6  }
0x87: {  	v6 =	vld [tilespmem:s22+$0xFFFFFF20];
	_ =	sdelay $0x2  }
0x88: {  	v7 =	vbroadcast v4, $0x1;
	_ =	sdelay $0x1  }
0x89: {  	v8 =	vmul.f32 v6, v7  }
0x8a: {  	[tilespmem:s21+$0xFFFFFCF0] =	vst v6;
	v6 =	vmul.f32 v6, v9  }
0x8b: {  	[tilespmem:s21+$0xFFFFFD10] =	vst v8  }
0x8c: {  	[tilespmem:s21+$0xFFFFFD30] =	vst v6  }
0x8d: {  	v6 =	vld [tilespmem:s22+$0xFFFFFF30]  }
0x8e: {  	v8 =	vbroadcast v4, $0x2  }
0x8f: {  	v10 =	vsel vm2, $0x0, v5  }
0x90: {  	v10 =	vsel vm1, v10, v8  }
0x91: {  	v10 =	vsel vm3, $0x3F800000, v10  }
0x92: {  	[tilespmem:s21+$0xFFFFFDC0] =	vst v10;
	v7 =	vmul.f32 v6, v7  }
0x93: {  	[tilespmem:s21+$0xFFFFFD00] =	vst v6;
	v6 =	vmul.f32 v6, v9  }
0x94: {  	[tilespmem:s21+$0xFFFFFD20] =	vst v7  }
0x95: {  	[tilespmem:s21+$0xFFFFFD40] =	vst v6  }
0x96: {  	v6 =	vld [tilespmem:s22+$0xFFFFFF40];
	_ =	sdelay $0x3  }
0x97: {  	v7 =	vbroadcast v5, $0x2  }
0x98: {  	v9 =	vmul.f32 v6, v8  }
0x99: {  	[tilespmem:s21+$0xFFFFFD60] =	vst v6;
	v6 =	vmul.f32 v6, v7  }
0x9a: {  	[tilespmem:s21+$0xFFFFFD80] =	vst v9  }
0x9b: {  	[tilespmem:s21+$0xFFFFFDA0] =	vst v6  }
0x9c: {  	v6 =	vbroadcast v5, $0x3;
	v9 =	vld [tilespmem:s22+$0xFFFFFF50]  }
0x9d: {  	v10 =	vbroadcast v4, $0x3  }
0x9e: {  	v11 =	vnsel vm0, $0x0, v6  }
0x9f: {  	v11 =	vsel vm1, v11, v10  }
0xa0: {  	v11 =	vsel vm3, $0x3F800000, v11  }
0xa1: {  	[tilespmem:s21+$0xFFFFFE30] =	vst v11;
	v8 =	vmul.f32 v9, v8  }
0xa2: {  	[tilespmem:s21+$0xFFFFFD70] =	vst v9;
	v7 =	vmul.f32 v9, v7  }
0xa3: {  	[tilespmem:s21+$0xFFFFFD90] =	vst v8  }
0xa4: {  	[tilespmem:s21+$0xFFFFFDB0] =	vst v7  }
0xa5: {  	v7 =	vld [tilespmem:s22+$0xFFFFFF60];
	_ =	sdelay $0x4  }
0xa6: {  	v8 =	vmul.f32 v7, v10  }
0xa7: {  	[tilespmem:s21+$0xFFFFFDD0] =	vst v7;
	v7 =	vmul.f32 v7, v6  }
0xa8: {  	[tilespmem:s21+$0xFFFFFDF0] =	vst v8  }
0xa9: {  	[tilespmem:s21+$0xFFFFFE10] =	vst v7  }
0xaa: {  	v7 =	vbroadcast v5, $0x4;
	v8 =	vld [tilespmem:s22+$0xFFFFFF70]  }
0xab: {  	v9 =	vbroadcast v4, $0x4  }
0xac: {  	v11 =	vnsel vm0, $0x0, v7  }
0xad: {  	v11 =	vsel vm1, v11, v9  }
0xae: {  	v11 =	vsel vm3, $0x3F800000, v11  }
0xaf: {  	[tilespmem:s21+$0xFFFFFEA0] =	vst v11;
	v10 =	vmul.f32 v8, v10  }
0xb0: {  	[tilespmem:s21+$0xFFFFFDE0] =	vst v8;
	v6 =	vmul.f32 v8, v6  }
0xb1: {  	[tilespmem:s21+$0xFFFFFE00] =	vst v10  }
0xb2: {  	[tilespmem:s21+$0xFFFFFE20] =	vst v6  }
0xb3: {  	v6 =	vld [tilespmem:s22+$0xFFFFFF80];
	_ =	sdelay $0x4  }
0xb4: {  	v8 =	vmul.f32 v6, v9  }
0xb5: {  	[tilespmem:s21+$0xFFFFFE40] =	vst v6;
	v6 =	vmul.f32 v6, v7  }
0xb6: {  	[tilespmem:s21+$0xFFFFFE60] =	vst v8  }
0xb7: {  	[tilespmem:s21+$0xFFFFFE80] =	vst v6  }
0xb8: {  	v6 =	vbroadcast v5, $0x5;
	v8 =	vld [tilespmem:s22+$0xFFFFFF90]  }
0xb9: {  	v10 =	vbroadcast v4, $0x5  }
0xba: {  	v11 =	vnsel vm0, $0x0, v6  }
0xbb: {  	v11 =	vsel vm1, v11, v10  }
0xbc: {  	v11 =	vsel vm3, $0x3F800000, v11  }
0xbd: {  	[tilespmem:s21+$0xFFFFFF10] =	vst v11;
	v9 =	vmul.f32 v8, v9  }
0xbe: {  	[tilespmem:s21+$0xFFFFFE50] =	vst v8;
	v7 =	vmul.f32 v8, v7  }
0xbf: {  	[tilespmem:s21+$0xFFFFFE70] =	vst v9  }
0xc0: {  	[tilespmem:s21+$0xFFFFFE90] =	vst v7  }
0xc1: {  	v7 =	vld [tilespmem:s22+$0xFFFFFFA0];
	_ =	sdelay $0x4  }
0xc2: {  	v8 =	vmul.f32 v7, v10  }
0xc3: {  	[tilespmem:s21+$0xFFFFFEB0] =	vst v7;
	v7 =	vmul.f32 v7, v6  }
0xc4: {  	[tilespmem:s21+$0xFFFFFED0] =	vst v8  }
0xc5: {  	[tilespmem:s21+$0xFFFFFEF0] =	vst v7  }
0xc6: {  	v7 =	vbroadcast v5, $0x6;
	v8 =	vld [tilespmem:s22+$0xFFFFFFB0]  }
0xc7: {  	v9 =	vbroadcast v4, $0x6  }
0xc8: {  	v11 =	vnsel vm0, $0x0, v7  }
0xc9: {  	v11 =	vsel vm1, v11, v9  }
0xca: {  	v11 =	vsel vm3, $0x3F800000, v11  }
0xcb: {  	[tilespmem:s21+$0xFFFFFF80] =	vst v11;
	v10 =	vmul.f32 v8, v10  }
0xcc: {  	[tilespmem:s21+$0xFFFFFEC0] =	vst v8;
	v6 =	vmul.f32 v8, v6  }
0xcd: {  	[tilespmem:s21+$0xFFFFFEE0] =	vst v10  }
0xce: {  	[tilespmem:s21+$0xFFFFFF00] =	vst v6  }
0xcf: {  	v6 =	vld [tilespmem:s22+$0xFFFFFFC0];
	_ =	sdelay $0x4  }
0xd0: {  	v8 =	vmul.f32 v6, v9  }
0xd1: {  	[tilespmem:s21+$0xFFFFFF20] =	vst v6;
	v6 =	vmul.f32 v6, v7  }
0xd2: {  	[tilespmem:s21+$0xFFFFFF40] =	vst v8  }
0xd3: {  	[tilespmem:s21+$0xFFFFFF60] =	vst v6  }
0xd4: {  	v6 =	vbroadcast v5, $0x7;
	v8 =	vld [tilespmem:s22+$0xFFFFFFD0]  }
0xd5: {  	v10 =	vbroadcast v4, $0x7  }
0xd6: {  	v11 =	vnsel vm0, $0x0, v6  }
0xd7: {  	v11 =	vsel vm1, v11, v10  }
0xd8: {  	v11 =	vsel vm3, $0x3F800000, v11  }
0xd9: {  	[tilespmem:s21+$0xFFFFFFF0] =	vst v11;
	v9 =	vmul.f32 v8, v9  }
0xda: {  	[tilespmem:s21+$0xFFFFFF30] =	vst v8;
	v7 =	vmul.f32 v8, v7  }
0xdb: {  	[tilespmem:s21+$0xFFFFFF50] =	vst v9  }
0xdc: {  	[tilespmem:s21+$0xFFFFFF70] =	vst v7  }
0xdd: {  	v7 =	vld [tilespmem:s22+$0xFFFFFFE0];
	_ =	sdelay $0x4  }
0xde: {  	v8 =	vmul.f32 v7, v10  }
0xdf: {  	[tilespmem:s21+$0xFFFFFF90] =	vst v7;
	v7 =	vmul.f32 v7, v6  }
0xe0: {  	[tilespmem:s21+$0xFFFFFFB0] =	vst v8  }
0xe1: {  	[tilespmem:s21+$0xFFFFFFD0] =	vst v7  }
0xe2: {  	v7 =	vbroadcast v5, $0x8;
	v8 =	vld [tilespmem:s22+$0xFFFFFFF0]  }
0xe3: {  	v9 =	vbroadcast v4, $0x8  }
0xe4: {  	v11 =	vnsel vm0, $0x0, v7  }
0xe5: {  	v11 =	vsel vm1, v11, v9  }
0xe6: {  	v11 =	vsel vm3, $0x3F800000, v11  }
0xe7: {  	[tilespmem:s21+$0x60] =	vst v11;
	v10 =	vmul.f32 v8, v10  }
0xe8: {  	[tilespmem:s21+$0xFFFFFFA0] =	vst v8;
	v6 =	vmul.f32 v8, v6  }
0xe9: {  	[tilespmem:s21+$0xFFFFFFC0] =	vst v10  }
0xea: {  	[tilespmem:s21+$0xFFFFFFE0] =	vst v6  }
0xeb: {  	v6 =	vld [tilespmem:s22+$0x0];
	_ =	sdelay $0x4  }
0xec: {  	v8 =	vmul.f32 v6, v9  }
0xed: {  	[tilespmem:s21+$0x0] =	vst v6;
	v6 =	vmul.f32 v6, v7  }
0xee: {  	[tilespmem:s21+$0x20] =	vst v8  }
0xef: {  	[tilespmem:s21+$0x40] =	vst v6  }
0xf0: {  	v6 =	vbroadcast v5, $0x9;
	v8 =	vld [tilespmem:s22+$0x10]  }
0xf1: {  	v10 =	vbroadcast v4, $0x9  }
0xf2: {  	v11 =	vnsel vm0, $0x0, v6  }
0xf3: {  	v11 =	vsel vm1, v11, v10  }
0xf4: {  	v11 =	vsel vm3, $0x3F800000, v11  }
0xf5: {  	[tilespmem:s21+$0xD0] =	vst v11;
	v9 =	vmul.f32 v8, v9  }
0xf6: {  	[tilespmem:s21+$0x10] =	vst v8;
	v7 =	vmul.f32 v8, v7  }
0xf7: {  	[tilespmem:s21+$0x30] =	vst v9  }
0xf8: {  	[tilespmem:s21+$0x50] =	vst v7  }
0xf9: {  	v7 =	vld [tilespmem:s22+$0x20];
	_ =	sdelay $0x4  }
0xfa: {  	v8 =	vmul.f32 v7, v10  }
0xfb: {  	[tilespmem:s21+$0x70] =	vst v7;
	v7 =	vmul.f32 v7, v6  }
0xfc: {  	[tilespmem:s21+$0x90] =	vst v8  }
0xfd: {  	[tilespmem:s21+$0xB0] =	vst v7  }
0xfe: {  	v7 =	vbroadcast v5, $0xA;
	v8 =	vld [tilespmem:s22+$0x30]  }
0xff: {  	v9 =	vbroadcast v4, $0xA  }
0x100: {  	v11 =	vnsel vm0, $0x0, v7  }
0x101: {  	v11 =	vsel vm1, v11, v9  }
0x102: {  	v11 =	vsel vm3, $0x3F800000, v11  }
0x103: {  	[tilespmem:s21+$0x140] =	vst v11;
	v10 =	vmul.f32 v8, v10  }
0x104: {  	[tilespmem:s21+$0x80] =	vst v8;
	v6 =	vmul.f32 v8, v6  }
0x105: {  	[tilespmem:s21+$0xA0] =	vst v10  }
0x106: {  	[tilespmem:s21+$0xC0] =	vst v6  }
0x107: {  	v6 =	vld [tilespmem:s22+$0x40];
	_ =	sdelay $0x4  }
0x108: {  	v8 =	vmul.f32 v6, v9  }
0x109: {  	[tilespmem:s21+$0xE0] =	vst v6;
	v6 =	vmul.f32 v6, v7  }
0x10a: {  	[tilespmem:s21+$0x100] =	vst v8  }
0x10b: {  	[tilespmem:s21+$0x120] =	vst v6  }
0x10c: {  	v6 =	vbroadcast v5, $0xB;
	v8 =	vld [tilespmem:s22+$0x50]  }
0x10d: {  	v10 =	vbroadcast v4, $0xB  }
0x10e: {  	v11 =	vnsel vm0, $0x0, v6  }
0x10f: {  	v11 =	vsel vm1, v11, v10  }
0x110: {  	v11 =	vsel vm3, $0x3F800000, v11  }
0x111: {  	[tilespmem:s21+$0x1B0] =	vst v11;
	v9 =	vmul.f32 v8, v9  }
0x112: {  	[tilespmem:s21+$0xF0] =	vst v8;
	v7 =	vmul.f32 v8, v7  }
0x113: {  	[tilespmem:s21+$0x110] =	vst v9  }
0x114: {  	[tilespmem:s21+$0x130] =	vst v7  }
0x115: {  	v7 =	vld [tilespmem:s22+$0x60];
	_ =	sdelay $0x4  }
0x116: {  	v8 =	vmul.f32 v7, v10  }
0x117: {  	[tilespmem:s21+$0x150] =	vst v7;
	v7 =	vmul.f32 v7, v6  }
0x118: {  	[tilespmem:s21+$0x170] =	vst v8  }
0x119: {  	[tilespmem:s21+$0x190] =	vst v7  }
0x11a: {  	v7 =	vbroadcast v5, $0xC;
	v8 =	vld [tilespmem:s22+$0x70]  }
0x11b: {  	v9 =	vbroadcast v4, $0xC  }
0x11c: {  	v11 =	vnsel vm0, $0x0, v7  }
0x11d: {  	v11 =	vsel vm1, v11, v9  }
0x11e: {  	v11 =	vsel vm3, $0x3F800000, v11  }
0x11f: {  	[tilespmem:s21+$0x220] =	vst v11;
	v10 =	vmul.f32 v8, v10  }
0x120: {  	[tilespmem:s21+$0x160] =	vst v8;
	v6 =	vmul.f32 v8, v6  }
0x121: {  	[tilespmem:s21+$0x180] =	vst v10  }
0x122: {  	[tilespmem:s21+$0x1A0] =	vst v6  }
0x123: {  	v6 =	vld [tilespmem:s22+$0x80];
	_ =	sdelay $0x4  }
0x124: {  	v8 =	vmul.f32 v6, v9  }
0x125: {  	[tilespmem:s21+$0x1C0] =	vst v6;
	v6 =	vmul.f32 v6, v7  }
0x126: {  	[tilespmem:s21+$0x1E0] =	vst v8  }
0x127: {  	[tilespmem:s21+$0x200] =	vst v6  }
0x128: {  	v10 =	vbroadcast v5, $0xD;
	v6 =	vld [tilespmem:s22+$0x90]  }
0x129: {  	v11 =	vbroadcast v4, $0xD  }
0x12a: {  	v8 =	vnsel vm0, $0x0, v10  }
0x12b: {  	v8 =	vsel vm1, v8, v11  }
0x12c: {  	v8 =	vsel vm3, $0x3F800000, v8  }
0x12d: {  	[tilespmem:s21+$0x290] =	vst v8;
	v8 =	vmul.f32 v6, v9  }
0x12e: {  	[tilespmem:s21+$0x1D0] =	vst v6;
	v6 =	vmul.f32 v6, v7  }
0x12f: {  	[tilespmem:s21+$0x1F0] =	vst v8  }
0x130: {  	[tilespmem:s21+$0x210] =	vst v6  }
0x131: {  	v6 =	vld [tilespmem:s22+$0xA0];
	_ =	sdelay $0x4  }
0x132: {  	v7 =	vmul.f32 v6, v11  }
0x133: {  	[tilespmem:s21+$0x230] =	vst v6;
	v6 =	vmul.f32 v6, v10  }
0x134: {  	[tilespmem:s21+$0x250] =	vst v7  }
0x135: {  	[tilespmem:s21+$0x270] =	vst v6  }
0x136: {  	v7 =	vbroadcast v5, $0xE;
	v9 =	vld [tilespmem:s22+$0xB0]  }
0x137: {  	v8 =	vbroadcast v4, $0xE  }
0x138: {  	v6 =	vnsel vm0, $0x0, v7  }
0x139: {  	v6 =	vsel vm1, v6, v8  }
0x13a: {  	v12 =	vsel vm3, $0x3F800000, v6  }
0x13b: {  	v6 =	vbroadcast v5, $0xF;
	[tilespmem:s21+$0x300] =	vst v12;
	v5 =	vmul.f32 v9, v11  }
0x13c: {  	s15 =	smul.u32 $0x8C00, s18;
	v4 =	vbroadcast v4, $0xF;
	[tilespmem:s21+$0x240] =	vst v9;
	v9 =	vmul.f32 v9, v10  }
0x13d: {  	v10 =	vnsel vm0, $0x0, v6;
	[tilespmem:s21+$0x260] =	vst v5  }
0x13e: {  	s14 =	simm.s32 $0x40;
	s23 =	sshrl.u32 s15, $0x2;
	s10 =	smul.u32 $0x140, s18;
	v5 =	vsel vm1, v10, v4;
	[tilespmem:s21+$0x280] =	vst v9  }
0x13f: {  	s23 =	sadd.s32 $0x2BC0, s23;
	s12 =	smov.u32 s21;
	s13 =	smov.u32 s22;
	v5 =	vsel vm3, $0x3F800000, v5;
	v9 =	vld [tilespmem:s22+$0xC0]  }
.LBB2_3:
0x140: {  	_ =	sdelay $0x1  }
0x141: {  	p1 =	sne.s32 s14, $0x100;
	s22 =	sadd.s32 $0x200, s22;
	s21 =	sadd.s32 $0x700, s21  }
0x142: {  	s15 =	smov.u32 s14;
	s14 =	sadd.s32 $0x40, s14  }
0x143: {  	[tilespmem:s12+$0x2A0] =	vst v9;
	v10 =	vmul.f32 v9, v8;
	v9 =	vmul.f32 v9, v7;
	_ =	sdelay $0x1  }
0x144: {  	[tilespmem:s12+$0x2C0] =	vst v10  }
0x145: {  	[tilespmem:s12+$0x2E0] =	vst v9  }
0x146: {  	v9 =	vld [tilespmem:s13+$0xD0]  }
0x147: {  	[tilespmem:s12+$0x370] =	vst v5;
	_ =	sdelay $0x3  }
0x148: {  	[tilespmem:s12+$0x2B0] =	vst v9;
	v5 =	vmul.f32 v9, v8;
	v7 =	vmul.f32 v9, v7;
	_ =	sdelay $0x1  }
0x149: {  	[tilespmem:s12+$0x2D0] =	vst v5  }
0x14a: {  	[tilespmem:s12+$0x2F0] =	vst v7  }
0x14b: {  	v5 =	vld [tilespmem:s13+$0xE0];
	_ =	sdelay $0x4  }
0x14c: {  	[tilespmem:s12+$0x310] =	vst v5;
	v7 =	vmul.f32 v5, v4;
	v5 =	vmul.f32 v5, v6;
	_ =	sdelay $0x1  }
0x14d: {  	[tilespmem:s12+$0x330] =	vst v7  }
0x14e: {  	[tilespmem:s12+$0x350] =	vst v5  }
0x14f: {  	v5 =	vld [tilespmem:s13+$0xF0];
	s13 =	smov.u32 s22;
	_ =	sdelay $0x4  }
0x150: {  	[tilespmem:s12+$0x320] =	vst v5;
	v4 =	vmul.f32 v5, v4;
	v5 =	vmul.f32 v5, v6;
	_ =	sdelay $0x1  }
0x151: {  	[tilespmem:s12+$0x340] =	vst v4  }
0x152: {  	s15 =	sshra.s32 s15, $0x2;
	[tilespmem:s12+$0x360] =	vst v5;
	s12 =	smov.u32 s21  }
0x153: {  	v4 =	vld.idx.msk [tilespmem:v3+s15+$0x0 ss:$0x1], $0xffff;
	_ =	sdelay $0x5  }
0x154: {  	v5 =	vand.u32 $0x7FFFFFFF, v4;
	v6 =	vbroadcast v4, $0x0  }
0x155: {  	v7 =	vbroadcast v5, $0x0  }
0x156: {  	v8 =	vnsel vm0, $0x0, v6  }
0x157: {  	v8 =	vsel vm1, v8, v7  }
0x158: {  	v8 =	vsel vm3, $0x3F800000, v8  }
0x159: {  	[tilespmem:s21+$0xFFFFFCE0] =	vst v8  }
0x15a: {  	v8 =	vld [tilespmem:s22+$0xFFFFFF00];
	_ =	sdelay $0x4  }
0x15b: {  	v9 =	vmul.f32 v7, v8;
	v10 =	vmul.f32 v8, v6  }
0x15c: {  	[tilespmem:s21+$0xFFFFFC80] =	vst v8  }
0x15d: {  	[tilespmem:s21+$0xFFFFFCA0] =	vst v9  }
0x15e: {  	[tilespmem:s21+$0xFFFFFCC0] =	vst v10  }
0x15f: {  	v9 =	vbroadcast v4, $0x1;
	v8 =	vld [tilespmem:s22+$0xFFFFFF10];
	_ =	sdelay $0x1  }
0x160: {  	v10 =	vnsel vm0, $0x0, v9  }
0x161: {  	v10 =	vsel vm1, v10, v5  }
0x162: {  	v10 =	vsel vm3, $0x3F800000, v10  }
0x163: {  	v7 =	vmul.f32 v8, v7;
	v6 =	vmul.f32 v8, v6;
	[tilespmem:s21+$0xFFFFFD50] =	vst v10  }
0x164: {  	[tilespmem:s21+$0xFFFFFC90] =	vst v8  }
0x165: {  	[tilespmem:s21+$0xFFFFFCB0] =	vst v7  }
0x166: {  	[tilespmem:s21+$0xFFFFFCD0] =	vst v6  }
0x167: {  	v6 =	vld [tilespmem:s22+$0xFFFFFF20]  }
0x168: {  	v7 =	vbroadcast v5, $0x1;
	_ =	sdelay $0x3  }
0x169: {  	[tilespmem:s21+$0xFFFFFCF0] =	vst v6;
	v8 =	vmul.f32 v6, v7;
	v6 =	vmul.f32 v6, v9;
	_ =	sdelay $0x1  }
0x16a: {  	[tilespmem:s21+$0xFFFFFD10] =	vst v8  }
0x16b: {  	[tilespmem:s21+$0xFFFFFD30] =	vst v6  }
0x16c: {  	v8 =	vbroadcast v5, $0x2;
	v6 =	vld [tilespmem:s22+$0xFFFFFF30]  }
0x16d: {  	v10 =	vsel vm2, $0x0, v4  }
0x16e: {  	v10 =	vsel vm1, v10, v8  }
0x16f: {  	v10 =	vsel vm3, $0x3F800000, v10  }
0x170: {  	[tilespmem:s21+$0xFFFFFDC0] =	vst v10  }
0x171: {  	[tilespmem:s21+$0xFFFFFD00] =	vst v6;
	v7 =	vmul.f32 v6, v7;
	v6 =	vmul.f32 v6, v9;
	_ =	sdelay $0x1  }
0x172: {  	[tilespmem:s21+$0xFFFFFD20] =	vst v7  }
0x173: {  	[tilespmem:s21+$0xFFFFFD40] =	vst v6;
	v6 =	vbroadcast v4, $0x2  }
0x174: {  	v7 =	vld [tilespmem:s22+$0xFFFFFF40];
	_ =	sdelay $0x4  }
0x175: {  	[tilespmem:s21+$0xFFFFFD60] =	vst v7;
	v9 =	vmul.f32 v7, v8;
	v7 =	vmul.f32 v7, v6  }
0x176: {  	v10 =	vbroadcast v4, $0x3  }
0x177: {  	[tilespmem:s21+$0xFFFFFD80] =	vst v9;
	v9 =	vbroadcast v5, $0x3  }
0x178: {  	[tilespmem:s21+$0xFFFFFDA0] =	vst v7;
	v7 =	vnsel vm0, $0x0, v10  }
0x179: {  	v11 =	vld [tilespmem:s22+$0xFFFFFF50];
	v7 =	vsel vm1, v7, v9  }
0x17a: {  	v7 =	vsel vm3, $0x3F800000, v7  }
0x17b: {  	[tilespmem:s21+$0xFFFFFE30] =	vst v7;
	_ =	sdelay $0x2  }
0x17c: {  	[tilespmem:s21+$0xFFFFFD70] =	vst v11;
	v7 =	vmul.f32 v11, v8;
	v6 =	vmul.f32 v11, v6;
	_ =	sdelay $0x1  }
0x17d: {  	[tilespmem:s21+$0xFFFFFD90] =	vst v7  }
0x17e: {  	[tilespmem:s21+$0xFFFFFDB0] =	vst v6  }
0x17f: {  	v6 =	vld [tilespmem:s22+$0xFFFFFF60];
	_ =	sdelay $0x3  }
0x180: {  	v8 =	vbroadcast v5, $0x4;
	v7 =	vbroadcast v4, $0x4  }
0x181: {  	[tilespmem:s21+$0xFFFFFDD0] =	vst v6;
	v11 =	vmul.f32 v6, v9;
	v6 =	vmul.f32 v6, v10  }
0x182: {  	v12 =	vnsel vm0, $0x0, v7  }
0x183: {  	[tilespmem:s21+$0xFFFFFDF0] =	vst v11;
	v11 =	vsel vm1, v12, v8  }
0x184: {  	[tilespmem:s21+$0xFFFFFE10] =	vst v6;
	v6 =	vsel vm3, $0x3F800000, v11  }
0x185: {  	v11 =	vld [tilespmem:s22+$0xFFFFFF70]  }
0x186: {  	[tilespmem:s21+$0xFFFFFEA0] =	vst v6;
	_ =	sdelay $0x3  }
0x187: {  	[tilespmem:s21+$0xFFFFFDE0] =	vst v11;
	v6 =	vmul.f32 v11, v9;
	v9 =	vmul.f32 v11, v10;
	_ =	sdelay $0x1  }
0x188: {  	[tilespmem:s21+$0xFFFFFE00] =	vst v6  }
0x189: {  	[tilespmem:s21+$0xFFFFFE20] =	vst v9  }
0x18a: {  	v6 =	vld [tilespmem:s22+$0xFFFFFF80];
	_ =	sdelay $0x1  }
0x18b: {  	v9 =	vbroadcast v4, $0x5  }
0x18c: {  	v10 =	vbroadcast v5, $0x5  }
0x18d: {  	v11 =	vnsel vm0, $0x0, v9  }
0x18e: {  	v11 =	vsel vm1, v11, v10;
	[tilespmem:s21+$0xFFFFFE40] =	vst v6;
	v12 =	vmul.f32 v6, v8;
	v6 =	vmul.f32 v6, v7  }
0x18f: {  	v11 =	vsel vm3, $0x3F800000, v11  }
0x190: {  	[tilespmem:s21+$0xFFFFFE60] =	vst v12  }
0x191: {  	[tilespmem:s21+$0xFFFFFE80] =	vst v6  }
0x192: {  	v6 =	vld [tilespmem:s22+$0xFFFFFF90]  }
0x193: {  	[tilespmem:s21+$0xFFFFFF10] =	vst v11;
	_ =	sdelay $0x3  }
0x194: {  	[tilespmem:s21+$0xFFFFFE50] =	vst v6;
	v8 =	vmul.f32 v6, v8;
	v6 =	vmul.f32 v6, v7;
	_ =	sdelay $0x1  }
0x195: {  	[tilespmem:s21+$0xFFFFFE70] =	vst v8  }
0x196: {  	[tilespmem:s21+$0xFFFFFE90] =	vst v6  }
0x197: {  	v7 =	vbroadcast v4, $0x6;
	v6 =	vld [tilespmem:s22+$0xFFFFFFA0]  }
0x198: {  	v8 =	vbroadcast v5, $0x6  }
0x199: {  	v11 =	vnsel vm0, $0x0, v7  }
0x19a: {  	v11 =	vsel vm1, v11, v8  }
0x19b: {  	v11 =	vsel vm3, $0x3F800000, v11  }
0x19c: {  	[tilespmem:s21+$0xFFFFFEB0] =	vst v6;
	v12 =	vmul.f32 v6, v10;
	v6 =	vmul.f32 v6, v9;
	_ =	sdelay $0x1  }
0x19d: {  	[tilespmem:s21+$0xFFFFFED0] =	vst v12  }
0x19e: {  	[tilespmem:s21+$0xFFFFFEF0] =	vst v6  }
0x19f: {  	v6 =	vld [tilespmem:s22+$0xFFFFFFB0]  }
0x1a0: {  	[tilespmem:s21+$0xFFFFFF80] =	vst v11;
	_ =	sdelay $0x3  }
0x1a1: {  	[tilespmem:s21+$0xFFFFFEC0] =	vst v6;
	v10 =	vmul.f32 v6, v10;
	v6 =	vmul.f32 v6, v9;
	_ =	sdelay $0x1  }
0x1a2: {  	v9 =	vbroadcast v4, $0x7;
	[tilespmem:s21+$0xFFFFFEE0] =	vst v10  }
0x1a3: {  	[tilespmem:s21+$0xFFFFFF00] =	vst v6;
	v6 =	vbroadcast v5, $0x7  }
0x1a4: {  	v11 =	vnsel vm0, $0x0, v9;
	v10 =	vld [tilespmem:s22+$0xFFFFFFC0]  }
0x1a5: {  	v11 =	vsel vm1, v11, v6  }
0x1a6: {  	v11 =	vsel vm3, $0x3F800000, v11;
	_ =	sdelay $0x2  }
0x1a7: {  	[tilespmem:s21+$0xFFFFFF20] =	vst v10;
	v12 =	vmul.f32 v10, v8;
	v10 =	vmul.f32 v10, v7;
	_ =	sdelay $0x1  }
0x1a8: {  	[tilespmem:s21+$0xFFFFFF40] =	vst v12  }
0x1a9: {  	[tilespmem:s21+$0xFFFFFF60] =	vst v10  }
0x1aa: {  	v10 =	vld [tilespmem:s22+$0xFFFFFFD0]  }
0x1ab: {  	[tilespmem:s21+$0xFFFFFFF0] =	vst v11;
	_ =	sdelay $0x2  }
0x1ac: {  	v11 =	vbroadcast v4, $0x8  }
0x1ad: {  	[tilespmem:s21+$0xFFFFFF30] =	vst v10;
	v8 =	vmul.f32 v10, v8;
	v7 =	vmul.f32 v10, v7  }
0x1ae: {  	v12 =	vbroadcast v5, $0x8;
	v10 =	vnsel vm0, $0x0, v11  }
0x1af: {  	[tilespmem:s21+$0xFFFFFF50] =	vst v8  }
0x1b0: {  	[tilespmem:s21+$0xFFFFFF70] =	vst v7;
	v7 =	vsel vm1, v10, v12  }
0x1b1: {  	v8 =	vld [tilespmem:s22+$0xFFFFFFE0];
	v7 =	vsel vm3, $0x3F800000, v7;
	_ =	sdelay $0x4  }
0x1b2: {  	[tilespmem:s21+$0xFFFFFF90] =	vst v8;
	v10 =	vmul.f32 v8, v6;
	v8 =	vmul.f32 v8, v9;
	_ =	sdelay $0x1  }
0x1b3: {  	[tilespmem:s21+$0xFFFFFFB0] =	vst v10  }
0x1b4: {  	[tilespmem:s21+$0xFFFFFFD0] =	vst v8  }
0x1b5: {  	v8 =	vld [tilespmem:s22+$0xFFFFFFF0]  }
0x1b6: {  	[tilespmem:s21+$0x60] =	vst v7;
	_ =	sdelay $0x1  }
0x1b7: {  	v7 =	vbroadcast v4, $0x9  }
0x1b8: {  	v10 =	vbroadcast v5, $0x9  }
0x1b9: {  	[tilespmem:s21+$0xFFFFFFA0] =	vst v8;
	v6 =	vmul.f32 v8, v6;
	v8 =	vmul.f32 v8, v9;
	v9 =	vnsel vm0, $0x0, v7  }
0x1ba: {  	v9 =	vsel vm1, v9, v10  }
0x1bb: {  	[tilespmem:s21+$0xFFFFFFC0] =	vst v6;
	v6 =	vsel vm3, $0x3F800000, v9  }
0x1bc: {  	[tilespmem:s21+$0xFFFFFFE0] =	vst v8  }
0x1bd: {  	v8 =	vld [tilespmem:s22+$0x0];
	_ =	sdelay $0x4  }
0x1be: {  	[tilespmem:s21+$0x0] =	vst v8;
	v9 =	vmul.f32 v8, v12;
	v8 =	vmul.f32 v8, v11;
	_ =	sdelay $0x1  }
0x1bf: {  	[tilespmem:s21+$0x20] =	vst v9  }
0x1c0: {  	[tilespmem:s21+$0x40] =	vst v8  }
0x1c1: {  	v8 =	vld [tilespmem:s22+$0x10]  }
0x1c2: {  	[tilespmem:s21+$0xD0] =	vst v6;
	v6 =	vbroadcast v4, $0xA  }
0x1c3: {  	v9 =	vbroadcast v5, $0xA  }
0x1c4: {  	v13 =	vnsel vm0, $0x0, v6  }
0x1c5: {  	v13 =	vsel vm1, v13, v9  }
0x1c6: {  	[tilespmem:s21+$0x10] =	vst v8;
	v12 =	vmul.f32 v8, v12;
	v8 =	vmul.f32 v8, v11;
	v11 =	vsel vm3, $0x3F800000, v13;
	_ =	sdelay $0x1  }
0x1c7: {  	[tilespmem:s21+$0x30] =	vst v12  }
0x1c8: {  	[tilespmem:s21+$0x50] =	vst v8  }
0x1c9: {  	v8 =	vld [tilespmem:s22+$0x20];
	_ =	sdelay $0x4  }
0x1ca: {  	[tilespmem:s21+$0x70] =	vst v8;
	v12 =	vmul.f32 v8, v10;
	v8 =	vmul.f32 v8, v7;
	_ =	sdelay $0x1  }
0x1cb: {  	[tilespmem:s21+$0x90] =	vst v12  }
0x1cc: {  	[tilespmem:s21+$0xB0] =	vst v8;
	v8 =	vbroadcast v4, $0xB  }
0x1cd: {  	v13 =	vbroadcast v5, $0xB;
	v12 =	vld [tilespmem:s22+$0x30]  }
0x1ce: {  	[tilespmem:s21+$0x140] =	vst v11;
	v11 =	vnsel vm0, $0x0, v8  }
0x1cf: {  	v11 =	vsel vm1, v11, v13  }
0x1d0: {  	v11 =	vsel vm3, $0x3F800000, v11;
	_ =	sdelay $0x1  }
0x1d1: {  	[tilespmem:s21+$0x80] =	vst v12;
	v10 =	vmul.f32 v12, v10;
	v7 =	vmul.f32 v12, v7;
	_ =	sdelay $0x1  }
0x1d2: {  	[tilespmem:s21+$0xA0] =	vst v10  }
0x1d3: {  	[tilespmem:s21+$0xC0] =	vst v7  }
0x1d4: {  	v7 =	vld [tilespmem:s22+$0x40];
	_ =	sdelay $0x4  }
0x1d5: {  	[tilespmem:s21+$0xE0] =	vst v7;
	v10 =	vmul.f32 v7, v9;
	v7 =	vmul.f32 v7, v6  }
0x1d6: {  	v12 =	vbroadcast v4, $0xC  }
0x1d7: {  	[tilespmem:s21+$0x100] =	vst v10;
	v10 =	vbroadcast v5, $0xC  }
0x1d8: {  	[tilespmem:s21+$0x120] =	vst v7;
	v7 =	vnsel vm0, $0x0, v12  }
0x1d9: {  	v14 =	vld [tilespmem:s22+$0x50];
	v7 =	vsel vm1, v7, v10  }
0x1da: {  	[tilespmem:s21+$0x1B0] =	vst v11;
	v7 =	vsel vm3, $0x3F800000, v7;
	_ =	sdelay $0x3  }
0x1db: {  	[tilespmem:s21+$0xF0] =	vst v14;
	v9 =	vmul.f32 v14, v9;
	v6 =	vmul.f32 v14, v6;
	_ =	sdelay $0x1  }
0x1dc: {  	[tilespmem:s21+$0x110] =	vst v9  }
0x1dd: {  	[tilespmem:s21+$0x130] =	vst v6  }
0x1de: {  	v6 =	vld [tilespmem:s22+$0x60];
	_ =	sdelay $0x3  }
0x1df: {  	v11 =	vbroadcast v5, $0xD;
	v9 =	vbroadcast v4, $0xD  }
0x1e0: {  	[tilespmem:s21+$0x150] =	vst v6;
	v14 =	vmul.f32 v6, v13;
	v6 =	vmul.f32 v6, v8  }
0x1e1: {  	v15 =	vnsel vm0, $0x0, v9  }
0x1e2: {  	[tilespmem:s21+$0x170] =	vst v14;
	v14 =	vsel vm1, v15, v11  }
0x1e3: {  	[tilespmem:s21+$0x190] =	vst v6;
	v6 =	vsel vm3, $0x3F800000, v14  }
0x1e4: {  	v14 =	vld [tilespmem:s22+$0x70]  }
0x1e5: {  	[tilespmem:s21+$0x220] =	vst v7;
	_ =	sdelay $0x3  }
0x1e6: {  	[tilespmem:s21+$0x160] =	vst v14;
	v7 =	vmul.f32 v14, v13;
	v8 =	vmul.f32 v14, v8;
	_ =	sdelay $0x1  }
0x1e7: {  	[tilespmem:s21+$0x180] =	vst v7  }
0x1e8: {  	[tilespmem:s21+$0x1A0] =	vst v8  }
0x1e9: {  	v13 =	vld [tilespmem:s22+$0x80];
	_ =	sdelay $0x1  }
0x1ea: {  	v7 =	vbroadcast v4, $0xE  }
0x1eb: {  	v8 =	vbroadcast v5, $0xE  }
0x1ec: {  	v14 =	vnsel vm0, $0x0, v7  }
0x1ed: {  	v14 =	vsel vm1, v14, v8;
	[tilespmem:s21+$0x1C0] =	vst v13;
	v15 =	vmul.f32 v13, v10;
	v13 =	vmul.f32 v13, v12  }
0x1ee: {  	v14 =	vsel vm3, $0x3F800000, v14  }
0x1ef: {  	[tilespmem:s21+$0x1E0] =	vst v15  }
0x1f0: {  	[tilespmem:s21+$0x200] =	vst v13  }
0x1f1: {  	v13 =	vld [tilespmem:s22+$0x90]  }
0x1f2: {  	[tilespmem:s21+$0x290] =	vst v6;
	_ =	sdelay $0x3  }
0x1f3: {  	[tilespmem:s21+$0x1D0] =	vst v13;
	v6 =	vmul.f32 v13, v10;
	v10 =	vmul.f32 v13, v12;
	_ =	sdelay $0x1  }
0x1f4: {  	[tilespmem:s21+$0x1F0] =	vst v6  }
0x1f5: {  	[tilespmem:s21+$0x210] =	vst v10  }
0x1f6: {  	v6 =	vbroadcast v4, $0xF;
	v10 =	vld [tilespmem:s22+$0xA0]  }
0x1f7: {  	v4 =	vbroadcast v5, $0xF  }
0x1f8: {  	v5 =	vnsel vm0, $0x0, v6  }
0x1f9: {  	v5 =	vsel vm1, v5, v4  }
0x1fa: {  	v5 =	vsel vm3, $0x3F800000, v5  }
0x1fb: {  	[tilespmem:s21+$0x230] =	vst v10;
	v12 =	vmul.f32 v10, v11;
	v10 =	vmul.f32 v10, v9;
	_ =	sdelay $0x1  }
0x1fc: {  	[tilespmem:s21+$0x250] =	vst v12  }
0x1fd: {  	[tilespmem:s21+$0x270] =	vst v10  }
0x1fe: {  	v10 =	vld [tilespmem:s22+$0xB0]  }
0x1ff: {  	[tilespmem:s21+$0x300] =	vst v14;
	_ =	sdelay $0x3  }
.Ltmp0:
0x200: {  	[tilespmem:s21+$0x240] =	vst v10;
	v11 =	vmul.f32 v10, v11;
	v9 =	vmul.f32 v10, v9;
	(pc) =	sbr.rel @p1 .LBB2_3-.Ltmp0, $4  }
0x201: {  	_ = 	snop  }
0x202: {  	[tilespmem:s21+$0x260] =	vst v11  }
0x203: {  	[tilespmem:s21+$0x280] =	vst v9  }
0x204: {  	v9 =	vld [tilespmem:s22+$0xC0]  }
0x205: {  	_ =	sdelay $0x3  }
0x206: {  	v3 =	vmul.f32 v9, v8  }
0x207: {  	[tilespmem:s12+$0x2A0] =	vst v9;
	v60 =	vmul.f32 v9, v7  }
0x208: {  	[tilespmem:s12+$0x2C0] =	vst v3  }
0x209: {  	[tilespmem:s12+$0x2E0] =	vst v60  }
0x20a: {  	v3 =	vld [tilespmem:s13+$0xD0];
	_ =	sdelay $0x4  }
0x20b: {  	[tilespmem:s12+$0x370] =	vst v5;
	v61 =	vmul.f32 v3, v8  }
0x20c: {  	[tilespmem:s12+$0x2B0] =	vst v3;
	v3 =	vmul.f32 v3, v7  }
0x20d: {  	[tilespmem:s12+$0x2D0] =	vst v61  }
0x20e: {  	[tilespmem:s12+$0x2F0] =	vst v3  }
0x20f: {  	v3 =	vld [tilespmem:s13+$0xE0];
	_ =	sdelay $0x4  }
0x210: {  	v62 =	vmul.f32 v3, v4  }
0x211: {  	[tilespmem:s12+$0x310] =	vst v3;
	v3 =	vmul.f32 v3, v6  }
0x212: {  	[tilespmem:s12+$0x330] =	vst v62  }
0x213: {  	[tilespmem:s12+$0x350] =	vst v3  }
0x214: {  	v3 =	vld [tilespmem:s13+$0xF0];
	_ =	sdelay $0x3  }
0x215: {  	p1 =	sne.s32 s17, $0xFA  }
.Ltmp1:
0x216: {  	v63 =	vmul.f32 v3, v4;
	(pc) =	sbr.rel @p1 .LBB2_2-.Ltmp1, $4  }
0x217: {  	[tilespmem:s12+$0x320] =	vst v3;
	v3 =	vmul.f32 v3, v6  }
0x218: {  	s10 =	sshrl.u32 s10, $0x2;
	[tilespmem:s12+$0x340] =	vst v63  }
0x219: {  	s22 =	sadd.s32 $0x9, s18;
	s31 =	sadd.s32 $0x1, s31;
	s10 =	sadd.s32 $0x140, s10;
	[tilespmem:s12+$0x360] =	vst v3  }
0x21a: {  	[spmem:s3] =	stream.indirect.scatter.add.f32 [tilespmem:s23], [sflag:s22], $0x70, s10, s26, $0xb8;
	[tilespmem:$0x1C930] =	vst v63  }
0x21b: {  	_ =	swait.ge [sflag:s0], $0x2300  }
0x21c: {  	[sflag:s0] =	ssyncset.done $0x0  }
0x21d: {  	[sflag:s0] =	ssyncadd.s32 $0xFFFFDD00  }
0x21e: {  	_ =	swait.ge [sflag:s2], $0x2300  }
0x21f: {  	[sflag:s2] =	ssyncset.done $0x0  }
0x220: {  	[sflag:s2] =	ssyncadd.s32 $0xFFFFDD00  }
0x221: {  	_ =	swait.ge [sflag:s24], $0x2300  }
0x222: {  	[sflag:s24] =	ssyncset.done $0x0  }
0x223: {  	[sflag:s24] =	ssyncadd.s32 $0xFFFFDD00  }
0x224: {  	_ =	swait.ge [sflag:s25], $0x2300  }
0x225: {  	[sflag:s25] =	ssyncset.done $0x0  }
0x226: {  	[sflag:s25] =	ssyncadd.s32 $0xFFFFDD00  }
0x227: {  	[bflag:$0x0] =	sbarrier.arrive $0xFFFF  }
0x228: {  	s10 =	simm.s32 @p0 $0x1FCD;
	s12 =	rddreg [dreg:$0xd]  }
0x229: {  	[hbm:s12], [sflag:s10] =	dma.local @p0 [spmem:s28], $0x2300  }
0x22a: {  	s12 =	simm.s32 @p0 $0xD  }
0x22b: {  	_ =	swait.ge @p0 [sflag:s12], $0x2300  }
0x22c: {  	[sflag:s12] =	ssyncset.done @p0 $0x0  }
0x22d: {  	[sflag:s12] =	ssyncadd.s32 @p0 $0xFFFFDD00  }
0x22e: {  	[bflag:$0x0] =	sbarrier.arrive @p0 $0xFFFF  }
0x22f: {  	s13 =	rddreg [dreg:$0x7]  }
0x230: {  	[spmem:s28], [sflag:s10] =	dma.local @p0 [hbm:s13], $0x2300  }
0x231: {  	_ =	swait.ge @p0 [sflag:s12], $0x2300  }
0x232: {  	[sflag:s12] =	ssyncset.done @p0 $0x0  }
0x233: {  	s10 =	rddreg [dreg:$0xb];
	[sflag:s12] =	ssyncadd.s32 @p0 $0xFFFFDD00  }
0x234: {  	[hbm:s10], [sflag:s29] =	dma.local @!p0 [spmem:s11], $0x2220  }
0x235: {  	s10 =	simm.s32 @!p0 $0xD  }
0x236: {  	_ =	swait.ge @!p0 [sflag:s10], $0x2220  }
0x237: {  	[sflag:s10] =	ssyncset.done @!p0 $0x0  }
0x238: {  	[sflag:s10] =	ssyncadd.s32 @!p0 $0xFFFFDDE0  }
0x239: {  	[bflag:$0x0] =	sbarrier.arrive @!p0 $0xFFFF  }
0x23a: {  	s12 =	rddreg [dreg:$0x5]  }
0x23b: {  	[spmem:s11], [sflag:s29] =	dma.local @!p0 [hbm:s12], $0x2220  }
0x23c: {  	_ =	swait.ge @!p0 [sflag:s10], $0x2220  }
0x23d: {  	[sflag:s10] =	ssyncset.done @!p0 $0x0  }
0x23e: {  	[sflag:s10] =	ssyncadd.s32 @!p0 $0xFFFFDDE0  }
0x23f: {  	[bflag:$0x0] =	sbarrier.arrive $0xFFFF  }
0x240: {  	s31 =	simm.s32 $0x0;
	s13 =	rddreg [dreg:$0x8]  }
0x241: {  	[tilespmem:s31], [sflag:$0x1] =	stream.linear.gather [hbm4b:s13+s31], $0x50, $0x38;
	[tilespmem:$0x1C930] =	vst v63  }
0x242: {  	s15 =	simm.s32 $0x140;
	s14 =	rddreg [dreg:$0x9]  }
0x243: {  	[tilespmem:s15], [sflag:$0x1] =	stream.linear.gather [hbm4b:s14+s31], $0x50, $0x38;
	[tilespmem:$0x1C930] =	vst v63  }
0x244: {  	s18 =	simm.s32 $0x280;
	s17 =	rddreg [dreg:$0xa]  }
0x245: {  	[tilespmem:s18], [sflag:$0x1] =	stream.linear.gather [hbm4b:s17+s31], $0x50, $0x38;
	[tilespmem:$0x1C930] =	vst v63  }
0x246: {  	_ = 	snop  }
0x247: {  	[tilespmem:s26], [sflag:$0x2] =	stream.linear.gather [hbm4b:s16+s31], $0x50, $0x38;
	[tilespmem:$0x1C930] =	vst v63  }
0x248: {  	s21 =	simm.s32 $0x190  }
0x249: {  	[tilespmem:s21], [sflag:$0x2] =	stream.linear.gather [hbm4b:s19+s31], $0x50, $0x38;
	[tilespmem:$0x1C930] =	vst v63  }
0x24a: {  	s22 =	simm.s32 $0x2D0  }
0x24b: {  	[tilespmem:s22], [sflag:$0x2] =	stream.linear.gather [hbm4b:s20+s31], $0x50, $0x38;
	[tilespmem:$0x1C930] =	vst v63  }
0x24c: {  	_ =	swait.ge [sflag:s30], $0x50  }
0x24d: {  	[sflag:s30] =	ssyncset.done $0x0  }
0x24e: {  	[sflag:s30] =	ssyncadd.s32 $0xFFFFFFB0  }
0x24f: {  	_ =	swait.ge [sflag:s30], $0x50  }
0x250: {  	[sflag:s30] =	ssyncset.done $0x0  }
0x251: {  	[sflag:s30] =	ssyncadd.s32 $0xFFFFFFB0  }
0x252: {  	_ =	swait.ge [sflag:s30], $0x50  }
0x253: {  	[sflag:s30] =	ssyncset.done $0x0  }
0x254: {  	[sflag:s30] =	ssyncadd.s32 $0xFFFFFFB0  }
0x255: {  	v3 =	vld [tilespmem:$0x0]  }
0x256: {  	v4 =	vld [tilespmem:$0x10]  }
0x257: {  	v5 =	vld [tilespmem:$0x20]  }
0x258: {  	v6 =	vld [tilespmem:$0x30]  }
0x259: {  	v7 =	vld [tilespmem:$0x40]  }
0x25a: {  	v3 =	vadd.s32 v1, v3  }
0x25b: {  	[tilespmem:$0x0] =	vst v3;
	v3 =	vadd.s32 v1, v4  }
0x25c: {  	[tilespmem:$0x10] =	vst v3;
	v3 =	vadd.s32 v1, v5  }
0x25d: {  	[tilespmem:$0x20] =	vst v3;
	v3 =	vadd.s32 v1, v6  }
0x25e: {  	[tilespmem:$0x30] =	vst v3;
	v3 =	vadd.s32 v1, v7  }
0x25f: {  	s23 =	simm.s32 $0x3C0;
	s17 =	simm.s32 $0x0;
	[tilespmem:$0x40] =	vst v3  }
0x260: {  	[tilespmem:s23], [sflag:$0x5] =	stream.indirect.gather [hbm4b:s1+s26], $0x20, s31, s26, $0xb8;
	[tilespmem:$0x1C930] =	vst v63  }
.LBB2_6:
0x261: {  	s10 =	smov.u32 s31  }
0x262: {  	s31 =	sadd.s32 $0x1, s31;
	p1 =	seq.s32 s10, $0xF9  }
0x263: {  	s12 =	sand.u32 @!p1 $0x3, s31  }
0x264: {  	s13 =	sadd.s32 @!p1 $0x1, s12  }
0x265: {  	_ =	swait.ge @!p1 [sflag:s13], $0x50  }
0x266: {  	[sflag:s13] =	ssyncset.done @!p1 $0x0  }
0x267: {  	[sflag:s13] =	ssyncadd.s32 @!p1 $0xFFFFFFB0  }
0x268: {  	_ =	swait.ge @!p1 [sflag:s13], $0x50  }
0x269: {  	[sflag:s13] =	ssyncset.done @!p1 $0x0  }
0x26a: {  	[sflag:s13] =	ssyncadd.s32 @!p1 $0xFFFFFFB0  }
0x26b: {  	s14 =	smul.u32 @!p1 $0x140, s12;
	_ =	swait.ge @!p1 [sflag:s13], $0x50  }
0x26c: {  	[sflag:s13] =	ssyncset.done @!p1 $0x0  }
0x26d: {  	s14 =	sshrl.u32 @!p1 s14, $0x2;
	[sflag:s13] =	ssyncadd.s32 @!p1 $0xFFFFFFB0  }
0x26e: {  	v3 =	vld @!p1 [tilespmem:s14+$0x0]  }
0x26f: {  	v4 =	vld @!p1 [tilespmem:s14+$0x10]  }
0x270: {  	v5 =	vld @!p1 [tilespmem:s14+$0x20]  }
0x271: {  	v6 =	vld @!p1 [tilespmem:s14+$0x30]  }
0x272: {  	v7 =	vld @!p1 [tilespmem:s14+$0x40]  }
0x273: {  	v3 =	vadd.s32 @!p1 v1, v3  }
0x274: {  	[tilespmem:s14+$0x0] =	vst @!p1 v3;
	v3 =	vadd.s32 @!p1 v1, v4  }
0x275: {  	p3 =	sgt.u32 @!p1 s10, $0xF7;
	s13 =	smul.u32 @!p1 $0x2800, s12;
	[tilespmem:s14+$0x10] =	vst @!p1 v3;
	v3 =	vadd.s32 @!p1 v1, v5  }
0x276: {  	p2 =	por p3, p1;
	[tilespmem:s14+$0x20] =	vst @!p1 v3;
	v3 =	vadd.s32 @!p1 v1, v6  }
0x277: {  	s15 =	simm.s32 @!p1 $0x50;
	p4 =	slt.u32 @!p2 s10, $0x2;
	s13 =	sshrl.u32 @!p1 s13, $0x2;
	[tilespmem:s14+$0x30] =	vst @!p1 v3;
	v3 =	vadd.s32 @!p1 v1, v7  }
0x278: {  	p5 =	por @!p1 p4, p3;
	s12 =	sadd.s32 @!p1 $0x5, s12;
	s13 =	sadd.s32 @!p1 $0x3C0, s13;
	[tilespmem:s14+$0x40] =	vst @!p1 v3  }
0x279: {  	[tilespmem:s13], [sflag:s12] =	stream.indirect.gather @!p1 [hbm4b:s1+s15], $0x20, s14, s15, $0xb8;
	[tilespmem:$0x1C930] =	vst v63  }
0x27a: {  	p5 =	por p5, p1;
	s12 =	sadd.s32 @!p1 $0x2, s10  }
0x27b: {  	s22 =	simm.s32 @!p2 $0x0;
	s14 =	sand.u32 @!p5 $0x3, s12  }
0x27c: {  	p3 =	por @!p1 !p4, p3;
	s18 =	smul.u32 @!p2 $0x50, s12;
	s15 =	sadd.s32 @!p5 $0x9, s14  }
0x27d: {  	s13 =	sand.u32 $0x3, s17;
	p1 =	por !p3, p1;
	_ =	swait.ge @!p5 [sflag:s15], $0x2300  }
0x27e: {  	s14 =	smov.u32 @p1 s12;
	s12 =	sadd.s32 @!p2 s8, s18;
	[sflag:s15] =	ssyncset.done @!p5 $0x0  }
0x27f: {  	s12 =	sshrl.u32 @!p2 s12, $0x3;
	[sflag:s15] =	ssyncadd.s32 @!p5 $0xFFFFDD00;
	s15 =	smul.u32 @!p2 $0x50, s14  }
0x280: {  	s21 =	smul.u32 $0x140, s13;
	s14 =	sadd.s32 @!p2 $0x1, s14;
	s18 =	sadd.s32 @!p2 s5, s12  }
0x281: {  	[tilespmem:s15], [sflag:s14] =	stream.linear.gather @!p2 [hbm4b:s18+s22], $0x50, $0x38;
	[tilespmem:$0x1C930] =	vst v63  }
0x282: {  	s23 =	sadd.s32 @!p2 s6, s12;
	s18 =	sshrl.u32 s21, $0x2;
	s21 =	sadd.s32 @!p2 $0x140, s15  }
0x283: {  	[tilespmem:s21], [sflag:s14] =	stream.linear.gather @!p2 [hbm4b:s23+s22], $0x50, $0x38;
	[tilespmem:$0x1C930] =	vst v63  }
0x284: {  	s23 =	sadd.s32 $0x280, s18;
	s18 =	sand.u32 $0x3, s10  }
0x285: {  	s12 =	sadd.s32 @!p2 s7, s12;
	s15 =	sadd.s32 @!p2 $0x280, s15;
	v3 =	vmov s23;
	s10 =	sadd.s32 $0x5, s18  }
0x286: {  	[tilespmem:s15], [sflag:s14] =	stream.linear.gather @!p2 [hbm4b:s12+s22], $0x50, $0x38;
	[tilespmem:$0x1C930] =	vst v63  }
0x287: {  	_ =	swait.ge [sflag:s10], $0xA00  }
0x288: {  	[sflag:s10] =	ssyncset.done $0x0  }
0x289: {  	s23 =	simm.s32 $0x0;
	[sflag:s10] =	ssyncadd.s32 $0xFFFFF600  }
0x28a: {  	v5 =	vld.idx.msk [tilespmem:v3+s23+$0x0 ss:$0x1], $0xffff;
	_ =	sdelay $0x4  }
0x28b: {  	v4 =	vand.u32 $0x7FFFFFFF, v5;
	v6 =	vbroadcast v5, $0x0  }
0x28c: {  	s12 =	smul.u32 $0x8C00, s13;
	v7 =	vbroadcast v4, $0x0  }
0x28d: {  	s14 =	smul.u32 $0x2800, s13;
	v8 =	vnsel vm0, $0x0, v6  }
0x28e: {  	vm3 =	veq.s32 v2, $0x0;
	s10 =	sshrl.u32 s12, $0x2;
	v8 =	vsel vm1, v8, v7  }
0x28f: {  	s12 =	sshrl.u32 s14, $0x2;
	s21 =	sadd.s32 $0x2F40, s10;
	v8 =	vsel vm3, $0x3F800000, v8  }
0x290: {  	s22 =	sadd.s32 $0x4C0, s12;
	[tilespmem:s21+$0xFFFFFCE0] =	vst v8  }
0x291: {  	v8 =	vld [tilespmem:s22+$0xFFFFFF00];
	_ =	sdelay $0x4  }
0x292: {  	v9 =	vmul.f32 v7, v8  }
0x293: {  	v10 =	vmul.f32 v8, v6;
	[tilespmem:s21+$0xFFFFFC80] =	vst v8  }
0x294: {  	[tilespmem:s21+$0xFFFFFCA0] =	vst v9  }
0x295: {  	[tilespmem:s21+$0xFFFFFCC0] =	vst v10  }
0x296: {  	v9 =	vbroadcast v5, $0x1;
	v8 =	vld [tilespmem:s22+$0xFFFFFF10];
	_ =	sdelay $0x1  }
0x297: {  	v10 =	vnsel vm0, $0x0, v9  }
0x298: {  	v10 =	vsel vm1, v10, v4  }
0x299: {  	v10 =	vsel vm3, $0x3F800000, v10  }
0x29a: {  	[tilespmem:s21+$0xFFFFFD50] =	vst v10;
	v7 =	vmul.f32 v8, v7  }
0x29b: {  	v6 =	vmul.f32 v8, v6;
	[tilespmem:s21+$0xFFFFFC90] =	vst v8  }
0x29c: {  	[tilespmem:s21+$0xFFFFFCB0] =	vst v7  }
0x29d: {  	[tilespmem:s21+$0xFFFFFCD0] =	vst v6  }
0x29e: {  	v6 =	vld [tilespmem:s22+$0xFFFFFF20];
	_ =	sdelay $0x2  }
0x29f: {  	v7 =	vbroadcast v4, $0x1;
	_ =	sdelay $0x1  }
0x2a0: {  	v8 =	vmul.f32 v6, v7  }
0x2a1: {  	[tilespmem:s21+$0xFFFFFCF0] =	vst v6;
	v6 =	vmul.f32 v6, v9  }
0x2a2: {  	[tilespmem:s21+$0xFFFFFD10] =	vst v8  }
0x2a3: {  	[tilespmem:s21+$0xFFFFFD30] =	vst v6  }
0x2a4: {  	v6 =	vld [tilespmem:s22+$0xFFFFFF30]  }
0x2a5: {  	v8 =	vbroadcast v4, $0x2  }
0x2a6: {  	v10 =	vsel vm2, $0x0, v5  }
0x2a7: {  	v10 =	vsel vm1, v10, v8  }
0x2a8: {  	v10 =	vsel vm3, $0x3F800000, v10  }
0x2a9: {  	[tilespmem:s21+$0xFFFFFDC0] =	vst v10;
	v7 =	vmul.f32 v6, v7  }
0x2aa: {  	[tilespmem:s21+$0xFFFFFD00] =	vst v6;
	v6 =	vmul.f32 v6, v9  }
0x2ab: {  	[tilespmem:s21+$0xFFFFFD20] =	vst v7  }
0x2ac: {  	[tilespmem:s21+$0xFFFFFD40] =	vst v6  }
0x2ad: {  	v6 =	vld [tilespmem:s22+$0xFFFFFF40];
	_ =	sdelay $0x3  }
0x2ae: {  	v7 =	vbroadcast v5, $0x2  }
0x2af: {  	v9 =	vmul.f32 v6, v8  }
0x2b0: {  	[tilespmem:s21+$0xFFFFFD60] =	vst v6;
	v6 =	vmul.f32 v6, v7  }
0x2b1: {  	[tilespmem:s21+$0xFFFFFD80] =	vst v9  }
0x2b2: {  	[tilespmem:s21+$0xFFFFFDA0] =	vst v6  }
0x2b3: {  	v6 =	vbroadcast v5, $0x3;
	v9 =	vld [tilespmem:s22+$0xFFFFFF50]  }
0x2b4: {  	v10 =	vbroadcast v4, $0x3  }
0x2b5: {  	v11 =	vnsel vm0, $0x0, v6  }
0x2b6: {  	v11 =	vsel vm1, v11, v10  }
0x2b7: {  	v11 =	vsel vm3, $0x3F800000, v11  }
0x2b8: {  	[tilespmem:s21+$0xFFFFFE30] =	vst v11;
	v8 =	vmul.f32 v9, v8  }
0x2b9: {  	[tilespmem:s21+$0xFFFFFD70] =	vst v9;
	v7 =	vmul.f32 v9, v7  }
0x2ba: {  	[tilespmem:s21+$0xFFFFFD90] =	vst v8  }
0x2bb: {  	[tilespmem:s21+$0xFFFFFDB0] =	vst v7  }
0x2bc: {  	v7 =	vld [tilespmem:s22+$0xFFFFFF60];
	_ =	sdelay $0x4  }
0x2bd: {  	v8 =	vmul.f32 v7, v10  }
0x2be: {  	[tilespmem:s21+$0xFFFFFDD0] =	vst v7;
	v7 =	vmul.f32 v7, v6  }
0x2bf: {  	[tilespmem:s21+$0xFFFFFDF0] =	vst v8  }
0x2c0: {  	[tilespmem:s21+$0xFFFFFE10] =	vst v7  }
0x2c1: {  	v7 =	vbroadcast v5, $0x4;
	v8 =	vld [tilespmem:s22+$0xFFFFFF70]  }
0x2c2: {  	v9 =	vbroadcast v4, $0x4  }
0x2c3: {  	v11 =	vnsel vm0, $0x0, v7  }
0x2c4: {  	v11 =	vsel vm1, v11, v9  }
0x2c5: {  	v11 =	vsel vm3, $0x3F800000, v11  }
0x2c6: {  	[tilespmem:s21+$0xFFFFFEA0] =	vst v11;
	v10 =	vmul.f32 v8, v10  }
0x2c7: {  	[tilespmem:s21+$0xFFFFFDE0] =	vst v8;
	v6 =	vmul.f32 v8, v6  }
0x2c8: {  	[tilespmem:s21+$0xFFFFFE00] =	vst v10  }
0x2c9: {  	[tilespmem:s21+$0xFFFFFE20] =	vst v6  }
0x2ca: {  	v6 =	vld [tilespmem:s22+$0xFFFFFF80];
	_ =	sdelay $0x4  }
0x2cb: {  	v8 =	vmul.f32 v6, v9  }
0x2cc: {  	[tilespmem:s21+$0xFFFFFE40] =	vst v6;
	v6 =	vmul.f32 v6, v7  }
0x2cd: {  	[tilespmem:s21+$0xFFFFFE60] =	vst v8  }
0x2ce: {  	[tilespmem:s21+$0xFFFFFE80] =	vst v6  }
0x2cf: {  	v6 =	vbroadcast v5, $0x5;
	v8 =	vld [tilespmem:s22+$0xFFFFFF90]  }
0x2d0: {  	v10 =	vbroadcast v4, $0x5  }
0x2d1: {  	v11 =	vnsel vm0, $0x0, v6  }
0x2d2: {  	v11 =	vsel vm1, v11, v10  }
0x2d3: {  	v11 =	vsel vm3, $0x3F800000, v11  }
0x2d4: {  	[tilespmem:s21+$0xFFFFFF10] =	vst v11;
	v9 =	vmul.f32 v8, v9  }
0x2d5: {  	[tilespmem:s21+$0xFFFFFE50] =	vst v8;
	v7 =	vmul.f32 v8, v7  }
0x2d6: {  	[tilespmem:s21+$0xFFFFFE70] =	vst v9  }
0x2d7: {  	[tilespmem:s21+$0xFFFFFE90] =	vst v7  }
0x2d8: {  	v7 =	vld [tilespmem:s22+$0xFFFFFFA0];
	_ =	sdelay $0x4  }
0x2d9: {  	v8 =	vmul.f32 v7, v10  }
0x2da: {  	[tilespmem:s21+$0xFFFFFEB0] =	vst v7;
	v7 =	vmul.f32 v7, v6  }
0x2db: {  	[tilespmem:s21+$0xFFFFFED0] =	vst v8  }
0x2dc: {  	[tilespmem:s21+$0xFFFFFEF0] =	vst v7  }
0x2dd: {  	v7 =	vbroadcast v5, $0x6;
	v8 =	vld [tilespmem:s22+$0xFFFFFFB0]  }
0x2de: {  	v9 =	vbroadcast v4, $0x6  }
0x2df: {  	v11 =	vnsel vm0, $0x0, v7  }
0x2e0: {  	v11 =	vsel vm1, v11, v9  }
0x2e1: {  	v11 =	vsel vm3, $0x3F800000, v11  }
0x2e2: {  	[tilespmem:s21+$0xFFFFFF80] =	vst v11;
	v10 =	vmul.f32 v8, v10  }
0x2e3: {  	[tilespmem:s21+$0xFFFFFEC0] =	vst v8;
	v6 =	vmul.f32 v8, v6  }
0x2e4: {  	[tilespmem:s21+$0xFFFFFEE0] =	vst v10  }
0x2e5: {  	[tilespmem:s21+$0xFFFFFF00] =	vst v6  }
0x2e6: {  	v6 =	vld [tilespmem:s22+$0xFFFFFFC0];
	_ =	sdelay $0x4  }
0x2e7: {  	v8 =	vmul.f32 v6, v9  }
0x2e8: {  	[tilespmem:s21+$0xFFFFFF20] =	vst v6;
	v6 =	vmul.f32 v6, v7  }
0x2e9: {  	[tilespmem:s21+$0xFFFFFF40] =	vst v8  }
0x2ea: {  	[tilespmem:s21+$0xFFFFFF60] =	vst v6  }
0x2eb: {  	v6 =	vbroadcast v5, $0x7;
	v8 =	vld [tilespmem:s22+$0xFFFFFFD0]  }
0x2ec: {  	v10 =	vbroadcast v4, $0x7  }
0x2ed: {  	v11 =	vnsel vm0, $0x0, v6  }
0x2ee: {  	v11 =	vsel vm1, v11, v10  }
0x2ef: {  	v11 =	vsel vm3, $0x3F800000, v11  }
0x2f0: {  	[tilespmem:s21+$0xFFFFFFF0] =	vst v11;
	v9 =	vmul.f32 v8, v9  }
0x2f1: {  	[tilespmem:s21+$0xFFFFFF30] =	vst v8;
	v7 =	vmul.f32 v8, v7  }
0x2f2: {  	[tilespmem:s21+$0xFFFFFF50] =	vst v9  }
0x2f3: {  	[tilespmem:s21+$0xFFFFFF70] =	vst v7  }
0x2f4: {  	v7 =	vld [tilespmem:s22+$0xFFFFFFE0];
	_ =	sdelay $0x4  }
0x2f5: {  	v8 =	vmul.f32 v7, v10  }
0x2f6: {  	[tilespmem:s21+$0xFFFFFF90] =	vst v7;
	v7 =	vmul.f32 v7, v6  }
0x2f7: {  	[tilespmem:s21+$0xFFFFFFB0] =	vst v8  }
0x2f8: {  	[tilespmem:s21+$0xFFFFFFD0] =	vst v7  }
0x2f9: {  	v7 =	vbroadcast v5, $0x8;
	v8 =	vld [tilespmem:s22+$0xFFFFFFF0]  }
0x2fa: {  	v9 =	vbroadcast v4, $0x8  }
0x2fb: {  	v11 =	vnsel vm0, $0x0, v7  }
0x2fc: {  	v11 =	vsel vm1, v11, v9  }
0x2fd: {  	v11 =	vsel vm3, $0x3F800000, v11  }
0x2fe: {  	[tilespmem:s21+$0x60] =	vst v11;
	v10 =	vmul.f32 v8, v10  }
0x2ff: {  	[tilespmem:s21+$0xFFFFFFA0] =	vst v8;
	v6 =	vmul.f32 v8, v6  }
0x300: {  	[tilespmem:s21+$0xFFFFFFC0] =	vst v10  }
0x301: {  	[tilespmem:s21+$0xFFFFFFE0] =	vst v6  }
0x302: {  	v6 =	vld [tilespmem:s22+$0x0];
	_ =	sdelay $0x4  }
0x303: {  	v8 =	vmul.f32 v6, v9  }
0x304: {  	[tilespmem:s21+$0x0] =	vst v6;
	v6 =	vmul.f32 v6, v7  }
0x305: {  	[tilespmem:s21+$0x20] =	vst v8  }
0x306: {  	[tilespmem:s21+$0x40] =	vst v6  }
0x307: {  	v6 =	vbroadcast v5, $0x9;
	v8 =	vld [tilespmem:s22+$0x10]  }
0x308: {  	v10 =	vbroadcast v4, $0x9  }
0x309: {  	v11 =	vnsel vm0, $0x0, v6  }
0x30a: {  	v11 =	vsel vm1, v11, v10  }
0x30b: {  	v11 =	vsel vm3, $0x3F800000, v11  }
0x30c: {  	[tilespmem:s21+$0xD0] =	vst v11;
	v9 =	vmul.f32 v8, v9  }
0x30d: {  	[tilespmem:s21+$0x10] =	vst v8;
	v7 =	vmul.f32 v8, v7  }
0x30e: {  	[tilespmem:s21+$0x30] =	vst v9  }
0x30f: {  	[tilespmem:s21+$0x50] =	vst v7  }
0x310: {  	v7 =	vld [tilespmem:s22+$0x20];
	_ =	sdelay $0x4  }
0x311: {  	v8 =	vmul.f32 v7, v10  }
0x312: {  	[tilespmem:s21+$0x70] =	vst v7;
	v7 =	vmul.f32 v7, v6  }
0x313: {  	[tilespmem:s21+$0x90] =	vst v8  }
0x314: {  	[tilespmem:s21+$0xB0] =	vst v7  }
0x315: {  	v7 =	vbroadcast v5, $0xA;
	v8 =	vld [tilespmem:s22+$0x30]  }
0x316: {  	v9 =	vbroadcast v4, $0xA  }
0x317: {  	v11 =	vnsel vm0, $0x0, v7  }
0x318: {  	v11 =	vsel vm1, v11, v9  }
0x319: {  	v11 =	vsel vm3, $0x3F800000, v11  }
0x31a: {  	[tilespmem:s21+$0x140] =	vst v11;
	v10 =	vmul.f32 v8, v10  }
0x31b: {  	[tilespmem:s21+$0x80] =	vst v8;
	v6 =	vmul.f32 v8, v6  }
0x31c: {  	[tilespmem:s21+$0xA0] =	vst v10  }
0x31d: {  	[tilespmem:s21+$0xC0] =	vst v6  }
0x31e: {  	v6 =	vld [tilespmem:s22+$0x40];
	_ =	sdelay $0x4  }
0x31f: {  	v8 =	vmul.f32 v6, v9  }
0x320: {  	[tilespmem:s21+$0xE0] =	vst v6;
	v6 =	vmul.f32 v6, v7  }
0x321: {  	[tilespmem:s21+$0x100] =	vst v8  }
0x322: {  	[tilespmem:s21+$0x120] =	vst v6  }
0x323: {  	v6 =	vbroadcast v5, $0xB;
	v8 =	vld [tilespmem:s22+$0x50]  }
0x324: {  	v10 =	vbroadcast v4, $0xB  }
0x325: {  	v11 =	vnsel vm0, $0x0, v6  }
0x326: {  	v11 =	vsel vm1, v11, v10  }
0x327: {  	v11 =	vsel vm3, $0x3F800000, v11  }
0x328: {  	[tilespmem:s21+$0x1B0] =	vst v11;
	v9 =	vmul.f32 v8, v9  }
0x329: {  	[tilespmem:s21+$0xF0] =	vst v8;
	v7 =	vmul.f32 v8, v7  }
0x32a: {  	[tilespmem:s21+$0x110] =	vst v9  }
0x32b: {  	[tilespmem:s21+$0x130] =	vst v7  }
0x32c: {  	v7 =	vld [tilespmem:s22+$0x60];
	_ =	sdelay $0x4  }
0x32d: {  	v8 =	vmul.f32 v7, v10  }
0x32e: {  	[tilespmem:s21+$0x150] =	vst v7;
	v7 =	vmul.f32 v7, v6  }
0x32f: {  	[tilespmem:s21+$0x170] =	vst v8  }
0x330: {  	[tilespmem:s21+$0x190] =	vst v7  }
0x331: {  	v7 =	vbroadcast v5, $0xC;
	v8 =	vld [tilespmem:s22+$0x70]  }
0x332: {  	v9 =	vbroadcast v4, $0xC  }
0x333: {  	v11 =	vnsel vm0, $0x0, v7  }
0x334: {  	v11 =	vsel vm1, v11, v9  }
0x335: {  	v11 =	vsel vm3, $0x3F800000, v11  }
0x336: {  	[tilespmem:s21+$0x220] =	vst v11;
	v10 =	vmul.f32 v8, v10  }
0x337: {  	[tilespmem:s21+$0x160] =	vst v8;
	v6 =	vmul.f32 v8, v6  }
0x338: {  	[tilespmem:s21+$0x180] =	vst v10  }
0x339: {  	[tilespmem:s21+$0x1A0] =	vst v6  }
0x33a: {  	v6 =	vld [tilespmem:s22+$0x80];
	_ =	sdelay $0x4  }
0x33b: {  	v8 =	vmul.f32 v6, v9  }
0x33c: {  	[tilespmem:s21+$0x1C0] =	vst v6;
	v6 =	vmul.f32 v6, v7  }
0x33d: {  	[tilespmem:s21+$0x1E0] =	vst v8  }
0x33e: {  	[tilespmem:s21+$0x200] =	vst v6  }
0x33f: {  	v10 =	vbroadcast v5, $0xD;
	v6 =	vld [tilespmem:s22+$0x90]  }
0x340: {  	v11 =	vbroadcast v4, $0xD  }
0x341: {  	v8 =	vnsel vm0, $0x0, v10  }
0x342: {  	v8 =	vsel vm1, v8, v11  }
0x343: {  	v8 =	vsel vm3, $0x3F800000, v8  }
0x344: {  	[tilespmem:s21+$0x290] =	vst v8;
	v8 =	vmul.f32 v6, v9  }
0x345: {  	[tilespmem:s21+$0x1D0] =	vst v6;
	v6 =	vmul.f32 v6, v7  }
0x346: {  	[tilespmem:s21+$0x1F0] =	vst v8  }
0x347: {  	[tilespmem:s21+$0x210] =	vst v6  }
0x348: {  	v6 =	vld [tilespmem:s22+$0xA0];
	_ =	sdelay $0x4  }
0x349: {  	v7 =	vmul.f32 v6, v11  }
0x34a: {  	[tilespmem:s21+$0x230] =	vst v6;
	v6 =	vmul.f32 v6, v10  }
0x34b: {  	[tilespmem:s21+$0x250] =	vst v7  }
0x34c: {  	[tilespmem:s21+$0x270] =	vst v6  }
0x34d: {  	v7 =	vbroadcast v5, $0xE;
	v9 =	vld [tilespmem:s22+$0xB0]  }
0x34e: {  	v8 =	vbroadcast v4, $0xE  }
0x34f: {  	v6 =	vnsel vm0, $0x0, v7  }
0x350: {  	v6 =	vsel vm1, v6, v8  }
0x351: {  	v12 =	vsel vm3, $0x3F800000, v6  }
0x352: {  	v6 =	vbroadcast v5, $0xF;
	[tilespmem:s21+$0x300] =	vst v12;
	v5 =	vmul.f32 v9, v11  }
0x353: {  	s15 =	smul.u32 $0x8C00, s18;
	v4 =	vbroadcast v4, $0xF;
	[tilespmem:s21+$0x240] =	vst v9;
	v9 =	vmul.f32 v9, v10  }
0x354: {  	v10 =	vnsel vm0, $0x0, v6;
	[tilespmem:s21+$0x260] =	vst v5  }
0x355: {  	s14 =	simm.s32 $0x40;
	s23 =	sshrl.u32 s15, $0x2;
	s10 =	smul.u32 $0x140, s18;
	v5 =	vsel vm1, v10, v4;
	[tilespmem:s21+$0x280] =	vst v9  }
0x356: {  	s23 =	sadd.s32 $0x2BC0, s23;
	s12 =	smov.u32 s21;
	s13 =	smov.u32 s22;
	v5 =	vsel vm3, $0x3F800000, v5;
	v9 =	vld [tilespmem:s22+$0xC0]  }
.LBB2_7:
0x357: {  	_ =	sdelay $0x1  }
0x358: {  	p1 =	sne.s32 s14, $0x100;
	s22 =	sadd.s32 $0x200, s22;
	s21 =	sadd.s32 $0x700, s21  }
0x359: {  	s15 =	smov.u32 s14;
	s14 =	sadd.s32 $0x40, s14  }
0x35a: {  	[tilespmem:s12+$0x2A0] =	vst v9;
	v10 =	vmul.f32 v9, v8;
	v9 =	vmul.f32 v9, v7;
	_ =	sdelay $0x1  }
0x35b: {  	[tilespmem:s12+$0x2C0] =	vst v10  }
0x35c: {  	[tilespmem:s12+$0x2E0] =	vst v9  }
0x35d: {  	v9 =	vld [tilespmem:s13+$0xD0]  }
0x35e: {  	[tilespmem:s12+$0x370] =	vst v5;
	_ =	sdelay $0x3  }
0x35f: {  	[tilespmem:s12+$0x2B0] =	vst v9;
	v5 =	vmul.f32 v9, v8;
	v7 =	vmul.f32 v9, v7;
	_ =	sdelay $0x1  }
0x360: {  	[tilespmem:s12+$0x2D0] =	vst v5  }
0x361: {  	[tilespmem:s12+$0x2F0] =	vst v7  }
0x362: {  	v5 =	vld [tilespmem:s13+$0xE0];
	_ =	sdelay $0x4  }
0x363: {  	[tilespmem:s12+$0x310] =	vst v5;
	v7 =	vmul.f32 v5, v4;
	v5 =	vmul.f32 v5, v6;
	_ =	sdelay $0x1  }
0x364: {  	[tilespmem:s12+$0x330] =	vst v7  }
0x365: {  	[tilespmem:s12+$0x350] =	vst v5  }
0x366: {  	v5 =	vld [tilespmem:s13+$0xF0];
	s13 =	smov.u32 s22;
	_ =	sdelay $0x4  }
0x367: {  	[tilespmem:s12+$0x320] =	vst v5;
	v4 =	vmul.f32 v5, v4;
	v5 =	vmul.f32 v5, v6;
	_ =	sdelay $0x1  }
0x368: {  	[tilespmem:s12+$0x340] =	vst v4  }
0x369: {  	s15 =	sshra.s32 s15, $0x2;
	[tilespmem:s12+$0x360] =	vst v5;
	s12 =	smov.u32 s21  }
0x36a: {  	v4 =	vld.idx.msk [tilespmem:v3+s15+$0x0 ss:$0x1], $0xffff;
	_ =	sdelay $0x5  }
0x36b: {  	v5 =	vand.u32 $0x7FFFFFFF, v4;
	v6 =	vbroadcast v4, $0x0  }
0x36c: {  	v7 =	vbroadcast v5, $0x0  }
0x36d: {  	v8 =	vnsel vm0, $0x0, v6  }
0x36e: {  	v8 =	vsel vm1, v8, v7  }
0x36f: {  	v8 =	vsel vm3, $0x3F800000, v8  }
0x370: {  	[tilespmem:s21+$0xFFFFFCE0] =	vst v8  }
0x371: {  	v8 =	vld [tilespmem:s22+$0xFFFFFF00];
	_ =	sdelay $0x4  }
0x372: {  	v9 =	vmul.f32 v7, v8;
	v10 =	vmul.f32 v8, v6  }
0x373: {  	[tilespmem:s21+$0xFFFFFC80] =	vst v8  }
0x374: {  	[tilespmem:s21+$0xFFFFFCA0] =	vst v9  }
0x375: {  	[tilespmem:s21+$0xFFFFFCC0] =	vst v10  }
0x376: {  	v9 =	vbroadcast v4, $0x1;
	v8 =	vld [tilespmem:s22+$0xFFFFFF10];
	_ =	sdelay $0x1  }
0x377: {  	v10 =	vnsel vm0, $0x0, v9  }
0x378: {  	v10 =	vsel vm1, v10, v5  }
0x379: {  	v10 =	vsel vm3, $0x3F800000, v10  }
0x37a: {  	v7 =	vmul.f32 v8, v7;
	v6 =	vmul.f32 v8, v6;
	[tilespmem:s21+$0xFFFFFD50] =	vst v10  }
0x37b: {  	[tilespmem:s21+$0xFFFFFC90] =	vst v8  }
0x37c: {  	[tilespmem:s21+$0xFFFFFCB0] =	vst v7  }
0x37d: {  	[tilespmem:s21+$0xFFFFFCD0] =	vst v6  }
0x37e: {  	v6 =	vld [tilespmem:s22+$0xFFFFFF20]  }
0x37f: {  	v7 =	vbroadcast v5, $0x1;
	_ =	sdelay $0x3  }
0x380: {  	[tilespmem:s21+$0xFFFFFCF0] =	vst v6;
	v8 =	vmul.f32 v6, v7;
	v6 =	vmul.f32 v6, v9;
	_ =	sdelay $0x1  }
0x381: {  	[tilespmem:s21+$0xFFFFFD10] =	vst v8  }
0x382: {  	[tilespmem:s21+$0xFFFFFD30] =	vst v6  }
0x383: {  	v8 =	vbroadcast v5, $0x2;
	v6 =	vld [tilespmem:s22+$0xFFFFFF30]  }
0x384: {  	v10 =	vsel vm2, $0x0, v4  }
0x385: {  	v10 =	vsel vm1, v10, v8  }
0x386: {  	v10 =	vsel vm3, $0x3F800000, v10  }
0x387: {  	[tilespmem:s21+$0xFFFFFDC0] =	vst v10  }
0x388: {  	[tilespmem:s21+$0xFFFFFD00] =	vst v6;
	v7 =	vmul.f32 v6, v7;
	v6 =	vmul.f32 v6, v9;
	_ =	sdelay $0x1  }
0x389: {  	[tilespmem:s21+$0xFFFFFD20] =	vst v7  }
0x38a: {  	[tilespmem:s21+$0xFFFFFD40] =	vst v6;
	v6 =	vbroadcast v4, $0x2  }
0x38b: {  	v7 =	vld [tilespmem:s22+$0xFFFFFF40];
	_ =	sdelay $0x4  }
0x38c: {  	[tilespmem:s21+$0xFFFFFD60] =	vst v7;
	v9 =	vmul.f32 v7, v8;
	v7 =	vmul.f32 v7, v6  }
0x38d: {  	v10 =	vbroadcast v4, $0x3  }
0x38e: {  	[tilespmem:s21+$0xFFFFFD80] =	vst v9;
	v9 =	vbroadcast v5, $0x3  }
0x38f: {  	[tilespmem:s21+$0xFFFFFDA0] =	vst v7;
	v7 =	vnsel vm0, $0x0, v10  }
0x390: {  	v11 =	vld [tilespmem:s22+$0xFFFFFF50];
	v7 =	vsel vm1, v7, v9  }
0x391: {  	v7 =	vsel vm3, $0x3F800000, v7  }
0x392: {  	[tilespmem:s21+$0xFFFFFE30] =	vst v7;
	_ =	sdelay $0x2  }
0x393: {  	[tilespmem:s21+$0xFFFFFD70] =	vst v11;
	v7 =	vmul.f32 v11, v8;
	v6 =	vmul.f32 v11, v6;
	_ =	sdelay $0x1  }
0x394: {  	[tilespmem:s21+$0xFFFFFD90] =	vst v7  }
0x395: {  	[tilespmem:s21+$0xFFFFFDB0] =	vst v6  }
0x396: {  	v6 =	vld [tilespmem:s22+$0xFFFFFF60];
	_ =	sdelay $0x3  }
0x397: {  	v8 =	vbroadcast v5, $0x4;
	v7 =	vbroadcast v4, $0x4  }
0x398: {  	[tilespmem:s21+$0xFFFFFDD0] =	vst v6;
	v11 =	vmul.f32 v6, v9;
	v6 =	vmul.f32 v6, v10  }
0x399: {  	v12 =	vnsel vm0, $0x0, v7  }
0x39a: {  	[tilespmem:s21+$0xFFFFFDF0] =	vst v11;
	v11 =	vsel vm1, v12, v8  }
0x39b: {  	[tilespmem:s21+$0xFFFFFE10] =	vst v6;
	v6 =	vsel vm3, $0x3F800000, v11  }
0x39c: {  	v11 =	vld [tilespmem:s22+$0xFFFFFF70]  }
0x39d: {  	[tilespmem:s21+$0xFFFFFEA0] =	vst v6;
	_ =	sdelay $0x3  }
0x39e: {  	[tilespmem:s21+$0xFFFFFDE0] =	vst v11;
	v6 =	vmul.f32 v11, v9;
	v9 =	vmul.f32 v11, v10;
	_ =	sdelay $0x1  }
0x39f: {  	[tilespmem:s21+$0xFFFFFE00] =	vst v6  }
0x3a0: {  	[tilespmem:s21+$0xFFFFFE20] =	vst v9  }
0x3a1: {  	v6 =	vld [tilespmem:s22+$0xFFFFFF80];
	_ =	sdelay $0x1  }
0x3a2: {  	v9 =	vbroadcast v4, $0x5  }
0x3a3: {  	v10 =	vbroadcast v5, $0x5  }
0x3a4: {  	v11 =	vnsel vm0, $0x0, v9  }
0x3a5: {  	v11 =	vsel vm1, v11, v10;
	[tilespmem:s21+$0xFFFFFE40] =	vst v6;
	v12 =	vmul.f32 v6, v8;
	v6 =	vmul.f32 v6, v7  }
0x3a6: {  	v11 =	vsel vm3, $0x3F800000, v11  }
0x3a7: {  	[tilespmem:s21+$0xFFFFFE60] =	vst v12  }
0x3a8: {  	[tilespmem:s21+$0xFFFFFE80] =	vst v6  }
0x3a9: {  	v6 =	vld [tilespmem:s22+$0xFFFFFF90]  }
0x3aa: {  	[tilespmem:s21+$0xFFFFFF10] =	vst v11;
	_ =	sdelay $0x3  }
0x3ab: {  	[tilespmem:s21+$0xFFFFFE50] =	vst v6;
	v8 =	vmul.f32 v6, v8;
	v6 =	vmul.f32 v6, v7;
	_ =	sdelay $0x1  }
0x3ac: {  	[tilespmem:s21+$0xFFFFFE70] =	vst v8  }
0x3ad: {  	[tilespmem:s21+$0xFFFFFE90] =	vst v6  }
0x3ae: {  	v7 =	vbroadcast v4, $0x6;
	v6 =	vld [tilespmem:s22+$0xFFFFFFA0]  }
0x3af: {  	v8 =	vbroadcast v5, $0x6  }
0x3b0: {  	v11 =	vnsel vm0, $0x0, v7  }
0x3b1: {  	v11 =	vsel vm1, v11, v8  }
0x3b2: {  	v11 =	vsel vm3, $0x3F800000, v11  }
0x3b3: {  	[tilespmem:s21+$0xFFFFFEB0] =	vst v6;
	v12 =	vmul.f32 v6, v10;
	v6 =	vmul.f32 v6, v9;
	_ =	sdelay $0x1  }
0x3b4: {  	[tilespmem:s21+$0xFFFFFED0] =	vst v12  }
0x3b5: {  	[tilespmem:s21+$0xFFFFFEF0] =	vst v6  }
0x3b6: {  	v6 =	vld [tilespmem:s22+$0xFFFFFFB0]  }
0x3b7: {  	[tilespmem:s21+$0xFFFFFF80] =	vst v11;
	_ =	sdelay $0x3  }
0x3b8: {  	[tilespmem:s21+$0xFFFFFEC0] =	vst v6;
	v10 =	vmul.f32 v6, v10;
	v6 =	vmul.f32 v6, v9;
	_ =	sdelay $0x1  }
0x3b9: {  	v9 =	vbroadcast v4, $0x7;
	[tilespmem:s21+$0xFFFFFEE0] =	vst v10  }
0x3ba: {  	[tilespmem:s21+$0xFFFFFF00] =	vst v6;
	v6 =	vbroadcast v5, $0x7  }
0x3bb: {  	v11 =	vnsel vm0, $0x0, v9;
	v10 =	vld [tilespmem:s22+$0xFFFFFFC0]  }
0x3bc: {  	v11 =	vsel vm1, v11, v6  }
0x3bd: {  	v11 =	vsel vm3, $0x3F800000, v11;
	_ =	sdelay $0x2  }
0x3be: {  	[tilespmem:s21+$0xFFFFFF20] =	vst v10;
	v12 =	vmul.f32 v10, v8;
	v10 =	vmul.f32 v10, v7;
	_ =	sdelay $0x1  }
0x3bf: {  	[tilespmem:s21+$0xFFFFFF40] =	vst v12  }
0x3c0: {  	[tilespmem:s21+$0xFFFFFF60] =	vst v10  }
0x3c1: {  	v10 =	vld [tilespmem:s22+$0xFFFFFFD0]  }
0x3c2: {  	[tilespmem:s21+$0xFFFFFFF0] =	vst v11;
	_ =	sdelay $0x2  }
0x3c3: {  	v11 =	vbroadcast v4, $0x8  }
0x3c4: {  	[tilespmem:s21+$0xFFFFFF30] =	vst v10;
	v8 =	vmul.f32 v10, v8;
	v7 =	vmul.f32 v10, v7  }
0x3c5: {  	v12 =	vbroadcast v5, $0x8;
	v10 =	vnsel vm0, $0x0, v11  }
0x3c6: {  	[tilespmem:s21+$0xFFFFFF50] =	vst v8  }
0x3c7: {  	[tilespmem:s21+$0xFFFFFF70] =	vst v7;
	v7 =	vsel vm1, v10, v12  }
0x3c8: {  	v8 =	vld [tilespmem:s22+$0xFFFFFFE0];
	v7 =	vsel vm3, $0x3F800000, v7;
	_ =	sdelay $0x4  }
0x3c9: {  	[tilespmem:s21+$0xFFFFFF90] =	vst v8;
	v10 =	vmul.f32 v8, v6;
	v8 =	vmul.f32 v8, v9;
	_ =	sdelay $0x1  }
0x3ca: {  	[tilespmem:s21+$0xFFFFFFB0] =	vst v10  }
0x3cb: {  	[tilespmem:s21+$0xFFFFFFD0] =	vst v8  }
0x3cc: {  	v8 =	vld [tilespmem:s22+$0xFFFFFFF0]  }
0x3cd: {  	[tilespmem:s21+$0x60] =	vst v7;
	_ =	sdelay $0x1  }
0x3ce: {  	v7 =	vbroadcast v4, $0x9  }
0x3cf: {  	v10 =	vbroadcast v5, $0x9  }
0x3d0: {  	[tilespmem:s21+$0xFFFFFFA0] =	vst v8;
	v6 =	vmul.f32 v8, v6;
	v8 =	vmul.f32 v8, v9;
	v9 =	vnsel vm0, $0x0, v7  }
0x3d1: {  	v9 =	vsel vm1, v9, v10  }
0x3d2: {  	[tilespmem:s21+$0xFFFFFFC0] =	vst v6;
	v6 =	vsel vm3, $0x3F800000, v9  }
0x3d3: {  	[tilespmem:s21+$0xFFFFFFE0] =	vst v8  }
0x3d4: {  	v8 =	vld [tilespmem:s22+$0x0];
	_ =	sdelay $0x4  }
0x3d5: {  	[tilespmem:s21+$0x0] =	vst v8;
	v9 =	vmul.f32 v8, v12;
	v8 =	vmul.f32 v8, v11;
	_ =	sdelay $0x1  }
0x3d6: {  	[tilespmem:s21+$0x20] =	vst v9  }
0x3d7: {  	[tilespmem:s21+$0x40] =	vst v8  }
0x3d8: {  	v8 =	vld [tilespmem:s22+$0x10]  }
0x3d9: {  	[tilespmem:s21+$0xD0] =	vst v6;
	v6 =	vbroadcast v4, $0xA  }
0x3da: {  	v9 =	vbroadcast v5, $0xA  }
0x3db: {  	v13 =	vnsel vm0, $0x0, v6  }
0x3dc: {  	v13 =	vsel vm1, v13, v9  }
0x3dd: {  	[tilespmem:s21+$0x10] =	vst v8;
	v12 =	vmul.f32 v8, v12;
	v8 =	vmul.f32 v8, v11;
	v11 =	vsel vm3, $0x3F800000, v13;
	_ =	sdelay $0x1  }
0x3de: {  	[tilespmem:s21+$0x30] =	vst v12  }
0x3df: {  	[tilespmem:s21+$0x50] =	vst v8  }
0x3e0: {  	v8 =	vld [tilespmem:s22+$0x20];
	_ =	sdelay $0x4  }
0x3e1: {  	[tilespmem:s21+$0x70] =	vst v8;
	v12 =	vmul.f32 v8, v10;
	v8 =	vmul.f32 v8, v7;
	_ =	sdelay $0x1  }
0x3e2: {  	[tilespmem:s21+$0x90] =	vst v12  }
0x3e3: {  	[tilespmem:s21+$0xB0] =	vst v8;
	v8 =	vbroadcast v4, $0xB  }
0x3e4: {  	v13 =	vbroadcast v5, $0xB;
	v12 =	vld [tilespmem:s22+$0x30]  }
0x3e5: {  	[tilespmem:s21+$0x140] =	vst v11;
	v11 =	vnsel vm0, $0x0, v8  }
0x3e6: {  	v11 =	vsel vm1, v11, v13  }
0x3e7: {  	v11 =	vsel vm3, $0x3F800000, v11;
	_ =	sdelay $0x1  }
0x3e8: {  	[tilespmem:s21+$0x80] =	vst v12;
	v10 =	vmul.f32 v12, v10;
	v7 =	vmul.f32 v12, v7;
	_ =	sdelay $0x1  }
0x3e9: {  	[tilespmem:s21+$0xA0] =	vst v10  }
0x3ea: {  	[tilespmem:s21+$0xC0] =	vst v7  }
0x3eb: {  	v7 =	vld [tilespmem:s22+$0x40];
	_ =	sdelay $0x4  }
0x3ec: {  	[tilespmem:s21+$0xE0] =	vst v7;
	v10 =	vmul.f32 v7, v9;
	v7 =	vmul.f32 v7, v6  }
0x3ed: {  	v12 =	vbroadcast v4, $0xC  }
0x3ee: {  	[tilespmem:s21+$0x100] =	vst v10;
	v10 =	vbroadcast v5, $0xC  }
0x3ef: {  	[tilespmem:s21+$0x120] =	vst v7;
	v7 =	vnsel vm0, $0x0, v12  }
0x3f0: {  	v14 =	vld [tilespmem:s22+$0x50];
	v7 =	vsel vm1, v7, v10  }
0x3f1: {  	[tilespmem:s21+$0x1B0] =	vst v11;
	v7 =	vsel vm3, $0x3F800000, v7;
	_ =	sdelay $0x3  }
0x3f2: {  	[tilespmem:s21+$0xF0] =	vst v14;
	v9 =	vmul.f32 v14, v9;
	v6 =	vmul.f32 v14, v6;
	_ =	sdelay $0x1  }
0x3f3: {  	[tilespmem:s21+$0x110] =	vst v9  }
0x3f4: {  	[tilespmem:s21+$0x130] =	vst v6  }
0x3f5: {  	v6 =	vld [tilespmem:s22+$0x60];
	_ =	sdelay $0x3  }
0x3f6: {  	v11 =	vbroadcast v5, $0xD;
	v9 =	vbroadcast v4, $0xD  }
0x3f7: {  	[tilespmem:s21+$0x150] =	vst v6;
	v14 =	vmul.f32 v6, v13;
	v6 =	vmul.f32 v6, v8  }
0x3f8: {  	v15 =	vnsel vm0, $0x0, v9  }
0x3f9: {  	[tilespmem:s21+$0x170] =	vst v14;
	v14 =	vsel vm1, v15, v11  }
0x3fa: {  	[tilespmem:s21+$0x190] =	vst v6;
	v6 =	vsel vm3, $0x3F800000, v14  }
0x3fb: {  	v14 =	vld [tilespmem:s22+$0x70]  }
0x3fc: {  	[tilespmem:s21+$0x220] =	vst v7;
	_ =	sdelay $0x3  }
0x3fd: {  	[tilespmem:s21+$0x160] =	vst v14;
	v7 =	vmul.f32 v14, v13;
	v8 =	vmul.f32 v14, v8;
	_ =	sdelay $0x1  }
0x3fe: {  	[tilespmem:s21+$0x180] =	vst v7  }
0x3ff: {  	[tilespmem:s21+$0x1A0] =	vst v8  }
0x400: {  	v13 =	vld [tilespmem:s22+$0x80];
	_ =	sdelay $0x1  }
0x401: {  	v7 =	vbroadcast v4, $0xE  }
0x402: {  	v8 =	vbroadcast v5, $0xE  }
0x403: {  	v14 =	vnsel vm0, $0x0, v7  }
0x404: {  	v14 =	vsel vm1, v14, v8;
	[tilespmem:s21+$0x1C0] =	vst v13;
	v15 =	vmul.f32 v13, v10;
	v13 =	vmul.f32 v13, v12  }
0x405: {  	v14 =	vsel vm3, $0x3F800000, v14  }
0x406: {  	[tilespmem:s21+$0x1E0] =	vst v15  }
0x407: {  	[tilespmem:s21+$0x200] =	vst v13  }
0x408: {  	v13 =	vld [tilespmem:s22+$0x90]  }
0x409: {  	[tilespmem:s21+$0x290] =	vst v6;
	_ =	sdelay $0x3  }
0x40a: {  	[tilespmem:s21+$0x1D0] =	vst v13;
	v6 =	vmul.f32 v13, v10;
	v10 =	vmul.f32 v13, v12;
	_ =	sdelay $0x1  }
0x40b: {  	[tilespmem:s21+$0x1F0] =	vst v6  }
0x40c: {  	[tilespmem:s21+$0x210] =	vst v10  }
0x40d: {  	v6 =	vbroadcast v4, $0xF;
	v10 =	vld [tilespmem:s22+$0xA0]  }
0x40e: {  	v4 =	vbroadcast v5, $0xF  }
0x40f: {  	v5 =	vnsel vm0, $0x0, v6  }
0x410: {  	v5 =	vsel vm1, v5, v4  }
0x411: {  	v5 =	vsel vm3, $0x3F800000, v5  }
0x412: {  	[tilespmem:s21+$0x230] =	vst v10;
	v12 =	vmul.f32 v10, v11;
	v10 =	vmul.f32 v10, v9;
	_ =	sdelay $0x1  }
0x413: {  	[tilespmem:s21+$0x250] =	vst v12  }
0x414: {  	[tilespmem:s21+$0x270] =	vst v10  }
0x415: {  	v10 =	vld [tilespmem:s22+$0xB0]  }
0x416: {  	[tilespmem:s21+$0x300] =	vst v14;
	_ =	sdelay $0x3  }
.Ltmp2:
0x417: {  	[tilespmem:s21+$0x240] =	vst v10;
	v11 =	vmul.f32 v10, v11;
	v9 =	vmul.f32 v10, v9;
	(pc) =	sbr.rel @p1 .LBB2_7-.Ltmp2, $4  }
0x418: {  	_ = 	snop  }
0x419: {  	[tilespmem:s21+$0x260] =	vst v11  }
0x41a: {  	[tilespmem:s21+$0x280] =	vst v9  }
0x41b: {  	v9 =	vld [tilespmem:s22+$0xC0]  }
0x41c: {  	_ =	sdelay $0x3  }
0x41d: {  	v3 =	vmul.f32 v9, v8  }
0x41e: {  	[tilespmem:s12+$0x2A0] =	vst v9;
	v60 =	vmul.f32 v9, v7  }
0x41f: {  	[tilespmem:s12+$0x2C0] =	vst v3  }
0x420: {  	[tilespmem:s12+$0x2E0] =	vst v60  }
0x421: {  	v3 =	vld [tilespmem:s13+$0xD0];
	_ =	sdelay $0x4  }
0x422: {  	[tilespmem:s12+$0x370] =	vst v5;
	v61 =	vmul.f32 v3, v8  }
0x423: {  	[tilespmem:s12+$0x2B0] =	vst v3;
	v3 =	vmul.f32 v3, v7  }
0x424: {  	[tilespmem:s12+$0x2D0] =	vst v61  }
0x425: {  	[tilespmem:s12+$0x2F0] =	vst v3  }
0x426: {  	v3 =	vld [tilespmem:s13+$0xE0];
	_ =	sdelay $0x4  }
0x427: {  	v62 =	vmul.f32 v3, v4  }
0x428: {  	[tilespmem:s12+$0x310] =	vst v3;
	v3 =	vmul.f32 v3, v6  }
0x429: {  	[tilespmem:s12+$0x330] =	vst v62  }
0x42a: {  	[tilespmem:s12+$0x350] =	vst v3  }
0x42b: {  	v3 =	vld [tilespmem:s13+$0xF0];
	_ =	sdelay $0x3  }
0x42c: {  	p1 =	sne.s32 s31, $0xFA  }
.Ltmp3:
0x42d: {  	v63 =	vmul.f32 v3, v4;
	(pc) =	sbr.rel @p1 .LBB2_6-.Ltmp3, $4  }
0x42e: {  	[tilespmem:s12+$0x320] =	vst v3;
	v3 =	vmul.f32 v3, v6  }
0x42f: {  	s10 =	sshrl.u32 s10, $0x2;
	[tilespmem:s12+$0x340] =	vst v63  }
0x430: {  	s22 =	sadd.s32 $0x9, s18;
	s17 =	sadd.s32 $0x1, s17;
	s10 =	sadd.s32 $0x140, s10;
	[tilespmem:s12+$0x360] =	vst v3  }
0x431: {  	[spmem:s3] =	stream.indirect.scatter.add.f32 [tilespmem:s23], [sflag:s22], $0x70, s10, s26, $0xb8;
	[tilespmem:$0x1C930] =	vst v63  }
0x432: {  	_ =	swait.ge [sflag:s0], $0x2300  }
0x433: {  	[sflag:s0] =	ssyncset.done $0x0  }
0x434: {  	[sflag:s0] =	ssyncadd.s32 $0xFFFFDD00  }
0x435: {  	_ =	swait.ge [sflag:s2], $0x2300  }
0x436: {  	[sflag:s2] =	ssyncset.done $0x0  }
0x437: {  	[sflag:s2] =	ssyncadd.s32 $0xFFFFDD00  }
0x438: {  	_ =	swait.ge [sflag:s24], $0x2300  }
0x439: {  	[sflag:s24] =	ssyncset.done $0x0  }
0x43a: {  	[sflag:s24] =	ssyncadd.s32 $0xFFFFDD00  }
0x43b: {  	_ =	swait.ge [sflag:s25], $0x2300  }
0x43c: {  	[sflag:s25] =	ssyncset.done $0x0  }
0x43d: {  	[sflag:s25] =	ssyncadd.s32 $0xFFFFDD00  }
0x43e: {  	[bflag:$0x0] =	sbarrier.arrive $0xFFFF  }
0x43f: {  	s10 =	simm.s32 @p0 $0x1FCD;
	s12 =	rddreg [dreg:$0xe]  }
0x440: {  	[hbm:s12], [sflag:s10] =	dma.local @p0 [spmem:s28], $0x2300  }
0x441: {  	s10 =	simm.s32 @p0 $0xD  }
0x442: {  	_ =	swait.ge @p0 [sflag:s10], $0x2300  }
0x443: {  	[sflag:s10] =	ssyncset.done @p0 $0x0  }
0x444: {  	[sflag:s10] =	ssyncadd.s32 @p0 $0xFFFFDD00;
	s10 =	rddreg [dreg:$0xc]  }
0x445: {  	[hbm:s10], [sflag:s29] =	dma.local @!p0 [spmem:s11], $0x2220  }
0x446: {  	s10 =	simm.s32 @!p0 $0xD  }
0x447: {  	_ =	swait.ge @!p0 [sflag:s10], $0x2220  }
0x448: {  	s9 =	sadd.s32 $0x1, s9;
	s31 =	rddreg [dreg:$0xf]  }
0x449: {  	p1 =	sne.s32 s9, s31  }
.Ltmp4:
0x44a: {  	_ = 	snop;
	(pc) =	sbr.rel @p1 .LBB2_1-.Ltmp4, $3  }
0x44b: {  	[sflag:s10] =	ssyncset.done @!p0 $0x0  }
0x44c: {  	[sflag:s10] =	ssyncadd.s32 @!p0 $0xFFFFDDE0  }
0x44d: {  	[bflag:$0x0] =	sbarrier.arrive $0xFFFF;
	_ =	sdelay $0x1  }
0x44e: {  	_ =	sfence.sel $0x180000  }
0x44f: {  	[bflag:$0x0] =	sbarrier.arrive $0xFFFF  }
0x450: {  	_ =	strace $0x90000047  }
0x451: {  	s0 =	stileid.u32;
	[bflag:$0x2] =	sbarrier.arrive $0xFFFF  }
0x452: {  	p0 =	sne.s32 s0, $0x0;
	s0 =	rddreg [dreg:$0x3]  }
0x453: {  	s0 =	sadd.s32 @!p0 $0x100000, s0  }
0x454: {  	[sflag:s0] =	ssyncadd.tile.s32 @!p0 $0x1;
	_ =	shalt  }
.Lfunc_end2:
_tile_overlayer_lowered:
.L_overlay_start_2:
0x455: {  	(tag) =	ssettag $0x2  }
0x456: {  	s0 =	rddreg [dreg:$0x0];
	s2 =	stileid.u32  }
0x457: {  	s1 =	rddreg [dreg:$0x1];
	p0 =	sne.s32 s2, $0x0  }
0x458: {  	s3 =	rddreg [dreg:$0x2];
	[bflag:$0x3] =	sbarrier.arrive $0xFFFF;
	s2 =	simm.s32 @!p0 $0x1C0D  }
0x459: {  	[timem:s3], [sflag:s2] =	dma.local @!p0 [hbm:s0], s1  }
0x45a: {  	s0 =	simm.s32 @!p0 $0xD  }
0x45b: {  	_ =	swait.ge @!p0 [sflag:s0], s1  }
0x45c: {  	s1 =	ssub.s32 @!p0 $0x0, s1;
	[sflag:s0] =	ssyncset.done @!p0 $0x0  }
0x45d: {  	[sflag:s0] =	ssyncadd.s32 @!p0 s1  }
0x45e: {  	[bflag:$0x3] =	sbarrier.arrive $0xFFFF  }
0x45f: {  	_ =	shalt  }

</sc_bundles>
